<compile_context>
chip_gen: v7x
topology: tpu7x:2x2x1
jax: 0.10.2.dev20260603
libtpu: 0.0.44.dev20260713+nightly
codegen_flags: <defaults>
</compile_context>

<pallas_src>
import functools

import jax
import jax.numpy as jnp
from jax import lax
from jax.experimental import pallas as pl
from jax.experimental.pallas import tpu as pltpu
from jax.experimental.pallas import tpu_sc as plsc

VOCAB = 100000
HIDDEN = 64
MAXPOS = 512
TRI = 20
B = 4096
SEQ = 20

NC = 2
NS = 16
NW = NC * NS
ROWS_PER_W = B // NW
CB = 16
CS = CB * SEQ
NCHUNK = ROWS_PER_W // CB


def _body(ids_hbm, pos_hbm, tri_hbm, post_hbm, out_hbm,
          ids2_v, idxT2_v, acc2_v, pidx2_v, addsem, psem, outsem):
    wid = lax.axis_index("s") * NC + lax.axis_index("c")
    wbase = wid * ROWS_PER_W
    iota = lax.iota(jnp.int32, 16)

    def stage(c, buf):
        b0 = wbase + c * CB
        pltpu.sync_copy(ids_hbm.at[pl.ds(b0, CB)], ids2_v.at[buf])
        pltpu.sync_copy(pos_hbm.at[pl.ds(b0, CB)], pidx2_v.at[buf])

        def tr_body(g, _):
            s = g * 16 + iota
            b = lax.div(s, SEQ)
            q = s - b * SEQ
            pvec = plsc.load_gather(pidx2_v.at[buf], [b, q])
            idxT2_v[buf, TRI, pl.ds(g * 16, 16)] = plsc.bitcast(pvec,
                                                               jnp.int32)
            for t in range(TRI):
                col = q * TRI + t
                vec = plsc.load_gather(ids2_v.at[buf], [b, col])
                idxT2_v[buf, t, pl.ds(g * 16, 16)] = plsc.bitcast(vec,
                                                                  jnp.int32)
            return _

        lax.fori_loop(0, CS // 16, tr_body, None)
        pltpu.async_copy(post_hbm.at[idxT2_v.at[buf, TRI]], acc2_v.at[buf],
                         psem)

    stage(0, 0)

    def chunk_body(c, _):
        cur = lax.rem(c, 2)
        nxt = lax.rem(c + 1, 2)
        b0 = wbase + c * CB
        pltpu.make_async_copy(post_hbm.at[idxT2_v.at[cur, TRI]],
                              acc2_v.at[cur], psem).wait()
        descs = [
            pltpu.async_copy(tri_hbm.at[idxT2_v.at[cur, t]], acc2_v.at[cur],
                             addsem, add=True)
            for t in range(TRI)
        ]

        @pl.when(c > 0)
        def _():
            for r in range(CB):
                pltpu.make_async_copy(acc2_v.at[nxt, pl.ds(r * SEQ, SEQ)],
                                      out_hbm.at[b0 + r], outsem).wait()

        @pl.when(c < NCHUNK - 1)
        def _():
            stage(c + 1, nxt)

        for d in descs:
            d.wait()
        for r in range(CB):
            pltpu.async_copy(acc2_v.at[cur, pl.ds(r * SEQ, SEQ)],
                             out_hbm.at[b0 + r], outsem)
        return _

    lax.fori_loop(0, NCHUNK, chunk_body, None)
    last = lax.rem(NCHUNK - 1, 2)
    for r in range(CB):
        pltpu.make_async_copy(acc2_v.at[last, pl.ds(r * SEQ, SEQ)],
                              out_hbm.at[wbase + r], outsem).wait()


@jax.jit
def _run(input_ids, position_ids, tri_table, pos_table):
    mesh = plsc.VectorSubcoreMesh(core_axis_name="c", subcore_axis_name="s",
                                  num_cores=NC, num_subcores=NS)
    f = pl.kernel(
        _body,
        out_type=jax.ShapeDtypeStruct((B, SEQ, HIDDEN), jnp.float32),
        mesh=mesh,
        scratch_types=[
            pltpu.VMEM((2, CB, SEQ * TRI), jnp.float32),
            pltpu.VMEM((2, TRI + 1, CS), jnp.int32),
            pltpu.VMEM((2, CS, HIDDEN), jnp.float32),
            pltpu.VMEM((2, CB, SEQ), jnp.float32),
            pltpu.SemaphoreType.DMA,
            pltpu.SemaphoreType.DMA,
            pltpu.SemaphoreType.DMA,
        ],
        compiler_params=pltpu.CompilerParams(use_tc_tiling_on_sc=False,
                                             needs_layout_passes=False),
    )
    return f(input_ids, position_ids, tri_table, pos_table)


def kernel(input_ids, position_ids, token_type_ids, inputs_embeds,
           triletter_table, position_table):
    ids_f = lax.bitcast_convert_type(input_ids.astype(jnp.int32),
                                     jnp.float32)
    pos_f = lax.bitcast_convert_type(position_ids.astype(jnp.int32),
                                     jnp.float32)
    return _run(ids_f, pos_f, triletter_table, position_table)

# --- scband reference (transcript-rebuilt; emitter-appended) ---
"""Pipeline reference for scband-triletter-embeddings-80178449482506 (READ-ONLY COPY).

The authoritative reference and input builder live on the scoring server;
editing this copy changes nothing except your own understanding.
"""

import jax, jax.numpy as jnp
import numpy as np

VOCAB = 100000
HIDDEN = 64
MAXPOS = 512
TRI = 20
B = 4096
SEQ = 20


def setup_inputs(seed: int = 0) -> dict:
    key = jax.random.key(seed)
    k1, k2, k3, k4 = jax.random.split(key, 4)
    input_ids = jax.random.randint(k1, (B, SEQ * TRI), 0, VOCAB)
    position_ids = jax.random.randint(k2, (B, SEQ), 0, MAXPOS)
    token_type_ids = jnp.zeros((B, SEQ), dtype=jnp.int32)
    inputs_embeds = jnp.zeros((B, SEQ, HIDDEN), dtype=jnp.float32)
    # learned parameters: Embedding(vocab_size+1, hidden) and Embedding(max_pos+1, hidden)
    triletter_table = jax.random.normal(k3, (VOCAB + 1, HIDDEN), dtype=jnp.float32) * 0.02
    position_table = jax.random.normal(k4, (MAXPOS + 1, HIDDEN), dtype=jnp.float32) * 0.02
    return {
        "input_ids": input_ids,
        "position_ids": position_ids,
        "token_type_ids": token_type_ids,
        "inputs_embeds": inputs_embeds,
        "triletter_table": triletter_table,
        "position_table": position_table,
    }


def reference(input_ids, position_ids, token_type_ids, inputs_embeds, triletter_table, position_table):
    # position embedding lookup (mask_zero in TF only affects mask propagation, not values)
    position_embeddings = jnp.take(position_table, position_ids, axis=0)  # [B, SEQ, H]
    # triletter embedding lookup
    embeddings = jnp.take(triletter_table, input_ids, axis=0)  # [B, SEQ*TRI, H]
    triletter_max_seq_len = input_ids.shape[1] // TRI
    embeddings = embeddings.reshape(-1, triletter_max_seq_len, TRI, embeddings.shape[-1])
    embeddings = jnp.sum(embeddings, axis=2).reshape(-1, triletter_max_seq_len, embeddings.shape[-1])
    embeddings = embeddings + position_embeddings
    return embeddings

if __name__ == "__main__":
    import jax
    _d = setup_inputs()
    print(jax.jit(kernel)(*tuple(_d.values())))

</pallas_src>

<mosaic_0001>
#map = affine_map<(d0, d1) -> (0, 0)>
#map1 = affine_map<(d0, d1) -> (0, 0, 0)>
module attributes {stable_mosaic.version = 14 : i64} {
  func.func @_body(%arg0: i32, %arg1: i32, %arg2: memref<4096x400xf32, #tpu.memory_space<hbm>>, %arg3: memref<4096x20xf32, #tpu.memory_space<hbm>>, %arg4: memref<100001x64xf32, #tpu.memory_space<hbm>>, %arg5: memref<513x64xf32, #tpu.memory_space<hbm>>, %arg6: memref<4096x20x64xf32, #tpu.memory_space<hbm>>, %arg7: memref<2x16x400xf32, #tpu.memory_space<vmem>>, %arg8: memref<2x21x320xi32, #tpu.memory_space<vmem>>, %arg9: memref<2x320x64xf32, #tpu.memory_space<vmem>>, %arg10: memref<2x16x20xf32, #tpu.memory_space<vmem>>, %arg11: memref<!tpu.dma_semaphore, #tpu.memory_space<semaphore_mem>>, %arg12: memref<!tpu.dma_semaphore, #tpu.memory_space<semaphore_mem>>, %arg13: memref<!tpu.dma_semaphore, #tpu.memory_space<semaphore_mem>>) attributes {dimension_semantics = [#tpu.dimension_semantics<core_parallel>, #tpu.dimension_semantics<subcore_parallel>], iteration_bounds = array<i64: 2, 16>, scalar_prefetch = 0 : i64, scratch_operands = 7 : i64, tpu.core_type = #tpu.core_type<sc_vector_subcore>, window_params = [{transform_indices = #map}, {transform_indices = #map}, {transform_indices = #map}, {transform_indices = #map}, {transform_indices = #map1}]} {
    %mul3A = arith.constant 2 : i32
    %mul3A_0 = arith.muli %arg1, %mul3A : i32
    %add3A = arith.addi %mul3A_0, %arg0 : i32
    %mul3A_1 = arith.constant 128 : i32
    %mul3A_2 = arith.muli %add3A, %mul3A_1 : i32
    %iota3A = tpu.iota {dimensions = array<i32: 0>} : vector<16xi32>
    %add3A_3 = arith.constant 0 : i32
    %add3A_4 = arith.addi %mul3A_2, %add3A_3 : i32
    %run_scoped3A = arith.constant 0 : i32
    "tpu.region"() ({
      %run_scoped3A_316 = tpu.sem_alloc : memref<!tpu.dma_semaphore, #tpu.memory_space<semaphore_mem>>
      %dma_start3A_317 = arith.constant 0 : i32
      %dma_start3A_318 = arith.constant 0 : i32
      %dma_start3A_319 = tpu.memref_slice %arg7[%run_scoped3A, %dma_start3A_317, %dma_start3A_318] : memref<2x16x400xf32, #tpu.memory_space<vmem>> -> memref<1x16x400xf32, #tpu.memory_space<vmem>>
      %dma_start3A_320 = tpu.memref_squeeze %dma_start3A_319 : memref<1x16x400xf32, #tpu.memory_space<vmem>> -> memref<16x400xf32, #tpu.memory_space<vmem>>
      %dma_start3A_321 = arith.constant 0 : i32
      %dma_start3A_322 = tpu.memref_slice %arg2[%add3A_4, %dma_start3A_321] : memref<4096x400xf32, #tpu.memory_space<hbm>> -> memref<16x400xf32, #tpu.memory_space<hbm>>
      %dma_start3A_323 = arith.constant 0 : i32
      %dma_start3A_324 = arith.constant 0 : i32
      %dma_start3A_325 = tpu.memref_slice %arg7[%run_scoped3A, %dma_start3A_323, %dma_start3A_324] : memref<2x16x400xf32, #tpu.memory_space<vmem>> -> memref<1x16x400xf32, #tpu.memory_space<vmem>>
      %dma_start3A_326 = tpu.memref_squeeze %dma_start3A_325 : memref<1x16x400xf32, #tpu.memory_space<vmem>> -> memref<16x400xf32, #tpu.memory_space<vmem>>
      %dma_start3A_327 = arith.constant 0 : i32
      %dma_start3A_328 = tpu.memref_slice %arg2[%add3A_4, %dma_start3A_327] : memref<4096x400xf32, #tpu.memory_space<hbm>> -> memref<16x400xf32, #tpu.memory_space<hbm>>
      tpu.enqueue_dma source(%dma_start3A_328 : memref<16x400xf32, #tpu.memory_space<hbm>>) target(%dma_start3A_326 : memref<16x400xf32, #tpu.memory_space<vmem>>) target_semaphore(%run_scoped3A_316 : memref<!tpu.dma_semaphore, #tpu.memory_space<semaphore_mem>>)
      %dma_wait3A_329 = arith.constant 0 : i32
      %dma_wait3A_330 = arith.constant 0 : i32
      %dma_wait3A_331 = tpu.memref_slice %arg7[%run_scoped3A, %dma_wait3A_329, %dma_wait3A_330] : memref<2x16x400xf32, #tpu.memory_space<vmem>> -> memref<1x16x400xf32, #tpu.memory_space<vmem>>
      %dma_wait3A_332 = tpu.memref_squeeze %dma_wait3A_331 : memref<1x16x400xf32, #tpu.memory_space<vmem>> -> memref<16x400xf32, #tpu.memory_space<vmem>>
      %dma_wait3A_333 = arith.constant 0 : i32
      %dma_wait3A_334 = tpu.memref_slice %arg2[%add3A_4, %dma_wait3A_333] : memref<4096x400xf32, #tpu.memory_space<hbm>> -> memref<16x400xf32, #tpu.memory_space<hbm>>
      %dma_wait3A_335 = arith.constant 0 : i32
      %dma_wait3A_336 = arith.constant 0 : i32
      %dma_wait3A_337 = tpu.memref_slice %arg7[%run_scoped3A, %dma_wait3A_335, %dma_wait3A_336] : memref<2x16x400xf32, #tpu.memory_space<vmem>> -> memref<1x16x400xf32, #tpu.memory_space<vmem>>
      %dma_wait3A_338 = tpu.memref_squeeze %dma_wait3A_337 : memref<1x16x400xf32, #tpu.memory_space<vmem>> -> memref<16x400xf32, #tpu.memory_space<vmem>>
      %dma_wait3A_339 = arith.constant 0 : i32
      %dma_wait3A_340 = tpu.memref_slice %arg2[%add3A_4, %dma_wait3A_339] : memref<4096x400xf32, #tpu.memory_space<hbm>> -> memref<16x400xf32, #tpu.memory_space<hbm>>
      tpu.wait_dma2 semaphore(%run_scoped3A_316 : memref<!tpu.dma_semaphore, #tpu.memory_space<semaphore_mem>>) src(%dma_wait3A_340 : memref<16x400xf32, #tpu.memory_space<hbm>>) dst(%dma_wait3A_338 : memref<16x400xf32, #tpu.memory_space<vmem>>)
      tpu.yield
    }) : () -> ()
    %run_scoped3A_5 = arith.constant 0 : i32
    "tpu.region"() ({
      %run_scoped3A_316 = tpu.sem_alloc : memref<!tpu.dma_semaphore, #tpu.memory_space<semaphore_mem>>
      %dma_start3A_317 = arith.constant 0 : i32
      %dma_start3A_318 = arith.constant 0 : i32
      %dma_start3A_319 = tpu.memref_slice %arg10[%run_scoped3A_5, %dma_start3A_317, %dma_start3A_318] : memref<2x16x20xf32, #tpu.memory_space<vmem>> -> memref<1x16x20xf32, #tpu.memory_space<vmem>>
      %dma_start3A_320 = tpu.memref_squeeze %dma_start3A_319 : memref<1x16x20xf32, #tpu.memory_space<vmem>> -> memref<16x20xf32, #tpu.memory_space<vmem>>
      %dma_start3A_321 = arith.constant 0 : i32
      %dma_start3A_322 = tpu.memref_slice %arg3[%add3A_4, %dma_start3A_321] : memref<4096x20xf32, #tpu.memory_space<hbm>> -> memref<16x20xf32, #tpu.memory_space<hbm>>
      %dma_start3A_323 = arith.constant 0 : i32
      %dma_start3A_324 = arith.constant 0 : i32
      %dma_start3A_325 = tpu.memref_slice %arg10[%run_scoped3A_5, %dma_start3A_323, %dma_start3A_324] : memref<2x16x20xf32, #tpu.memory_space<vmem>> -> memref<1x16x20xf32, #tpu.memory_space<vmem>>
      %dma_start3A_326 = tpu.memref_squeeze %dma_start3A_325 : memref<1x16x20xf32, #tpu.memory_space<vmem>> -> memref<16x20xf32, #tpu.memory_space<vmem>>
      %dma_start3A_327 = arith.constant 0 : i32
      %dma_start3A_328 = tpu.memref_slice %arg3[%add3A_4, %dma_start3A_327] : memref<4096x20xf32, #tpu.memory_space<hbm>> -> memref<16x20xf32, #tpu.memory_space<hbm>>
      tpu.enqueue_dma source(%dma_start3A_328 : memref<16x20xf32, #tpu.memory_space<hbm>>) target(%dma_start3A_326 : memref<16x20xf32, #tpu.memory_space<vmem>>) target_semaphore(%run_scoped3A_316 : memref<!tpu.dma_semaphore, #tpu.memory_space<semaphore_mem>>)
      %dma_wait3A_329 = arith.constant 0 : i32
      %dma_wait3A_330 = arith.constant 0 : i32
      %dma_wait3A_331 = tpu.memref_slice %arg10[%run_scoped3A_5, %dma_wait3A_329, %dma_wait3A_330] : memref<2x16x20xf32, #tpu.memory_space<vmem>> -> memref<1x16x20xf32, #tpu.memory_space<vmem>>
      %dma_wait3A_332 = tpu.memref_squeeze %dma_wait3A_331 : memref<1x16x20xf32, #tpu.memory_space<vmem>> -> memref<16x20xf32, #tpu.memory_space<vmem>>
      %dma_wait3A_333 = arith.constant 0 : i32
      %dma_wait3A_334 = tpu.memref_slice %arg3[%add3A_4, %dma_wait3A_333] : memref<4096x20xf32, #tpu.memory_space<hbm>> -> memref<16x20xf32, #tpu.memory_space<hbm>>
      %dma_wait3A_335 = arith.constant 0 : i32
      %dma_wait3A_336 = arith.constant 0 : i32
      %dma_wait3A_337 = tpu.memref_slice %arg10[%run_scoped3A_5, %dma_wait3A_335, %dma_wait3A_336] : memref<2x16x20xf32, #tpu.memory_space<vmem>> -> memref<1x16x20xf32, #tpu.memory_space<vmem>>
      %dma_wait3A_338 = tpu.memref_squeeze %dma_wait3A_337 : memref<1x16x20xf32, #tpu.memory_space<vmem>> -> memref<16x20xf32, #tpu.memory_space<vmem>>
      %dma_wait3A_339 = arith.constant 0 : i32
      %dma_wait3A_340 = tpu.memref_slice %arg3[%add3A_4, %dma_wait3A_339] : memref<4096x20xf32, #tpu.memory_space<hbm>> -> memref<16x20xf32, #tpu.memory_space<hbm>>
      tpu.wait_dma2 semaphore(%run_scoped3A_316 : memref<!tpu.dma_semaphore, #tpu.memory_space<semaphore_mem>>) src(%dma_wait3A_340 : memref<16x20xf32, #tpu.memory_space<hbm>>) dst(%dma_wait3A_338 : memref<16x20xf32, #tpu.memory_space<vmem>>)
      tpu.yield
    }) : () -> ()
    %scan3A = arith.constant 0 : i32
    %scan3A_6 = arith.constant 20 : i32
    %scan3A_7 = arith.addi %scan3A, %scan3A_6 : i32
    %scan3A_8 = arith.constant 1 : i32
    scf.for %scan3A_316 = %scan3A to %scan3A_7 step %scan3A_8  : i32 {
      %mul3A_317 = arith.constant 16 : i32
      %mul3A_318 = arith.muli %scan3A_316, %mul3A_317 : i32
      %add3A_319 = vector.broadcast %mul3A_318 : i32 to vector<16xi32>
      %add3A_320 = arith.addi %add3A_319, %iota3A : vector<16xi32>
      %div3A = arith.constant 20 : i32
      %div3A_321 = vector.broadcast %div3A : i32 to vector<16xi32>
      %div3A_322 = arith.divsi %add3A_320, %div3A_321 : vector<16xi32>
      %mul3A_323 = arith.constant 20 : i32
      %mul3A_324 = vector.broadcast %mul3A_323 : i32 to vector<16xi32>
      %mul3A_325 = arith.muli %div3A_322, %mul3A_324 : vector<16xi32>
      %sub3A = arith.subi %add3A_320, %mul3A_325 : vector<16xi32>
      %gather3A = arith.constant 0 : i32
      %gather3A_326 = arith.constant 0 : i32
      %gather3A_327 = arith.constant 0 : i32
      %gather3A_328 = tpu.memref_slice %arg10[%gather3A, %gather3A_326, %gather3A_327] : memref<2x16x20xf32, #tpu.memory_space<vmem>> -> memref<1x16x20xf32, #tpu.memory_space<vmem>>
      %gather3A_329 = tpu.memref_squeeze %gather3A_328 : memref<1x16x20xf32, #tpu.memory_space<vmem>> -> memref<16x20xf32, #tpu.memory_space<vmem>>
      %gather3A_330 = tpu.vector_load_idx %gather3A_329[%div3A_322, %sub3A] : memref<16x20xf32, #tpu.memory_space<vmem>>[vector<16xi32>, vector<16xi32>], vector<16xf32>,
      %bitcast3A = vector.bitcast %gather3A_330 : vector<16xf32> to vector<16xi32>
      %mul3A_331 = arith.constant 16 : i32
      %mul3A_332 = arith.muli %scan3A_316, %mul3A_331 : i32
      %swap3A = arith.constant 0 : i32
      %swap3A_333 = arith.constant 20 : i32
      %swap3A_334 = arith.index_cast %swap3A : i32 to index
      %swap3A_335 = arith.index_cast %swap3A_333 : i32 to index
      %swap3A_336 = arith.index_cast %mul3A_332 : i32 to index
      %swap3A_337 = tpu.vector_load %arg8[%swap3A_334, %swap3A_335, %swap3A_336] {strides = array<i32>} : memref<2x21x320xi32, #tpu.memory_space<vmem>>, vector<16xi32>,
      tpu.vector_store %arg8[%swap3A_334, %swap3A_335, %swap3A_336], %bitcast3A {strides = array<i32>} : memref<2x21x320xi32, #tpu.memory_space<vmem>>, vector<16xi32>,
      %mul3A_338 = arith.constant 20 : i32
      %mul3A_339 = vector.broadcast %mul3A_338 : i32 to vector<16xi32>
      %mul3A_340 = arith.muli %sub3A, %mul3A_339 : vector<16xi32>
      %add3A_341 = arith.constant 0 : i32
      %add3A_342 = vector.broadcast %add3A_341 : i32 to vector<16xi32>
      %add3A_343 = arith.addi %mul3A_340, %add3A_342 : vector<16xi32>
      %gather3A_344 = arith.constant 0 : i32
      %gather3A_345 = arith.constant 0 : i32
      %gather3A_346 = arith.constant 0 : i32
      %gather3A_347 = tpu.memref_slice %arg7[%gather3A_344, %gather3A_345, %gather3A_346] : memref<2x16x400xf32, #tpu.memory_space<vmem>> -> memref<1x16x400xf32, #tpu.memory_space<vmem>>
      %gather3A_348 = tpu.memref_squeeze %gather3A_347 : memref<1x16x400xf32, #tpu.memory_space<vmem>> -> memref<16x400xf32, #tpu.memory_space<vmem>>
      %gather3A_349 = tpu.vector_load_idx %gather3A_348[%div3A_322, %add3A_343] : memref<16x400xf32, #tpu.memory_space<vmem>>[vector<16xi32>, vector<16xi32>], vector<16xf32>,
      %bitcast3A_350 = vector.bitcast %gather3A_349 : vector<16xf32> to vector<16xi32>
      %mul3A_351 = arith.constant 16 : i32
      %mul3A_352 = arith.muli %scan3A_316, %mul3A_351 : i32
      %swap3A_353 = arith.constant 0 : i32
      %swap3A_354 = arith.constant 0 : i32
      %swap3A_355 = arith.index_cast %swap3A_353 : i32 to index
      %swap3A_356 = arith.index_cast %swap3A_354 : i32 to index
      %swap3A_357 = arith.index_cast %mul3A_352 : i32 to index
      %swap3A_358 = tpu.vector_load %arg8[%swap3A_355, %swap3A_356, %swap3A_357] {strides = array<i32>} : memref<2x21x320xi32, #tpu.memory_space<vmem>>, vector<16xi32>,
      tpu.vector_store %arg8[%swap3A_355, %swap3A_356, %swap3A_357], %bitcast3A_350 {strides = array<i32>} : memref<2x21x320xi32, #tpu.memory_space<vmem>>, vector<16xi32>,
      %mul3A_359 = arith.constant 20 : i32
      %mul3A_360 = vector.broadcast %mul3A_359 : i32 to vector<16xi32>
      %mul3A_361 = arith.muli %sub3A, %mul3A_360 : vector<16xi32>
      %add3A_362 = arith.constant 1 : i32
      %add3A_363 = vector.broadcast %add3A_362 : i32 to vector<16xi32>
      %add3A_364 = arith.addi %mul3A_361, %add3A_363 : vector<16xi32>
      %gather3A_365 = arith.constant 0 : i32
      %gather3A_366 = arith.constant 0 : i32
      %gather3A_367 = arith.constant 0 : i32
      %gather3A_368 = tpu.memref_slice %arg7[%gather3A_365, %gather3A_366, %gather3A_367] : memref<2x16x400xf32, #tpu.memory_space<vmem>> -> memref<1x16x400xf32, #tpu.memory_space<vmem>>
      %gather3A_369 = tpu.memref_squeeze %gather3A_368 : memref<1x16x400xf32, #tpu.memory_space<vmem>> -> memref<16x400xf32, #tpu.memory_space<vmem>>
      %gather3A_370 = tpu.vector_load_idx %gather3A_369[%div3A_322, %add3A_364] : memref<16x400xf32, #tpu.memory_space<vmem>>[vector<16xi32>, vector<16xi32>], vector<16xf32>,
      %bitcast3A_371 = vector.bitcast %gather3A_370 : vector<16xf32> to vector<16xi32>
      %mul3A_372 = arith.constant 16 : i32
      %mul3A_373 = arith.muli %scan3A_316, %mul3A_372 : i32
      %swap3A_374 = arith.constant 0 : i32
      %swap3A_375 = arith.constant 1 : i32
      %swap3A_376 = arith.index_cast %swap3A_374 : i32 to index
      %swap3A_377 = arith.index_cast %swap3A_375 : i32 to index
      %swap3A_378 = arith.index_cast %mul3A_373 : i32 to index
      %swap3A_379 = tpu.vector_load %arg8[%swap3A_376, %swap3A_377, %swap3A_378] {strides = array<i32>} : memref<2x21x320xi32, #tpu.memory_space<vmem>>, vector<16xi32>,
      tpu.vector_store %arg8[%swap3A_376, %swap3A_377, %swap3A_378], %bitcast3A_371 {strides = array<i32>} : memref<2x21x320xi32, #tpu.memory_space<vmem>>, vector<16xi32>,
      %mul3A_380 = arith.constant 20 : i32
      %mul3A_381 = vector.broadcast %mul3A_380 : i32 to vector<16xi32>
      %mul3A_382 = arith.muli %sub3A, %mul3A_381 : vector<16xi32>
      %add3A_383 = arith.constant 2 : i32
      %add3A_384 = vector.broadcast %add3A_383 : i32 to vector<16xi32>
      %add3A_385 = arith.addi %mul3A_382, %add3A_384 : vector<16xi32>
      %gather3A_386 = arith.constant 0 : i32
      %gather3A_387 = arith.constant 0 : i32
      %gather3A_388 = arith.constant 0 : i32
      %gather3A_389 = tpu.memref_slice %arg7[%gather3A_386, %gather3A_387, %gather3A_388] : memref<2x16x400xf32, #tpu.memory_space<vmem>> -> memref<1x16x400xf32, #tpu.memory_space<vmem>>
      %gather3A_390 = tpu.memref_squeeze %gather3A_389 : memref<1x16x400xf32, #tpu.memory_space<vmem>> -> memref<16x400xf32, #tpu.memory_space<vmem>>
      %gather3A_391 = tpu.vector_load_idx %gather3A_390[%div3A_322, %add3A_385] : memref<16x400xf32, #tpu.memory_space<vmem>>[vector<16xi32>, vector<16xi32>], vector<16xf32>,
      %bitcast3A_392 = vector.bitcast %gather3A_391 : vector<16xf32> to vector<16xi32>
      %mul3A_393 = arith.constant 16 : i32
      %mul3A_394 = arith.muli %scan3A_316, %mul3A_393 : i32
      %swap3A_395 = arith.constant 0 : i32
      %swap3A_396 = arith.constant 2 : i32
      %swap3A_397 = arith.index_cast %swap3A_395 : i32 to index
      %swap3A_398 = arith.index_cast %swap3A_396 : i32 to index
      %swap3A_399 = arith.index_cast %mul3A_394 : i32 to index
      %swap3A_400 = tpu.vector_load %arg8[%swap3A_397, %swap3A_398, %swap3A_399] {strides = array<i32>} : memref<2x21x320xi32, #tpu.memory_space<vmem>>, vector<16xi32>,
      tpu.vector_store %arg8[%swap3A_397, %swap3A_398, %swap3A_399], %bitcast3A_392 {strides = array<i32>} : memref<2x21x320xi32, #tpu.memory_space<vmem>>, vector<16xi32>,
      %mul3A_401 = arith.constant 20 : i32
      %mul3A_402 = vector.broadcast %mul3A_401 : i32 to vector<16xi32>
      %mul3A_403 = arith.muli %sub3A, %mul3A_402 : vector<16xi32>
      %add3A_404 = arith.constant 3 : i32
      %add3A_405 = vector.broadcast %add3A_404 : i32 to vector<16xi32>
      %add3A_406 = arith.addi %mul3A_403, %add3A_405 : vector<16xi32>
      %gather3A_407 = arith.constant 0 : i32
      %gather3A_408 = arith.constant 0 : i32
      %gather3A_409 = arith.constant 0 : i32
      %gather3A_410 = tpu.memref_slice %arg7[%gather3A_407, %gather3A_408, %gather3A_409] : memref<2x16x400xf32, #tpu.memory_space<vmem>> -> memref<1x16x400xf32, #tpu.memory_space<vmem>>
      %gather3A_411 = tpu.memref_squeeze %gather3A_410 : memref<1x16x400xf32, #tpu.memory_space<vmem>> -> memref<16x400xf32, #tpu.memory_space<vmem>>
      %gather3A_412 = tpu.vector_load_idx %gather3A_411[%div3A_322, %add3A_406] : memref<16x400xf32, #tpu.memory_space<vmem>>[vector<16xi32>, vector<16xi32>], vector<16xf32>,
      %bitcast3A_413 = vector.bitcast %gather3A_412 : vector<16xf32> to vector<16xi32>
      %mul3A_414 = arith.constant 16 : i32
      %mul3A_415 = arith.muli %scan3A_316, %mul3A_414 : i32
      %swap3A_416 = arith.constant 0 : i32
      %swap3A_417 = arith.constant 3 : i32
      %swap3A_418 = arith.index_cast %swap3A_416 : i32 to index
      %swap3A_419 = arith.index_cast %swap3A_417 : i32 to index
      %swap3A_420 = arith.index_cast %mul3A_415 : i32 to index
      %swap3A_421 = tpu.vector_load %arg8[%swap3A_418, %swap3A_419, %swap3A_420] {strides = array<i32>} : memref<2x21x320xi32, #tpu.memory_space<vmem>>, vector<16xi32>,
      tpu.vector_store %arg8[%swap3A_418, %swap3A_419, %swap3A_420], %bitcast3A_413 {strides = array<i32>} : memref<2x21x320xi32, #tpu.memory_space<vmem>>, vector<16xi32>,
      %mul3A_422 = arith.constant 20 : i32
      %mul3A_423 = vector.broadcast %mul3A_422 : i32 to vector<16xi32>
      %mul3A_424 = arith.muli %sub3A, %mul3A_423 : vector<16xi32>
      %add3A_425 = arith.constant 4 : i32
      %add3A_426 = vector.broadcast %add3A_425 : i32 to vector<16xi32>
      %add3A_427 = arith.addi %mul3A_424, %add3A_426 : vector<16xi32>
      %gather3A_428 = arith.constant 0 : i32
      %gather3A_429 = arith.constant 0 : i32
      %gather3A_430 = arith.constant 0 : i32
      %gather3A_431 = tpu.memref_slice %arg7[%gather3A_428, %gather3A_429, %gather3A_430] : memref<2x16x400xf32, #tpu.memory_space<vmem>> -> memref<1x16x400xf32, #tpu.memory_space<vmem>>
      %gather3A_432 = tpu.memref_squeeze %gather3A_431 : memref<1x16x400xf32, #tpu.memory_space<vmem>> -> memref<16x400xf32, #tpu.memory_space<vmem>>
      %gather3A_433 = tpu.vector_load_idx %gather3A_432[%div3A_322, %add3A_427] : memref<16x400xf32, #tpu.memory_space<vmem>>[vector<16xi32>, vector<16xi32>], vector<16xf32>,
      %bitcast3A_434 = vector.bitcast %gather3A_433 : vector<16xf32> to vector<16xi32>
      %mul3A_435 = arith.constant 16 : i32
      %mul3A_436 = arith.muli %scan3A_316, %mul3A_435 : i32
      %swap3A_437 = arith.constant 0 : i32
      %swap3A_438 = arith.constant 4 : i32
      %swap3A_439 = arith.index_cast %swap3A_437 : i32 to index
      %swap3A_440 = arith.index_cast %swap3A_438 : i32 to index
      %swap3A_441 = arith.index_cast %mul3A_436 : i32 to index
      %swap3A_442 = tpu.vector_load %arg8[%swap3A_439, %swap3A_440, %swap3A_441] {strides = array<i32>} : memref<2x21x320xi32, #tpu.memory_space<vmem>>, vector<16xi32>,
      tpu.vector_store %arg8[%swap3A_439, %swap3A_440, %swap3A_441], %bitcast3A_434 {strides = array<i32>} : memref<2x21x320xi32, #tpu.memory_space<vmem>>, vector<16xi32>,
      %mul3A_443 = arith.constant 20 : i32
      %mul3A_444 = vector.broadcast %mul3A_443 : i32 to vector<16xi32>
      %mul3A_445 = arith.muli %sub3A, %mul3A_444 : vector<16xi32>
      %add3A_446 = arith.constant 5 : i32
      %add3A_447 = vector.broadcast %add3A_446 : i32 to vector<16xi32>
      %add3A_448 = arith.addi %mul3A_445, %add3A_447 : vector<16xi32>
      %gather3A_449 = arith.constant 0 : i32
      %gather3A_450 = arith.constant 0 : i32
      %gather3A_451 = arith.constant 0 : i32
      %gather3A_452 = tpu.memref_slice %arg7[%gather3A_449, %gather3A_450, %gather3A_451] : memref<2x16x400xf32, #tpu.memory_space<vmem>> -> memref<1x16x400xf32, #tpu.memory_space<vmem>>
      %gather3A_453 = tpu.memref_squeeze %gather3A_452 : memref<1x16x400xf32, #tpu.memory_space<vmem>> -> memref<16x400xf32, #tpu.memory_space<vmem>>
      %gather3A_454 = tpu.vector_load_idx %gather3A_453[%div3A_322, %add3A_448] : memref<16x400xf32, #tpu.memory_space<vmem>>[vector<16xi32>, vector<16xi32>], vector<16xf32>,
      %bitcast3A_455 = vector.bitcast %gather3A_454 : vector<16xf32> to vector<16xi32>
      %mul3A_456 = arith.constant 16 : i32
      %mul3A_457 = arith.muli %scan3A_316, %mul3A_456 : i32
      %swap3A_458 = arith.constant 0 : i32
      %swap3A_459 = arith.constant 5 : i32
      %swap3A_460 = arith.index_cast %swap3A_458 : i32 to index
      %swap3A_461 = arith.index_cast %swap3A_459 : i32 to index
      %swap3A_462 = arith.index_cast %mul3A_457 : i32 to index
      %swap3A_463 = tpu.vector_load %arg8[%swap3A_460, %swap3A_461, %swap3A_462] {strides = array<i32>} : memref<2x21x320xi32, #tpu.memory_space<vmem>>, vector<16xi32>,
      tpu.vector_store %arg8[%swap3A_460, %swap3A_461, %swap3A_462], %bitcast3A_455 {strides = array<i32>} : memref<2x21x320xi32, #tpu.memory_space<vmem>>, vector<16xi32>,
      %mul3A_464 = arith.constant 20 : i32
      %mul3A_465 = vector.broadcast %mul3A_464 : i32 to vector<16xi32>
      %mul3A_466 = arith.muli %sub3A, %mul3A_465 : vector<16xi32>
      %add3A_467 = arith.constant 6 : i32
      %add3A_468 = vector.broadcast %add3A_467 : i32 to vector<16xi32>
      %add3A_469 = arith.addi %mul3A_466, %add3A_468 : vector<16xi32>
      %gather3A_470 = arith.constant 0 : i32
      %gather3A_471 = arith.constant 0 : i32
      %gather3A_472 = arith.constant 0 : i32
      %gather3A_473 = tpu.memref_slice %arg7[%gather3A_470, %gather3A_471, %gather3A_472] : memref<2x16x400xf32, #tpu.memory_space<vmem>> -> memref<1x16x400xf32, #tpu.memory_space<vmem>>
      %gather3A_474 = tpu.memref_squeeze %gather3A_473 : memref<1x16x400xf32, #tpu.memory_space<vmem>> -> memref<16x400xf32, #tpu.memory_space<vmem>>
      %gather3A_475 = tpu.vector_load_idx %gather3A_474[%div3A_322, %add3A_469] : memref<16x400xf32, #tpu.memory_space<vmem>>[vector<16xi32>, vector<16xi32>], vector<16xf32>,
      %bitcast3A_476 = vector.bitcast %gather3A_475 : vector<16xf32> to vector<16xi32>
      %mul3A_477 = arith.constant 16 : i32
      %mul3A_478 = arith.muli %scan3A_316, %mul3A_477 : i32
      %swap3A_479 = arith.constant 0 : i32
      %swap3A_480 = arith.constant 6 : i32
      %swap3A_481 = arith.index_cast %swap3A_479 : i32 to index
      %swap3A_482 = arith.index_cast %swap3A_480 : i32 to index
      %swap3A_483 = arith.index_cast %mul3A_478 : i32 to index
      %swap3A_484 = tpu.vector_load %arg8[%swap3A_481, %swap3A_482, %swap3A_483] {strides = array<i32>} : memref<2x21x320xi32, #tpu.memory_space<vmem>>, vector<16xi32>,
      tpu.vector_store %arg8[%swap3A_481, %swap3A_482, %swap3A_483], %bitcast3A_476 {strides = array<i32>} : memref<2x21x320xi32, #tpu.memory_space<vmem>>, vector<16xi32>,
      %mul3A_485 = arith.constant 20 : i32
      %mul3A_486 = vector.broadcast %mul3A_485 : i32 to vector<16xi32>
      %mul3A_487 = arith.muli %sub3A, %mul3A_486 : vector<16xi32>
      %add3A_488 = arith.constant 7 : i32
      %add3A_489 = vector.broadcast %add3A_488 : i32 to vector<16xi32>
      %add3A_490 = arith.addi %mul3A_487, %add3A_489 : vector<16xi32>
      %gather3A_491 = arith.constant 0 : i32
      %gather3A_492 = arith.constant 0 : i32
      %gather3A_493 = arith.constant 0 : i32
      %gather3A_494 = tpu.memref_slice %arg7[%gather3A_491, %gather3A_492, %gather3A_493] : memref<2x16x400xf32, #tpu.memory_space<vmem>> -> memref<1x16x400xf32, #tpu.memory_space<vmem>>
      %gather3A_495 = tpu.memref_squeeze %gather3A_494 : memref<1x16x400xf32, #tpu.memory_space<vmem>> -> memref<16x400xf32, #tpu.memory_space<vmem>>
      %gather3A_496 = tpu.vector_load_idx %gather3A_495[%div3A_322, %add3A_490] : memref<16x400xf32, #tpu.memory_space<vmem>>[vector<16xi32>, vector<16xi32>], vector<16xf32>,
      %bitcast3A_497 = vector.bitcast %gather3A_496 : vector<16xf32> to vector<16xi32>
      %mul3A_498 = arith.constant 16 : i32
      %mul3A_499 = arith.muli %scan3A_316, %mul3A_498 : i32
      %swap3A_500 = arith.constant 0 : i32
      %swap3A_501 = arith.constant 7 : i32
      %swap3A_502 = arith.index_cast %swap3A_500 : i32 to index
      %swap3A_503 = arith.index_cast %swap3A_501 : i32 to index
      %swap3A_504 = arith.index_cast %mul3A_499 : i32 to index
      %swap3A_505 = tpu.vector_load %arg8[%swap3A_502, %swap3A_503, %swap3A_504] {strides = array<i32>} : memref<2x21x320xi32, #tpu.memory_space<vmem>>, vector<16xi32>,
      tpu.vector_store %arg8[%swap3A_502, %swap3A_503, %swap3A_504], %bitcast3A_497 {strides = array<i32>} : memref<2x21x320xi32, #tpu.memory_space<vmem>>, vector<16xi32>,
      %mul3A_506 = arith.constant 20 : i32
      %mul3A_507 = vector.broadcast %mul3A_506 : i32 to vector<16xi32>
      %mul3A_508 = arith.muli %sub3A, %mul3A_507 : vector<16xi32>
      %add3A_509 = arith.constant 8 : i32
      %add3A_510 = vector.broadcast %add3A_509 : i32 to vector<16xi32>
      %add3A_511 = arith.addi %mul3A_508, %add3A_510 : vector<16xi32>
      %gather3A_512 = arith.constant 0 : i32
      %gather3A_513 = arith.constant 0 : i32
      %gather3A_514 = arith.constant 0 : i32
      %gather3A_515 = tpu.memref_slice %arg7[%gather3A_512, %gather3A_513, %gather3A_514] : memref<2x16x400xf32, #tpu.memory_space<vmem>> -> memref<1x16x400xf32, #tpu.memory_space<vmem>>
      %gather3A_516 = tpu.memref_squeeze %gather3A_515 : memref<1x16x400xf32, #tpu.memory_space<vmem>> -> memref<16x400xf32, #tpu.memory_space<vmem>>
      %gather3A_517 = tpu.vector_load_idx %gather3A_516[%div3A_322, %add3A_511] : memref<16x400xf32, #tpu.memory_space<vmem>>[vector<16xi32>, vector<16xi32>], vector<16xf32>,
      %bitcast3A_518 = vector.bitcast %gather3A_517 : vector<16xf32> to vector<16xi32>
      %mul3A_519 = arith.constant 16 : i32
      %mul3A_520 = arith.muli %scan3A_316, %mul3A_519 : i32
      %swap3A_521 = arith.constant 0 : i32
      %swap3A_522 = arith.constant 8 : i32
      %swap3A_523 = arith.index_cast %swap3A_521 : i32 to index
      %swap3A_524 = arith.index_cast %swap3A_522 : i32 to index
      %swap3A_525 = arith.index_cast %mul3A_520 : i32 to index
      %swap3A_526 = tpu.vector_load %arg8[%swap3A_523, %swap3A_524, %swap3A_525] {strides = array<i32>} : memref<2x21x320xi32, #tpu.memory_space<vmem>>, vector<16xi32>,
      tpu.vector_store %arg8[%swap3A_523, %swap3A_524, %swap3A_525], %bitcast3A_518 {strides = array<i32>} : memref<2x21x320xi32, #tpu.memory_space<vmem>>, vector<16xi32>,
      %mul3A_527 = arith.constant 20 : i32
      %mul3A_528 = vector.broadcast %mul3A_527 : i32 to vector<16xi32>
      %mul3A_529 = arith.muli %sub3A, %mul3A_528 : vector<16xi32>
      %add3A_530 = arith.constant 9 : i32
      %add3A_531 = vector.broadcast %add3A_530 : i32 to vector<16xi32>
      %add3A_532 = arith.addi %mul3A_529, %add3A_531 : vector<16xi32>
      %gather3A_533 = arith.constant 0 : i32
      %gather3A_534 = arith.constant 0 : i32
      %gather3A_535 = arith.constant 0 : i32
      %gather3A_536 = tpu.memref_slice %arg7[%gather3A_533, %gather3A_534, %gather3A_535] : memref<2x16x400xf32, #tpu.memory_space<vmem>> -> memref<1x16x400xf32, #tpu.memory_space<vmem>>
      %gather3A_537 = tpu.memref_squeeze %gather3A_536 : memref<1x16x400xf32, #tpu.memory_space<vmem>> -> memref<16x400xf32, #tpu.memory_space<vmem>>
      %gather3A_538 = tpu.vector_load_idx %gather3A_537[%div3A_322, %add3A_532] : memref<16x400xf32, #tpu.memory_space<vmem>>[vector<16xi32>, vector<16xi32>], vector<16xf32>,
      %bitcast3A_539 = vector.bitcast %gather3A_538 : vector<16xf32> to vector<16xi32>
      %mul3A_540 = arith.constant 16 : i32
      %mul3A_541 = arith.muli %scan3A_316, %mul3A_540 : i32
      %swap3A_542 = arith.constant 0 : i32
      %swap3A_543 = arith.constant 9 : i32
      %swap3A_544 = arith.index_cast %swap3A_542 : i32 to index
      %swap3A_545 = arith.index_cast %swap3A_543 : i32 to index
      %swap3A_546 = arith.index_cast %mul3A_541 : i32 to index
      %swap3A_547 = tpu.vector_load %arg8[%swap3A_544, %swap3A_545, %swap3A_546] {strides = array<i32>} : memref<2x21x320xi32, #tpu.memory_space<vmem>>, vector<16xi32>,
      tpu.vector_store %arg8[%swap3A_544, %swap3A_545, %swap3A_546], %bitcast3A_539 {strides = array<i32>} : memref<2x21x320xi32, #tpu.memory_space<vmem>>, vector<16xi32>,
      %mul3A_548 = arith.constant 20 : i32
      %mul3A_549 = vector.broadcast %mul3A_548 : i32 to vector<16xi32>
      %mul3A_550 = arith.muli %sub3A, %mul3A_549 : vector<16xi32>
      %add3A_551 = arith.constant 10 : i32
      %add3A_552 = vector.broadcast %add3A_551 : i32 to vector<16xi32>
      %add3A_553 = arith.addi %mul3A_550, %add3A_552 : vector<16xi32>
      %gather3A_554 = arith.constant 0 : i32
      %gather3A_555 = arith.constant 0 : i32
      %gather3A_556 = arith.constant 0 : i32
      %gather3A_557 = tpu.memref_slice %arg7[%gather3A_554, %gather3A_555, %gather3A_556] : memref<2x16x400xf32, #tpu.memory_space<vmem>> -> memref<1x16x400xf32, #tpu.memory_space<vmem>>
      %gather3A_558 = tpu.memref_squeeze %gather3A_557 : memref<1x16x400xf32, #tpu.memory_space<vmem>> -> memref<16x400xf32, #tpu.memory_space<vmem>>
      %gather3A_559 = tpu.vector_load_idx %gather3A_558[%div3A_322, %add3A_553] : memref<16x400xf32, #tpu.memory_space<vmem>>[vector<16xi32>, vector<16xi32>], vector<16xf32>,
      %bitcast3A_560 = vector.bitcast %gather3A_559 : vector<16xf32> to vector<16xi32>
      %mul3A_561 = arith.constant 16 : i32
      %mul3A_562 = arith.muli %scan3A_316, %mul3A_561 : i32
      %swap3A_563 = arith.constant 0 : i32
      %swap3A_564 = arith.constant 10 : i32
      %swap3A_565 = arith.index_cast %swap3A_563 : i32 to index
      %swap3A_566 = arith.index_cast %swap3A_564 : i32 to index
      %swap3A_567 = arith.index_cast %mul3A_562 : i32 to index
      %swap3A_568 = tpu.vector_load %arg8[%swap3A_565, %swap3A_566, %swap3A_567] {strides = array<i32>} : memref<2x21x320xi32, #tpu.memory_space<vmem>>, vector<16xi32>,
      tpu.vector_store %arg8[%swap3A_565, %swap3A_566, %swap3A_567], %bitcast3A_560 {strides = array<i32>} : memref<2x21x320xi32, #tpu.memory_space<vmem>>, vector<16xi32>,
      %mul3A_569 = arith.constant 20 : i32
      %mul3A_570 = vector.broadcast %mul3A_569 : i32 to vector<16xi32>
      %mul3A_571 = arith.muli %sub3A, %mul3A_570 : vector<16xi32>
      %add3A_572 = arith.constant 11 : i32
      %add3A_573 = vector.broadcast %add3A_572 : i32 to vector<16xi32>
      %add3A_574 = arith.addi %mul3A_571, %add3A_573 : vector<16xi32>
      %gather3A_575 = arith.constant 0 : i32
      %gather3A_576 = arith.constant 0 : i32
      %gather3A_577 = arith.constant 0 : i32
      %gather3A_578 = tpu.memref_slice %arg7[%gather3A_575, %gather3A_576, %gather3A_577] : memref<2x16x400xf32, #tpu.memory_space<vmem>> -> memref<1x16x400xf32, #tpu.memory_space<vmem>>
      %gather3A_579 = tpu.memref_squeeze %gather3A_578 : memref<1x16x400xf32, #tpu.memory_space<vmem>> -> memref<16x400xf32, #tpu.memory_space<vmem>>
      %gather3A_580 = tpu.vector_load_idx %gather3A_579[%div3A_322, %add3A_574] : memref<16x400xf32, #tpu.memory_space<vmem>>[vector<16xi32>, vector<16xi32>], vector<16xf32>,
      %bitcast3A_581 = vector.bitcast %gather3A_580 : vector<16xf32> to vector<16xi32>
      %mul3A_582 = arith.constant 16 : i32
      %mul3A_583 = arith.muli %scan3A_316, %mul3A_582 : i32
      %swap3A_584 = arith.constant 0 : i32
      %swap3A_585 = arith.constant 11 : i32
      %swap3A_586 = arith.index_cast %swap3A_584 : i32 to index
      %swap3A_587 = arith.index_cast %swap3A_585 : i32 to index
      %swap3A_588 = arith.index_cast %mul3A_583 : i32 to index
      %swap3A_589 = tpu.vector_load %arg8[%swap3A_586, %swap3A_587, %swap3A_588] {strides = array<i32>} : memref<2x21x320xi32, #tpu.memory_space<vmem>>, vector<16xi32>,
      tpu.vector_store %arg8[%swap3A_586, %swap3A_587, %swap3A_588], %bitcast3A_581 {strides = array<i32>} : memref<2x21x320xi32, #tpu.memory_space<vmem>>, vector<16xi32>,
      %mul3A_590 = arith.constant 20 : i32
      %mul3A_591 = vector.broadcast %mul3A_590 : i32 to vector<16xi32>
      %mul3A_592 = arith.muli %sub3A, %mul3A_591 : vector<16xi32>
      %add3A_593 = arith.constant 12 : i32
      %add3A_594 = vector.broadcast %add3A_593 : i32 to vector<16xi32>
      %add3A_595 = arith.addi %mul3A_592, %add3A_594 : vector<16xi32>
      %gather3A_596 = arith.constant 0 : i32
      %gather3A_597 = arith.constant 0 : i32
      %gather3A_598 = arith.constant 0 : i32
      %gather3A_599 = tpu.memref_slice %arg7[%gather3A_596, %gather3A_597, %gather3A_598] : memref<2x16x400xf32, #tpu.memory_space<vmem>> -> memref<1x16x400xf32, #tpu.memory_space<vmem>>
      %gather3A_600 = tpu.memref_squeeze %gather3A_599 : memref<1x16x400xf32, #tpu.memory_space<vmem>> -> memref<16x400xf32, #tpu.memory_space<vmem>>
      %gather3A_601 = tpu.vector_load_idx %gather3A_600[%div3A_322, %add3A_595] : memref<16x400xf32, #tpu.memory_space<vmem>>[vector<16xi32>, vector<16xi32>], vector<16xf32>,
      %bitcast3A_602 = vector.bitcast %gather3A_601 : vector<16xf32> to vector<16xi32>
      %mul3A_603 = arith.constant 16 : i32
      %mul3A_604 = arith.muli %scan3A_316, %mul3A_603 : i32
      %swap3A_605 = arith.constant 0 : i32
      %swap3A_606 = arith.constant 12 : i32
      %swap3A_607 = arith.index_cast %swap3A_605 : i32 to index
      %swap3A_608 = arith.index_cast %swap3A_606 : i32 to index
      %swap3A_609 = arith.index_cast %mul3A_604 : i32 to index
      %swap3A_610 = tpu.vector_load %arg8[%swap3A_607, %swap3A_608, %swap3A_609] {strides = array<i32>} : memref<2x21x320xi32, #tpu.memory_space<vmem>>, vector<16xi32>,
      tpu.vector_store %arg8[%swap3A_607, %swap3A_608, %swap3A_609], %bitcast3A_602 {strides = array<i32>} : memref<2x21x320xi32, #tpu.memory_space<vmem>>, vector<16xi32>,
      %mul3A_611 = arith.constant 20 : i32
      %mul3A_612 = vector.broadcast %mul3A_611 : i32 to vector<16xi32>
      %mul3A_613 = arith.muli %sub3A, %mul3A_612 : vector<16xi32>
      %add3A_614 = arith.constant 13 : i32
      %add3A_615 = vector.broadcast %add3A_614 : i32 to vector<16xi32>
      %add3A_616 = arith.addi %mul3A_613, %add3A_615 : vector<16xi32>
      %gather3A_617 = arith.constant 0 : i32
      %gather3A_618 = arith.constant 0 : i32
      %gather3A_619 = arith.constant 0 : i32
      %gather3A_620 = tpu.memref_slice %arg7[%gather3A_617, %gather3A_618, %gather3A_619] : memref<2x16x400xf32, #tpu.memory_space<vmem>> -> memref<1x16x400xf32, #tpu.memory_space<vmem>>
      %gather3A_621 = tpu.memref_squeeze %gather3A_620 : memref<1x16x400xf32, #tpu.memory_space<vmem>> -> memref<16x400xf32, #tpu.memory_space<vmem>>
      %gather3A_622 = tpu.vector_load_idx %gather3A_621[%div3A_322, %add3A_616] : memref<16x400xf32, #tpu.memory_space<vmem>>[vector<16xi32>, vector<16xi32>], vector<16xf32>,
      %bitcast3A_623 = vector.bitcast %gather3A_622 : vector<16xf32> to vector<16xi32>
      %mul3A_624 = arith.constant 16 : i32
      %mul3A_625 = arith.muli %scan3A_316, %mul3A_624 : i32
      %swap3A_626 = arith.constant 0 : i32
      %swap3A_627 = arith.constant 13 : i32
      %swap3A_628 = arith.index_cast %swap3A_626 : i32 to index
      %swap3A_629 = arith.index_cast %swap3A_627 : i32 to index
      %swap3A_630 = arith.index_cast %mul3A_625 : i32 to index
      %swap3A_631 = tpu.vector_load %arg8[%swap3A_628, %swap3A_629, %swap3A_630] {strides = array<i32>} : memref<2x21x320xi32, #tpu.memory_space<vmem>>, vector<16xi32>,
      tpu.vector_store %arg8[%swap3A_628, %swap3A_629, %swap3A_630], %bitcast3A_623 {strides = array<i32>} : memref<2x21x320xi32, #tpu.memory_space<vmem>>, vector<16xi32>,
      %mul3A_632 = arith.constant 20 : i32
      %mul3A_633 = vector.broadcast %mul3A_632 : i32 to vector<16xi32>
      %mul3A_634 = arith.muli %sub3A, %mul3A_633 : vector<16xi32>
      %add3A_635 = arith.constant 14 : i32
      %add3A_636 = vector.broadcast %add3A_635 : i32 to vector<16xi32>
      %add3A_637 = arith.addi %mul3A_634, %add3A_636 : vector<16xi32>
      %gather3A_638 = arith.constant 0 : i32
      %gather3A_639 = arith.constant 0 : i32
      %gather3A_640 = arith.constant 0 : i32
      %gather3A_641 = tpu.memref_slice %arg7[%gather3A_638, %gather3A_639, %gather3A_640] : memref<2x16x400xf32, #tpu.memory_space<vmem>> -> memref<1x16x400xf32, #tpu.memory_space<vmem>>
      %gather3A_642 = tpu.memref_squeeze %gather3A_641 : memref<1x16x400xf32, #tpu.memory_space<vmem>> -> memref<16x400xf32, #tpu.memory_space<vmem>>
      %gather3A_643 = tpu.vector_load_idx %gather3A_642[%div3A_322, %add3A_637] : memref<16x400xf32, #tpu.memory_space<vmem>>[vector<16xi32>, vector<16xi32>], vector<16xf32>,
      %bitcast3A_644 = vector.bitcast %gather3A_643 : vector<16xf32> to vector<16xi32>
      %mul3A_645 = arith.constant 16 : i32
      %mul3A_646 = arith.muli %scan3A_316, %mul3A_645 : i32
      %swap3A_647 = arith.constant 0 : i32
      %swap3A_648 = arith.constant 14 : i32
      %swap3A_649 = arith.index_cast %swap3A_647 : i32 to index
      %swap3A_650 = arith.index_cast %swap3A_648 : i32 to index
      %swap3A_651 = arith.index_cast %mul3A_646 : i32 to index
      %swap3A_652 = tpu.vector_load %arg8[%swap3A_649, %swap3A_650, %swap3A_651] {strides = array<i32>} : memref<2x21x320xi32, #tpu.memory_space<vmem>>, vector<16xi32>,
      tpu.vector_store %arg8[%swap3A_649, %swap3A_650, %swap3A_651], %bitcast3A_644 {strides = array<i32>} : memref<2x21x320xi32, #tpu.memory_space<vmem>>, vector<16xi32>,
      %mul3A_653 = arith.constant 20 : i32
      %mul3A_654 = vector.broadcast %mul3A_653 : i32 to vector<16xi32>
      %mul3A_655 = arith.muli %sub3A, %mul3A_654 : vector<16xi32>
      %add3A_656 = arith.constant 15 : i32
      %add3A_657 = vector.broadcast %add3A_656 : i32 to vector<16xi32>
      %add3A_658 = arith.addi %mul3A_655, %add3A_657 : vector<16xi32>
      %gather3A_659 = arith.constant 0 : i32
      %gather3A_660 = arith.constant 0 : i32
      %gather3A_661 = arith.constant 0 : i32
      %gather3A_662 = tpu.memref_slice %arg7[%gather3A_659, %gather3A_660, %gather3A_661] : memref<2x16x400xf32, #tpu.memory_space<vmem>> -> memref<1x16x400xf32, #tpu.memory_space<vmem>>
      %gather3A_663 = tpu.memref_squeeze %gather3A_662 : memref<1x16x400xf32, #tpu.memory_space<vmem>> -> memref<16x400xf32, #tpu.memory_space<vmem>>
      %gather3A_664 = tpu.vector_load_idx %gather3A_663[%div3A_322, %add3A_658] : memref<16x400xf32, #tpu.memory_space<vmem>>[vector<16xi32>, vector<16xi32>], vector<16xf32>,
      %bitcast3A_665 = vector.bitcast %gather3A_664 : vector<16xf32> to vector<16xi32>
      %mul3A_666 = arith.constant 16 : i32
      %mul3A_667 = arith.muli %scan3A_316, %mul3A_666 : i32
      %swap3A_668 = arith.constant 0 : i32
      %swap3A_669 = arith.constant 15 : i32
      %swap3A_670 = arith.index_cast %swap3A_668 : i32 to index
      %swap3A_671 = arith.index_cast %swap3A_669 : i32 to index
      %swap3A_672 = arith.index_cast %mul3A_667 : i32 to index
      %swap3A_673 = tpu.vector_load %arg8[%swap3A_670, %swap3A_671, %swap3A_672] {strides = array<i32>} : memref<2x21x320xi32, #tpu.memory_space<vmem>>, vector<16xi32>,
      tpu.vector_store %arg8[%swap3A_670, %swap3A_671, %swap3A_672], %bitcast3A_665 {strides = array<i32>} : memref<2x21x320xi32, #tpu.memory_space<vmem>>, vector<16xi32>,
      %mul3A_674 = arith.constant 20 : i32
      %mul3A_675 = vector.broadcast %mul3A_674 : i32 to vector<16xi32>
      %mul3A_676 = arith.muli %sub3A, %mul3A_675 : vector<16xi32>
      %add3A_677 = arith.constant 16 : i32
      %add3A_678 = vector.broadcast %add3A_677 : i32 to vector<16xi32>
      %add3A_679 = arith.addi %mul3A_676, %add3A_678 : vector<16xi32>
      %gather3A_680 = arith.constant 0 : i32
      %gather3A_681 = arith.constant 0 : i32
      %gather3A_682 = arith.constant 0 : i32
      %gather3A_683 = tpu.memref_slice %arg7[%gather3A_680, %gather3A_681, %gather3A_682] : memref<2x16x400xf32, #tpu.memory_space<vmem>> -> memref<1x16x400xf32, #tpu.memory_space<vmem>>
      %gather3A_684 = tpu.memref_squeeze %gather3A_683 : memref<1x16x400xf32, #tpu.memory_space<vmem>> -> memref<16x400xf32, #tpu.memory_space<vmem>>
      %gather3A_685 = tpu.vector_load_idx %gather3A_684[%div3A_322, %add3A_679] : memref<16x400xf32, #tpu.memory_space<vmem>>[vector<16xi32>, vector<16xi32>], vector<16xf32>,
      %bitcast3A_686 = vector.bitcast %gather3A_685 : vector<16xf32> to vector<16xi32>
      %mul3A_687 = arith.constant 16 : i32
      %mul3A_688 = arith.muli %scan3A_316, %mul3A_687 : i32
      %swap3A_689 = arith.constant 0 : i32
      %swap3A_690 = arith.constant 16 : i32
      %swap3A_691 = arith.index_cast %swap3A_689 : i32 to index
      %swap3A_692 = arith.index_cast %swap3A_690 : i32 to index
      %swap3A_693 = arith.index_cast %mul3A_688 : i32 to index
      %swap3A_694 = tpu.vector_load %arg8[%swap3A_691, %swap3A_692, %swap3A_693] {strides = array<i32>} : memref<2x21x320xi32, #tpu.memory_space<vmem>>, vector<16xi32>,
      tpu.vector_store %arg8[%swap3A_691, %swap3A_692, %swap3A_693], %bitcast3A_686 {strides = array<i32>} : memref<2x21x320xi32, #tpu.memory_space<vmem>>, vector<16xi32>,
      %mul3A_695 = arith.constant 20 : i32
      %mul3A_696 = vector.broadcast %mul3A_695 : i32 to vector<16xi32>
      %mul3A_697 = arith.muli %sub3A, %mul3A_696 : vector<16xi32>
      %add3A_698 = arith.constant 17 : i32
      %add3A_699 = vector.broadcast %add3A_698 : i32 to vector<16xi32>
      %add3A_700 = arith.addi %mul3A_697, %add3A_699 : vector<16xi32>
      %gather3A_701 = arith.constant 0 : i32
      %gather3A_702 = arith.constant 0 : i32
      %gather3A_703 = arith.constant 0 : i32
      %gather3A_704 = tpu.memref_slice %arg7[%gather3A_701, %gather3A_702, %gather3A_703] : memref<2x16x400xf32, #tpu.memory_space<vmem>> -> memref<1x16x400xf32, #tpu.memory_space<vmem>>
      %gather3A_705 = tpu.memref_squeeze %gather3A_704 : memref<1x16x400xf32, #tpu.memory_space<vmem>> -> memref<16x400xf32, #tpu.memory_space<vmem>>
      %gather3A_706 = tpu.vector_load_idx %gather3A_705[%div3A_322, %add3A_700] : memref<16x400xf32, #tpu.memory_space<vmem>>[vector<16xi32>, vector<16xi32>], vector<16xf32>,
      %bitcast3A_707 = vector.bitcast %gather3A_706 : vector<16xf32> to vector<16xi32>
      %mul3A_708 = arith.constant 16 : i32
      %mul3A_709 = arith.muli %scan3A_316, %mul3A_708 : i32
      %swap3A_710 = arith.constant 0 : i32
      %swap3A_711 = arith.constant 17 : i32
      %swap3A_712 = arith.index_cast %swap3A_710 : i32 to index
      %swap3A_713 = arith.index_cast %swap3A_711 : i32 to index
      %swap3A_714 = arith.index_cast %mul3A_709 : i32 to index
      %swap3A_715 = tpu.vector_load %arg8[%swap3A_712, %swap3A_713, %swap3A_714] {strides = array<i32>} : memref<2x21x320xi32, #tpu.memory_space<vmem>>, vector<16xi32>,
      tpu.vector_store %arg8[%swap3A_712, %swap3A_713, %swap3A_714], %bitcast3A_707 {strides = array<i32>} : memref<2x21x320xi32, #tpu.memory_space<vmem>>, vector<16xi32>,
      %mul3A_716 = arith.constant 20 : i32
      %mul3A_717 = vector.broadcast %mul3A_716 : i32 to vector<16xi32>
      %mul3A_718 = arith.muli %sub3A, %mul3A_717 : vector<16xi32>
      %add3A_719 = arith.constant 18 : i32
      %add3A_720 = vector.broadcast %add3A_719 : i32 to vector<16xi32>
      %add3A_721 = arith.addi %mul3A_718, %add3A_720 : vector<16xi32>
      %gather3A_722 = arith.constant 0 : i32
      %gather3A_723 = arith.constant 0 : i32
      %gather3A_724 = arith.constant 0 : i32
      %gather3A_725 = tpu.memref_slice %arg7[%gather3A_722, %gather3A_723, %gather3A_724] : memref<2x16x400xf32, #tpu.memory_space<vmem>> -> memref<1x16x400xf32, #tpu.memory_space<vmem>>
      %gather3A_726 = tpu.memref_squeeze %gather3A_725 : memref<1x16x400xf32, #tpu.memory_space<vmem>> -> memref<16x400xf32, #tpu.memory_space<vmem>>
      %gather3A_727 = tpu.vector_load_idx %gather3A_726[%div3A_322, %add3A_721] : memref<16x400xf32, #tpu.memory_space<vmem>>[vector<16xi32>, vector<16xi32>], vector<16xf32>,
      %bitcast3A_728 = vector.bitcast %gather3A_727 : vector<16xf32> to vector<16xi32>
      %mul3A_729 = arith.constant 16 : i32
      %mul3A_730 = arith.muli %scan3A_316, %mul3A_729 : i32
      %swap3A_731 = arith.constant 0 : i32
      %swap3A_732 = arith.constant 18 : i32
      %swap3A_733 = arith.index_cast %swap3A_731 : i32 to index
      %swap3A_734 = arith.index_cast %swap3A_732 : i32 to index
      %swap3A_735 = arith.index_cast %mul3A_730 : i32 to index
      %swap3A_736 = tpu.vector_load %arg8[%swap3A_733, %swap3A_734, %swap3A_735] {strides = array<i32>} : memref<2x21x320xi32, #tpu.memory_space<vmem>>, vector<16xi32>,
      tpu.vector_store %arg8[%swap3A_733, %swap3A_734, %swap3A_735], %bitcast3A_728 {strides = array<i32>} : memref<2x21x320xi32, #tpu.memory_space<vmem>>, vector<16xi32>,
      %mul3A_737 = arith.constant 20 : i32
      %mul3A_738 = vector.broadcast %mul3A_737 : i32 to vector<16xi32>
      %mul3A_739 = arith.muli %sub3A, %mul3A_738 : vector<16xi32>
      %add3A_740 = arith.constant 19 : i32
      %add3A_741 = vector.broadcast %add3A_740 : i32 to vector<16xi32>
      %add3A_742 = arith.addi %mul3A_739, %add3A_741 : vector<16xi32>
      %gather3A_743 = arith.constant 0 : i32
      %gather3A_744 = arith.constant 0 : i32
      %gather3A_745 = arith.constant 0 : i32
      %gather3A_746 = tpu.memref_slice %arg7[%gather3A_743, %gather3A_744, %gather3A_745] : memref<2x16x400xf32, #tpu.memory_space<vmem>> -> memref<1x16x400xf32, #tpu.memory_space<vmem>>
      %gather3A_747 = tpu.memref_squeeze %gather3A_746 : memref<1x16x400xf32, #tpu.memory_space<vmem>> -> memref<16x400xf32, #tpu.memory_space<vmem>>
      %gather3A_748 = tpu.vector_load_idx %gather3A_747[%div3A_322, %add3A_742] : memref<16x400xf32, #tpu.memory_space<vmem>>[vector<16xi32>, vector<16xi32>], vector<16xf32>,
      %bitcast3A_749 = vector.bitcast %gather3A_748 : vector<16xf32> to vector<16xi32>
      %mul3A_750 = arith.constant 16 : i32
      %mul3A_751 = arith.muli %scan3A_316, %mul3A_750 : i32
      %swap3A_752 = arith.constant 0 : i32
      %swap3A_753 = arith.constant 19 : i32
      %swap3A_754 = arith.index_cast %swap3A_752 : i32 to index
      %swap3A_755 = arith.index_cast %swap3A_753 : i32 to index
      %swap3A_756 = arith.index_cast %mul3A_751 : i32 to index
      %swap3A_757 = tpu.vector_load %arg8[%swap3A_754, %swap3A_755, %swap3A_756] {strides = array<i32>} : memref<2x21x320xi32, #tpu.memory_space<vmem>>, vector<16xi32>,
      tpu.vector_store %arg8[%swap3A_754, %swap3A_755, %swap3A_756], %bitcast3A_749 {strides = array<i32>} : memref<2x21x320xi32, #tpu.memory_space<vmem>>, vector<16xi32>,
    }
    %scan3A_9 = arith.constant 20 : i32
    %dma_start3A = arith.constant 0 : i32
    %dma_start3A_10 = arith.constant 20 : i32
    %dma_start3A_11 = arith.constant 0 : i32
    %dma_start3A_12 = arith.constant 0 : i32
    %dma_start3A_13 = arith.constant 0 : i32
    %dma_start3A_14 = tpu.memref_slice %arg9[%dma_start3A_11, %dma_start3A_12, %dma_start3A_13] : memref<2x320x64xf32, #tpu.memory_space<vmem>> -> memref<1x320x64xf32, #tpu.memory_space<vmem>>
    %dma_start3A_15 = tpu.memref_squeeze %dma_start3A_14 : memref<1x320x64xf32, #tpu.memory_space<vmem>> -> memref<320x64xf32, #tpu.memory_space<vmem>>
    %dma_start3A_16 = arith.constant 0 : i32
    %dma_start3A_17 = tpu.memref_slice %arg8[%dma_start3A, %dma_start3A_10, %dma_start3A_16] : memref<2x21x320xi32, #tpu.memory_space<vmem>> -> memref<1x1x320xi32, #tpu.memory_space<vmem>>
    %dma_start3A_18 = tpu.memref_squeeze %dma_start3A_17 : memref<1x1x320xi32, #tpu.memory_space<vmem>> -> memref<320xi32, #tpu.memory_space<vmem>>
    %dma_start3A_19 = arith.constant 0 : i32
    %dma_start3A_20 = arith.constant 0 : i32
    %dma_start3A_21 = tpu.memref_slice %arg5[%dma_start3A_19, %dma_start3A_20] : memref<513x64xf32, #tpu.memory_space<hbm>> -> memref<513x64xf32, #tpu.memory_space<hbm>>
    tpu.enqueue_indirect_dma source(%dma_start3A_21 : memref<513x64xf32, #tpu.memory_space<hbm>>) target(%dma_start3A_15 : memref<320x64xf32, #tpu.memory_space<vmem>>) offsets(%dma_start3A_18 : memref<320xi32, #tpu.memory_space<vmem>>) semaphore(%arg12 : memref<!tpu.dma_semaphore, #tpu.memory_space<semaphore_mem>>)
    %scan3A_22 = arith.constant 0 : i32
    %scan3A_23 = arith.constant 8 : i32
    %scan3A_24 = arith.addi %scan3A_22, %scan3A_23 : i32
    %scan3A_25 = arith.constant 1 : i32
    scf.for %scan3A_316 = %scan3A_22 to %scan3A_24 step %scan3A_25  : i32 {
      %rem3A_317 = arith.constant 2 : i32
      %rem3A_318 = arith.remsi %scan3A_316, %rem3A_317 : i32
      %add3A_319 = arith.constant 1 : i32
      %add3A_320 = arith.addi %scan3A_316, %add3A_319 : i32
      %rem3A_321 = arith.constant 2 : i32
      %rem3A_322 = arith.remsi %add3A_320, %rem3A_321 : i32
      %mul3A_323 = arith.constant 16 : i32
      %mul3A_324 = arith.muli %scan3A_316, %mul3A_323 : i32
      %add3A_325 = arith.addi %mul3A_2, %mul3A_324 : i32
      %dma_wait3A_326 = arith.constant 20 : i32
      %dma_wait3A_327 = arith.constant 0 : i32
      %dma_wait3A_328 = arith.constant 0 : i32
      %dma_wait3A_329 = tpu.memref_slice %arg9[%rem3A_318, %dma_wait3A_327, %dma_wait3A_328] : memref<2x320x64xf32, #tpu.memory_space<vmem>> -> memref<1x320x64xf32, #tpu.memory_space<vmem>>
      %dma_wait3A_330 = tpu.memref_squeeze %dma_wait3A_329 : memref<1x320x64xf32, #tpu.memory_space<vmem>> -> memref<320x64xf32, #tpu.memory_space<vmem>>
      %dma_wait3A_331 = arith.constant 0 : i32
      %dma_wait3A_332 = tpu.memref_slice %arg8[%rem3A_318, %dma_wait3A_326, %dma_wait3A_331] : memref<2x21x320xi32, #tpu.memory_space<vmem>> -> memref<1x1x320xi32, #tpu.memory_space<vmem>>
      %dma_wait3A_333 = tpu.memref_squeeze %dma_wait3A_332 : memref<1x1x320xi32, #tpu.memory_space<vmem>> -> memref<320xi32, #tpu.memory_space<vmem>>
      %dma_wait3A_334 = arith.constant 0 : i32
      %dma_wait3A_335 = arith.constant 0 : i32
      %dma_wait3A_336 = tpu.memref_slice %arg5[%dma_wait3A_334, %dma_wait3A_335] : memref<513x64xf32, #tpu.memory_space<hbm>> -> memref<513x64xf32, #tpu.memory_space<hbm>>
      tpu.wait_indirect_dma semaphore(%arg12 : memref<!tpu.dma_semaphore, #tpu.memory_space<semaphore_mem>>) src(%dma_wait3A_336 : memref<513x64xf32, #tpu.memory_space<hbm>>) dst(%dma_wait3A_330 : memref<320x64xf32, #tpu.memory_space<vmem>>)
      %dma_start3A_337 = arith.constant 0 : i32
      %dma_start3A_338 = arith.constant 0 : i32
      %dma_start3A_339 = arith.constant 0 : i32
      %dma_start3A_340 = tpu.memref_slice %arg9[%rem3A_318, %dma_start3A_338, %dma_start3A_339] : memref<2x320x64xf32, #tpu.memory_space<vmem>> -> memref<1x320x64xf32, #tpu.memory_space<vmem>>
      %dma_start3A_341 = tpu.memref_squeeze %dma_start3A_340 : memref<1x320x64xf32, #tpu.memory_space<vmem>> -> memref<320x64xf32, #tpu.memory_space<vmem>>
      %dma_start3A_342 = arith.constant 0 : i32
      %dma_start3A_343 = tpu.memref_slice %arg8[%rem3A_318, %dma_start3A_337, %dma_start3A_342] : memref<2x21x320xi32, #tpu.memory_space<vmem>> -> memref<1x1x320xi32, #tpu.memory_space<vmem>>
      %dma_start3A_344 = tpu.memref_squeeze %dma_start3A_343 : memref<1x1x320xi32, #tpu.memory_space<vmem>> -> memref<320xi32, #tpu.memory_space<vmem>>
      %dma_start3A_345 = arith.constant 0 : i32
      %dma_start3A_346 = arith.constant 0 : i32
      %dma_start3A_347 = tpu.memref_slice %arg4[%dma_start3A_345, %dma_start3A_346] : memref<100001x64xf32, #tpu.memory_space<hbm>> -> memref<100001x64xf32, #tpu.memory_space<hbm>>
      tpu.enqueue_indirect_dma source(%dma_start3A_347 : memref<100001x64xf32, #tpu.memory_space<hbm>>) target(%dma_start3A_341 : memref<320x64xf32, #tpu.memory_space<vmem>>) offsets(%dma_start3A_344 : memref<320xi32, #tpu.memory_space<vmem>>) semaphore(%arg11 : memref<!tpu.dma_semaphore, #tpu.memory_space<semaphore_mem>>) {add = true}
      %dma_start3A_348 = arith.constant 1 : i32
      %dma_start3A_349 = arith.constant 0 : i32
      %dma_start3A_350 = arith.constant 0 : i32
      %dma_start3A_351 = tpu.memref_slice %arg9[%rem3A_318, %dma_start3A_349, %dma_start3A_350] : memref<2x320x64xf32, #tpu.memory_space<vmem>> -> memref<1x320x64xf32, #tpu.memory_space<vmem>>
      %dma_start3A_352 = tpu.memref_squeeze %dma_start3A_351 : memref<1x320x64xf32, #tpu.memory_space<vmem>> -> memref<320x64xf32, #tpu.memory_space<vmem>>
      %dma_start3A_353 = arith.constant 0 : i32
      %dma_start3A_354 = tpu.memref_slice %arg8[%rem3A_318, %dma_start3A_348, %dma_start3A_353] : memref<2x21x320xi32, #tpu.memory_space<vmem>> -> memref<1x1x320xi32, #tpu.memory_space<vmem>>
      %dma_start3A_355 = tpu.memref_squeeze %dma_start3A_354 : memref<1x1x320xi32, #tpu.memory_space<vmem>> -> memref<320xi32, #tpu.memory_space<vmem>>
      %dma_start3A_356 = arith.constant 0 : i32
      %dma_start3A_357 = arith.constant 0 : i32
      %dma_start3A_358 = tpu.memref_slice %arg4[%dma_start3A_356, %dma_start3A_357] : memref<100001x64xf32, #tpu.memory_space<hbm>> -> memref<100001x64xf32, #tpu.memory_space<hbm>>
      tpu.enqueue_indirect_dma source(%dma_start3A_358 : memref<100001x64xf32, #tpu.memory_space<hbm>>) target(%dma_start3A_352 : memref<320x64xf32, #tpu.memory_space<vmem>>) offsets(%dma_start3A_355 : memref<320xi32, #tpu.memory_space<vmem>>) semaphore(%arg11 : memref<!tpu.dma_semaphore, #tpu.memory_space<semaphore_mem>>) {add = true}
      %dma_start3A_359 = arith.constant 2 : i32
      %dma_start3A_360 = arith.constant 0 : i32
      %dma_start3A_361 = arith.constant 0 : i32
      %dma_start3A_362 = tpu.memref_slice %arg9[%rem3A_318, %dma_start3A_360, %dma_start3A_361] : memref<2x320x64xf32, #tpu.memory_space<vmem>> -> memref<1x320x64xf32, #tpu.memory_space<vmem>>
      %dma_start3A_363 = tpu.memref_squeeze %dma_start3A_362 : memref<1x320x64xf32, #tpu.memory_space<vmem>> -> memref<320x64xf32, #tpu.memory_space<vmem>>
      %dma_start3A_364 = arith.constant 0 : i32
      %dma_start3A_365 = tpu.memref_slice %arg8[%rem3A_318, %dma_start3A_359, %dma_start3A_364] : memref<2x21x320xi32, #tpu.memory_space<vmem>> -> memref<1x1x320xi32, #tpu.memory_space<vmem>>
      %dma_start3A_366 = tpu.memref_squeeze %dma_start3A_365 : memref<1x1x320xi32, #tpu.memory_space<vmem>> -> memref<320xi32, #tpu.memory_space<vmem>>
      %dma_start3A_367 = arith.constant 0 : i32
      %dma_start3A_368 = arith.constant 0 : i32
      %dma_start3A_369 = tpu.memref_slice %arg4[%dma_start3A_367, %dma_start3A_368] : memref<100001x64xf32, #tpu.memory_space<hbm>> -> memref<100001x64xf32, #tpu.memory_space<hbm>>
      tpu.enqueue_indirect_dma source(%dma_start3A_369 : memref<100001x64xf32, #tpu.memory_space<hbm>>) target(%dma_start3A_363 : memref<320x64xf32, #tpu.memory_space<vmem>>) offsets(%dma_start3A_366 : memref<320xi32, #tpu.memory_space<vmem>>) semaphore(%arg11 : memref<!tpu.dma_semaphore, #tpu.memory_space<semaphore_mem>>) {add = true}
      %dma_start3A_370 = arith.constant 3 : i32
      %dma_start3A_371 = arith.constant 0 : i32
      %dma_start3A_372 = arith.constant 0 : i32
      %dma_start3A_373 = tpu.memref_slice %arg9[%rem3A_318, %dma_start3A_371, %dma_start3A_372] : memref<2x320x64xf32, #tpu.memory_space<vmem>> -> memref<1x320x64xf32, #tpu.memory_space<vmem>>
      %dma_start3A_374 = tpu.memref_squeeze %dma_start3A_373 : memref<1x320x64xf32, #tpu.memory_space<vmem>> -> memref<320x64xf32, #tpu.memory_space<vmem>>
      %dma_start3A_375 = arith.constant 0 : i32
      %dma_start3A_376 = tpu.memref_slice %arg8[%rem3A_318, %dma_start3A_370, %dma_start3A_375] : memref<2x21x320xi32, #tpu.memory_space<vmem>> -> memref<1x1x320xi32, #tpu.memory_space<vmem>>
      %dma_start3A_377 = tpu.memref_squeeze %dma_start3A_376 : memref<1x1x320xi32, #tpu.memory_space<vmem>> -> memref<320xi32, #tpu.memory_space<vmem>>
      %dma_start3A_378 = arith.constant 0 : i32
      %dma_start3A_379 = arith.constant 0 : i32
      %dma_start3A_380 = tpu.memref_slice %arg4[%dma_start3A_378, %dma_start3A_379] : memref<100001x64xf32, #tpu.memory_space<hbm>> -> memref<100001x64xf32, #tpu.memory_space<hbm>>
      tpu.enqueue_indirect_dma source(%dma_start3A_380 : memref<100001x64xf32, #tpu.memory_space<hbm>>) target(%dma_start3A_374 : memref<320x64xf32, #tpu.memory_space<vmem>>) offsets(%dma_start3A_377 : memref<320xi32, #tpu.memory_space<vmem>>) semaphore(%arg11 : memref<!tpu.dma_semaphore, #tpu.memory_space<semaphore_mem>>) {add = true}
      %dma_start3A_381 = arith.constant 4 : i32
      %dma_start3A_382 = arith.constant 0 : i32
      %dma_start3A_383 = arith.constant 0 : i32
      %dma_start3A_384 = tpu.memref_slice %arg9[%rem3A_318, %dma_start3A_382, %dma_start3A_383] : memref<2x320x64xf32, #tpu.memory_space<vmem>> -> memref<1x320x64xf32, #tpu.memory_space<vmem>>
      %dma_start3A_385 = tpu.memref_squeeze %dma_start3A_384 : memref<1x320x64xf32, #tpu.memory_space<vmem>> -> memref<320x64xf32, #tpu.memory_space<vmem>>
      %dma_start3A_386 = arith.constant 0 : i32
      %dma_start3A_387 = tpu.memref_slice %arg8[%rem3A_318, %dma_start3A_381, %dma_start3A_386] : memref<2x21x320xi32, #tpu.memory_space<vmem>> -> memref<1x1x320xi32, #tpu.memory_space<vmem>>
      %dma_start3A_388 = tpu.memref_squeeze %dma_start3A_387 : memref<1x1x320xi32, #tpu.memory_space<vmem>> -> memref<320xi32, #tpu.memory_space<vmem>>
      %dma_start3A_389 = arith.constant 0 : i32
      %dma_start3A_390 = arith.constant 0 : i32
      %dma_start3A_391 = tpu.memref_slice %arg4[%dma_start3A_389, %dma_start3A_390] : memref<100001x64xf32, #tpu.memory_space<hbm>> -> memref<100001x64xf32, #tpu.memory_space<hbm>>
      tpu.enqueue_indirect_dma source(%dma_start3A_391 : memref<100001x64xf32, #tpu.memory_space<hbm>>) target(%dma_start3A_385 : memref<320x64xf32, #tpu.memory_space<vmem>>) offsets(%dma_start3A_388 : memref<320xi32, #tpu.memory_space<vmem>>) semaphore(%arg11 : memref<!tpu.dma_semaphore, #tpu.memory_space<semaphore_mem>>) {add = true}
      %dma_start3A_392 = arith.constant 5 : i32
      %dma_start3A_393 = arith.constant 0 : i32
      %dma_start3A_394 = arith.constant 0 : i32
      %dma_start3A_395 = tpu.memref_slice %arg9[%rem3A_318, %dma_start3A_393, %dma_start3A_394] : memref<2x320x64xf32, #tpu.memory_space<vmem>> -> memref<1x320x64xf32, #tpu.memory_space<vmem>>
      %dma_start3A_396 = tpu.memref_squeeze %dma_start3A_395 : memref<1x320x64xf32, #tpu.memory_space<vmem>> -> memref<320x64xf32, #tpu.memory_space<vmem>>
      %dma_start3A_397 = arith.constant 0 : i32
      %dma_start3A_398 = tpu.memref_slice %arg8[%rem3A_318, %dma_start3A_392, %dma_start3A_397] : memref<2x21x320xi32, #tpu.memory_space<vmem>> -> memref<1x1x320xi32, #tpu.memory_space<vmem>>
      %dma_start3A_399 = tpu.memref_squeeze %dma_start3A_398 : memref<1x1x320xi32, #tpu.memory_space<vmem>> -> memref<320xi32, #tpu.memory_space<vmem>>
      %dma_start3A_400 = arith.constant 0 : i32
      %dma_start3A_401 = arith.constant 0 : i32
      %dma_start3A_402 = tpu.memref_slice %arg4[%dma_start3A_400, %dma_start3A_401] : memref<100001x64xf32, #tpu.memory_space<hbm>> -> memref<100001x64xf32, #tpu.memory_space<hbm>>
      tpu.enqueue_indirect_dma source(%dma_start3A_402 : memref<100001x64xf32, #tpu.memory_space<hbm>>) target(%dma_start3A_396 : memref<320x64xf32, #tpu.memory_space<vmem>>) offsets(%dma_start3A_399 : memref<320xi32, #tpu.memory_space<vmem>>) semaphore(%arg11 : memref<!tpu.dma_semaphore, #tpu.memory_space<semaphore_mem>>) {add = true}
      %dma_start3A_403 = arith.constant 6 : i32
      %dma_start3A_404 = arith.constant 0 : i32
      %dma_start3A_405 = arith.constant 0 : i32
      %dma_start3A_406 = tpu.memref_slice %arg9[%rem3A_318, %dma_start3A_404, %dma_start3A_405] : memref<2x320x64xf32, #tpu.memory_space<vmem>> -> memref<1x320x64xf32, #tpu.memory_space<vmem>>
      %dma_start3A_407 = tpu.memref_squeeze %dma_start3A_406 : memref<1x320x64xf32, #tpu.memory_space<vmem>> -> memref<320x64xf32, #tpu.memory_space<vmem>>
      %dma_start3A_408 = arith.constant 0 : i32
      %dma_start3A_409 = tpu.memref_slice %arg8[%rem3A_318, %dma_start3A_403, %dma_start3A_408] : memref<2x21x320xi32, #tpu.memory_space<vmem>> -> memref<1x1x320xi32, #tpu.memory_space<vmem>>
      %dma_start3A_410 = tpu.memref_squeeze %dma_start3A_409 : memref<1x1x320xi32, #tpu.memory_space<vmem>> -> memref<320xi32, #tpu.memory_space<vmem>>
      %dma_start3A_411 = arith.constant 0 : i32
      %dma_start3A_412 = arith.constant 0 : i32
      %dma_start3A_413 = tpu.memref_slice %arg4[%dma_start3A_411, %dma_start3A_412] : memref<100001x64xf32, #tpu.memory_space<hbm>> -> memref<100001x64xf32, #tpu.memory_space<hbm>>
      tpu.enqueue_indirect_dma source(%dma_start3A_413 : memref<100001x64xf32, #tpu.memory_space<hbm>>) target(%dma_start3A_407 : memref<320x64xf32, #tpu.memory_space<vmem>>) offsets(%dma_start3A_410 : memref<320xi32, #tpu.memory_space<vmem>>) semaphore(%arg11 : memref<!tpu.dma_semaphore, #tpu.memory_space<semaphore_mem>>) {add = true}
      %dma_start3A_414 = arith.constant 7 : i32
      %dma_start3A_415 = arith.constant 0 : i32
      %dma_start3A_416 = arith.constant 0 : i32
      %dma_start3A_417 = tpu.memref_slice %arg9[%rem3A_318, %dma_start3A_415, %dma_start3A_416] : memref<2x320x64xf32, #tpu.memory_space<vmem>> -> memref<1x320x64xf32, #tpu.memory_space<vmem>>
      %dma_start3A_418 = tpu.memref_squeeze %dma_start3A_417 : memref<1x320x64xf32, #tpu.memory_space<vmem>> -> memref<320x64xf32, #tpu.memory_space<vmem>>
      %dma_start3A_419 = arith.constant 0 : i32
      %dma_start3A_420 = tpu.memref_slice %arg8[%rem3A_318, %dma_start3A_414, %dma_start3A_419] : memref<2x21x320xi32, #tpu.memory_space<vmem>> -> memref<1x1x320xi32, #tpu.memory_space<vmem>>
      %dma_start3A_421 = tpu.memref_squeeze %dma_start3A_420 : memref<1x1x320xi32, #tpu.memory_space<vmem>> -> memref<320xi32, #tpu.memory_space<vmem>>
      %dma_start3A_422 = arith.constant 0 : i32
      %dma_start3A_423 = arith.constant 0 : i32
      %dma_start3A_424 = tpu.memref_slice %arg4[%dma_start3A_422, %dma_start3A_423] : memref<100001x64xf32, #tpu.memory_space<hbm>> -> memref<100001x64xf32, #tpu.memory_space<hbm>>
      tpu.enqueue_indirect_dma source(%dma_start3A_424 : memref<100001x64xf32, #tpu.memory_space<hbm>>) target(%dma_start3A_418 : memref<320x64xf32, #tpu.memory_space<vmem>>) offsets(%dma_start3A_421 : memref<320xi32, #tpu.memory_space<vmem>>) semaphore(%arg11 : memref<!tpu.dma_semaphore, #tpu.memory_space<semaphore_mem>>) {add = true}
      %dma_start3A_425 = arith.constant 8 : i32
      %dma_start3A_426 = arith.constant 0 : i32
      %dma_start3A_427 = arith.constant 0 : i32
      %dma_start3A_428 = tpu.memref_slice %arg9[%rem3A_318, %dma_start3A_426, %dma_start3A_427] : memref<2x320x64xf32, #tpu.memory_space<vmem>> -> memref<1x320x64xf32, #tpu.memory_space<vmem>>
      %dma_start3A_429 = tpu.memref_squeeze %dma_start3A_428 : memref<1x320x64xf32, #tpu.memory_space<vmem>> -> memref<320x64xf32, #tpu.memory_space<vmem>>
      %dma_start3A_430 = arith.constant 0 : i32
      %dma_start3A_431 = tpu.memref_slice %arg8[%rem3A_318, %dma_start3A_425, %dma_start3A_430] : memref<2x21x320xi32, #tpu.memory_space<vmem>> -> memref<1x1x320xi32, #tpu.memory_space<vmem>>
      %dma_start3A_432 = tpu.memref_squeeze %dma_start3A_431 : memref<1x1x320xi32, #tpu.memory_space<vmem>> -> memref<320xi32, #tpu.memory_space<vmem>>
      %dma_start3A_433 = arith.constant 0 : i32
      %dma_start3A_434 = arith.constant 0 : i32
      %dma_start3A_435 = tpu.memref_slice %arg4[%dma_start3A_433, %dma_start3A_434] : memref<100001x64xf32, #tpu.memory_space<hbm>> -> memref<100001x64xf32, #tpu.memory_space<hbm>>
      tpu.enqueue_indirect_dma source(%dma_start3A_435 : memref<100001x64xf32, #tpu.memory_space<hbm>>) target(%dma_start3A_429 : memref<320x64xf32, #tpu.memory_space<vmem>>) offsets(%dma_start3A_432 : memref<320xi32, #tpu.memory_space<vmem>>) semaphore(%arg11 : memref<!tpu.dma_semaphore, #tpu.memory_space<semaphore_mem>>) {add = true}
      %dma_start3A_436 = arith.constant 9 : i32
      %dma_start3A_437 = arith.constant 0 : i32
      %dma_start3A_438 = arith.constant 0 : i32
      %dma_start3A_439 = tpu.memref_slice %arg9[%rem3A_318, %dma_start3A_437, %dma_start3A_438] : memref<2x320x64xf32, #tpu.memory_space<vmem>> -> memref<1x320x64xf32, #tpu.memory_space<vmem>>
      %dma_start3A_440 = tpu.memref_squeeze %dma_start3A_439 : memref<1x320x64xf32, #tpu.memory_space<vmem>> -> memref<320x64xf32, #tpu.memory_space<vmem>>
      %dma_start3A_441 = arith.constant 0 : i32
      %dma_start3A_442 = tpu.memref_slice %arg8[%rem3A_318, %dma_start3A_436, %dma_start3A_441] : memref<2x21x320xi32, #tpu.memory_space<vmem>> -> memref<1x1x320xi32, #tpu.memory_space<vmem>>
      %dma_start3A_443 = tpu.memref_squeeze %dma_start3A_442 : memref<1x1x320xi32, #tpu.memory_space<vmem>> -> memref<320xi32, #tpu.memory_space<vmem>>
      %dma_start3A_444 = arith.constant 0 : i32
      %dma_start3A_445 = arith.constant 0 : i32
      %dma_start3A_446 = tpu.memref_slice %arg4[%dma_start3A_444, %dma_start3A_445] : memref<100001x64xf32, #tpu.memory_space<hbm>> -> memref<100001x64xf32, #tpu.memory_space<hbm>>
      tpu.enqueue_indirect_dma source(%dma_start3A_446 : memref<100001x64xf32, #tpu.memory_space<hbm>>) target(%dma_start3A_440 : memref<320x64xf32, #tpu.memory_space<vmem>>) offsets(%dma_start3A_443 : memref<320xi32, #tpu.memory_space<vmem>>) semaphore(%arg11 : memref<!tpu.dma_semaphore, #tpu.memory_space<semaphore_mem>>) {add = true}
      %dma_start3A_447 = arith.constant 10 : i32
      %dma_start3A_448 = arith.constant 0 : i32
      %dma_start3A_449 = arith.constant 0 : i32
      %dma_start3A_450 = tpu.memref_slice %arg9[%rem3A_318, %dma_start3A_448, %dma_start3A_449] : memref<2x320x64xf32, #tpu.memory_space<vmem>> -> memref<1x320x64xf32, #tpu.memory_space<vmem>>
      %dma_start3A_451 = tpu.memref_squeeze %dma_start3A_450 : memref<1x320x64xf32, #tpu.memory_space<vmem>> -> memref<320x64xf32, #tpu.memory_space<vmem>>
      %dma_start3A_452 = arith.constant 0 : i32
      %dma_start3A_453 = tpu.memref_slice %arg8[%rem3A_318, %dma_start3A_447, %dma_start3A_452] : memref<2x21x320xi32, #tpu.memory_space<vmem>> -> memref<1x1x320xi32, #tpu.memory_space<vmem>>
      %dma_start3A_454 = tpu.memref_squeeze %dma_start3A_453 : memref<1x1x320xi32, #tpu.memory_space<vmem>> -> memref<320xi32, #tpu.memory_space<vmem>>
      %dma_start3A_455 = arith.constant 0 : i32
      %dma_start3A_456 = arith.constant 0 : i32
      %dma_start3A_457 = tpu.memref_slice %arg4[%dma_start3A_455, %dma_start3A_456] : memref<100001x64xf32, #tpu.memory_space<hbm>> -> memref<100001x64xf32, #tpu.memory_space<hbm>>
      tpu.enqueue_indirect_dma source(%dma_start3A_457 : memref<100001x64xf32, #tpu.memory_space<hbm>>) target(%dma_start3A_451 : memref<320x64xf32, #tpu.memory_space<vmem>>) offsets(%dma_start3A_454 : memref<320xi32, #tpu.memory_space<vmem>>) semaphore(%arg11 : memref<!tpu.dma_semaphore, #tpu.memory_space<semaphore_mem>>) {add = true}
      %dma_start3A_458 = arith.constant 11 : i32
      %dma_start3A_459 = arith.constant 0 : i32
      %dma_start3A_460 = arith.constant 0 : i32
      %dma_start3A_461 = tpu.memref_slice %arg9[%rem3A_318, %dma_start3A_459, %dma_start3A_460] : memref<2x320x64xf32, #tpu.memory_space<vmem>> -> memref<1x320x64xf32, #tpu.memory_space<vmem>>
      %dma_start3A_462 = tpu.memref_squeeze %dma_start3A_461 : memref<1x320x64xf32, #tpu.memory_space<vmem>> -> memref<320x64xf32, #tpu.memory_space<vmem>>
      %dma_start3A_463 = arith.constant 0 : i32
      %dma_start3A_464 = tpu.memref_slice %arg8[%rem3A_318, %dma_start3A_458, %dma_start3A_463] : memref<2x21x320xi32, #tpu.memory_space<vmem>> -> memref<1x1x320xi32, #tpu.memory_space<vmem>>
      %dma_start3A_465 = tpu.memref_squeeze %dma_start3A_464 : memref<1x1x320xi32, #tpu.memory_space<vmem>> -> memref<320xi32, #tpu.memory_space<vmem>>
      %dma_start3A_466 = arith.constant 0 : i32
      %dma_start3A_467 = arith.constant 0 : i32
      %dma_start3A_468 = tpu.memref_slice %arg4[%dma_start3A_466, %dma_start3A_467] : memref<100001x64xf32, #tpu.memory_space<hbm>> -> memref<100001x64xf32, #tpu.memory_space<hbm>>
      tpu.enqueue_indirect_dma source(%dma_start3A_468 : memref<100001x64xf32, #tpu.memory_space<hbm>>) target(%dma_start3A_462 : memref<320x64xf32, #tpu.memory_space<vmem>>) offsets(%dma_start3A_465 : memref<320xi32, #tpu.memory_space<vmem>>) semaphore(%arg11 : memref<!tpu.dma_semaphore, #tpu.memory_space<semaphore_mem>>) {add = true}
      %dma_start3A_469 = arith.constant 12 : i32
      %dma_start3A_470 = arith.constant 0 : i32
      %dma_start3A_471 = arith.constant 0 : i32
      %dma_start3A_472 = tpu.memref_slice %arg9[%rem3A_318, %dma_start3A_470, %dma_start3A_471] : memref<2x320x64xf32, #tpu.memory_space<vmem>> -> memref<1x320x64xf32, #tpu.memory_space<vmem>>
      %dma_start3A_473 = tpu.memref_squeeze %dma_start3A_472 : memref<1x320x64xf32, #tpu.memory_space<vmem>> -> memref<320x64xf32, #tpu.memory_space<vmem>>
      %dma_start3A_474 = arith.constant 0 : i32
      %dma_start3A_475 = tpu.memref_slice %arg8[%rem3A_318, %dma_start3A_469, %dma_start3A_474] : memref<2x21x320xi32, #tpu.memory_space<vmem>> -> memref<1x1x320xi32, #tpu.memory_space<vmem>>
      %dma_start3A_476 = tpu.memref_squeeze %dma_start3A_475 : memref<1x1x320xi32, #tpu.memory_space<vmem>> -> memref<320xi32, #tpu.memory_space<vmem>>
      %dma_start3A_477 = arith.constant 0 : i32
      %dma_start3A_478 = arith.constant 0 : i32
      %dma_start3A_479 = tpu.memref_slice %arg4[%dma_start3A_477, %dma_start3A_478] : memref<100001x64xf32, #tpu.memory_space<hbm>> -> memref<100001x64xf32, #tpu.memory_space<hbm>>
      tpu.enqueue_indirect_dma source(%dma_start3A_479 : memref<100001x64xf32, #tpu.memory_space<hbm>>) target(%dma_start3A_473 : memref<320x64xf32, #tpu.memory_space<vmem>>) offsets(%dma_start3A_476 : memref<320xi32, #tpu.memory_space<vmem>>) semaphore(%arg11 : memref<!tpu.dma_semaphore, #tpu.memory_space<semaphore_mem>>) {add = true}
      %dma_start3A_480 = arith.constant 13 : i32
      %dma_start3A_481 = arith.constant 0 : i32
      %dma_start3A_482 = arith.constant 0 : i32
      %dma_start3A_483 = tpu.memref_slice %arg9[%rem3A_318, %dma_start3A_481, %dma_start3A_482] : memref<2x320x64xf32, #tpu.memory_space<vmem>> -> memref<1x320x64xf32, #tpu.memory_space<vmem>>
      %dma_start3A_484 = tpu.memref_squeeze %dma_start3A_483 : memref<1x320x64xf32, #tpu.memory_space<vmem>> -> memref<320x64xf32, #tpu.memory_space<vmem>>
      %dma_start3A_485 = arith.constant 0 : i32
      %dma_start3A_486 = tpu.memref_slice %arg8[%rem3A_318, %dma_start3A_480, %dma_start3A_485] : memref<2x21x320xi32, #tpu.memory_space<vmem>> -> memref<1x1x320xi32, #tpu.memory_space<vmem>>
      %dma_start3A_487 = tpu.memref_squeeze %dma_start3A_486 : memref<1x1x320xi32, #tpu.memory_space<vmem>> -> memref<320xi32, #tpu.memory_space<vmem>>
      %dma_start3A_488 = arith.constant 0 : i32
      %dma_start3A_489 = arith.constant 0 : i32
      %dma_start3A_490 = tpu.memref_slice %arg4[%dma_start3A_488, %dma_start3A_489] : memref<100001x64xf32, #tpu.memory_space<hbm>> -> memref<100001x64xf32, #tpu.memory_space<hbm>>
      tpu.enqueue_indirect_dma source(%dma_start3A_490 : memref<100001x64xf32, #tpu.memory_space<hbm>>) target(%dma_start3A_484 : memref<320x64xf32, #tpu.memory_space<vmem>>) offsets(%dma_start3A_487 : memref<320xi32, #tpu.memory_space<vmem>>) semaphore(%arg11 : memref<!tpu.dma_semaphore, #tpu.memory_space<semaphore_mem>>) {add = true}
      %dma_start3A_491 = arith.constant 14 : i32
      %dma_start3A_492 = arith.constant 0 : i32
      %dma_start3A_493 = arith.constant 0 : i32
      %dma_start3A_494 = tpu.memref_slice %arg9[%rem3A_318, %dma_start3A_492, %dma_start3A_493] : memref<2x320x64xf32, #tpu.memory_space<vmem>> -> memref<1x320x64xf32, #tpu.memory_space<vmem>>
      %dma_start3A_495 = tpu.memref_squeeze %dma_start3A_494 : memref<1x320x64xf32, #tpu.memory_space<vmem>> -> memref<320x64xf32, #tpu.memory_space<vmem>>
      %dma_start3A_496 = arith.constant 0 : i32
      %dma_start3A_497 = tpu.memref_slice %arg8[%rem3A_318, %dma_start3A_491, %dma_start3A_496] : memref<2x21x320xi32, #tpu.memory_space<vmem>> -> memref<1x1x320xi32, #tpu.memory_space<vmem>>
      %dma_start3A_498 = tpu.memref_squeeze %dma_start3A_497 : memref<1x1x320xi32, #tpu.memory_space<vmem>> -> memref<320xi32, #tpu.memory_space<vmem>>
      %dma_start3A_499 = arith.constant 0 : i32
      %dma_start3A_500 = arith.constant 0 : i32
      %dma_start3A_501 = tpu.memref_slice %arg4[%dma_start3A_499, %dma_start3A_500] : memref<100001x64xf32, #tpu.memory_space<hbm>> -> memref<100001x64xf32, #tpu.memory_space<hbm>>
      tpu.enqueue_indirect_dma source(%dma_start3A_501 : memref<100001x64xf32, #tpu.memory_space<hbm>>) target(%dma_start3A_495 : memref<320x64xf32, #tpu.memory_space<vmem>>) offsets(%dma_start3A_498 : memref<320xi32, #tpu.memory_space<vmem>>) semaphore(%arg11 : memref<!tpu.dma_semaphore, #tpu.memory_space<semaphore_mem>>) {add = true}
      %dma_start3A_502 = arith.constant 15 : i32
      %dma_start3A_503 = arith.constant 0 : i32
      %dma_start3A_504 = arith.constant 0 : i32
      %dma_start3A_505 = tpu.memref_slice %arg9[%rem3A_318, %dma_start3A_503, %dma_start3A_504] : memref<2x320x64xf32, #tpu.memory_space<vmem>> -> memref<1x320x64xf32, #tpu.memory_space<vmem>>
      %dma_start3A_506 = tpu.memref_squeeze %dma_start3A_505 : memref<1x320x64xf32, #tpu.memory_space<vmem>> -> memref<320x64xf32, #tpu.memory_space<vmem>>
      %dma_start3A_507 = arith.constant 0 : i32
      %dma_start3A_508 = tpu.memref_slice %arg8[%rem3A_318, %dma_start3A_502, %dma_start3A_507] : memref<2x21x320xi32, #tpu.memory_space<vmem>> -> memref<1x1x320xi32, #tpu.memory_space<vmem>>
      %dma_start3A_509 = tpu.memref_squeeze %dma_start3A_508 : memref<1x1x320xi32, #tpu.memory_space<vmem>> -> memref<320xi32, #tpu.memory_space<vmem>>
      %dma_start3A_510 = arith.constant 0 : i32
      %dma_start3A_511 = arith.constant 0 : i32
      %dma_start3A_512 = tpu.memref_slice %arg4[%dma_start3A_510, %dma_start3A_511] : memref<100001x64xf32, #tpu.memory_space<hbm>> -> memref<100001x64xf32, #tpu.memory_space<hbm>>
      tpu.enqueue_indirect_dma source(%dma_start3A_512 : memref<100001x64xf32, #tpu.memory_space<hbm>>) target(%dma_start3A_506 : memref<320x64xf32, #tpu.memory_space<vmem>>) offsets(%dma_start3A_509 : memref<320xi32, #tpu.memory_space<vmem>>) semaphore(%arg11 : memref<!tpu.dma_semaphore, #tpu.memory_space<semaphore_mem>>) {add = true}
      %dma_start3A_513 = arith.constant 16 : i32
      %dma_start3A_514 = arith.constant 0 : i32
      %dma_start3A_515 = arith.constant 0 : i32
      %dma_start3A_516 = tpu.memref_slice %arg9[%rem3A_318, %dma_start3A_514, %dma_start3A_515] : memref<2x320x64xf32, #tpu.memory_space<vmem>> -> memref<1x320x64xf32, #tpu.memory_space<vmem>>
      %dma_start3A_517 = tpu.memref_squeeze %dma_start3A_516 : memref<1x320x64xf32, #tpu.memory_space<vmem>> -> memref<320x64xf32, #tpu.memory_space<vmem>>
      %dma_start3A_518 = arith.constant 0 : i32
      %dma_start3A_519 = tpu.memref_slice %arg8[%rem3A_318, %dma_start3A_513, %dma_start3A_518] : memref<2x21x320xi32, #tpu.memory_space<vmem>> -> memref<1x1x320xi32, #tpu.memory_space<vmem>>
      %dma_start3A_520 = tpu.memref_squeeze %dma_start3A_519 : memref<1x1x320xi32, #tpu.memory_space<vmem>> -> memref<320xi32, #tpu.memory_space<vmem>>
      %dma_start3A_521 = arith.constant 0 : i32
      %dma_start3A_522 = arith.constant 0 : i32
      %dma_start3A_523 = tpu.memref_slice %arg4[%dma_start3A_521, %dma_start3A_522] : memref<100001x64xf32, #tpu.memory_space<hbm>> -> memref<100001x64xf32, #tpu.memory_space<hbm>>
      tpu.enqueue_indirect_dma source(%dma_start3A_523 : memref<100001x64xf32, #tpu.memory_space<hbm>>) target(%dma_start3A_517 : memref<320x64xf32, #tpu.memory_space<vmem>>) offsets(%dma_start3A_520 : memref<320xi32, #tpu.memory_space<vmem>>) semaphore(%arg11 : memref<!tpu.dma_semaphore, #tpu.memory_space<semaphore_mem>>) {add = true}
      %dma_start3A_524 = arith.constant 17 : i32
      %dma_start3A_525 = arith.constant 0 : i32
      %dma_start3A_526 = arith.constant 0 : i32
      %dma_start3A_527 = tpu.memref_slice %arg9[%rem3A_318, %dma_start3A_525, %dma_start3A_526] : memref<2x320x64xf32, #tpu.memory_space<vmem>> -> memref<1x320x64xf32, #tpu.memory_space<vmem>>
      %dma_start3A_528 = tpu.memref_squeeze %dma_start3A_527 : memref<1x320x64xf32, #tpu.memory_space<vmem>> -> memref<320x64xf32, #tpu.memory_space<vmem>>
      %dma_start3A_529 = arith.constant 0 : i32
      %dma_start3A_530 = tpu.memref_slice %arg8[%rem3A_318, %dma_start3A_524, %dma_start3A_529] : memref<2x21x320xi32, #tpu.memory_space<vmem>> -> memref<1x1x320xi32, #tpu.memory_space<vmem>>
      %dma_start3A_531 = tpu.memref_squeeze %dma_start3A_530 : memref<1x1x320xi32, #tpu.memory_space<vmem>> -> memref<320xi32, #tpu.memory_space<vmem>>
      %dma_start3A_532 = arith.constant 0 : i32
      %dma_start3A_533 = arith.constant 0 : i32
      %dma_start3A_534 = tpu.memref_slice %arg4[%dma_start3A_532, %dma_start3A_533] : memref<100001x64xf32, #tpu.memory_space<hbm>> -> memref<100001x64xf32, #tpu.memory_space<hbm>>
      tpu.enqueue_indirect_dma source(%dma_start3A_534 : memref<100001x64xf32, #tpu.memory_space<hbm>>) target(%dma_start3A_528 : memref<320x64xf32, #tpu.memory_space<vmem>>) offsets(%dma_start3A_531 : memref<320xi32, #tpu.memory_space<vmem>>) semaphore(%arg11 : memref<!tpu.dma_semaphore, #tpu.memory_space<semaphore_mem>>) {add = true}
      %dma_start3A_535 = arith.constant 18 : i32
      %dma_start3A_536 = arith.constant 0 : i32
      %dma_start3A_537 = arith.constant 0 : i32
      %dma_start3A_538 = tpu.memref_slice %arg9[%rem3A_318, %dma_start3A_536, %dma_start3A_537] : memref<2x320x64xf32, #tpu.memory_space<vmem>> -> memref<1x320x64xf32, #tpu.memory_space<vmem>>
      %dma_start3A_539 = tpu.memref_squeeze %dma_start3A_538 : memref<1x320x64xf32, #tpu.memory_space<vmem>> -> memref<320x64xf32, #tpu.memory_space<vmem>>
      %dma_start3A_540 = arith.constant 0 : i32
      %dma_start3A_541 = tpu.memref_slice %arg8[%rem3A_318, %dma_start3A_535, %dma_start3A_540] : memref<2x21x320xi32, #tpu.memory_space<vmem>> -> memref<1x1x320xi32, #tpu.memory_space<vmem>>
      %dma_start3A_542 = tpu.memref_squeeze %dma_start3A_541 : memref<1x1x320xi32, #tpu.memory_space<vmem>> -> memref<320xi32, #tpu.memory_space<vmem>>
      %dma_start3A_543 = arith.constant 0 : i32
      %dma_start3A_544 = arith.constant 0 : i32
      %dma_start3A_545 = tpu.memref_slice %arg4[%dma_start3A_543, %dma_start3A_544] : memref<100001x64xf32, #tpu.memory_space<hbm>> -> memref<100001x64xf32, #tpu.memory_space<hbm>>
      tpu.enqueue_indirect_dma source(%dma_start3A_545 : memref<100001x64xf32, #tpu.memory_space<hbm>>) target(%dma_start3A_539 : memref<320x64xf32, #tpu.memory_space<vmem>>) offsets(%dma_start3A_542 : memref<320xi32, #tpu.memory_space<vmem>>) semaphore(%arg11 : memref<!tpu.dma_semaphore, #tpu.memory_space<semaphore_mem>>) {add = true}
      %dma_start3A_546 = arith.constant 19 : i32
      %dma_start3A_547 = arith.constant 0 : i32
      %dma_start3A_548 = arith.constant 0 : i32
      %dma_start3A_549 = tpu.memref_slice %arg9[%rem3A_318, %dma_start3A_547, %dma_start3A_548] : memref<2x320x64xf32, #tpu.memory_space<vmem>> -> memref<1x320x64xf32, #tpu.memory_space<vmem>>
      %dma_start3A_550 = tpu.memref_squeeze %dma_start3A_549 : memref<1x320x64xf32, #tpu.memory_space<vmem>> -> memref<320x64xf32, #tpu.memory_space<vmem>>
      %dma_start3A_551 = arith.constant 0 : i32
      %dma_start3A_552 = tpu.memref_slice %arg8[%rem3A_318, %dma_start3A_546, %dma_start3A_551] : memref<2x21x320xi32, #tpu.memory_space<vmem>> -> memref<1x1x320xi32, #tpu.memory_space<vmem>>
      %dma_start3A_553 = tpu.memref_squeeze %dma_start3A_552 : memref<1x1x320xi32, #tpu.memory_space<vmem>> -> memref<320xi32, #tpu.memory_space<vmem>>
      %dma_start3A_554 = arith.constant 0 : i32
      %dma_start3A_555 = arith.constant 0 : i32
      %dma_start3A_556 = tpu.memref_slice %arg4[%dma_start3A_554, %dma_start3A_555] : memref<100001x64xf32, #tpu.memory_space<hbm>> -> memref<100001x64xf32, #tpu.memory_space<hbm>>
      tpu.enqueue_indirect_dma source(%dma_start3A_556 : memref<100001x64xf32, #tpu.memory_space<hbm>>) target(%dma_start3A_550 : memref<320x64xf32, #tpu.memory_space<vmem>>) offsets(%dma_start3A_553 : memref<320xi32, #tpu.memory_space<vmem>>) semaphore(%arg11 : memref<!tpu.dma_semaphore, #tpu.memory_space<semaphore_mem>>) {add = true}
      %gt3A = arith.constant 0 : i32
      %gt3A_557 = arith.cmpi sgt, %scan3A_316, %gt3A : i32
      %convert_element_type3A = arith.extui %gt3A_557 : i1 to i32
      %cond3A = arith.constant 0 : i32
      %cond3A_558 = arith.cmpi ne, %convert_element_type3A, %cond3A : i32
      scf.if %cond3A_558 {
        %add3A_1071 = arith.constant 0 : i32
        %add3A_1072 = arith.addi %add3A_325, %add3A_1071 : i32
        %dma_wait3A_1073 = arith.constant 0 : i32
        %dma_wait3A_1074 = arith.constant 0 : i32
        %dma_wait3A_1075 = tpu.memref_slice %arg9[%rem3A_322, %dma_wait3A_1073, %dma_wait3A_1074] : memref<2x320x64xf32, #tpu.memory_space<vmem>> -> memref<1x20x64xf32, #tpu.memory_space<vmem>>
        %dma_wait3A_1076 = tpu.memref_squeeze %dma_wait3A_1075 : memref<1x20x64xf32, #tpu.memory_space<vmem>> -> memref<20x64xf32, #tpu.memory_space<vmem>>
        %dma_wait3A_1077 = arith.constant 0 : i32
        %dma_wait3A_1078 = arith.constant 0 : i32
        %dma_wait3A_1079 = tpu.memref_slice %arg6[%add3A_1072, %dma_wait3A_1077, %dma_wait3A_1078] : memref<4096x20x64xf32, #tpu.memory_space<hbm>> -> memref<1x20x64xf32, #tpu.memory_space<hbm>>
        %dma_wait3A_1080 = tpu.memref_squeeze %dma_wait3A_1079 : memref<1x20x64xf32, #tpu.memory_space<hbm>> -> memref<20x64xf32, #tpu.memory_space<hbm>>
        %dma_wait3A_1081 = arith.constant 0 : i32
        %dma_wait3A_1082 = arith.constant 0 : i32
        %dma_wait3A_1083 = tpu.memref_slice %arg6[%add3A_1072, %dma_wait3A_1081, %dma_wait3A_1082] : memref<4096x20x64xf32, #tpu.memory_space<hbm>> -> memref<1x20x64xf32, #tpu.memory_space<hbm>>
        %dma_wait3A_1084 = tpu.memref_squeeze %dma_wait3A_1083 : memref<1x20x64xf32, #tpu.memory_space<hbm>> -> memref<20x64xf32, #tpu.memory_space<hbm>>
        %dma_wait3A_1085 = arith.constant 0 : i32
        %dma_wait3A_1086 = arith.constant 0 : i32
        %dma_wait3A_1087 = tpu.memref_slice %arg9[%rem3A_322, %dma_wait3A_1085, %dma_wait3A_1086] : memref<2x320x64xf32, #tpu.memory_space<vmem>> -> memref<1x20x64xf32, #tpu.memory_space<vmem>>
        %dma_wait3A_1088 = tpu.memref_squeeze %dma_wait3A_1087 : memref<1x20x64xf32, #tpu.memory_space<vmem>> -> memref<20x64xf32, #tpu.memory_space<vmem>>
        tpu.wait_dma2 semaphore(%arg13 : memref<!tpu.dma_semaphore, #tpu.memory_space<semaphore_mem>>) src(%dma_wait3A_1088 : memref<20x64xf32, #tpu.memory_space<vmem>>) dst(%dma_wait3A_1084 : memref<20x64xf32, #tpu.memory_space<hbm>>)
        %add3A_1089 = arith.constant 1 : i32
        %add3A_1090 = arith.addi %add3A_325, %add3A_1089 : i32
        %dma_wait3A_1091 = arith.constant 20 : i32
        %dma_wait3A_1092 = arith.constant 0 : i32
        %dma_wait3A_1093 = tpu.memref_slice %arg9[%rem3A_322, %dma_wait3A_1091, %dma_wait3A_1092] : memref<2x320x64xf32, #tpu.memory_space<vmem>> -> memref<1x20x64xf32, #tpu.memory_space<vmem>>
        %dma_wait3A_1094 = tpu.memref_squeeze %dma_wait3A_1093 : memref<1x20x64xf32, #tpu.memory_space<vmem>> -> memref<20x64xf32, #tpu.memory_space<vmem>>
        %dma_wait3A_1095 = arith.constant 0 : i32
        %dma_wait3A_1096 = arith.constant 0 : i32
        %dma_wait3A_1097 = tpu.memref_slice %arg6[%add3A_1090, %dma_wait3A_1095, %dma_wait3A_1096] : memref<4096x20x64xf32, #tpu.memory_space<hbm>> -> memref<1x20x64xf32, #tpu.memory_space<hbm>>
        %dma_wait3A_1098 = tpu.memref_squeeze %dma_wait3A_1097 : memref<1x20x64xf32, #tpu.memory_space<hbm>> -> memref<20x64xf32, #tpu.memory_space<hbm>>
        %dma_wait3A_1099 = arith.constant 0 : i32
        %dma_wait3A_1100 = arith.constant 0 : i32
        %dma_wait3A_1101 = tpu.memref_slice %arg6[%add3A_1090, %dma_wait3A_1099, %dma_wait3A_1100] : memref<4096x20x64xf32, #tpu.memory_space<hbm>> -> memref<1x20x64xf32, #tpu.memory_space<hbm>>
        %dma_wait3A_1102 = tpu.memref_squeeze %dma_wait3A_1101 : memref<1x20x64xf32, #tpu.memory_space<hbm>> -> memref<20x64xf32, #tpu.memory_space<hbm>>
        %dma_wait3A_1103 = arith.constant 20 : i32
        %dma_wait3A_1104 = arith.constant 0 : i32
        %dma_wait3A_1105 = tpu.memref_slice %arg9[%rem3A_322, %dma_wait3A_1103, %dma_wait3A_1104] : memref<2x320x64xf32, #tpu.memory_space<vmem>> -> memref<1x20x64xf32, #tpu.memory_space<vmem>>
        %dma_wait3A_1106 = tpu.memref_squeeze %dma_wait3A_1105 : memref<1x20x64xf32, #tpu.memory_space<vmem>> -> memref<20x64xf32, #tpu.memory_space<vmem>>
        tpu.wait_dma2 semaphore(%arg13 : memref<!tpu.dma_semaphore, #tpu.memory_space<semaphore_mem>>) src(%dma_wait3A_1106 : memref<20x64xf32, #tpu.memory_space<vmem>>) dst(%dma_wait3A_1102 : memref<20x64xf32, #tpu.memory_space<hbm>>)
        %add3A_1107 = arith.constant 2 : i32
        %add3A_1108 = arith.addi %add3A_325, %add3A_1107 : i32
        %dma_wait3A_1109 = arith.constant 40 : i32
        %dma_wait3A_1110 = arith.constant 0 : i32
        %dma_wait3A_1111 = tpu.memref_slice %arg9[%rem3A_322, %dma_wait3A_1109, %dma_wait3A_1110] : memref<2x320x64xf32, #tpu.memory_space<vmem>> -> memref<1x20x64xf32, #tpu.memory_space<vmem>>
        %dma_wait3A_1112 = tpu.memref_squeeze %dma_wait3A_1111 : memref<1x20x64xf32, #tpu.memory_space<vmem>> -> memref<20x64xf32, #tpu.memory_space<vmem>>
        %dma_wait3A_1113 = arith.constant 0 : i32
        %dma_wait3A_1114 = arith.constant 0 : i32
        %dma_wait3A_1115 = tpu.memref_slice %arg6[%add3A_1108, %dma_wait3A_1113, %dma_wait3A_1114] : memref<4096x20x64xf32, #tpu.memory_space<hbm>> -> memref<1x20x64xf32, #tpu.memory_space<hbm>>
        %dma_wait3A_1116 = tpu.memref_squeeze %dma_wait3A_1115 : memref<1x20x64xf32, #tpu.memory_space<hbm>> -> memref<20x64xf32, #tpu.memory_space<hbm>>
        %dma_wait3A_1117 = arith.constant 0 : i32
        %dma_wait3A_1118 = arith.constant 0 : i32
        %dma_wait3A_1119 = tpu.memref_slice %arg6[%add3A_1108, %dma_wait3A_1117, %dma_wait3A_1118] : memref<4096x20x64xf32, #tpu.memory_space<hbm>> -> memref<1x20x64xf32, #tpu.memory_space<hbm>>
        %dma_wait3A_1120 = tpu.memref_squeeze %dma_wait3A_1119 : memref<1x20x64xf32, #tpu.memory_space<hbm>> -> memref<20x64xf32, #tpu.memory_space<hbm>>
        %dma_wait3A_1121 = arith.constant 40 : i32
        %dma_wait3A_1122 = arith.constant 0 : i32
        %dma_wait3A_1123 = tpu.memref_slice %arg9[%rem3A_322, %dma_wait3A_1121, %dma_wait3A_1122] : memref<2x320x64xf32, #tpu.memory_space<vmem>> -> memref<1x20x64xf32, #tpu.memory_space<vmem>>
        %dma_wait3A_1124 = tpu.memref_squeeze %dma_wait3A_1123 : memref<1x20x64xf32, #tpu.memory_space<vmem>> -> memref<20x64xf32, #tpu.memory_space<vmem>>
        tpu.wait_dma2 semaphore(%arg13 : memref<!tpu.dma_semaphore, #tpu.memory_space<semaphore_mem>>) src(%dma_wait3A_1124 : memref<20x64xf32, #tpu.memory_space<vmem>>) dst(%dma_wait3A_1120 : memref<20x64xf32, #tpu.memory_space<hbm>>)
        %add3A_1125 = arith.constant 3 : i32
        %add3A_1126 = arith.addi %add3A_325, %add3A_1125 : i32
        %dma_wait3A_1127 = arith.constant 60 : i32
        %dma_wait3A_1128 = arith.constant 0 : i32
        %dma_wait3A_1129 = tpu.memref_slice %arg9[%rem3A_322, %dma_wait3A_1127, %dma_wait3A_1128] : memref<2x320x64xf32, #tpu.memory_space<vmem>> -> memref<1x20x64xf32, #tpu.memory_space<vmem>>
        %dma_wait3A_1130 = tpu.memref_squeeze %dma_wait3A_1129 : memref<1x20x64xf32, #tpu.memory_space<vmem>> -> memref<20x64xf32, #tpu.memory_space<vmem>>
        %dma_wait3A_1131 = arith.constant 0 : i32
        %dma_wait3A_1132 = arith.constant 0 : i32
        %dma_wait3A_1133 = tpu.memref_slice %arg6[%add3A_1126, %dma_wait3A_1131, %dma_wait3A_1132] : memref<4096x20x64xf32, #tpu.memory_space<hbm>> -> memref<1x20x64xf32, #tpu.memory_space<hbm>>
        %dma_wait3A_1134 = tpu.memref_squeeze %dma_wait3A_1133 : memref<1x20x64xf32, #tpu.memory_space<hbm>> -> memref<20x64xf32, #tpu.memory_space<hbm>>
        %dma_wait3A_1135 = arith.constant 0 : i32
        %dma_wait3A_1136 = arith.constant 0 : i32
        %dma_wait3A_1137 = tpu.memref_slice %arg6[%add3A_1126, %dma_wait3A_1135, %dma_wait3A_1136] : memref<4096x20x64xf32, #tpu.memory_space<hbm>> -> memref<1x20x64xf32, #tpu.memory_space<hbm>>
        %dma_wait3A_1138 = tpu.memref_squeeze %dma_wait3A_1137 : memref<1x20x64xf32, #tpu.memory_space<hbm>> -> memref<20x64xf32, #tpu.memory_space<hbm>>
        %dma_wait3A_1139 = arith.constant 60 : i32
        %dma_wait3A_1140 = arith.constant 0 : i32
        %dma_wait3A_1141 = tpu.memref_slice %arg9[%rem3A_322, %dma_wait3A_1139, %dma_wait3A_1140] : memref<2x320x64xf32, #tpu.memory_space<vmem>> -> memref<1x20x64xf32, #tpu.memory_space<vmem>>
        %dma_wait3A_1142 = tpu.memref_squeeze %dma_wait3A_1141 : memref<1x20x64xf32, #tpu.memory_space<vmem>> -> memref<20x64xf32, #tpu.memory_space<vmem>>
        tpu.wait_dma2 semaphore(%arg13 : memref<!tpu.dma_semaphore, #tpu.memory_space<semaphore_mem>>) src(%dma_wait3A_1142 : memref<20x64xf32, #tpu.memory_space<vmem>>) dst(%dma_wait3A_1138 : memref<20x64xf32, #tpu.memory_space<hbm>>)
        %add3A_1143 = arith.constant 4 : i32
        %add3A_1144 = arith.addi %add3A_325, %add3A_1143 : i32
        %dma_wait3A_1145 = arith.constant 80 : i32
        %dma_wait3A_1146 = arith.constant 0 : i32
        %dma_wait3A_1147 = tpu.memref_slice %arg9[%rem3A_322, %dma_wait3A_1145, %dma_wait3A_1146] : memref<2x320x64xf32, #tpu.memory_space<vmem>> -> memref<1x20x64xf32, #tpu.memory_space<vmem>>
        %dma_wait3A_1148 = tpu.memref_squeeze %dma_wait3A_1147 : memref<1x20x64xf32, #tpu.memory_space<vmem>> -> memref<20x64xf32, #tpu.memory_space<vmem>>
        %dma_wait3A_1149 = arith.constant 0 : i32
        %dma_wait3A_1150 = arith.constant 0 : i32
        %dma_wait3A_1151 = tpu.memref_slice %arg6[%add3A_1144, %dma_wait3A_1149, %dma_wait3A_1150] : memref<4096x20x64xf32, #tpu.memory_space<hbm>> -> memref<1x20x64xf32, #tpu.memory_space<hbm>>
        %dma_wait3A_1152 = tpu.memref_squeeze %dma_wait3A_1151 : memref<1x20x64xf32, #tpu.memory_space<hbm>> -> memref<20x64xf32, #tpu.memory_space<hbm>>
        %dma_wait3A_1153 = arith.constant 0 : i32
        %dma_wait3A_1154 = arith.constant 0 : i32
        %dma_wait3A_1155 = tpu.memref_slice %arg6[%add3A_1144, %dma_wait3A_1153, %dma_wait3A_1154] : memref<4096x20x64xf32, #tpu.memory_space<hbm>> -> memref<1x20x64xf32, #tpu.memory_space<hbm>>
        %dma_wait3A_1156 = tpu.memref_squeeze %dma_wait3A_1155 : memref<1x20x64xf32, #tpu.memory_space<hbm>> -> memref<20x64xf32, #tpu.memory_space<hbm>>
        %dma_wait3A_1157 = arith.constant 80 : i32
        %dma_wait3A_1158 = arith.constant 0 : i32
        %dma_wait3A_1159 = tpu.memref_slice %arg9[%rem3A_322, %dma_wait3A_1157, %dma_wait3A_1158] : memref<2x320x64xf32, #tpu.memory_space<vmem>> -> memref<1x20x64xf32, #tpu.memory_space<vmem>>
        %dma_wait3A_1160 = tpu.memref_squeeze %dma_wait3A_1159 : memref<1x20x64xf32, #tpu.memory_space<vmem>> -> memref<20x64xf32, #tpu.memory_space<vmem>>
        tpu.wait_dma2 semaphore(%arg13 : memref<!tpu.dma_semaphore, #tpu.memory_space<semaphore_mem>>) src(%dma_wait3A_1160 : memref<20x64xf32, #tpu.memory_space<vmem>>) dst(%dma_wait3A_1156 : memref<20x64xf32, #tpu.memory_space<hbm>>)
        %add3A_1161 = arith.constant 5 : i32
        %add3A_1162 = arith.addi %add3A_325, %add3A_1161 : i32
        %dma_wait3A_1163 = arith.constant 100 : i32
        %dma_wait3A_1164 = arith.constant 0 : i32
        %dma_wait3A_1165 = tpu.memref_slice %arg9[%rem3A_322, %dma_wait3A_1163, %dma_wait3A_1164] : memref<2x320x64xf32, #tpu.memory_space<vmem>> -> memref<1x20x64xf32, #tpu.memory_space<vmem>>
        %dma_wait3A_1166 = tpu.memref_squeeze %dma_wait3A_1165 : memref<1x20x64xf32, #tpu.memory_space<vmem>> -> memref<20x64xf32, #tpu.memory_space<vmem>>
        %dma_wait3A_1167 = arith.constant 0 : i32
        %dma_wait3A_1168 = arith.constant 0 : i32
        %dma_wait3A_1169 = tpu.memref_slice %arg6[%add3A_1162, %dma_wait3A_1167, %dma_wait3A_1168] : memref<4096x20x64xf32, #tpu.memory_space<hbm>> -> memref<1x20x64xf32, #tpu.memory_space<hbm>>
        %dma_wait3A_1170 = tpu.memref_squeeze %dma_wait3A_1169 : memref<1x20x64xf32, #tpu.memory_space<hbm>> -> memref<20x64xf32, #tpu.memory_space<hbm>>
        %dma_wait3A_1171 = arith.constant 0 : i32
        %dma_wait3A_1172 = arith.constant 0 : i32
        %dma_wait3A_1173 = tpu.memref_slice %arg6[%add3A_1162, %dma_wait3A_1171, %dma_wait3A_1172] : memref<4096x20x64xf32, #tpu.memory_space<hbm>> -> memref<1x20x64xf32, #tpu.memory_space<hbm>>
        %dma_wait3A_1174 = tpu.memref_squeeze %dma_wait3A_1173 : memref<1x20x64xf32, #tpu.memory_space<hbm>> -> memref<20x64xf32, #tpu.memory_space<hbm>>
        %dma_wait3A_1175 = arith.constant 100 : i32
        %dma_wait3A_1176 = arith.constant 0 : i32
        %dma_wait3A_1177 = tpu.memref_slice %arg9[%rem3A_322, %dma_wait3A_1175, %dma_wait3A_1176] : memref<2x320x64xf32, #tpu.memory_space<vmem>> -> memref<1x20x64xf32, #tpu.memory_space<vmem>>
        %dma_wait3A_1178 = tpu.memref_squeeze %dma_wait3A_1177 : memref<1x20x64xf32, #tpu.memory_space<vmem>> -> memref<20x64xf32, #tpu.memory_space<vmem>>
        tpu.wait_dma2 semaphore(%arg13 : memref<!tpu.dma_semaphore, #tpu.memory_space<semaphore_mem>>) src(%dma_wait3A_1178 : memref<20x64xf32, #tpu.memory_space<vmem>>) dst(%dma_wait3A_1174 : memref<20x64xf32, #tpu.memory_space<hbm>>)
        %add3A_1179 = arith.constant 6 : i32
        %add3A_1180 = arith.addi %add3A_325, %add3A_1179 : i32
        %dma_wait3A_1181 = arith.constant 120 : i32
        %dma_wait3A_1182 = arith.constant 0 : i32
        %dma_wait3A_1183 = tpu.memref_slice %arg9[%rem3A_322, %dma_wait3A_1181, %dma_wait3A_1182] : memref<2x320x64xf32, #tpu.memory_space<vmem>> -> memref<1x20x64xf32, #tpu.memory_space<vmem>>
        %dma_wait3A_1184 = tpu.memref_squeeze %dma_wait3A_1183 : memref<1x20x64xf32, #tpu.memory_space<vmem>> -> memref<20x64xf32, #tpu.memory_space<vmem>>
        %dma_wait3A_1185 = arith.constant 0 : i32
        %dma_wait3A_1186 = arith.constant 0 : i32
        %dma_wait3A_1187 = tpu.memref_slice %arg6[%add3A_1180, %dma_wait3A_1185, %dma_wait3A_1186] : memref<4096x20x64xf32, #tpu.memory_space<hbm>> -> memref<1x20x64xf32, #tpu.memory_space<hbm>>
        %dma_wait3A_1188 = tpu.memref_squeeze %dma_wait3A_1187 : memref<1x20x64xf32, #tpu.memory_space<hbm>> -> memref<20x64xf32, #tpu.memory_space<hbm>>
        %dma_wait3A_1189 = arith.constant 0 : i32
        %dma_wait3A_1190 = arith.constant 0 : i32
        %dma_wait3A_1191 = tpu.memref_slice %arg6[%add3A_1180, %dma_wait3A_1189, %dma_wait3A_1190] : memref<4096x20x64xf32, #tpu.memory_space<hbm>> -> memref<1x20x64xf32, #tpu.memory_space<hbm>>
        %dma_wait3A_1192 = tpu.memref_squeeze %dma_wait3A_1191 : memref<1x20x64xf32, #tpu.memory_space<hbm>> -> memref<20x64xf32, #tpu.memory_space<hbm>>
        %dma_wait3A_1193 = arith.constant 120 : i32
        %dma_wait3A_1194 = arith.constant 0 : i32
        %dma_wait3A_1195 = tpu.memref_slice %arg9[%rem3A_322, %dma_wait3A_1193, %dma_wait3A_1194] : memref<2x320x64xf32, #tpu.memory_space<vmem>> -> memref<1x20x64xf32, #tpu.memory_space<vmem>>
        %dma_wait3A_1196 = tpu.memref_squeeze %dma_wait3A_1195 : memref<1x20x64xf32, #tpu.memory_space<vmem>> -> memref<20x64xf32, #tpu.memory_space<vmem>>
        tpu.wait_dma2 semaphore(%arg13 : memref<!tpu.dma_semaphore, #tpu.memory_space<semaphore_mem>>) src(%dma_wait3A_1196 : memref<20x64xf32, #tpu.memory_space<vmem>>) dst(%dma_wait3A_1192 : memref<20x64xf32, #tpu.memory_space<hbm>>)
        %add3A_1197 = arith.constant 7 : i32
        %add3A_1198 = arith.addi %add3A_325, %add3A_1197 : i32
        %dma_wait3A_1199 = arith.constant 140 : i32
        %dma_wait3A_1200 = arith.constant 0 : i32
        %dma_wait3A_1201 = tpu.memref_slice %arg9[%rem3A_322, %dma_wait3A_1199, %dma_wait3A_1200] : memref<2x320x64xf32, #tpu.memory_space<vmem>> -> memref<1x20x64xf32, #tpu.memory_space<vmem>>
        %dma_wait3A_1202 = tpu.memref_squeeze %dma_wait3A_1201 : memref<1x20x64xf32, #tpu.memory_space<vmem>> -> memref<20x64xf32, #tpu.memory_space<vmem>>
        %dma_wait3A_1203 = arith.constant 0 : i32
        %dma_wait3A_1204 = arith.constant 0 : i32
        %dma_wait3A_1205 = tpu.memref_slice %arg6[%add3A_1198, %dma_wait3A_1203, %dma_wait3A_1204] : memref<4096x20x64xf32, #tpu.memory_space<hbm>> -> memref<1x20x64xf32, #tpu.memory_space<hbm>>
        %dma_wait3A_1206 = tpu.memref_squeeze %dma_wait3A_1205 : memref<1x20x64xf32, #tpu.memory_space<hbm>> -> memref<20x64xf32, #tpu.memory_space<hbm>>
        %dma_wait3A_1207 = arith.constant 0 : i32
        %dma_wait3A_1208 = arith.constant 0 : i32
        %dma_wait3A_1209 = tpu.memref_slice %arg6[%add3A_1198, %dma_wait3A_1207, %dma_wait3A_1208] : memref<4096x20x64xf32, #tpu.memory_space<hbm>> -> memref<1x20x64xf32, #tpu.memory_space<hbm>>
        %dma_wait3A_1210 = tpu.memref_squeeze %dma_wait3A_1209 : memref<1x20x64xf32, #tpu.memory_space<hbm>> -> memref<20x64xf32, #tpu.memory_space<hbm>>
        %dma_wait3A_1211 = arith.constant 140 : i32
        %dma_wait3A_1212 = arith.constant 0 : i32
        %dma_wait3A_1213 = tpu.memref_slice %arg9[%rem3A_322, %dma_wait3A_1211, %dma_wait3A_1212] : memref<2x320x64xf32, #tpu.memory_space<vmem>> -> memref<1x20x64xf32, #tpu.memory_space<vmem>>
        %dma_wait3A_1214 = tpu.memref_squeeze %dma_wait3A_1213 : memref<1x20x64xf32, #tpu.memory_space<vmem>> -> memref<20x64xf32, #tpu.memory_space<vmem>>
        tpu.wait_dma2 semaphore(%arg13 : memref<!tpu.dma_semaphore, #tpu.memory_space<semaphore_mem>>) src(%dma_wait3A_1214 : memref<20x64xf32, #tpu.memory_space<vmem>>) dst(%dma_wait3A_1210 : memref<20x64xf32, #tpu.memory_space<hbm>>)
        %add3A_1215 = arith.constant 8 : i32
        %add3A_1216 = arith.addi %add3A_325, %add3A_1215 : i32
        %dma_wait3A_1217 = arith.constant 160 : i32
        %dma_wait3A_1218 = arith.constant 0 : i32
        %dma_wait3A_1219 = tpu.memref_slice %arg9[%rem3A_322, %dma_wait3A_1217, %dma_wait3A_1218] : memref<2x320x64xf32, #tpu.memory_space<vmem>> -> memref<1x20x64xf32, #tpu.memory_space<vmem>>
        %dma_wait3A_1220 = tpu.memref_squeeze %dma_wait3A_1219 : memref<1x20x64xf32, #tpu.memory_space<vmem>> -> memref<20x64xf32, #tpu.memory_space<vmem>>
        %dma_wait3A_1221 = arith.constant 0 : i32
        %dma_wait3A_1222 = arith.constant 0 : i32
        %dma_wait3A_1223 = tpu.memref_slice %arg6[%add3A_1216, %dma_wait3A_1221, %dma_wait3A_1222] : memref<4096x20x64xf32, #tpu.memory_space<hbm>> -> memref<1x20x64xf32, #tpu.memory_space<hbm>>
        %dma_wait3A_1224 = tpu.memref_squeeze %dma_wait3A_1223 : memref<1x20x64xf32, #tpu.memory_space<hbm>> -> memref<20x64xf32, #tpu.memory_space<hbm>>
        %dma_wait3A_1225 = arith.constant 0 : i32
        %dma_wait3A_1226 = arith.constant 0 : i32
        %dma_wait3A_1227 = tpu.memref_slice %arg6[%add3A_1216, %dma_wait3A_1225, %dma_wait3A_1226] : memref<4096x20x64xf32, #tpu.memory_space<hbm>> -> memref<1x20x64xf32, #tpu.memory_space<hbm>>
        %dma_wait3A_1228 = tpu.memref_squeeze %dma_wait3A_1227 : memref<1x20x64xf32, #tpu.memory_space<hbm>> -> memref<20x64xf32, #tpu.memory_space<hbm>>
        %dma_wait3A_1229 = arith.constant 160 : i32
        %dma_wait3A_1230 = arith.constant 0 : i32
        %dma_wait3A_1231 = tpu.memref_slice %arg9[%rem3A_322, %dma_wait3A_1229, %dma_wait3A_1230] : memref<2x320x64xf32, #tpu.memory_space<vmem>> -> memref<1x20x64xf32, #tpu.memory_space<vmem>>
        %dma_wait3A_1232 = tpu.memref_squeeze %dma_wait3A_1231 : memref<1x20x64xf32, #tpu.memory_space<vmem>> -> memref<20x64xf32, #tpu.memory_space<vmem>>
        tpu.wait_dma2 semaphore(%arg13 : memref<!tpu.dma_semaphore, #tpu.memory_space<semaphore_mem>>) src(%dma_wait3A_1232 : memref<20x64xf32, #tpu.memory_space<vmem>>) dst(%dma_wait3A_1228 : memref<20x64xf32, #tpu.memory_space<hbm>>)
        %add3A_1233 = arith.constant 9 : i32
        %add3A_1234 = arith.addi %add3A_325, %add3A_1233 : i32
        %dma_wait3A_1235 = arith.constant 180 : i32
        %dma_wait3A_1236 = arith.constant 0 : i32
        %dma_wait3A_1237 = tpu.memref_slice %arg9[%rem3A_322, %dma_wait3A_1235, %dma_wait3A_1236] : memref<2x320x64xf32, #tpu.memory_space<vmem>> -> memref<1x20x64xf32, #tpu.memory_space<vmem>>
        %dma_wait3A_1238 = tpu.memref_squeeze %dma_wait3A_1237 : memref<1x20x64xf32, #tpu.memory_space<vmem>> -> memref<20x64xf32, #tpu.memory_space<vmem>>
        %dma_wait3A_1239 = arith.constant 0 : i32
        %dma_wait3A_1240 = arith.constant 0 : i32
        %dma_wait3A_1241 = tpu.memref_slice %arg6[%add3A_1234, %dma_wait3A_1239, %dma_wait3A_1240] : memref<4096x20x64xf32, #tpu.memory_space<hbm>> -> memref<1x20x64xf32, #tpu.memory_space<hbm>>
        %dma_wait3A_1242 = tpu.memref_squeeze %dma_wait3A_1241 : memref<1x20x64xf32, #tpu.memory_space<hbm>> -> memref<20x64xf32, #tpu.memory_space<hbm>>
        %dma_wait3A_1243 = arith.constant 0 : i32
        %dma_wait3A_1244 = arith.constant 0 : i32
        %dma_wait3A_1245 = tpu.memref_slice %arg6[%add3A_1234, %dma_wait3A_1243, %dma_wait3A_1244] : memref<4096x20x64xf32, #tpu.memory_space<hbm>> -> memref<1x20x64xf32, #tpu.memory_space<hbm>>
        %dma_wait3A_1246 = tpu.memref_squeeze %dma_wait3A_1245 : memref<1x20x64xf32, #tpu.memory_space<hbm>> -> memref<20x64xf32, #tpu.memory_space<hbm>>
        %dma_wait3A_1247 = arith.constant 180 : i32
        %dma_wait3A_1248 = arith.constant 0 : i32
        %dma_wait3A_1249 = tpu.memref_slice %arg9[%rem3A_322, %dma_wait3A_1247, %dma_wait3A_1248] : memref<2x320x64xf32, #tpu.memory_space<vmem>> -> memref<1x20x64xf32, #tpu.memory_space<vmem>>
        %dma_wait3A_1250 = tpu.memref_squeeze %dma_wait3A_1249 : memref<1x20x64xf32, #tpu.memory_space<vmem>> -> memref<20x64xf32, #tpu.memory_space<vmem>>
        tpu.wait_dma2 semaphore(%arg13 : memref<!tpu.dma_semaphore, #tpu.memory_space<semaphore_mem>>) src(%dma_wait3A_1250 : memref<20x64xf32, #tpu.memory_space<vmem>>) dst(%dma_wait3A_1246 : memref<20x64xf32, #tpu.memory_space<hbm>>)
        %add3A_1251 = arith.constant 10 : i32
        %add3A_1252 = arith.addi %add3A_325, %add3A_1251 : i32
        %dma_wait3A_1253 = arith.constant 200 : i32
        %dma_wait3A_1254 = arith.constant 0 : i32
        %dma_wait3A_1255 = tpu.memref_slice %arg9[%rem3A_322, %dma_wait3A_1253, %dma_wait3A_1254] : memref<2x320x64xf32, #tpu.memory_space<vmem>> -> memref<1x20x64xf32, #tpu.memory_space<vmem>>
        %dma_wait3A_1256 = tpu.memref_squeeze %dma_wait3A_1255 : memref<1x20x64xf32, #tpu.memory_space<vmem>> -> memref<20x64xf32, #tpu.memory_space<vmem>>
        %dma_wait3A_1257 = arith.constant 0 : i32
        %dma_wait3A_1258 = arith.constant 0 : i32
        %dma_wait3A_1259 = tpu.memref_slice %arg6[%add3A_1252, %dma_wait3A_1257, %dma_wait3A_1258] : memref<4096x20x64xf32, #tpu.memory_space<hbm>> -> memref<1x20x64xf32, #tpu.memory_space<hbm>>
        %dma_wait3A_1260 = tpu.memref_squeeze %dma_wait3A_1259 : memref<1x20x64xf32, #tpu.memory_space<hbm>> -> memref<20x64xf32, #tpu.memory_space<hbm>>
        %dma_wait3A_1261 = arith.constant 0 : i32
        %dma_wait3A_1262 = arith.constant 0 : i32
        %dma_wait3A_1263 = tpu.memref_slice %arg6[%add3A_1252, %dma_wait3A_1261, %dma_wait3A_1262] : memref<4096x20x64xf32, #tpu.memory_space<hbm>> -> memref<1x20x64xf32, #tpu.memory_space<hbm>>
        %dma_wait3A_1264 = tpu.memref_squeeze %dma_wait3A_1263 : memref<1x20x64xf32, #tpu.memory_space<hbm>> -> memref<20x64xf32, #tpu.memory_space<hbm>>
        %dma_wait3A_1265 = arith.constant 200 : i32
        %dma_wait3A_1266 = arith.constant 0 : i32
        %dma_wait3A_1267 = tpu.memref_slice %arg9[%rem3A_322, %dma_wait3A_1265, %dma_wait3A_1266] : memref<2x320x64xf32, #tpu.memory_space<vmem>> -> memref<1x20x64xf32, #tpu.memory_space<vmem>>
        %dma_wait3A_1268 = tpu.memref_squeeze %dma_wait3A_1267 : memref<1x20x64xf32, #tpu.memory_space<vmem>> -> memref<20x64xf32, #tpu.memory_space<vmem>>
        tpu.wait_dma2 semaphore(%arg13 : memref<!tpu.dma_semaphore, #tpu.memory_space<semaphore_mem>>) src(%dma_wait3A_1268 : memref<20x64xf32, #tpu.memory_space<vmem>>) dst(%dma_wait3A_1264 : memref<20x64xf32, #tpu.memory_space<hbm>>)
        %add3A_1269 = arith.constant 11 : i32
        %add3A_1270 = arith.addi %add3A_325, %add3A_1269 : i32
        %dma_wait3A_1271 = arith.constant 220 : i32
        %dma_wait3A_1272 = arith.constant 0 : i32
        %dma_wait3A_1273 = tpu.memref_slice %arg9[%rem3A_322, %dma_wait3A_1271, %dma_wait3A_1272] : memref<2x320x64xf32, #tpu.memory_space<vmem>> -> memref<1x20x64xf32, #tpu.memory_space<vmem>>
        %dma_wait3A_1274 = tpu.memref_squeeze %dma_wait3A_1273 : memref<1x20x64xf32, #tpu.memory_space<vmem>> -> memref<20x64xf32, #tpu.memory_space<vmem>>
        %dma_wait3A_1275 = arith.constant 0 : i32
        %dma_wait3A_1276 = arith.constant 0 : i32
        %dma_wait3A_1277 = tpu.memref_slice %arg6[%add3A_1270, %dma_wait3A_1275, %dma_wait3A_1276] : memref<4096x20x64xf32, #tpu.memory_space<hbm>> -> memref<1x20x64xf32, #tpu.memory_space<hbm>>
        %dma_wait3A_1278 = tpu.memref_squeeze %dma_wait3A_1277 : memref<1x20x64xf32, #tpu.memory_space<hbm>> -> memref<20x64xf32, #tpu.memory_space<hbm>>
        %dma_wait3A_1279 = arith.constant 0 : i32
        %dma_wait3A_1280 = arith.constant 0 : i32
        %dma_wait3A_1281 = tpu.memref_slice %arg6[%add3A_1270, %dma_wait3A_1279, %dma_wait3A_1280] : memref<4096x20x64xf32, #tpu.memory_space<hbm>> -> memref<1x20x64xf32, #tpu.memory_space<hbm>>
        %dma_wait3A_1282 = tpu.memref_squeeze %dma_wait3A_1281 : memref<1x20x64xf32, #tpu.memory_space<hbm>> -> memref<20x64xf32, #tpu.memory_space<hbm>>
        %dma_wait3A_1283 = arith.constant 220 : i32
        %dma_wait3A_1284 = arith.constant 0 : i32
        %dma_wait3A_1285 = tpu.memref_slice %arg9[%rem3A_322, %dma_wait3A_1283, %dma_wait3A_1284] : memref<2x320x64xf32, #tpu.memory_space<vmem>> -> memref<1x20x64xf32, #tpu.memory_space<vmem>>
        %dma_wait3A_1286 = tpu.memref_squeeze %dma_wait3A_1285 : memref<1x20x64xf32, #tpu.memory_space<vmem>> -> memref<20x64xf32, #tpu.memory_space<vmem>>
        tpu.wait_dma2 semaphore(%arg13 : memref<!tpu.dma_semaphore, #tpu.memory_space<semaphore_mem>>) src(%dma_wait3A_1286 : memref<20x64xf32, #tpu.memory_space<vmem>>) dst(%dma_wait3A_1282 : memref<20x64xf32, #tpu.memory_space<hbm>>)
        %add3A_1287 = arith.constant 12 : i32
        %add3A_1288 = arith.addi %add3A_325, %add3A_1287 : i32
        %dma_wait3A_1289 = arith.constant 240 : i32
        %dma_wait3A_1290 = arith.constant 0 : i32
        %dma_wait3A_1291 = tpu.memref_slice %arg9[%rem3A_322, %dma_wait3A_1289, %dma_wait3A_1290] : memref<2x320x64xf32, #tpu.memory_space<vmem>> -> memref<1x20x64xf32, #tpu.memory_space<vmem>>
        %dma_wait3A_1292 = tpu.memref_squeeze %dma_wait3A_1291 : memref<1x20x64xf32, #tpu.memory_space<vmem>> -> memref<20x64xf32, #tpu.memory_space<vmem>>
        %dma_wait3A_1293 = arith.constant 0 : i32
        %dma_wait3A_1294 = arith.constant 0 : i32
        %dma_wait3A_1295 = tpu.memref_slice %arg6[%add3A_1288, %dma_wait3A_1293, %dma_wait3A_1294] : memref<4096x20x64xf32, #tpu.memory_space<hbm>> -> memref<1x20x64xf32, #tpu.memory_space<hbm>>
        %dma_wait3A_1296 = tpu.memref_squeeze %dma_wait3A_1295 : memref<1x20x64xf32, #tpu.memory_space<hbm>> -> memref<20x64xf32, #tpu.memory_space<hbm>>
        %dma_wait3A_1297 = arith.constant 0 : i32
        %dma_wait3A_1298 = arith.constant 0 : i32
        %dma_wait3A_1299 = tpu.memref_slice %arg6[%add3A_1288, %dma_wait3A_1297, %dma_wait3A_1298] : memref<4096x20x64xf32, #tpu.memory_space<hbm>> -> memref<1x20x64xf32, #tpu.memory_space<hbm>>
        %dma_wait3A_1300 = tpu.memref_squeeze %dma_wait3A_1299 : memref<1x20x64xf32, #tpu.memory_space<hbm>> -> memref<20x64xf32, #tpu.memory_space<hbm>>
        %dma_wait3A_1301 = arith.constant 240 : i32
        %dma_wait3A_1302 = arith.constant 0 : i32
        %dma_wait3A_1303 = tpu.memref_slice %arg9[%rem3A_322, %dma_wait3A_1301, %dma_wait3A_1302] : memref<2x320x64xf32, #tpu.memory_space<vmem>> -> memref<1x20x64xf32, #tpu.memory_space<vmem>>
        %dma_wait3A_1304 = tpu.memref_squeeze %dma_wait3A_1303 : memref<1x20x64xf32, #tpu.memory_space<vmem>> -> memref<20x64xf32, #tpu.memory_space<vmem>>
        tpu.wait_dma2 semaphore(%arg13 : memref<!tpu.dma_semaphore, #tpu.memory_space<semaphore_mem>>) src(%dma_wait3A_1304 : memref<20x64xf32, #tpu.memory_space<vmem>>) dst(%dma_wait3A_1300 : memref<20x64xf32, #tpu.memory_space<hbm>>)
        %add3A_1305 = arith.constant 13 : i32
        %add3A_1306 = arith.addi %add3A_325, %add3A_1305 : i32
        %dma_wait3A_1307 = arith.constant 260 : i32
        %dma_wait3A_1308 = arith.constant 0 : i32
        %dma_wait3A_1309 = tpu.memref_slice %arg9[%rem3A_322, %dma_wait3A_1307, %dma_wait3A_1308] : memref<2x320x64xf32, #tpu.memory_space<vmem>> -> memref<1x20x64xf32, #tpu.memory_space<vmem>>
        %dma_wait3A_1310 = tpu.memref_squeeze %dma_wait3A_1309 : memref<1x20x64xf32, #tpu.memory_space<vmem>> -> memref<20x64xf32, #tpu.memory_space<vmem>>
        %dma_wait3A_1311 = arith.constant 0 : i32
        %dma_wait3A_1312 = arith.constant 0 : i32
        %dma_wait3A_1313 = tpu.memref_slice %arg6[%add3A_1306, %dma_wait3A_1311, %dma_wait3A_1312] : memref<4096x20x64xf32, #tpu.memory_space<hbm>> -> memref<1x20x64xf32, #tpu.memory_space<hbm>>
        %dma_wait3A_1314 = tpu.memref_squeeze %dma_wait3A_1313 : memref<1x20x64xf32, #tpu.memory_space<hbm>> -> memref<20x64xf32, #tpu.memory_space<hbm>>
        %dma_wait3A_1315 = arith.constant 0 : i32
        %dma_wait3A_1316 = arith.constant 0 : i32
        %dma_wait3A_1317 = tpu.memref_slice %arg6[%add3A_1306, %dma_wait3A_1315, %dma_wait3A_1316] : memref<4096x20x64xf32, #tpu.memory_space<hbm>> -> memref<1x20x64xf32, #tpu.memory_space<hbm>>
        %dma_wait3A_1318 = tpu.memref_squeeze %dma_wait3A_1317 : memref<1x20x64xf32, #tpu.memory_space<hbm>> -> memref<20x64xf32, #tpu.memory_space<hbm>>
        %dma_wait3A_1319 = arith.constant 260 : i32
        %dma_wait3A_1320 = arith.constant 0 : i32
        %dma_wait3A_1321 = tpu.memref_slice %arg9[%rem3A_322, %dma_wait3A_1319, %dma_wait3A_1320] : memref<2x320x64xf32, #tpu.memory_space<vmem>> -> memref<1x20x64xf32, #tpu.memory_space<vmem>>
        %dma_wait3A_1322 = tpu.memref_squeeze %dma_wait3A_1321 : memref<1x20x64xf32, #tpu.memory_space<vmem>> -> memref<20x64xf32, #tpu.memory_space<vmem>>
        tpu.wait_dma2 semaphore(%arg13 : memref<!tpu.dma_semaphore, #tpu.memory_space<semaphore_mem>>) src(%dma_wait3A_1322 : memref<20x64xf32, #tpu.memory_space<vmem>>) dst(%dma_wait3A_1318 : memref<20x64xf32, #tpu.memory_space<hbm>>)
        %add3A_1323 = arith.constant 14 : i32
        %add3A_1324 = arith.addi %add3A_325, %add3A_1323 : i32
        %dma_wait3A_1325 = arith.constant 280 : i32
        %dma_wait3A_1326 = arith.constant 0 : i32
        %dma_wait3A_1327 = tpu.memref_slice %arg9[%rem3A_322, %dma_wait3A_1325, %dma_wait3A_1326] : memref<2x320x64xf32, #tpu.memory_space<vmem>> -> memref<1x20x64xf32, #tpu.memory_space<vmem>>
        %dma_wait3A_1328 = tpu.memref_squeeze %dma_wait3A_1327 : memref<1x20x64xf32, #tpu.memory_space<vmem>> -> memref<20x64xf32, #tpu.memory_space<vmem>>
        %dma_wait3A_1329 = arith.constant 0 : i32
        %dma_wait3A_1330 = arith.constant 0 : i32
        %dma_wait3A_1331 = tpu.memref_slice %arg6[%add3A_1324, %dma_wait3A_1329, %dma_wait3A_1330] : memref<4096x20x64xf32, #tpu.memory_space<hbm>> -> memref<1x20x64xf32, #tpu.memory_space<hbm>>
        %dma_wait3A_1332 = tpu.memref_squeeze %dma_wait3A_1331 : memref<1x20x64xf32, #tpu.memory_space<hbm>> -> memref<20x64xf32, #tpu.memory_space<hbm>>
        %dma_wait3A_1333 = arith.constant 0 : i32
        %dma_wait3A_1334 = arith.constant 0 : i32
        %dma_wait3A_1335 = tpu.memref_slice %arg6[%add3A_1324, %dma_wait3A_1333, %dma_wait3A_1334] : memref<4096x20x64xf32, #tpu.memory_space<hbm>> -> memref<1x20x64xf32, #tpu.memory_space<hbm>>
        %dma_wait3A_1336 = tpu.memref_squeeze %dma_wait3A_1335 : memref<1x20x64xf32, #tpu.memory_space<hbm>> -> memref<20x64xf32, #tpu.memory_space<hbm>>
        %dma_wait3A_1337 = arith.constant 280 : i32
        %dma_wait3A_1338 = arith.constant 0 : i32
        %dma_wait3A_1339 = tpu.memref_slice %arg9[%rem3A_322, %dma_wait3A_1337, %dma_wait3A_1338] : memref<2x320x64xf32, #tpu.memory_space<vmem>> -> memref<1x20x64xf32, #tpu.memory_space<vmem>>
        %dma_wait3A_1340 = tpu.memref_squeeze %dma_wait3A_1339 : memref<1x20x64xf32, #tpu.memory_space<vmem>> -> memref<20x64xf32, #tpu.memory_space<vmem>>
        tpu.wait_dma2 semaphore(%arg13 : memref<!tpu.dma_semaphore, #tpu.memory_space<semaphore_mem>>) src(%dma_wait3A_1340 : memref<20x64xf32, #tpu.memory_space<vmem>>) dst(%dma_wait3A_1336 : memref<20x64xf32, #tpu.memory_space<hbm>>)
        %add3A_1341 = arith.constant 15 : i32
        %add3A_1342 = arith.addi %add3A_325, %add3A_1341 : i32
        %dma_wait3A_1343 = arith.constant 300 : i32
        %dma_wait3A_1344 = arith.constant 0 : i32
        %dma_wait3A_1345 = tpu.memref_slice %arg9[%rem3A_322, %dma_wait3A_1343, %dma_wait3A_1344] : memref<2x320x64xf32, #tpu.memory_space<vmem>> -> memref<1x20x64xf32, #tpu.memory_space<vmem>>
        %dma_wait3A_1346 = tpu.memref_squeeze %dma_wait3A_1345 : memref<1x20x64xf32, #tpu.memory_space<vmem>> -> memref<20x64xf32, #tpu.memory_space<vmem>>
        %dma_wait3A_1347 = arith.constant 0 : i32
        %dma_wait3A_1348 = arith.constant 0 : i32
        %dma_wait3A_1349 = tpu.memref_slice %arg6[%add3A_1342, %dma_wait3A_1347, %dma_wait3A_1348] : memref<4096x20x64xf32, #tpu.memory_space<hbm>> -> memref<1x20x64xf32, #tpu.memory_space<hbm>>
        %dma_wait3A_1350 = tpu.memref_squeeze %dma_wait3A_1349 : memref<1x20x64xf32, #tpu.memory_space<hbm>> -> memref<20x64xf32, #tpu.memory_space<hbm>>
        %dma_wait3A_1351 = arith.constant 0 : i32
        %dma_wait3A_1352 = arith.constant 0 : i32
        %dma_wait3A_1353 = tpu.memref_slice %arg6[%add3A_1342, %dma_wait3A_1351, %dma_wait3A_1352] : memref<4096x20x64xf32, #tpu.memory_space<hbm>> -> memref<1x20x64xf32, #tpu.memory_space<hbm>>
        %dma_wait3A_1354 = tpu.memref_squeeze %dma_wait3A_1353 : memref<1x20x64xf32, #tpu.memory_space<hbm>> -> memref<20x64xf32, #tpu.memory_space<hbm>>
        %dma_wait3A_1355 = arith.constant 300 : i32
        %dma_wait3A_1356 = arith.constant 0 : i32
        %dma_wait3A_1357 = tpu.memref_slice %arg9[%rem3A_322, %dma_wait3A_1355, %dma_wait3A_1356] : memref<2x320x64xf32, #tpu.memory_space<vmem>> -> memref<1x20x64xf32, #tpu.memory_space<vmem>>
        %dma_wait3A_1358 = tpu.memref_squeeze %dma_wait3A_1357 : memref<1x20x64xf32, #tpu.memory_space<vmem>> -> memref<20x64xf32, #tpu.memory_space<vmem>>
        tpu.wait_dma2 semaphore(%arg13 : memref<!tpu.dma_semaphore, #tpu.memory_space<semaphore_mem>>) src(%dma_wait3A_1358 : memref<20x64xf32, #tpu.memory_space<vmem>>) dst(%dma_wait3A_1354 : memref<20x64xf32, #tpu.memory_space<hbm>>)
      } else {
      }
      %lt3A = arith.constant 7 : i32
      %lt3A_559 = arith.cmpi slt, %scan3A_316, %lt3A : i32
      %convert_element_type3A_560 = arith.extui %lt3A_559 : i1 to i32
      %cond3A_561 = arith.constant 0 : i32
      %cond3A_562 = arith.cmpi ne, %convert_element_type3A_560, %cond3A_561 : i32
      scf.if %cond3A_562 {
        %add3A_1071 = arith.constant 1 : i32
        %add3A_1072 = arith.addi %scan3A_316, %add3A_1071 : i32
        %mul3A_1073 = arith.constant 16 : i32
        %mul3A_1074 = arith.muli %add3A_1072, %mul3A_1073 : i32
        %add3A_1075 = arith.addi %mul3A_2, %mul3A_1074 : i32
        "tpu.region"() ({
          %run_scoped3A_1092 = tpu.sem_alloc : memref<!tpu.dma_semaphore, #tpu.memory_space<semaphore_mem>>
          %dma_start3A_1093 = arith.constant 0 : i32
          %dma_start3A_1094 = arith.constant 0 : i32
          %dma_start3A_1095 = tpu.memref_slice %arg7[%rem3A_322, %dma_start3A_1093, %dma_start3A_1094] : memref<2x16x400xf32, #tpu.memory_space<vmem>> -> memref<1x16x400xf32, #tpu.memory_space<vmem>>
          %dma_start3A_1096 = tpu.memref_squeeze %dma_start3A_1095 : memref<1x16x400xf32, #tpu.memory_space<vmem>> -> memref<16x400xf32, #tpu.memory_space<vmem>>
          %dma_start3A_1097 = arith.constant 0 : i32
          %dma_start3A_1098 = tpu.memref_slice %arg2[%add3A_1075, %dma_start3A_1097] : memref<4096x400xf32, #tpu.memory_space<hbm>> -> memref<16x400xf32, #tpu.memory_space<hbm>>
          %dma_start3A_1099 = arith.constant 0 : i32
          %dma_start3A_1100 = arith.constant 0 : i32
          %dma_start3A_1101 = tpu.memref_slice %arg7[%rem3A_322, %dma_start3A_1099, %dma_start3A_1100] : memref<2x16x400xf32, #tpu.memory_space<vmem>> -> memref<1x16x400xf32, #tpu.memory_space<vmem>>
          %dma_start3A_1102 = tpu.memref_squeeze %dma_start3A_1101 : memref<1x16x400xf32, #tpu.memory_space<vmem>> -> memref<16x400xf32, #tpu.memory_space<vmem>>
          %dma_start3A_1103 = arith.constant 0 : i32
          %dma_start3A_1104 = tpu.memref_slice %arg2[%add3A_1075, %dma_start3A_1103] : memref<4096x400xf32, #tpu.memory_space<hbm>> -> memref<16x400xf32, #tpu.memory_space<hbm>>
          tpu.enqueue_dma source(%dma_start3A_1104 : memref<16x400xf32, #tpu.memory_space<hbm>>) target(%dma_start3A_1102 : memref<16x400xf32, #tpu.memory_space<vmem>>) target_semaphore(%run_scoped3A_1092 : memref<!tpu.dma_semaphore, #tpu.memory_space<semaphore_mem>>)
          %dma_wait3A_1105 = arith.constant 0 : i32
          %dma_wait3A_1106 = arith.constant 0 : i32
          %dma_wait3A_1107 = tpu.memref_slice %arg7[%rem3A_322, %dma_wait3A_1105, %dma_wait3A_1106] : memref<2x16x400xf32, #tpu.memory_space<vmem>> -> memref<1x16x400xf32, #tpu.memory_space<vmem>>
          %dma_wait3A_1108 = tpu.memref_squeeze %dma_wait3A_1107 : memref<1x16x400xf32, #tpu.memory_space<vmem>> -> memref<16x400xf32, #tpu.memory_space<vmem>>
          %dma_wait3A_1109 = arith.constant 0 : i32
          %dma_wait3A_1110 = tpu.memref_slice %arg2[%add3A_1075, %dma_wait3A_1109] : memref<4096x400xf32, #tpu.memory_space<hbm>> -> memref<16x400xf32, #tpu.memory_space<hbm>>
          %dma_wait3A_1111 = arith.constant 0 : i32
          %dma_wait3A_1112 = arith.constant 0 : i32
          %dma_wait3A_1113 = tpu.memref_slice %arg7[%rem3A_322, %dma_wait3A_1111, %dma_wait3A_1112] : memref<2x16x400xf32, #tpu.memory_space<vmem>> -> memref<1x16x400xf32, #tpu.memory_space<vmem>>
          %dma_wait3A_1114 = tpu.memref_squeeze %dma_wait3A_1113 : memref<1x16x400xf32, #tpu.memory_space<vmem>> -> memref<16x400xf32, #tpu.memory_space<vmem>>
          %dma_wait3A_1115 = arith.constant 0 : i32
          %dma_wait3A_1116 = tpu.memref_slice %arg2[%add3A_1075, %dma_wait3A_1115] : memref<4096x400xf32, #tpu.memory_space<hbm>> -> memref<16x400xf32, #tpu.memory_space<hbm>>
          tpu.wait_dma2 semaphore(%run_scoped3A_1092 : memref<!tpu.dma_semaphore, #tpu.memory_space<semaphore_mem>>) src(%dma_wait3A_1116 : memref<16x400xf32, #tpu.memory_space<hbm>>) dst(%dma_wait3A_1114 : memref<16x400xf32, #tpu.memory_space<vmem>>)
          tpu.yield
        }) : () -> ()
        "tpu.region"() ({
          %run_scoped3A_1092 = tpu.sem_alloc : memref<!tpu.dma_semaphore, #tpu.memory_space<semaphore_mem>>
          %dma_start3A_1093 = arith.constant 0 : i32
          %dma_start3A_1094 = arith.constant 0 : i32
          %dma_start3A_1095 = tpu.memref_slice %arg10[%rem3A_322, %dma_start3A_1093, %dma_start3A_1094] : memref<2x16x20xf32, #tpu.memory_space<vmem>> -> memref<1x16x20xf32, #tpu.memory_space<vmem>>
          %dma_start3A_1096 = tpu.memref_squeeze %dma_start3A_1095 : memref<1x16x20xf32, #tpu.memory_space<vmem>> -> memref<16x20xf32, #tpu.memory_space<vmem>>
          %dma_start3A_1097 = arith.constant 0 : i32
          %dma_start3A_1098 = tpu.memref_slice %arg3[%add3A_1075, %dma_start3A_1097] : memref<4096x20xf32, #tpu.memory_space<hbm>> -> memref<16x20xf32, #tpu.memory_space<hbm>>
          %dma_start3A_1099 = arith.constant 0 : i32
          %dma_start3A_1100 = arith.constant 0 : i32
          %dma_start3A_1101 = tpu.memref_slice %arg10[%rem3A_322, %dma_start3A_1099, %dma_start3A_1100] : memref<2x16x20xf32, #tpu.memory_space<vmem>> -> memref<1x16x20xf32, #tpu.memory_space<vmem>>
          %dma_start3A_1102 = tpu.memref_squeeze %dma_start3A_1101 : memref<1x16x20xf32, #tpu.memory_space<vmem>> -> memref<16x20xf32, #tpu.memory_space<vmem>>
          %dma_start3A_1103 = arith.constant 0 : i32
          %dma_start3A_1104 = tpu.memref_slice %arg3[%add3A_1075, %dma_start3A_1103] : memref<4096x20xf32, #tpu.memory_space<hbm>> -> memref<16x20xf32, #tpu.memory_space<hbm>>
          tpu.enqueue_dma source(%dma_start3A_1104 : memref<16x20xf32, #tpu.memory_space<hbm>>) target(%dma_start3A_1102 : memref<16x20xf32, #tpu.memory_space<vmem>>) target_semaphore(%run_scoped3A_1092 : memref<!tpu.dma_semaphore, #tpu.memory_space<semaphore_mem>>)
          %dma_wait3A_1105 = arith.constant 0 : i32
          %dma_wait3A_1106 = arith.constant 0 : i32
          %dma_wait3A_1107 = tpu.memref_slice %arg10[%rem3A_322, %dma_wait3A_1105, %dma_wait3A_1106] : memref<2x16x20xf32, #tpu.memory_space<vmem>> -> memref<1x16x20xf32, #tpu.memory_space<vmem>>
          %dma_wait3A_1108 = tpu.memref_squeeze %dma_wait3A_1107 : memref<1x16x20xf32, #tpu.memory_space<vmem>> -> memref<16x20xf32, #tpu.memory_space<vmem>>
          %dma_wait3A_1109 = arith.constant 0 : i32
          %dma_wait3A_1110 = tpu.memref_slice %arg3[%add3A_1075, %dma_wait3A_1109] : memref<4096x20xf32, #tpu.memory_space<hbm>> -> memref<16x20xf32, #tpu.memory_space<hbm>>
          %dma_wait3A_1111 = arith.constant 0 : i32
          %dma_wait3A_1112 = arith.constant 0 : i32
          %dma_wait3A_1113 = tpu.memref_slice %arg10[%rem3A_322, %dma_wait3A_1111, %dma_wait3A_1112] : memref<2x16x20xf32, #tpu.memory_space<vmem>> -> memref<1x16x20xf32, #tpu.memory_space<vmem>>
          %dma_wait3A_1114 = tpu.memref_squeeze %dma_wait3A_1113 : memref<1x16x20xf32, #tpu.memory_space<vmem>> -> memref<16x20xf32, #tpu.memory_space<vmem>>
          %dma_wait3A_1115 = arith.constant 0 : i32
          %dma_wait3A_1116 = tpu.memref_slice %arg3[%add3A_1075, %dma_wait3A_1115] : memref<4096x20xf32, #tpu.memory_space<hbm>> -> memref<16x20xf32, #tpu.memory_space<hbm>>
          tpu.wait_dma2 semaphore(%run_scoped3A_1092 : memref<!tpu.dma_semaphore, #tpu.memory_space<semaphore_mem>>) src(%dma_wait3A_1116 : memref<16x20xf32, #tpu.memory_space<hbm>>) dst(%dma_wait3A_1114 : memref<16x20xf32, #tpu.memory_space<vmem>>)
          tpu.yield
        }) : () -> ()
        %scan3A_1076 = arith.constant 0 : i32
        %scan3A_1077 = arith.constant 20 : i32
        %scan3A_1078 = arith.addi %scan3A_1076, %scan3A_1077 : i32
        %scan3A_1079 = arith.constant 1 : i32
        scf.for %scan3A_1092 = %scan3A_1076 to %scan3A_1078 step %scan3A_1079  : i32 {
          %mul3A_1093 = arith.constant 16 : i32
          %mul3A_1094 = arith.muli %scan3A_1092, %mul3A_1093 : i32
          %add3A_1095 = vector.broadcast %mul3A_1094 : i32 to vector<16xi32>
          %add3A_1096 = arith.addi %add3A_1095, %iota3A : vector<16xi32>
          %div3A = arith.constant 20 : i32
          %div3A_1097 = vector.broadcast %div3A : i32 to vector<16xi32>
          %div3A_1098 = arith.divsi %add3A_1096, %div3A_1097 : vector<16xi32>
          %mul3A_1099 = arith.constant 20 : i32
          %mul3A_1100 = vector.broadcast %mul3A_1099 : i32 to vector<16xi32>
          %mul3A_1101 = arith.muli %div3A_1098, %mul3A_1100 : vector<16xi32>
          %sub3A = arith.subi %add3A_1096, %mul3A_1101 : vector<16xi32>
          %gather3A = arith.constant 0 : i32
          %gather3A_1102 = arith.constant 0 : i32
          %gather3A_1103 = tpu.memref_slice %arg10[%rem3A_322, %gather3A, %gather3A_1102] : memref<2x16x20xf32, #tpu.memory_space<vmem>> -> memref<1x16x20xf32, #tpu.memory_space<vmem>>
          %gather3A_1104 = tpu.memref_squeeze %gather3A_1103 : memref<1x16x20xf32, #tpu.memory_space<vmem>> -> memref<16x20xf32, #tpu.memory_space<vmem>>
          %gather3A_1105 = tpu.vector_load_idx %gather3A_1104[%div3A_1098, %sub3A] : memref<16x20xf32, #tpu.memory_space<vmem>>[vector<16xi32>, vector<16xi32>], vector<16xf32>,
          %bitcast3A = vector.bitcast %gather3A_1105 : vector<16xf32> to vector<16xi32>
          %mul3A_1106 = arith.constant 16 : i32
          %mul3A_1107 = arith.muli %scan3A_1092, %mul3A_1106 : i32
          %swap3A = arith.constant 20 : i32
          %swap3A_1108 = arith.index_cast %rem3A_322 : i32 to index
          %swap3A_1109 = arith.index_cast %swap3A : i32 to index
          %swap3A_1110 = arith.index_cast %mul3A_1107 : i32 to index
          %swap3A_1111 = tpu.vector_load %arg8[%swap3A_1108, %swap3A_1109, %swap3A_1110] {strides = array<i32>} : memref<2x21x320xi32, #tpu.memory_space<vmem>>, vector<16xi32>,
          tpu.vector_store %arg8[%swap3A_1108, %swap3A_1109, %swap3A_1110], %bitcast3A {strides = array<i32>} : memref<2x21x320xi32, #tpu.memory_space<vmem>>, vector<16xi32>,
          %mul3A_1112 = arith.constant 20 : i32
          %mul3A_1113 = vector.broadcast %mul3A_1112 : i32 to vector<16xi32>
          %mul3A_1114 = arith.muli %sub3A, %mul3A_1113 : vector<16xi32>
          %add3A_1115 = arith.constant 0 : i32
          %add3A_1116 = vector.broadcast %add3A_1115 : i32 to vector<16xi32>
          %add3A_1117 = arith.addi %mul3A_1114, %add3A_1116 : vector<16xi32>
          %gather3A_1118 = arith.constant 0 : i32
          %gather3A_1119 = arith.constant 0 : i32
          %gather3A_1120 = tpu.memref_slice %arg7[%rem3A_322, %gather3A_1118, %gather3A_1119] : memref<2x16x400xf32, #tpu.memory_space<vmem>> -> memref<1x16x400xf32, #tpu.memory_space<vmem>>
          %gather3A_1121 = tpu.memref_squeeze %gather3A_1120 : memref<1x16x400xf32, #tpu.memory_space<vmem>> -> memref<16x400xf32, #tpu.memory_space<vmem>>
          %gather3A_1122 = tpu.vector_load_idx %gather3A_1121[%div3A_1098, %add3A_1117] : memref<16x400xf32, #tpu.memory_space<vmem>>[vector<16xi32>, vector<16xi32>], vector<16xf32>,
          %bitcast3A_1123 = vector.bitcast %gather3A_1122 : vector<16xf32> to vector<16xi32>
          %mul3A_1124 = arith.constant 16 : i32
          %mul3A_1125 = arith.muli %scan3A_1092, %mul3A_1124 : i32
          %swap3A_1126 = arith.constant 0 : i32
          %swap3A_1127 = arith.index_cast %rem3A_322 : i32 to index
          %swap3A_1128 = arith.index_cast %swap3A_1126 : i32 to index
          %swap3A_1129 = arith.index_cast %mul3A_1125 : i32 to index
          %swap3A_1130 = tpu.vector_load %arg8[%swap3A_1127, %swap3A_1128, %swap3A_1129] {strides = array<i32>} : memref<2x21x320xi32, #tpu.memory_space<vmem>>, vector<16xi32>,
          tpu.vector_store %arg8[%swap3A_1127, %swap3A_1128, %swap3A_1129], %bitcast3A_1123 {strides = array<i32>} : memref<2x21x320xi32, #tpu.memory_space<vmem>>, vector<16xi32>,
          %mul3A_1131 = arith.constant 20 : i32
          %mul3A_1132 = vector.broadcast %mul3A_1131 : i32 to vector<16xi32>
          %mul3A_1133 = arith.muli %sub3A, %mul3A_1132 : vector<16xi32>
          %add3A_1134 = arith.constant 1 : i32
          %add3A_1135 = vector.broadcast %add3A_1134 : i32 to vector<16xi32>
          %add3A_1136 = arith.addi %mul3A_1133, %add3A_1135 : vector<16xi32>
          %gather3A_1137 = arith.constant 0 : i32
          %gather3A_1138 = arith.constant 0 : i32
          %gather3A_1139 = tpu.memref_slice %arg7[%rem3A_322, %gather3A_1137, %gather3A_1138] : memref<2x16x400xf32, #tpu.memory_space<vmem>> -> memref<1x16x400xf32, #tpu.memory_space<vmem>>
          %gather3A_1140 = tpu.memref_squeeze %gather3A_1139 : memref<1x16x400xf32, #tpu.memory_space<vmem>> -> memref<16x400xf32, #tpu.memory_space<vmem>>
          %gather3A_1141 = tpu.vector_load_idx %gather3A_1140[%div3A_1098, %add3A_1136] : memref<16x400xf32, #tpu.memory_space<vmem>>[vector<16xi32>, vector<16xi32>], vector<16xf32>,
          %bitcast3A_1142 = vector.bitcast %gather3A_1141 : vector<16xf32> to vector<16xi32>
          %mul3A_1143 = arith.constant 16 : i32
          %mul3A_1144 = arith.muli %scan3A_1092, %mul3A_1143 : i32
          %swap3A_1145 = arith.constant 1 : i32
          %swap3A_1146 = arith.index_cast %rem3A_322 : i32 to index
          %swap3A_1147 = arith.index_cast %swap3A_1145 : i32 to index
          %swap3A_1148 = arith.index_cast %mul3A_1144 : i32 to index
          %swap3A_1149 = tpu.vector_load %arg8[%swap3A_1146, %swap3A_1147, %swap3A_1148] {strides = array<i32>} : memref<2x21x320xi32, #tpu.memory_space<vmem>>, vector<16xi32>,
          tpu.vector_store %arg8[%swap3A_1146, %swap3A_1147, %swap3A_1148], %bitcast3A_1142 {strides = array<i32>} : memref<2x21x320xi32, #tpu.memory_space<vmem>>, vector<16xi32>,
          %mul3A_1150 = arith.constant 20 : i32
          %mul3A_1151 = vector.broadcast %mul3A_1150 : i32 to vector<16xi32>
          %mul3A_1152 = arith.muli %sub3A, %mul3A_1151 : vector<16xi32>
          %add3A_1153 = arith.constant 2 : i32
          %add3A_1154 = vector.broadcast %add3A_1153 : i32 to vector<16xi32>
          %add3A_1155 = arith.addi %mul3A_1152, %add3A_1154 : vector<16xi32>
          %gather3A_1156 = arith.constant 0 : i32
          %gather3A_1157 = arith.constant 0 : i32
          %gather3A_1158 = tpu.memref_slice %arg7[%rem3A_322, %gather3A_1156, %gather3A_1157] : memref<2x16x400xf32, #tpu.memory_space<vmem>> -> memref<1x16x400xf32, #tpu.memory_space<vmem>>
          %gather3A_1159 = tpu.memref_squeeze %gather3A_1158 : memref<1x16x400xf32, #tpu.memory_space<vmem>> -> memref<16x400xf32, #tpu.memory_space<vmem>>
          %gather3A_1160 = tpu.vector_load_idx %gather3A_1159[%div3A_1098, %add3A_1155] : memref<16x400xf32, #tpu.memory_space<vmem>>[vector<16xi32>, vector<16xi32>], vector<16xf32>,
          %bitcast3A_1161 = vector.bitcast %gather3A_1160 : vector<16xf32> to vector<16xi32>
          %mul3A_1162 = arith.constant 16 : i32
          %mul3A_1163 = arith.muli %scan3A_1092, %mul3A_1162 : i32
          %swap3A_1164 = arith.constant 2 : i32
          %swap3A_1165 = arith.index_cast %rem3A_322 : i32 to index
          %swap3A_1166 = arith.index_cast %swap3A_1164 : i32 to index
          %swap3A_1167 = arith.index_cast %mul3A_1163 : i32 to index
          %swap3A_1168 = tpu.vector_load %arg8[%swap3A_1165, %swap3A_1166, %swap3A_1167] {strides = array<i32>} : memref<2x21x320xi32, #tpu.memory_space<vmem>>, vector<16xi32>,
          tpu.vector_store %arg8[%swap3A_1165, %swap3A_1166, %swap3A_1167], %bitcast3A_1161 {strides = array<i32>} : memref<2x21x320xi32, #tpu.memory_space<vmem>>, vector<16xi32>,
          %mul3A_1169 = arith.constant 20 : i32
          %mul3A_1170 = vector.broadcast %mul3A_1169 : i32 to vector<16xi32>
          %mul3A_1171 = arith.muli %sub3A, %mul3A_1170 : vector<16xi32>
          %add3A_1172 = arith.constant 3 : i32
          %add3A_1173 = vector.broadcast %add3A_1172 : i32 to vector<16xi32>
          %add3A_1174 = arith.addi %mul3A_1171, %add3A_1173 : vector<16xi32>
          %gather3A_1175 = arith.constant 0 : i32
          %gather3A_1176 = arith.constant 0 : i32
          %gather3A_1177 = tpu.memref_slice %arg7[%rem3A_322, %gather3A_1175, %gather3A_1176] : memref<2x16x400xf32, #tpu.memory_space<vmem>> -> memref<1x16x400xf32, #tpu.memory_space<vmem>>
          %gather3A_1178 = tpu.memref_squeeze %gather3A_1177 : memref<1x16x400xf32, #tpu.memory_space<vmem>> -> memref<16x400xf32, #tpu.memory_space<vmem>>
          %gather3A_1179 = tpu.vector_load_idx %gather3A_1178[%div3A_1098, %add3A_1174] : memref<16x400xf32, #tpu.memory_space<vmem>>[vector<16xi32>, vector<16xi32>], vector<16xf32>,
          %bitcast3A_1180 = vector.bitcast %gather3A_1179 : vector<16xf32> to vector<16xi32>
          %mul3A_1181 = arith.constant 16 : i32
          %mul3A_1182 = arith.muli %scan3A_1092, %mul3A_1181 : i32
          %swap3A_1183 = arith.constant 3 : i32
          %swap3A_1184 = arith.index_cast %rem3A_322 : i32 to index
          %swap3A_1185 = arith.index_cast %swap3A_1183 : i32 to index
          %swap3A_1186 = arith.index_cast %mul3A_1182 : i32 to index
          %swap3A_1187 = tpu.vector_load %arg8[%swap3A_1184, %swap3A_1185, %swap3A_1186] {strides = array<i32>} : memref<2x21x320xi32, #tpu.memory_space<vmem>>, vector<16xi32>,
          tpu.vector_store %arg8[%swap3A_1184, %swap3A_1185, %swap3A_1186], %bitcast3A_1180 {strides = array<i32>} : memref<2x21x320xi32, #tpu.memory_space<vmem>>, vector<16xi32>,
          %mul3A_1188 = arith.constant 20 : i32
          %mul3A_1189 = vector.broadcast %mul3A_1188 : i32 to vector<16xi32>
          %mul3A_1190 = arith.muli %sub3A, %mul3A_1189 : vector<16xi32>
          %add3A_1191 = arith.constant 4 : i32
          %add3A_1192 = vector.broadcast %add3A_1191 : i32 to vector<16xi32>
          %add3A_1193 = arith.addi %mul3A_1190, %add3A_1192 : vector<16xi32>
          %gather3A_1194 = arith.constant 0 : i32
          %gather3A_1195 = arith.constant 0 : i32
          %gather3A_1196 = tpu.memref_slice %arg7[%rem3A_322, %gather3A_1194, %gather3A_1195] : memref<2x16x400xf32, #tpu.memory_space<vmem>> -> memref<1x16x400xf32, #tpu.memory_space<vmem>>
          %gather3A_1197 = tpu.memref_squeeze %gather3A_1196 : memref<1x16x400xf32, #tpu.memory_space<vmem>> -> memref<16x400xf32, #tpu.memory_space<vmem>>
          %gather3A_1198 = tpu.vector_load_idx %gather3A_1197[%div3A_1098, %add3A_1193] : memref<16x400xf32, #tpu.memory_space<vmem>>[vector<16xi32>, vector<16xi32>], vector<16xf32>,
          %bitcast3A_1199 = vector.bitcast %gather3A_1198 : vector<16xf32> to vector<16xi32>
          %mul3A_1200 = arith.constant 16 : i32
          %mul3A_1201 = arith.muli %scan3A_1092, %mul3A_1200 : i32
          %swap3A_1202 = arith.constant 4 : i32
          %swap3A_1203 = arith.index_cast %rem3A_322 : i32 to index
          %swap3A_1204 = arith.index_cast %swap3A_1202 : i32 to index
          %swap3A_1205 = arith.index_cast %mul3A_1201 : i32 to index
          %swap3A_1206 = tpu.vector_load %arg8[%swap3A_1203, %swap3A_1204, %swap3A_1205] {strides = array<i32>} : memref<2x21x320xi32, #tpu.memory_space<vmem>>, vector<16xi32>,
          tpu.vector_store %arg8[%swap3A_1203, %swap3A_1204, %swap3A_1205], %bitcast3A_1199 {strides = array<i32>} : memref<2x21x320xi32, #tpu.memory_space<vmem>>, vector<16xi32>,
          %mul3A_1207 = arith.constant 20 : i32
          %mul3A_1208 = vector.broadcast %mul3A_1207 : i32 to vector<16xi32>
          %mul3A_1209 = arith.muli %sub3A, %mul3A_1208 : vector<16xi32>
          %add3A_1210 = arith.constant 5 : i32
          %add3A_1211 = vector.broadcast %add3A_1210 : i32 to vector<16xi32>
          %add3A_1212 = arith.addi %mul3A_1209, %add3A_1211 : vector<16xi32>
          %gather3A_1213 = arith.constant 0 : i32
          %gather3A_1214 = arith.constant 0 : i32
          %gather3A_1215 = tpu.memref_slice %arg7[%rem3A_322, %gather3A_1213, %gather3A_1214] : memref<2x16x400xf32, #tpu.memory_space<vmem>> -> memref<1x16x400xf32, #tpu.memory_space<vmem>>
          %gather3A_1216 = tpu.memref_squeeze %gather3A_1215 : memref<1x16x400xf32, #tpu.memory_space<vmem>> -> memref<16x400xf32, #tpu.memory_space<vmem>>
          %gather3A_1217 = tpu.vector_load_idx %gather3A_1216[%div3A_1098, %add3A_1212] : memref<16x400xf32, #tpu.memory_space<vmem>>[vector<16xi32>, vector<16xi32>], vector<16xf32>,
          %bitcast3A_1218 = vector.bitcast %gather3A_1217 : vector<16xf32> to vector<16xi32>
          %mul3A_1219 = arith.constant 16 : i32
          %mul3A_1220 = arith.muli %scan3A_1092, %mul3A_1219 : i32
          %swap3A_1221 = arith.constant 5 : i32
          %swap3A_1222 = arith.index_cast %rem3A_322 : i32 to index
          %swap3A_1223 = arith.index_cast %swap3A_1221 : i32 to index
          %swap3A_1224 = arith.index_cast %mul3A_1220 : i32 to index
          %swap3A_1225 = tpu.vector_load %arg8[%swap3A_1222, %swap3A_1223, %swap3A_1224] {strides = array<i32>} : memref<2x21x320xi32, #tpu.memory_space<vmem>>, vector<16xi32>,
          tpu.vector_store %arg8[%swap3A_1222, %swap3A_1223, %swap3A_1224], %bitcast3A_1218 {strides = array<i32>} : memref<2x21x320xi32, #tpu.memory_space<vmem>>, vector<16xi32>,
          %mul3A_1226 = arith.constant 20 : i32
          %mul3A_1227 = vector.broadcast %mul3A_1226 : i32 to vector<16xi32>
          %mul3A_1228 = arith.muli %sub3A, %mul3A_1227 : vector<16xi32>
          %add3A_1229 = arith.constant 6 : i32
          %add3A_1230 = vector.broadcast %add3A_1229 : i32 to vector<16xi32>
          %add3A_1231 = arith.addi %mul3A_1228, %add3A_1230 : vector<16xi32>
          %gather3A_1232 = arith.constant 0 : i32
          %gather3A_1233 = arith.constant 0 : i32
          %gather3A_1234 = tpu.memref_slice %arg7[%rem3A_322, %gather3A_1232, %gather3A_1233] : memref<2x16x400xf32, #tpu.memory_space<vmem>> -> memref<1x16x400xf32, #tpu.memory_space<vmem>>
          %gather3A_1235 = tpu.memref_squeeze %gather3A_1234 : memref<1x16x400xf32, #tpu.memory_space<vmem>> -> memref<16x400xf32, #tpu.memory_space<vmem>>
          %gather3A_1236 = tpu.vector_load_idx %gather3A_1235[%div3A_1098, %add3A_1231] : memref<16x400xf32, #tpu.memory_space<vmem>>[vector<16xi32>, vector<16xi32>], vector<16xf32>,
          %bitcast3A_1237 = vector.bitcast %gather3A_1236 : vector<16xf32> to vector<16xi32>
          %mul3A_1238 = arith.constant 16 : i32
          %mul3A_1239 = arith.muli %scan3A_1092, %mul3A_1238 : i32
          %swap3A_1240 = arith.constant 6 : i32
          %swap3A_1241 = arith.index_cast %rem3A_322 : i32 to index
          %swap3A_1242 = arith.index_cast %swap3A_1240 : i32 to index
          %swap3A_1243 = arith.index_cast %mul3A_1239 : i32 to index
          %swap3A_1244 = tpu.vector_load %arg8[%swap3A_1241, %swap3A_1242, %swap3A_1243] {strides = array<i32>} : memref<2x21x320xi32, #tpu.memory_space<vmem>>, vector<16xi32>,
          tpu.vector_store %arg8[%swap3A_1241, %swap3A_1242, %swap3A_1243], %bitcast3A_1237 {strides = array<i32>} : memref<2x21x320xi32, #tpu.memory_space<vmem>>, vector<16xi32>,
          %mul3A_1245 = arith.constant 20 : i32
          %mul3A_1246 = vector.broadcast %mul3A_1245 : i32 to vector<16xi32>
          %mul3A_1247 = arith.muli %sub3A, %mul3A_1246 : vector<16xi32>
          %add3A_1248 = arith.constant 7 : i32
          %add3A_1249 = vector.broadcast %add3A_1248 : i32 to vector<16xi32>
          %add3A_1250 = arith.addi %mul3A_1247, %add3A_1249 : vector<16xi32>
          %gather3A_1251 = arith.constant 0 : i32
          %gather3A_1252 = arith.constant 0 : i32
          %gather3A_1253 = tpu.memref_slice %arg7[%rem3A_322, %gather3A_1251, %gather3A_1252] : memref<2x16x400xf32, #tpu.memory_space<vmem>> -> memref<1x16x400xf32, #tpu.memory_space<vmem>>
          %gather3A_1254 = tpu.memref_squeeze %gather3A_1253 : memref<1x16x400xf32, #tpu.memory_space<vmem>> -> memref<16x400xf32, #tpu.memory_space<vmem>>
          %gather3A_1255 = tpu.vector_load_idx %gather3A_1254[%div3A_1098, %add3A_1250] : memref<16x400xf32, #tpu.memory_space<vmem>>[vector<16xi32>, vector<16xi32>], vector<16xf32>,
          %bitcast3A_1256 = vector.bitcast %gather3A_1255 : vector<16xf32> to vector<16xi32>
          %mul3A_1257 = arith.constant 16 : i32
          %mul3A_1258 = arith.muli %scan3A_1092, %mul3A_1257 : i32
          %swap3A_1259 = arith.constant 7 : i32
          %swap3A_1260 = arith.index_cast %rem3A_322 : i32 to index
          %swap3A_1261 = arith.index_cast %swap3A_1259 : i32 to index
          %swap3A_1262 = arith.index_cast %mul3A_1258 : i32 to index
          %swap3A_1263 = tpu.vector_load %arg8[%swap3A_1260, %swap3A_1261, %swap3A_1262] {strides = array<i32>} : memref<2x21x320xi32, #tpu.memory_space<vmem>>, vector<16xi32>,
          tpu.vector_store %arg8[%swap3A_1260, %swap3A_1261, %swap3A_1262], %bitcast3A_1256 {strides = array<i32>} : memref<2x21x320xi32, #tpu.memory_space<vmem>>, vector<16xi32>,
          %mul3A_1264 = arith.constant 20 : i32
          %mul3A_1265 = vector.broadcast %mul3A_1264 : i32 to vector<16xi32>
          %mul3A_1266 = arith.muli %sub3A, %mul3A_1265 : vector<16xi32>
          %add3A_1267 = arith.constant 8 : i32
          %add3A_1268 = vector.broadcast %add3A_1267 : i32 to vector<16xi32>
          %add3A_1269 = arith.addi %mul3A_1266, %add3A_1268 : vector<16xi32>
          %gather3A_1270 = arith.constant 0 : i32
          %gather3A_1271 = arith.constant 0 : i32
          %gather3A_1272 = tpu.memref_slice %arg7[%rem3A_322, %gather3A_1270, %gather3A_1271] : memref<2x16x400xf32, #tpu.memory_space<vmem>> -> memref<1x16x400xf32, #tpu.memory_space<vmem>>
          %gather3A_1273 = tpu.memref_squeeze %gather3A_1272 : memref<1x16x400xf32, #tpu.memory_space<vmem>> -> memref<16x400xf32, #tpu.memory_space<vmem>>
          %gather3A_1274 = tpu.vector_load_idx %gather3A_1273[%div3A_1098, %add3A_1269] : memref<16x400xf32, #tpu.memory_space<vmem>>[vector<16xi32>, vector<16xi32>], vector<16xf32>,
          %bitcast3A_1275 = vector.bitcast %gather3A_1274 : vector<16xf32> to vector<16xi32>
          %mul3A_1276 = arith.constant 16 : i32
          %mul3A_1277 = arith.muli %scan3A_1092, %mul3A_1276 : i32
          %swap3A_1278 = arith.constant 8 : i32
          %swap3A_1279 = arith.index_cast %rem3A_322 : i32 to index
          %swap3A_1280 = arith.index_cast %swap3A_1278 : i32 to index
          %swap3A_1281 = arith.index_cast %mul3A_1277 : i32 to index
          %swap3A_1282 = tpu.vector_load %arg8[%swap3A_1279, %swap3A_1280, %swap3A_1281] {strides = array<i32>} : memref<2x21x320xi32, #tpu.memory_space<vmem>>, vector<16xi32>,
          tpu.vector_store %arg8[%swap3A_1279, %swap3A_1280, %swap3A_1281], %bitcast3A_1275 {strides = array<i32>} : memref<2x21x320xi32, #tpu.memory_space<vmem>>, vector<16xi32>,
          %mul3A_1283 = arith.constant 20 : i32
          %mul3A_1284 = vector.broadcast %mul3A_1283 : i32 to vector<16xi32>
          %mul3A_1285 = arith.muli %sub3A, %mul3A_1284 : vector<16xi32>
          %add3A_1286 = arith.constant 9 : i32
          %add3A_1287 = vector.broadcast %add3A_1286 : i32 to vector<16xi32>
          %add3A_1288 = arith.addi %mul3A_1285, %add3A_1287 : vector<16xi32>
          %gather3A_1289 = arith.constant 0 : i32
          %gather3A_1290 = arith.constant 0 : i32
          %gather3A_1291 = tpu.memref_slice %arg7[%rem3A_322, %gather3A_1289, %gather3A_1290] : memref<2x16x400xf32, #tpu.memory_space<vmem>> -> memref<1x16x400xf32, #tpu.memory_space<vmem>>
          %gather3A_1292 = tpu.memref_squeeze %gather3A_1291 : memref<1x16x400xf32, #tpu.memory_space<vmem>> -> memref<16x400xf32, #tpu.memory_space<vmem>>
          %gather3A_1293 = tpu.vector_load_idx %gather3A_1292[%div3A_1098, %add3A_1288] : memref<16x400xf32, #tpu.memory_space<vmem>>[vector<16xi32>, vector<16xi32>], vector<16xf32>,
          %bitcast3A_1294 = vector.bitcast %gather3A_1293 : vector<16xf32> to vector<16xi32>
          %mul3A_1295 = arith.constant 16 : i32
          %mul3A_1296 = arith.muli %scan3A_1092, %mul3A_1295 : i32
          %swap3A_1297 = arith.constant 9 : i32
          %swap3A_1298 = arith.index_cast %rem3A_322 : i32 to index
          %swap3A_1299 = arith.index_cast %swap3A_1297 : i32 to index
          %swap3A_1300 = arith.index_cast %mul3A_1296 : i32 to index
          %swap3A_1301 = tpu.vector_load %arg8[%swap3A_1298, %swap3A_1299, %swap3A_1300] {strides = array<i32>} : memref<2x21x320xi32, #tpu.memory_space<vmem>>, vector<16xi32>,
          tpu.vector_store %arg8[%swap3A_1298, %swap3A_1299, %swap3A_1300], %bitcast3A_1294 {strides = array<i32>} : memref<2x21x320xi32, #tpu.memory_space<vmem>>, vector<16xi32>,
          %mul3A_1302 = arith.constant 20 : i32
          %mul3A_1303 = vector.broadcast %mul3A_1302 : i32 to vector<16xi32>
          %mul3A_1304 = arith.muli %sub3A, %mul3A_1303 : vector<16xi32>
          %add3A_1305 = arith.constant 10 : i32
          %add3A_1306 = vector.broadcast %add3A_1305 : i32 to vector<16xi32>
          %add3A_1307 = arith.addi %mul3A_1304, %add3A_1306 : vector<16xi32>
          %gather3A_1308 = arith.constant 0 : i32
          %gather3A_1309 = arith.constant 0 : i32
          %gather3A_1310 = tpu.memref_slice %arg7[%rem3A_322, %gather3A_1308, %gather3A_1309] : memref<2x16x400xf32, #tpu.memory_space<vmem>> -> memref<1x16x400xf32, #tpu.memory_space<vmem>>
          %gather3A_1311 = tpu.memref_squeeze %gather3A_1310 : memref<1x16x400xf32, #tpu.memory_space<vmem>> -> memref<16x400xf32, #tpu.memory_space<vmem>>
          %gather3A_1312 = tpu.vector_load_idx %gather3A_1311[%div3A_1098, %add3A_1307] : memref<16x400xf32, #tpu.memory_space<vmem>>[vector<16xi32>, vector<16xi32>], vector<16xf32>,
          %bitcast3A_1313 = vector.bitcast %gather3A_1312 : vector<16xf32> to vector<16xi32>
          %mul3A_1314 = arith.constant 16 : i32
          %mul3A_1315 = arith.muli %scan3A_1092, %mul3A_1314 : i32
          %swap3A_1316 = arith.constant 10 : i32
          %swap3A_1317 = arith.index_cast %rem3A_322 : i32 to index
          %swap3A_1318 = arith.index_cast %swap3A_1316 : i32 to index
          %swap3A_1319 = arith.index_cast %mul3A_1315 : i32 to index
          %swap3A_1320 = tpu.vector_load %arg8[%swap3A_1317, %swap3A_1318, %swap3A_1319] {strides = array<i32>} : memref<2x21x320xi32, #tpu.memory_space<vmem>>, vector<16xi32>,
          tpu.vector_store %arg8[%swap3A_1317, %swap3A_1318, %swap3A_1319], %bitcast3A_1313 {strides = array<i32>} : memref<2x21x320xi32, #tpu.memory_space<vmem>>, vector<16xi32>,
          %mul3A_1321 = arith.constant 20 : i32
          %mul3A_1322 = vector.broadcast %mul3A_1321 : i32 to vector<16xi32>
          %mul3A_1323 = arith.muli %sub3A, %mul3A_1322 : vector<16xi32>
          %add3A_1324 = arith.constant 11 : i32
          %add3A_1325 = vector.broadcast %add3A_1324 : i32 to vector<16xi32>
          %add3A_1326 = arith.addi %mul3A_1323, %add3A_1325 : vector<16xi32>
          %gather3A_1327 = arith.constant 0 : i32
          %gather3A_1328 = arith.constant 0 : i32
          %gather3A_1329 = tpu.memref_slice %arg7[%rem3A_322, %gather3A_1327, %gather3A_1328] : memref<2x16x400xf32, #tpu.memory_space<vmem>> -> memref<1x16x400xf32, #tpu.memory_space<vmem>>
          %gather3A_1330 = tpu.memref_squeeze %gather3A_1329 : memref<1x16x400xf32, #tpu.memory_space<vmem>> -> memref<16x400xf32, #tpu.memory_space<vmem>>
          %gather3A_1331 = tpu.vector_load_idx %gather3A_1330[%div3A_1098, %add3A_1326] : memref<16x400xf32, #tpu.memory_space<vmem>>[vector<16xi32>, vector<16xi32>], vector<16xf32>,
          %bitcast3A_1332 = vector.bitcast %gather3A_1331 : vector<16xf32> to vector<16xi32>
          %mul3A_1333 = arith.constant 16 : i32
          %mul3A_1334 = arith.muli %scan3A_1092, %mul3A_1333 : i32
          %swap3A_1335 = arith.constant 11 : i32
          %swap3A_1336 = arith.index_cast %rem3A_322 : i32 to index
          %swap3A_1337 = arith.index_cast %swap3A_1335 : i32 to index
          %swap3A_1338 = arith.index_cast %mul3A_1334 : i32 to index
          %swap3A_1339 = tpu.vector_load %arg8[%swap3A_1336, %swap3A_1337, %swap3A_1338] {strides = array<i32>} : memref<2x21x320xi32, #tpu.memory_space<vmem>>, vector<16xi32>,
          tpu.vector_store %arg8[%swap3A_1336, %swap3A_1337, %swap3A_1338], %bitcast3A_1332 {strides = array<i32>} : memref<2x21x320xi32, #tpu.memory_space<vmem>>, vector<16xi32>,
          %mul3A_1340 = arith.constant 20 : i32
          %mul3A_1341 = vector.broadcast %mul3A_1340 : i32 to vector<16xi32>
          %mul3A_1342 = arith.muli %sub3A, %mul3A_1341 : vector<16xi32>
          %add3A_1343 = arith.constant 12 : i32
          %add3A_1344 = vector.broadcast %add3A_1343 : i32 to vector<16xi32>
          %add3A_1345 = arith.addi %mul3A_1342, %add3A_1344 : vector<16xi32>
          %gather3A_1346 = arith.constant 0 : i32
          %gather3A_1347 = arith.constant 0 : i32
          %gather3A_1348 = tpu.memref_slice %arg7[%rem3A_322, %gather3A_1346, %gather3A_1347] : memref<2x16x400xf32, #tpu.memory_space<vmem>> -> memref<1x16x400xf32, #tpu.memory_space<vmem>>
          %gather3A_1349 = tpu.memref_squeeze %gather3A_1348 : memref<1x16x400xf32, #tpu.memory_space<vmem>> -> memref<16x400xf32, #tpu.memory_space<vmem>>
          %gather3A_1350 = tpu.vector_load_idx %gather3A_1349[%div3A_1098, %add3A_1345] : memref<16x400xf32, #tpu.memory_space<vmem>>[vector<16xi32>, vector<16xi32>], vector<16xf32>,
          %bitcast3A_1351 = vector.bitcast %gather3A_1350 : vector<16xf32> to vector<16xi32>
          %mul3A_1352 = arith.constant 16 : i32
          %mul3A_1353 = arith.muli %scan3A_1092, %mul3A_1352 : i32
          %swap3A_1354 = arith.constant 12 : i32
          %swap3A_1355 = arith.index_cast %rem3A_322 : i32 to index
          %swap3A_1356 = arith.index_cast %swap3A_1354 : i32 to index
          %swap3A_1357 = arith.index_cast %mul3A_1353 : i32 to index
          %swap3A_1358 = tpu.vector_load %arg8[%swap3A_1355, %swap3A_1356, %swap3A_1357] {strides = array<i32>} : memref<2x21x320xi32, #tpu.memory_space<vmem>>, vector<16xi32>,
          tpu.vector_store %arg8[%swap3A_1355, %swap3A_1356, %swap3A_1357], %bitcast3A_1351 {strides = array<i32>} : memref<2x21x320xi32, #tpu.memory_space<vmem>>, vector<16xi32>,
          %mul3A_1359 = arith.constant 20 : i32
          %mul3A_1360 = vector.broadcast %mul3A_1359 : i32 to vector<16xi32>
          %mul3A_1361 = arith.muli %sub3A, %mul3A_1360 : vector<16xi32>
          %add3A_1362 = arith.constant 13 : i32
          %add3A_1363 = vector.broadcast %add3A_1362 : i32 to vector<16xi32>
          %add3A_1364 = arith.addi %mul3A_1361, %add3A_1363 : vector<16xi32>
          %gather3A_1365 = arith.constant 0 : i32
          %gather3A_1366 = arith.constant 0 : i32
          %gather3A_1367 = tpu.memref_slice %arg7[%rem3A_322, %gather3A_1365, %gather3A_1366] : memref<2x16x400xf32, #tpu.memory_space<vmem>> -> memref<1x16x400xf32, #tpu.memory_space<vmem>>
          %gather3A_1368 = tpu.memref_squeeze %gather3A_1367 : memref<1x16x400xf32, #tpu.memory_space<vmem>> -> memref<16x400xf32, #tpu.memory_space<vmem>>
          %gather3A_1369 = tpu.vector_load_idx %gather3A_1368[%div3A_1098, %add3A_1364] : memref<16x400xf32, #tpu.memory_space<vmem>>[vector<16xi32>, vector<16xi32>], vector<16xf32>,
          %bitcast3A_1370 = vector.bitcast %gather3A_1369 : vector<16xf32> to vector<16xi32>
          %mul3A_1371 = arith.constant 16 : i32
          %mul3A_1372 = arith.muli %scan3A_1092, %mul3A_1371 : i32
          %swap3A_1373 = arith.constant 13 : i32
          %swap3A_1374 = arith.index_cast %rem3A_322 : i32 to index
          %swap3A_1375 = arith.index_cast %swap3A_1373 : i32 to index
          %swap3A_1376 = arith.index_cast %mul3A_1372 : i32 to index
          %swap3A_1377 = tpu.vector_load %arg8[%swap3A_1374, %swap3A_1375, %swap3A_1376] {strides = array<i32>} : memref<2x21x320xi32, #tpu.memory_space<vmem>>, vector<16xi32>,
          tpu.vector_store %arg8[%swap3A_1374, %swap3A_1375, %swap3A_1376], %bitcast3A_1370 {strides = array<i32>} : memref<2x21x320xi32, #tpu.memory_space<vmem>>, vector<16xi32>,
          %mul3A_1378 = arith.constant 20 : i32
          %mul3A_1379 = vector.broadcast %mul3A_1378 : i32 to vector<16xi32>
          %mul3A_1380 = arith.muli %sub3A, %mul3A_1379 : vector<16xi32>
          %add3A_1381 = arith.constant 14 : i32
          %add3A_1382 = vector.broadcast %add3A_1381 : i32 to vector<16xi32>
          %add3A_1383 = arith.addi %mul3A_1380, %add3A_1382 : vector<16xi32>
          %gather3A_1384 = arith.constant 0 : i32
          %gather3A_1385 = arith.constant 0 : i32
          %gather3A_1386 = tpu.memref_slice %arg7[%rem3A_322, %gather3A_1384, %gather3A_1385] : memref<2x16x400xf32, #tpu.memory_space<vmem>> -> memref<1x16x400xf32, #tpu.memory_space<vmem>>
          %gather3A_1387 = tpu.memref_squeeze %gather3A_1386 : memref<1x16x400xf32, #tpu.memory_space<vmem>> -> memref<16x400xf32, #tpu.memory_space<vmem>>
          %gather3A_1388 = tpu.vector_load_idx %gather3A_1387[%div3A_1098, %add3A_1383] : memref<16x400xf32, #tpu.memory_space<vmem>>[vector<16xi32>, vector<16xi32>], vector<16xf32>,
          %bitcast3A_1389 = vector.bitcast %gather3A_1388 : vector<16xf32> to vector<16xi32>
          %mul3A_1390 = arith.constant 16 : i32
          %mul3A_1391 = arith.muli %scan3A_1092, %mul3A_1390 : i32
          %swap3A_1392 = arith.constant 14 : i32
          %swap3A_1393 = arith.index_cast %rem3A_322 : i32 to index
          %swap3A_1394 = arith.index_cast %swap3A_1392 : i32 to index
          %swap3A_1395 = arith.index_cast %mul3A_1391 : i32 to index
          %swap3A_1396 = tpu.vector_load %arg8[%swap3A_1393, %swap3A_1394, %swap3A_1395] {strides = array<i32>} : memref<2x21x320xi32, #tpu.memory_space<vmem>>, vector<16xi32>,
          tpu.vector_store %arg8[%swap3A_1393, %swap3A_1394, %swap3A_1395], %bitcast3A_1389 {strides = array<i32>} : memref<2x21x320xi32, #tpu.memory_space<vmem>>, vector<16xi32>,
          %mul3A_1397 = arith.constant 20 : i32
          %mul3A_1398 = vector.broadcast %mul3A_1397 : i32 to vector<16xi32>
          %mul3A_1399 = arith.muli %sub3A, %mul3A_1398 : vector<16xi32>
          %add3A_1400 = arith.constant 15 : i32
          %add3A_1401 = vector.broadcast %add3A_1400 : i32 to vector<16xi32>
          %add3A_1402 = arith.addi %mul3A_1399, %add3A_1401 : vector<16xi32>
          %gather3A_1403 = arith.constant 0 : i32
          %gather3A_1404 = arith.constant 0 : i32
          %gather3A_1405 = tpu.memref_slice %arg7[%rem3A_322, %gather3A_1403, %gather3A_1404] : memref<2x16x400xf32, #tpu.memory_space<vmem>> -> memref<1x16x400xf32, #tpu.memory_space<vmem>>
          %gather3A_1406 = tpu.memref_squeeze %gather3A_1405 : memref<1x16x400xf32, #tpu.memory_space<vmem>> -> memref<16x400xf32, #tpu.memory_space<vmem>>
          %gather3A_1407 = tpu.vector_load_idx %gather3A_1406[%div3A_1098, %add3A_1402] : memref<16x400xf32, #tpu.memory_space<vmem>>[vector<16xi32>, vector<16xi32>], vector<16xf32>,
          %bitcast3A_1408 = vector.bitcast %gather3A_1407 : vector<16xf32> to vector<16xi32>
          %mul3A_1409 = arith.constant 16 : i32
          %mul3A_1410 = arith.muli %scan3A_1092, %mul3A_1409 : i32
          %swap3A_1411 = arith.constant 15 : i32
          %swap3A_1412 = arith.index_cast %rem3A_322 : i32 to index
          %swap3A_1413 = arith.index_cast %swap3A_1411 : i32 to index
          %swap3A_1414 = arith.index_cast %mul3A_1410 : i32 to index
          %swap3A_1415 = tpu.vector_load %arg8[%swap3A_1412, %swap3A_1413, %swap3A_1414] {strides = array<i32>} : memref<2x21x320xi32, #tpu.memory_space<vmem>>, vector<16xi32>,
          tpu.vector_store %arg8[%swap3A_1412, %swap3A_1413, %swap3A_1414], %bitcast3A_1408 {strides = array<i32>} : memref<2x21x320xi32, #tpu.memory_space<vmem>>, vector<16xi32>,
          %mul3A_1416 = arith.constant 20 : i32
          %mul3A_1417 = vector.broadcast %mul3A_1416 : i32 to vector<16xi32>
          %mul3A_1418 = arith.muli %sub3A, %mul3A_1417 : vector<16xi32>
          %add3A_1419 = arith.constant 16 : i32
          %add3A_1420 = vector.broadcast %add3A_1419 : i32 to vector<16xi32>
          %add3A_1421 = arith.addi %mul3A_1418, %add3A_1420 : vector<16xi32>
          %gather3A_1422 = arith.constant 0 : i32
          %gather3A_1423 = arith.constant 0 : i32
          %gather3A_1424 = tpu.memref_slice %arg7[%rem3A_322, %gather3A_1422, %gather3A_1423] : memref<2x16x400xf32, #tpu.memory_space<vmem>> -> memref<1x16x400xf32, #tpu.memory_space<vmem>>
          %gather3A_1425 = tpu.memref_squeeze %gather3A_1424 : memref<1x16x400xf32, #tpu.memory_space<vmem>> -> memref<16x400xf32, #tpu.memory_space<vmem>>
          %gather3A_1426 = tpu.vector_load_idx %gather3A_1425[%div3A_1098, %add3A_1421] : memref<16x400xf32, #tpu.memory_space<vmem>>[vector<16xi32>, vector<16xi32>], vector<16xf32>,
          %bitcast3A_1427 = vector.bitcast %gather3A_1426 : vector<16xf32> to vector<16xi32>
          %mul3A_1428 = arith.constant 16 : i32
          %mul3A_1429 = arith.muli %scan3A_1092, %mul3A_1428 : i32
          %swap3A_1430 = arith.constant 16 : i32
          %swap3A_1431 = arith.index_cast %rem3A_322 : i32 to index
          %swap3A_1432 = arith.index_cast %swap3A_1430 : i32 to index
          %swap3A_1433 = arith.index_cast %mul3A_1429 : i32 to index
          %swap3A_1434 = tpu.vector_load %arg8[%swap3A_1431, %swap3A_1432, %swap3A_1433] {strides = array<i32>} : memref<2x21x320xi32, #tpu.memory_space<vmem>>, vector<16xi32>,
          tpu.vector_store %arg8[%swap3A_1431, %swap3A_1432, %swap3A_1433], %bitcast3A_1427 {strides = array<i32>} : memref<2x21x320xi32, #tpu.memory_space<vmem>>, vector<16xi32>,
          %mul3A_1435 = arith.constant 20 : i32
          %mul3A_1436 = vector.broadcast %mul3A_1435 : i32 to vector<16xi32>
          %mul3A_1437 = arith.muli %sub3A, %mul3A_1436 : vector<16xi32>
          %add3A_1438 = arith.constant 17 : i32
          %add3A_1439 = vector.broadcast %add3A_1438 : i32 to vector<16xi32>
          %add3A_1440 = arith.addi %mul3A_1437, %add3A_1439 : vector<16xi32>
          %gather3A_1441 = arith.constant 0 : i32
          %gather3A_1442 = arith.constant 0 : i32
          %gather3A_1443 = tpu.memref_slice %arg7[%rem3A_322, %gather3A_1441, %gather3A_1442] : memref<2x16x400xf32, #tpu.memory_space<vmem>> -> memref<1x16x400xf32, #tpu.memory_space<vmem>>
          %gather3A_1444 = tpu.memref_squeeze %gather3A_1443 : memref<1x16x400xf32, #tpu.memory_space<vmem>> -> memref<16x400xf32, #tpu.memory_space<vmem>>
          %gather3A_1445 = tpu.vector_load_idx %gather3A_1444[%div3A_1098, %add3A_1440] : memref<16x400xf32, #tpu.memory_space<vmem>>[vector<16xi32>, vector<16xi32>], vector<16xf32>,
          %bitcast3A_1446 = vector.bitcast %gather3A_1445 : vector<16xf32> to vector<16xi32>
          %mul3A_1447 = arith.constant 16 : i32
          %mul3A_1448 = arith.muli %scan3A_1092, %mul3A_1447 : i32
          %swap3A_1449 = arith.constant 17 : i32
          %swap3A_1450 = arith.index_cast %rem3A_322 : i32 to index
          %swap3A_1451 = arith.index_cast %swap3A_1449 : i32 to index
          %swap3A_1452 = arith.index_cast %mul3A_1448 : i32 to index
          %swap3A_1453 = tpu.vector_load %arg8[%swap3A_1450, %swap3A_1451, %swap3A_1452] {strides = array<i32>} : memref<2x21x320xi32, #tpu.memory_space<vmem>>, vector<16xi32>,
          tpu.vector_store %arg8[%swap3A_1450, %swap3A_1451, %swap3A_1452], %bitcast3A_1446 {strides = array<i32>} : memref<2x21x320xi32, #tpu.memory_space<vmem>>, vector<16xi32>,
          %mul3A_1454 = arith.constant 20 : i32
          %mul3A_1455 = vector.broadcast %mul3A_1454 : i32 to vector<16xi32>
          %mul3A_1456 = arith.muli %sub3A, %mul3A_1455 : vector<16xi32>
          %add3A_1457 = arith.constant 18 : i32
          %add3A_1458 = vector.broadcast %add3A_1457 : i32 to vector<16xi32>
          %add3A_1459 = arith.addi %mul3A_1456, %add3A_1458 : vector<16xi32>
          %gather3A_1460 = arith.constant 0 : i32
          %gather3A_1461 = arith.constant 0 : i32
          %gather3A_1462 = tpu.memref_slice %arg7[%rem3A_322, %gather3A_1460, %gather3A_1461] : memref<2x16x400xf32, #tpu.memory_space<vmem>> -> memref<1x16x400xf32, #tpu.memory_space<vmem>>
          %gather3A_1463 = tpu.memref_squeeze %gather3A_1462 : memref<1x16x400xf32, #tpu.memory_space<vmem>> -> memref<16x400xf32, #tpu.memory_space<vmem>>
          %gather3A_1464 = tpu.vector_load_idx %gather3A_1463[%div3A_1098, %add3A_1459] : memref<16x400xf32, #tpu.memory_space<vmem>>[vector<16xi32>, vector<16xi32>], vector<16xf32>,
          %bitcast3A_1465 = vector.bitcast %gather3A_1464 : vector<16xf32> to vector<16xi32>
          %mul3A_1466 = arith.constant 16 : i32
          %mul3A_1467 = arith.muli %scan3A_1092, %mul3A_1466 : i32
          %swap3A_1468 = arith.constant 18 : i32
          %swap3A_1469 = arith.index_cast %rem3A_322 : i32 to index
          %swap3A_1470 = arith.index_cast %swap3A_1468 : i32 to index
          %swap3A_1471 = arith.index_cast %mul3A_1467 : i32 to index
          %swap3A_1472 = tpu.vector_load %arg8[%swap3A_1469, %swap3A_1470, %swap3A_1471] {strides = array<i32>} : memref<2x21x320xi32, #tpu.memory_space<vmem>>, vector<16xi32>,
          tpu.vector_store %arg8[%swap3A_1469, %swap3A_1470, %swap3A_1471], %bitcast3A_1465 {strides = array<i32>} : memref<2x21x320xi32, #tpu.memory_space<vmem>>, vector<16xi32>,
          %mul3A_1473 = arith.constant 20 : i32
          %mul3A_1474 = vector.broadcast %mul3A_1473 : i32 to vector<16xi32>
          %mul3A_1475 = arith.muli %sub3A, %mul3A_1474 : vector<16xi32>
          %add3A_1476 = arith.constant 19 : i32
          %add3A_1477 = vector.broadcast %add3A_1476 : i32 to vector<16xi32>
          %add3A_1478 = arith.addi %mul3A_1475, %add3A_1477 : vector<16xi32>
          %gather3A_1479 = arith.constant 0 : i32
          %gather3A_1480 = arith.constant 0 : i32
          %gather3A_1481 = tpu.memref_slice %arg7[%rem3A_322, %gather3A_1479, %gather3A_1480] : memref<2x16x400xf32, #tpu.memory_space<vmem>> -> memref<1x16x400xf32, #tpu.memory_space<vmem>>
          %gather3A_1482 = tpu.memref_squeeze %gather3A_1481 : memref<1x16x400xf32, #tpu.memory_space<vmem>> -> memref<16x400xf32, #tpu.memory_space<vmem>>
          %gather3A_1483 = tpu.vector_load_idx %gather3A_1482[%div3A_1098, %add3A_1478] : memref<16x400xf32, #tpu.memory_space<vmem>>[vector<16xi32>, vector<16xi32>], vector<16xf32>,
          %bitcast3A_1484 = vector.bitcast %gather3A_1483 : vector<16xf32> to vector<16xi32>
          %mul3A_1485 = arith.constant 16 : i32
          %mul3A_1486 = arith.muli %scan3A_1092, %mul3A_1485 : i32
          %swap3A_1487 = arith.constant 19 : i32
          %swap3A_1488 = arith.index_cast %rem3A_322 : i32 to index
          %swap3A_1489 = arith.index_cast %swap3A_1487 : i32 to index
          %swap3A_1490 = arith.index_cast %mul3A_1486 : i32 to index
          %swap3A_1491 = tpu.vector_load %arg8[%swap3A_1488, %swap3A_1489, %swap3A_1490] {strides = array<i32>} : memref<2x21x320xi32, #tpu.memory_space<vmem>>, vector<16xi32>,
          tpu.vector_store %arg8[%swap3A_1488, %swap3A_1489, %swap3A_1490], %bitcast3A_1484 {strides = array<i32>} : memref<2x21x320xi32, #tpu.memory_space<vmem>>, vector<16xi32>,
        }
        %scan3A_1080 = arith.constant 20 : i32
        %dma_start3A_1081 = arith.constant 20 : i32
        %dma_start3A_1082 = arith.constant 0 : i32
        %dma_start3A_1083 = arith.constant 0 : i32
        %dma_start3A_1084 = tpu.memref_slice %arg9[%rem3A_322, %dma_start3A_1082, %dma_start3A_1083] : memref<2x320x64xf32, #tpu.memory_space<vmem>> -> memref<1x320x64xf32, #tpu.memory_space<vmem>>
        %dma_start3A_1085 = tpu.memref_squeeze %dma_start3A_1084 : memref<1x320x64xf32, #tpu.memory_space<vmem>> -> memref<320x64xf32, #tpu.memory_space<vmem>>
        %dma_start3A_1086 = arith.constant 0 : i32
        %dma_start3A_1087 = tpu.memref_slice %arg8[%rem3A_322, %dma_start3A_1081, %dma_start3A_1086] : memref<2x21x320xi32, #tpu.memory_space<vmem>> -> memref<1x1x320xi32, #tpu.memory_space<vmem>>
        %dma_start3A_1088 = tpu.memref_squeeze %dma_start3A_1087 : memref<1x1x320xi32, #tpu.memory_space<vmem>> -> memref<320xi32, #tpu.memory_space<vmem>>
        %dma_start3A_1089 = arith.constant 0 : i32
        %dma_start3A_1090 = arith.constant 0 : i32
        %dma_start3A_1091 = tpu.memref_slice %arg5[%dma_start3A_1089, %dma_start3A_1090] : memref<513x64xf32, #tpu.memory_space<hbm>> -> memref<513x64xf32, #tpu.memory_space<hbm>>
        tpu.enqueue_indirect_dma source(%dma_start3A_1091 : memref<513x64xf32, #tpu.memory_space<hbm>>) target(%dma_start3A_1085 : memref<320x64xf32, #tpu.memory_space<vmem>>) offsets(%dma_start3A_1088 : memref<320xi32, #tpu.memory_space<vmem>>) semaphore(%arg12 : memref<!tpu.dma_semaphore, #tpu.memory_space<semaphore_mem>>)
      } else {
      }
      %dma_wait3A_563 = arith.constant 0 : i32
      %dma_wait3A_564 = arith.constant 0 : i32
      %dma_wait3A_565 = arith.constant 0 : i32
      %dma_wait3A_566 = tpu.memref_slice %arg9[%rem3A_318, %dma_wait3A_564, %dma_wait3A_565] : memref<2x320x64xf32, #tpu.memory_space<vmem>> -> memref<1x320x64xf32, #tpu.memory_space<vmem>>
      %dma_wait3A_567 = tpu.memref_squeeze %dma_wait3A_566 : memref<1x320x64xf32, #tpu.memory_space<vmem>> -> memref<320x64xf32, #tpu.memory_space<vmem>>
      %dma_wait3A_568 = arith.constant 0 : i32
      %dma_wait3A_569 = tpu.memref_slice %arg8[%rem3A_318, %dma_wait3A_563, %dma_wait3A_568] : memref<2x21x320xi32, #tpu.memory_space<vmem>> -> memref<1x1x320xi32, #tpu.memory_space<vmem>>
      %dma_wait3A_570 = tpu.memref_squeeze %dma_wait3A_569 : memref<1x1x320xi32, #tpu.memory_space<vmem>> -> memref<320xi32, #tpu.memory_space<vmem>>
      %dma_wait3A_571 = arith.constant 0 : i32
      %dma_wait3A_572 = arith.constant 0 : i32
      %dma_wait3A_573 = tpu.memref_slice %arg4[%dma_wait3A_571, %dma_wait3A_572] : memref<100001x64xf32, #tpu.memory_space<hbm>> -> memref<100001x64xf32, #tpu.memory_space<hbm>>
      tpu.wait_indirect_dma semaphore(%arg11 : memref<!tpu.dma_semaphore, #tpu.memory_space<semaphore_mem>>) src(%dma_wait3A_573 : memref<100001x64xf32, #tpu.memory_space<hbm>>) dst(%dma_wait3A_567 : memref<320x64xf32, #tpu.memory_space<vmem>>)
      %dma_wait3A_574 = arith.constant 1 : i32
      %dma_wait3A_575 = arith.constant 0 : i32
      %dma_wait3A_576 = arith.constant 0 : i32
      %dma_wait3A_577 = tpu.memref_slice %arg9[%rem3A_318, %dma_wait3A_575, %dma_wait3A_576] : memref<2x320x64xf32, #tpu.memory_space<vmem>> -> memref<1x320x64xf32, #tpu.memory_space<vmem>>
      %dma_wait3A_578 = tpu.memref_squeeze %dma_wait3A_577 : memref<1x320x64xf32, #tpu.memory_space<vmem>> -> memref<320x64xf32, #tpu.memory_space<vmem>>
      %dma_wait3A_579 = arith.constant 0 : i32
      %dma_wait3A_580 = tpu.memref_slice %arg8[%rem3A_318, %dma_wait3A_574, %dma_wait3A_579] : memref<2x21x320xi32, #tpu.memory_space<vmem>> -> memref<1x1x320xi32, #tpu.memory_space<vmem>>
      %dma_wait3A_581 = tpu.memref_squeeze %dma_wait3A_580 : memref<1x1x320xi32, #tpu.memory_space<vmem>> -> memref<320xi32, #tpu.memory_space<vmem>>
      %dma_wait3A_582 = arith.constant 0 : i32
      %dma_wait3A_583 = arith.constant 0 : i32
      %dma_wait3A_584 = tpu.memref_slice %arg4[%dma_wait3A_582, %dma_wait3A_583] : memref<100001x64xf32, #tpu.memory_space<hbm>> -> memref<100001x64xf32, #tpu.memory_space<hbm>>
      tpu.wait_indirect_dma semaphore(%arg11 : memref<!tpu.dma_semaphore, #tpu.memory_space<semaphore_mem>>) src(%dma_wait3A_584 : memref<100001x64xf32, #tpu.memory_space<hbm>>) dst(%dma_wait3A_578 : memref<320x64xf32, #tpu.memory_space<vmem>>)
      %dma_wait3A_585 = arith.constant 2 : i32
      %dma_wait3A_586 = arith.constant 0 : i32
      %dma_wait3A_587 = arith.constant 0 : i32
      %dma_wait3A_588 = tpu.memref_slice %arg9[%rem3A_318, %dma_wait3A_586, %dma_wait3A_587] : memref<2x320x64xf32, #tpu.memory_space<vmem>> -> memref<1x320x64xf32, #tpu.memory_space<vmem>>
      %dma_wait3A_589 = tpu.memref_squeeze %dma_wait3A_588 : memref<1x320x64xf32, #tpu.memory_space<vmem>> -> memref<320x64xf32, #tpu.memory_space<vmem>>
      %dma_wait3A_590 = arith.constant 0 : i32
      %dma_wait3A_591 = tpu.memref_slice %arg8[%rem3A_318, %dma_wait3A_585, %dma_wait3A_590] : memref<2x21x320xi32, #tpu.memory_space<vmem>> -> memref<1x1x320xi32, #tpu.memory_space<vmem>>
      %dma_wait3A_592 = tpu.memref_squeeze %dma_wait3A_591 : memref<1x1x320xi32, #tpu.memory_space<vmem>> -> memref<320xi32, #tpu.memory_space<vmem>>
      %dma_wait3A_593 = arith.constant 0 : i32
      %dma_wait3A_594 = arith.constant 0 : i32
      %dma_wait3A_595 = tpu.memref_slice %arg4[%dma_wait3A_593, %dma_wait3A_594] : memref<100001x64xf32, #tpu.memory_space<hbm>> -> memref<100001x64xf32, #tpu.memory_space<hbm>>
      tpu.wait_indirect_dma semaphore(%arg11 : memref<!tpu.dma_semaphore, #tpu.memory_space<semaphore_mem>>) src(%dma_wait3A_595 : memref<100001x64xf32, #tpu.memory_space<hbm>>) dst(%dma_wait3A_589 : memref<320x64xf32, #tpu.memory_space<vmem>>)
      %dma_wait3A_596 = arith.constant 3 : i32
      %dma_wait3A_597 = arith.constant 0 : i32
      %dma_wait3A_598 = arith.constant 0 : i32
      %dma_wait3A_599 = tpu.memref_slice %arg9[%rem3A_318, %dma_wait3A_597, %dma_wait3A_598] : memref<2x320x64xf32, #tpu.memory_space<vmem>> -> memref<1x320x64xf32, #tpu.memory_space<vmem>>
      %dma_wait3A_600 = tpu.memref_squeeze %dma_wait3A_599 : memref<1x320x64xf32, #tpu.memory_space<vmem>> -> memref<320x64xf32, #tpu.memory_space<vmem>>
      %dma_wait3A_601 = arith.constant 0 : i32
      %dma_wait3A_602 = tpu.memref_slice %arg8[%rem3A_318, %dma_wait3A_596, %dma_wait3A_601] : memref<2x21x320xi32, #tpu.memory_space<vmem>> -> memref<1x1x320xi32, #tpu.memory_space<vmem>>
      %dma_wait3A_603 = tpu.memref_squeeze %dma_wait3A_602 : memref<1x1x320xi32, #tpu.memory_space<vmem>> -> memref<320xi32, #tpu.memory_space<vmem>>
      %dma_wait3A_604 = arith.constant 0 : i32
      %dma_wait3A_605 = arith.constant 0 : i32
      %dma_wait3A_606 = tpu.memref_slice %arg4[%dma_wait3A_604, %dma_wait3A_605] : memref<100001x64xf32, #tpu.memory_space<hbm>> -> memref<100001x64xf32, #tpu.memory_space<hbm>>
      tpu.wait_indirect_dma semaphore(%arg11 : memref<!tpu.dma_semaphore, #tpu.memory_space<semaphore_mem>>) src(%dma_wait3A_606 : memref<100001x64xf32, #tpu.memory_space<hbm>>) dst(%dma_wait3A_600 : memref<320x64xf32, #tpu.memory_space<vmem>>)
      %dma_wait3A_607 = arith.constant 4 : i32
      %dma_wait3A_608 = arith.constant 0 : i32
      %dma_wait3A_609 = arith.constant 0 : i32
      %dma_wait3A_610 = tpu.memref_slice %arg9[%rem3A_318, %dma_wait3A_608, %dma_wait3A_609] : memref<2x320x64xf32, #tpu.memory_space<vmem>> -> memref<1x320x64xf32, #tpu.memory_space<vmem>>
      %dma_wait3A_611 = tpu.memref_squeeze %dma_wait3A_610 : memref<1x320x64xf32, #tpu.memory_space<vmem>> -> memref<320x64xf32, #tpu.memory_space<vmem>>
      %dma_wait3A_612 = arith.constant 0 : i32
      %dma_wait3A_613 = tpu.memref_slice %arg8[%rem3A_318, %dma_wait3A_607, %dma_wait3A_612] : memref<2x21x320xi32, #tpu.memory_space<vmem>> -> memref<1x1x320xi32, #tpu.memory_space<vmem>>
      %dma_wait3A_614 = tpu.memref_squeeze %dma_wait3A_613 : memref<1x1x320xi32, #tpu.memory_space<vmem>> -> memref<320xi32, #tpu.memory_space<vmem>>
      %dma_wait3A_615 = arith.constant 0 : i32
      %dma_wait3A_616 = arith.constant 0 : i32
      %dma_wait3A_617 = tpu.memref_slice %arg4[%dma_wait3A_615, %dma_wait3A_616] : memref<100001x64xf32, #tpu.memory_space<hbm>> -> memref<100001x64xf32, #tpu.memory_space<hbm>>
      tpu.wait_indirect_dma semaphore(%arg11 : memref<!tpu.dma_semaphore, #tpu.memory_space<semaphore_mem>>) src(%dma_wait3A_617 : memref<100001x64xf32, #tpu.memory_space<hbm>>) dst(%dma_wait3A_611 : memref<320x64xf32, #tpu.memory_space<vmem>>)
      %dma_wait3A_618 = arith.constant 5 : i32
      %dma_wait3A_619 = arith.constant 0 : i32
      %dma_wait3A_620 = arith.constant 0 : i32
      %dma_wait3A_621 = tpu.memref_slice %arg9[%rem3A_318, %dma_wait3A_619, %dma_wait3A_620] : memref<2x320x64xf32, #tpu.memory_space<vmem>> -> memref<1x320x64xf32, #tpu.memory_space<vmem>>
      %dma_wait3A_622 = tpu.memref_squeeze %dma_wait3A_621 : memref<1x320x64xf32, #tpu.memory_space<vmem>> -> memref<320x64xf32, #tpu.memory_space<vmem>>
      %dma_wait3A_623 = arith.constant 0 : i32
      %dma_wait3A_624 = tpu.memref_slice %arg8[%rem3A_318, %dma_wait3A_618, %dma_wait3A_623] : memref<2x21x320xi32, #tpu.memory_space<vmem>> -> memref<1x1x320xi32, #tpu.memory_space<vmem>>
      %dma_wait3A_625 = tpu.memref_squeeze %dma_wait3A_624 : memref<1x1x320xi32, #tpu.memory_space<vmem>> -> memref<320xi32, #tpu.memory_space<vmem>>
      %dma_wait3A_626 = arith.constant 0 : i32
      %dma_wait3A_627 = arith.constant 0 : i32
      %dma_wait3A_628 = tpu.memref_slice %arg4[%dma_wait3A_626, %dma_wait3A_627] : memref<100001x64xf32, #tpu.memory_space<hbm>> -> memref<100001x64xf32, #tpu.memory_space<hbm>>
      tpu.wait_indirect_dma semaphore(%arg11 : memref<!tpu.dma_semaphore, #tpu.memory_space<semaphore_mem>>) src(%dma_wait3A_628 : memref<100001x64xf32, #tpu.memory_space<hbm>>) dst(%dma_wait3A_622 : memref<320x64xf32, #tpu.memory_space<vmem>>)
      %dma_wait3A_629 = arith.constant 6 : i32
      %dma_wait3A_630 = arith.constant 0 : i32
      %dma_wait3A_631 = arith.constant 0 : i32
      %dma_wait3A_632 = tpu.memref_slice %arg9[%rem3A_318, %dma_wait3A_630, %dma_wait3A_631] : memref<2x320x64xf32, #tpu.memory_space<vmem>> -> memref<1x320x64xf32, #tpu.memory_space<vmem>>
      %dma_wait3A_633 = tpu.memref_squeeze %dma_wait3A_632 : memref<1x320x64xf32, #tpu.memory_space<vmem>> -> memref<320x64xf32, #tpu.memory_space<vmem>>
      %dma_wait3A_634 = arith.constant 0 : i32
      %dma_wait3A_635 = tpu.memref_slice %arg8[%rem3A_318, %dma_wait3A_629, %dma_wait3A_634] : memref<2x21x320xi32, #tpu.memory_space<vmem>> -> memref<1x1x320xi32, #tpu.memory_space<vmem>>
      %dma_wait3A_636 = tpu.memref_squeeze %dma_wait3A_635 : memref<1x1x320xi32, #tpu.memory_space<vmem>> -> memref<320xi32, #tpu.memory_space<vmem>>
      %dma_wait3A_637 = arith.constant 0 : i32
      %dma_wait3A_638 = arith.constant 0 : i32
      %dma_wait3A_639 = tpu.memref_slice %arg4[%dma_wait3A_637, %dma_wait3A_638] : memref<100001x64xf32, #tpu.memory_space<hbm>> -> memref<100001x64xf32, #tpu.memory_space<hbm>>
      tpu.wait_indirect_dma semaphore(%arg11 : memref<!tpu.dma_semaphore, #tpu.memory_space<semaphore_mem>>) src(%dma_wait3A_639 : memref<100001x64xf32, #tpu.memory_space<hbm>>) dst(%dma_wait3A_633 : memref<320x64xf32, #tpu.memory_space<vmem>>)
      %dma_wait3A_640 = arith.constant 7 : i32
      %dma_wait3A_641 = arith.constant 0 : i32
      %dma_wait3A_642 = arith.constant 0 : i32
      %dma_wait3A_643 = tpu.memref_slice %arg9[%rem3A_318, %dma_wait3A_641, %dma_wait3A_642] : memref<2x320x64xf32, #tpu.memory_space<vmem>> -> memref<1x320x64xf32, #tpu.memory_space<vmem>>
      %dma_wait3A_644 = tpu.memref_squeeze %dma_wait3A_643 : memref<1x320x64xf32, #tpu.memory_space<vmem>> -> memref<320x64xf32, #tpu.memory_space<vmem>>
      %dma_wait3A_645 = arith.constant 0 : i32
      %dma_wait3A_646 = tpu.memref_slice %arg8[%rem3A_318, %dma_wait3A_640, %dma_wait3A_645] : memref<2x21x320xi32, #tpu.memory_space<vmem>> -> memref<1x1x320xi32, #tpu.memory_space<vmem>>
      %dma_wait3A_647 = tpu.memref_squeeze %dma_wait3A_646 : memref<1x1x320xi32, #tpu.memory_space<vmem>> -> memref<320xi32, #tpu.memory_space<vmem>>
      %dma_wait3A_648 = arith.constant 0 : i32
      %dma_wait3A_649 = arith.constant 0 : i32
      %dma_wait3A_650 = tpu.memref_slice %arg4[%dma_wait3A_648, %dma_wait3A_649] : memref<100001x64xf32, #tpu.memory_space<hbm>> -> memref<100001x64xf32, #tpu.memory_space<hbm>>
      tpu.wait_indirect_dma semaphore(%arg11 : memref<!tpu.dma_semaphore, #tpu.memory_space<semaphore_mem>>) src(%dma_wait3A_650 : memref<100001x64xf32, #tpu.memory_space<hbm>>) dst(%dma_wait3A_644 : memref<320x64xf32, #tpu.memory_space<vmem>>)
      %dma_wait3A_651 = arith.constant 8 : i32
      %dma_wait3A_652 = arith.constant 0 : i32
      %dma_wait3A_653 = arith.constant 0 : i32
      %dma_wait3A_654 = tpu.memref_slice %arg9[%rem3A_318, %dma_wait3A_652, %dma_wait3A_653] : memref<2x320x64xf32, #tpu.memory_space<vmem>> -> memref<1x320x64xf32, #tpu.memory_space<vmem>>
      %dma_wait3A_655 = tpu.memref_squeeze %dma_wait3A_654 : memref<1x320x64xf32, #tpu.memory_space<vmem>> -> memref<320x64xf32, #tpu.memory_space<vmem>>
      %dma_wait3A_656 = arith.constant 0 : i32
      %dma_wait3A_657 = tpu.memref_slice %arg8[%rem3A_318, %dma_wait3A_651, %dma_wait3A_656] : memref<2x21x320xi32, #tpu.memory_space<vmem>> -> memref<1x1x320xi32, #tpu.memory_space<vmem>>
      %dma_wait3A_658 = tpu.memref_squeeze %dma_wait3A_657 : memref<1x1x320xi32, #tpu.memory_space<vmem>> -> memref<320xi32, #tpu.memory_space<vmem>>
      %dma_wait3A_659 = arith.constant 0 : i32
      %dma_wait3A_660 = arith.constant 0 : i32
      %dma_wait3A_661 = tpu.memref_slice %arg4[%dma_wait3A_659, %dma_wait3A_660] : memref<100001x64xf32, #tpu.memory_space<hbm>> -> memref<100001x64xf32, #tpu.memory_space<hbm>>
      tpu.wait_indirect_dma semaphore(%arg11 : memref<!tpu.dma_semaphore, #tpu.memory_space<semaphore_mem>>) src(%dma_wait3A_661 : memref<100001x64xf32, #tpu.memory_space<hbm>>) dst(%dma_wait3A_655 : memref<320x64xf32, #tpu.memory_space<vmem>>)
      %dma_wait3A_662 = arith.constant 9 : i32
      %dma_wait3A_663 = arith.constant 0 : i32
      %dma_wait3A_664 = arith.constant 0 : i32
      %dma_wait3A_665 = tpu.memref_slice %arg9[%rem3A_318, %dma_wait3A_663, %dma_wait3A_664] : memref<2x320x64xf32, #tpu.memory_space<vmem>> -> memref<1x320x64xf32, #tpu.memory_space<vmem>>
      %dma_wait3A_666 = tpu.memref_squeeze %dma_wait3A_665 : memref<1x320x64xf32, #tpu.memory_space<vmem>> -> memref<320x64xf32, #tpu.memory_space<vmem>>
      %dma_wait3A_667 = arith.constant 0 : i32
      %dma_wait3A_668 = tpu.memref_slice %arg8[%rem3A_318, %dma_wait3A_662, %dma_wait3A_667] : memref<2x21x320xi32, #tpu.memory_space<vmem>> -> memref<1x1x320xi32, #tpu.memory_space<vmem>>
      %dma_wait3A_669 = tpu.memref_squeeze %dma_wait3A_668 : memref<1x1x320xi32, #tpu.memory_space<vmem>> -> memref<320xi32, #tpu.memory_space<vmem>>
      %dma_wait3A_670 = arith.constant 0 : i32
      %dma_wait3A_671 = arith.constant 0 : i32
      %dma_wait3A_672 = tpu.memref_slice %arg4[%dma_wait3A_670, %dma_wait3A_671] : memref<100001x64xf32, #tpu.memory_space<hbm>> -> memref<100001x64xf32, #tpu.memory_space<hbm>>
      tpu.wait_indirect_dma semaphore(%arg11 : memref<!tpu.dma_semaphore, #tpu.memory_space<semaphore_mem>>) src(%dma_wait3A_672 : memref<100001x64xf32, #tpu.memory_space<hbm>>) dst(%dma_wait3A_666 : memref<320x64xf32, #tpu.memory_space<vmem>>)
      %dma_wait3A_673 = arith.constant 10 : i32
      %dma_wait3A_674 = arith.constant 0 : i32
      %dma_wait3A_675 = arith.constant 0 : i32
      %dma_wait3A_676 = tpu.memref_slice %arg9[%rem3A_318, %dma_wait3A_674, %dma_wait3A_675] : memref<2x320x64xf32, #tpu.memory_space<vmem>> -> memref<1x320x64xf32, #tpu.memory_space<vmem>>
      %dma_wait3A_677 = tpu.memref_squeeze %dma_wait3A_676 : memref<1x320x64xf32, #tpu.memory_space<vmem>> -> memref<320x64xf32, #tpu.memory_space<vmem>>
      %dma_wait3A_678 = arith.constant 0 : i32
      %dma_wait3A_679 = tpu.memref_slice %arg8[%rem3A_318, %dma_wait3A_673, %dma_wait3A_678] : memref<2x21x320xi32, #tpu.memory_space<vmem>> -> memref<1x1x320xi32, #tpu.memory_space<vmem>>
      %dma_wait3A_680 = tpu.memref_squeeze %dma_wait3A_679 : memref<1x1x320xi32, #tpu.memory_space<vmem>> -> memref<320xi32, #tpu.memory_space<vmem>>
      %dma_wait3A_681 = arith.constant 0 : i32
      %dma_wait3A_682 = arith.constant 0 : i32
      %dma_wait3A_683 = tpu.memref_slice %arg4[%dma_wait3A_681, %dma_wait3A_682] : memref<100001x64xf32, #tpu.memory_space<hbm>> -> memref<100001x64xf32, #tpu.memory_space<hbm>>
      tpu.wait_indirect_dma semaphore(%arg11 : memref<!tpu.dma_semaphore, #tpu.memory_space<semaphore_mem>>) src(%dma_wait3A_683 : memref<100001x64xf32, #tpu.memory_space<hbm>>) dst(%dma_wait3A_677 : memref<320x64xf32, #tpu.memory_space<vmem>>)
      %dma_wait3A_684 = arith.constant 11 : i32
      %dma_wait3A_685 = arith.constant 0 : i32
      %dma_wait3A_686 = arith.constant 0 : i32
      %dma_wait3A_687 = tpu.memref_slice %arg9[%rem3A_318, %dma_wait3A_685, %dma_wait3A_686] : memref<2x320x64xf32, #tpu.memory_space<vmem>> -> memref<1x320x64xf32, #tpu.memory_space<vmem>>
      %dma_wait3A_688 = tpu.memref_squeeze %dma_wait3A_687 : memref<1x320x64xf32, #tpu.memory_space<vmem>> -> memref<320x64xf32, #tpu.memory_space<vmem>>
      %dma_wait3A_689 = arith.constant 0 : i32
      %dma_wait3A_690 = tpu.memref_slice %arg8[%rem3A_318, %dma_wait3A_684, %dma_wait3A_689] : memref<2x21x320xi32, #tpu.memory_space<vmem>> -> memref<1x1x320xi32, #tpu.memory_space<vmem>>
      %dma_wait3A_691 = tpu.memref_squeeze %dma_wait3A_690 : memref<1x1x320xi32, #tpu.memory_space<vmem>> -> memref<320xi32, #tpu.memory_space<vmem>>
      %dma_wait3A_692 = arith.constant 0 : i32
      %dma_wait3A_693 = arith.constant 0 : i32
      %dma_wait3A_694 = tpu.memref_slice %arg4[%dma_wait3A_692, %dma_wait3A_693] : memref<100001x64xf32, #tpu.memory_space<hbm>> -> memref<100001x64xf32, #tpu.memory_space<hbm>>
      tpu.wait_indirect_dma semaphore(%arg11 : memref<!tpu.dma_semaphore, #tpu.memory_space<semaphore_mem>>) src(%dma_wait3A_694 : memref<100001x64xf32, #tpu.memory_space<hbm>>) dst(%dma_wait3A_688 : memref<320x64xf32, #tpu.memory_space<vmem>>)
      %dma_wait3A_695 = arith.constant 12 : i32
      %dma_wait3A_696 = arith.constant 0 : i32
      %dma_wait3A_697 = arith.constant 0 : i32
      %dma_wait3A_698 = tpu.memref_slice %arg9[%rem3A_318, %dma_wait3A_696, %dma_wait3A_697] : memref<2x320x64xf32, #tpu.memory_space<vmem>> -> memref<1x320x64xf32, #tpu.memory_space<vmem>>
      %dma_wait3A_699 = tpu.memref_squeeze %dma_wait3A_698 : memref<1x320x64xf32, #tpu.memory_space<vmem>> -> memref<320x64xf32, #tpu.memory_space<vmem>>
      %dma_wait3A_700 = arith.constant 0 : i32
      %dma_wait3A_701 = tpu.memref_slice %arg8[%rem3A_318, %dma_wait3A_695, %dma_wait3A_700] : memref<2x21x320xi32, #tpu.memory_space<vmem>> -> memref<1x1x320xi32, #tpu.memory_space<vmem>>
      %dma_wait3A_702 = tpu.memref_squeeze %dma_wait3A_701 : memref<1x1x320xi32, #tpu.memory_space<vmem>> -> memref<320xi32, #tpu.memory_space<vmem>>
      %dma_wait3A_703 = arith.constant 0 : i32
      %dma_wait3A_704 = arith.constant 0 : i32
      %dma_wait3A_705 = tpu.memref_slice %arg4[%dma_wait3A_703, %dma_wait3A_704] : memref<100001x64xf32, #tpu.memory_space<hbm>> -> memref<100001x64xf32, #tpu.memory_space<hbm>>
      tpu.wait_indirect_dma semaphore(%arg11 : memref<!tpu.dma_semaphore, #tpu.memory_space<semaphore_mem>>) src(%dma_wait3A_705 : memref<100001x64xf32, #tpu.memory_space<hbm>>) dst(%dma_wait3A_699 : memref<320x64xf32, #tpu.memory_space<vmem>>)
      %dma_wait3A_706 = arith.constant 13 : i32
      %dma_wait3A_707 = arith.constant 0 : i32
      %dma_wait3A_708 = arith.constant 0 : i32
      %dma_wait3A_709 = tpu.memref_slice %arg9[%rem3A_318, %dma_wait3A_707, %dma_wait3A_708] : memref<2x320x64xf32, #tpu.memory_space<vmem>> -> memref<1x320x64xf32, #tpu.memory_space<vmem>>
      %dma_wait3A_710 = tpu.memref_squeeze %dma_wait3A_709 : memref<1x320x64xf32, #tpu.memory_space<vmem>> -> memref<320x64xf32, #tpu.memory_space<vmem>>
      %dma_wait3A_711 = arith.constant 0 : i32
      %dma_wait3A_712 = tpu.memref_slice %arg8[%rem3A_318, %dma_wait3A_706, %dma_wait3A_711] : memref<2x21x320xi32, #tpu.memory_space<vmem>> -> memref<1x1x320xi32, #tpu.memory_space<vmem>>
      %dma_wait3A_713 = tpu.memref_squeeze %dma_wait3A_712 : memref<1x1x320xi32, #tpu.memory_space<vmem>> -> memref<320xi32, #tpu.memory_space<vmem>>
      %dma_wait3A_714 = arith.constant 0 : i32
      %dma_wait3A_715 = arith.constant 0 : i32
      %dma_wait3A_716 = tpu.memref_slice %arg4[%dma_wait3A_714, %dma_wait3A_715] : memref<100001x64xf32, #tpu.memory_space<hbm>> -> memref<100001x64xf32, #tpu.memory_space<hbm>>
      tpu.wait_indirect_dma semaphore(%arg11 : memref<!tpu.dma_semaphore, #tpu.memory_space<semaphore_mem>>) src(%dma_wait3A_716 : memref<100001x64xf32, #tpu.memory_space<hbm>>) dst(%dma_wait3A_710 : memref<320x64xf32, #tpu.memory_space<vmem>>)
      %dma_wait3A_717 = arith.constant 14 : i32
      %dma_wait3A_718 = arith.constant 0 : i32
      %dma_wait3A_719 = arith.constant 0 : i32
      %dma_wait3A_720 = tpu.memref_slice %arg9[%rem3A_318, %dma_wait3A_718, %dma_wait3A_719] : memref<2x320x64xf32, #tpu.memory_space<vmem>> -> memref<1x320x64xf32, #tpu.memory_space<vmem>>
      %dma_wait3A_721 = tpu.memref_squeeze %dma_wait3A_720 : memref<1x320x64xf32, #tpu.memory_space<vmem>> -> memref<320x64xf32, #tpu.memory_space<vmem>>
      %dma_wait3A_722 = arith.constant 0 : i32
      %dma_wait3A_723 = tpu.memref_slice %arg8[%rem3A_318, %dma_wait3A_717, %dma_wait3A_722] : memref<2x21x320xi32, #tpu.memory_space<vmem>> -> memref<1x1x320xi32, #tpu.memory_space<vmem>>
      %dma_wait3A_724 = tpu.memref_squeeze %dma_wait3A_723 : memref<1x1x320xi32, #tpu.memory_space<vmem>> -> memref<320xi32, #tpu.memory_space<vmem>>
      %dma_wait3A_725 = arith.constant 0 : i32
      %dma_wait3A_726 = arith.constant 0 : i32
      %dma_wait3A_727 = tpu.memref_slice %arg4[%dma_wait3A_725, %dma_wait3A_726] : memref<100001x64xf32, #tpu.memory_space<hbm>> -> memref<100001x64xf32, #tpu.memory_space<hbm>>
      tpu.wait_indirect_dma semaphore(%arg11 : memref<!tpu.dma_semaphore, #tpu.memory_space<semaphore_mem>>) src(%dma_wait3A_727 : memref<100001x64xf32, #tpu.memory_space<hbm>>) dst(%dma_wait3A_721 : memref<320x64xf32, #tpu.memory_space<vmem>>)
      %dma_wait3A_728 = arith.constant 15 : i32
      %dma_wait3A_729 = arith.constant 0 : i32
      %dma_wait3A_730 = arith.constant 0 : i32
      %dma_wait3A_731 = tpu.memref_slice %arg9[%rem3A_318, %dma_wait3A_729, %dma_wait3A_730] : memref<2x320x64xf32, #tpu.memory_space<vmem>> -> memref<1x320x64xf32, #tpu.memory_space<vmem>>
      %dma_wait3A_732 = tpu.memref_squeeze %dma_wait3A_731 : memref<1x320x64xf32, #tpu.memory_space<vmem>> -> memref<320x64xf32, #tpu.memory_space<vmem>>
      %dma_wait3A_733 = arith.constant 0 : i32
      %dma_wait3A_734 = tpu.memref_slice %arg8[%rem3A_318, %dma_wait3A_728, %dma_wait3A_733] : memref<2x21x320xi32, #tpu.memory_space<vmem>> -> memref<1x1x320xi32, #tpu.memory_space<vmem>>
      %dma_wait3A_735 = tpu.memref_squeeze %dma_wait3A_734 : memref<1x1x320xi32, #tpu.memory_space<vmem>> -> memref<320xi32, #tpu.memory_space<vmem>>
      %dma_wait3A_736 = arith.constant 0 : i32
      %dma_wait3A_737 = arith.constant 0 : i32
      %dma_wait3A_738 = tpu.memref_slice %arg4[%dma_wait3A_736, %dma_wait3A_737] : memref<100001x64xf32, #tpu.memory_space<hbm>> -> memref<100001x64xf32, #tpu.memory_space<hbm>>
      tpu.wait_indirect_dma semaphore(%arg11 : memref<!tpu.dma_semaphore, #tpu.memory_space<semaphore_mem>>) src(%dma_wait3A_738 : memref<100001x64xf32, #tpu.memory_space<hbm>>) dst(%dma_wait3A_732 : memref<320x64xf32, #tpu.memory_space<vmem>>)
      %dma_wait3A_739 = arith.constant 16 : i32
      %dma_wait3A_740 = arith.constant 0 : i32
      %dma_wait3A_741 = arith.constant 0 : i32
      %dma_wait3A_742 = tpu.memref_slice %arg9[%rem3A_318, %dma_wait3A_740, %dma_wait3A_741] : memref<2x320x64xf32, #tpu.memory_space<vmem>> -> memref<1x320x64xf32, #tpu.memory_space<vmem>>
      %dma_wait3A_743 = tpu.memref_squeeze %dma_wait3A_742 : memref<1x320x64xf32, #tpu.memory_space<vmem>> -> memref<320x64xf32, #tpu.memory_space<vmem>>
      %dma_wait3A_744 = arith.constant 0 : i32
      %dma_wait3A_745 = tpu.memref_slice %arg8[%rem3A_318, %dma_wait3A_739, %dma_wait3A_744] : memref<2x21x320xi32, #tpu.memory_space<vmem>> -> memref<1x1x320xi32, #tpu.memory_space<vmem>>
      %dma_wait3A_746 = tpu.memref_squeeze %dma_wait3A_745 : memref<1x1x320xi32, #tpu.memory_space<vmem>> -> memref<320xi32, #tpu.memory_space<vmem>>
      %dma_wait3A_747 = arith.constant 0 : i32
      %dma_wait3A_748 = arith.constant 0 : i32
      %dma_wait3A_749 = tpu.memref_slice %arg4[%dma_wait3A_747, %dma_wait3A_748] : memref<100001x64xf32, #tpu.memory_space<hbm>> -> memref<100001x64xf32, #tpu.memory_space<hbm>>
      tpu.wait_indirect_dma semaphore(%arg11 : memref<!tpu.dma_semaphore, #tpu.memory_space<semaphore_mem>>) src(%dma_wait3A_749 : memref<100001x64xf32, #tpu.memory_space<hbm>>) dst(%dma_wait3A_743 : memref<320x64xf32, #tpu.memory_space<vmem>>)
      %dma_wait3A_750 = arith.constant 17 : i32
      %dma_wait3A_751 = arith.constant 0 : i32
      %dma_wait3A_752 = arith.constant 0 : i32
      %dma_wait3A_753 = tpu.memref_slice %arg9[%rem3A_318, %dma_wait3A_751, %dma_wait3A_752] : memref<2x320x64xf32, #tpu.memory_space<vmem>> -> memref<1x320x64xf32, #tpu.memory_space<vmem>>
      %dma_wait3A_754 = tpu.memref_squeeze %dma_wait3A_753 : memref<1x320x64xf32, #tpu.memory_space<vmem>> -> memref<320x64xf32, #tpu.memory_space<vmem>>
      %dma_wait3A_755 = arith.constant 0 : i32
      %dma_wait3A_756 = tpu.memref_slice %arg8[%rem3A_318, %dma_wait3A_750, %dma_wait3A_755] : memref<2x21x320xi32, #tpu.memory_space<vmem>> -> memref<1x1x320xi32, #tpu.memory_space<vmem>>
      %dma_wait3A_757 = tpu.memref_squeeze %dma_wait3A_756 : memref<1x1x320xi32, #tpu.memory_space<vmem>> -> memref<320xi32, #tpu.memory_space<vmem>>
      %dma_wait3A_758 = arith.constant 0 : i32
      %dma_wait3A_759 = arith.constant 0 : i32
      %dma_wait3A_760 = tpu.memref_slice %arg4[%dma_wait3A_758, %dma_wait3A_759] : memref<100001x64xf32, #tpu.memory_space<hbm>> -> memref<100001x64xf32, #tpu.memory_space<hbm>>
      tpu.wait_indirect_dma semaphore(%arg11 : memref<!tpu.dma_semaphore, #tpu.memory_space<semaphore_mem>>) src(%dma_wait3A_760 : memref<100001x64xf32, #tpu.memory_space<hbm>>) dst(%dma_wait3A_754 : memref<320x64xf32, #tpu.memory_space<vmem>>)
      %dma_wait3A_761 = arith.constant 18 : i32
      %dma_wait3A_762 = arith.constant 0 : i32
      %dma_wait3A_763 = arith.constant 0 : i32
      %dma_wait3A_764 = tpu.memref_slice %arg9[%rem3A_318, %dma_wait3A_762, %dma_wait3A_763] : memref<2x320x64xf32, #tpu.memory_space<vmem>> -> memref<1x320x64xf32, #tpu.memory_space<vmem>>
      %dma_wait3A_765 = tpu.memref_squeeze %dma_wait3A_764 : memref<1x320x64xf32, #tpu.memory_space<vmem>> -> memref<320x64xf32, #tpu.memory_space<vmem>>
      %dma_wait3A_766 = arith.constant 0 : i32
      %dma_wait3A_767 = tpu.memref_slice %arg8[%rem3A_318, %dma_wait3A_761, %dma_wait3A_766] : memref<2x21x320xi32, #tpu.memory_space<vmem>> -> memref<1x1x320xi32, #tpu.memory_space<vmem>>
      %dma_wait3A_768 = tpu.memref_squeeze %dma_wait3A_767 : memref<1x1x320xi32, #tpu.memory_space<vmem>> -> memref<320xi32, #tpu.memory_space<vmem>>
      %dma_wait3A_769 = arith.constant 0 : i32
      %dma_wait3A_770 = arith.constant 0 : i32
      %dma_wait3A_771 = tpu.memref_slice %arg4[%dma_wait3A_769, %dma_wait3A_770] : memref<100001x64xf32, #tpu.memory_space<hbm>> -> memref<100001x64xf32, #tpu.memory_space<hbm>>
      tpu.wait_indirect_dma semaphore(%arg11 : memref<!tpu.dma_semaphore, #tpu.memory_space<semaphore_mem>>) src(%dma_wait3A_771 : memref<100001x64xf32, #tpu.memory_space<hbm>>) dst(%dma_wait3A_765 : memref<320x64xf32, #tpu.memory_space<vmem>>)
      %dma_wait3A_772 = arith.constant 19 : i32
      %dma_wait3A_773 = arith.constant 0 : i32
      %dma_wait3A_774 = arith.constant 0 : i32
      %dma_wait3A_775 = tpu.memref_slice %arg9[%rem3A_318, %dma_wait3A_773, %dma_wait3A_774] : memref<2x320x64xf32, #tpu.memory_space<vmem>> -> memref<1x320x64xf32, #tpu.memory_space<vmem>>
      %dma_wait3A_776 = tpu.memref_squeeze %dma_wait3A_775 : memref<1x320x64xf32, #tpu.memory_space<vmem>> -> memref<320x64xf32, #tpu.memory_space<vmem>>
      %dma_wait3A_777 = arith.constant 0 : i32
      %dma_wait3A_778 = tpu.memref_slice %arg8[%rem3A_318, %dma_wait3A_772, %dma_wait3A_777] : memref<2x21x320xi32, #tpu.memory_space<vmem>> -> memref<1x1x320xi32, #tpu.memory_space<vmem>>
      %dma_wait3A_779 = tpu.memref_squeeze %dma_wait3A_778 : memref<1x1x320xi32, #tpu.memory_space<vmem>> -> memref<320xi32, #tpu.memory_space<vmem>>
      %dma_wait3A_780 = arith.constant 0 : i32
      %dma_wait3A_781 = arith.constant 0 : i32
      %dma_wait3A_782 = tpu.memref_slice %arg4[%dma_wait3A_780, %dma_wait3A_781] : memref<100001x64xf32, #tpu.memory_space<hbm>> -> memref<100001x64xf32, #tpu.memory_space<hbm>>
      tpu.wait_indirect_dma semaphore(%arg11 : memref<!tpu.dma_semaphore, #tpu.memory_space<semaphore_mem>>) src(%dma_wait3A_782 : memref<100001x64xf32, #tpu.memory_space<hbm>>) dst(%dma_wait3A_776 : memref<320x64xf32, #tpu.memory_space<vmem>>)
      %add3A_783 = arith.constant 0 : i32
      %add3A_784 = arith.addi %add3A_325, %add3A_783 : i32
      %dma_start3A_785 = arith.constant 0 : i32
      %dma_start3A_786 = arith.constant 0 : i32
      %dma_start3A_787 = tpu.memref_slice %arg9[%rem3A_318, %dma_start3A_785, %dma_start3A_786] : memref<2x320x64xf32, #tpu.memory_space<vmem>> -> memref<1x20x64xf32, #tpu.memory_space<vmem>>
      %dma_start3A_788 = tpu.memref_squeeze %dma_start3A_787 : memref<1x20x64xf32, #tpu.memory_space<vmem>> -> memref<20x64xf32, #tpu.memory_space<vmem>>
      %dma_start3A_789 = arith.constant 0 : i32
      %dma_start3A_790 = arith.constant 0 : i32
      %dma_start3A_791 = tpu.memref_slice %arg6[%add3A_784, %dma_start3A_789, %dma_start3A_790] : memref<4096x20x64xf32, #tpu.memory_space<hbm>> -> memref<1x20x64xf32, #tpu.memory_space<hbm>>
      %dma_start3A_792 = tpu.memref_squeeze %dma_start3A_791 : memref<1x20x64xf32, #tpu.memory_space<hbm>> -> memref<20x64xf32, #tpu.memory_space<hbm>>
      %dma_start3A_793 = arith.constant 0 : i32
      %dma_start3A_794 = arith.constant 0 : i32
      %dma_start3A_795 = tpu.memref_slice %arg6[%add3A_784, %dma_start3A_793, %dma_start3A_794] : memref<4096x20x64xf32, #tpu.memory_space<hbm>> -> memref<1x20x64xf32, #tpu.memory_space<hbm>>
      %dma_start3A_796 = tpu.memref_squeeze %dma_start3A_795 : memref<1x20x64xf32, #tpu.memory_space<hbm>> -> memref<20x64xf32, #tpu.memory_space<hbm>>
      %dma_start3A_797 = arith.constant 0 : i32
      %dma_start3A_798 = arith.constant 0 : i32
      %dma_start3A_799 = tpu.memref_slice %arg9[%rem3A_318, %dma_start3A_797, %dma_start3A_798] : memref<2x320x64xf32, #tpu.memory_space<vmem>> -> memref<1x20x64xf32, #tpu.memory_space<vmem>>
      %dma_start3A_800 = tpu.memref_squeeze %dma_start3A_799 : memref<1x20x64xf32, #tpu.memory_space<vmem>> -> memref<20x64xf32, #tpu.memory_space<vmem>>
      tpu.enqueue_dma source(%dma_start3A_800 : memref<20x64xf32, #tpu.memory_space<vmem>>) target(%dma_start3A_796 : memref<20x64xf32, #tpu.memory_space<hbm>>) target_semaphore(%arg13 : memref<!tpu.dma_semaphore, #tpu.memory_space<semaphore_mem>>)
      %add3A_801 = arith.constant 1 : i32
      %add3A_802 = arith.addi %add3A_325, %add3A_801 : i32
      %dma_start3A_803 = arith.constant 20 : i32
      %dma_start3A_804 = arith.constant 0 : i32
      %dma_start3A_805 = tpu.memref_slice %arg9[%rem3A_318, %dma_start3A_803, %dma_start3A_804] : memref<2x320x64xf32, #tpu.memory_space<vmem>> -> memref<1x20x64xf32, #tpu.memory_space<vmem>>
      %dma_start3A_806 = tpu.memref_squeeze %dma_start3A_805 : memref<1x20x64xf32, #tpu.memory_space<vmem>> -> memref<20x64xf32, #tpu.memory_space<vmem>>
      %dma_start3A_807 = arith.constant 0 : i32
      %dma_start3A_808 = arith.constant 0 : i32
      %dma_start3A_809 = tpu.memref_slice %arg6[%add3A_802, %dma_start3A_807, %dma_start3A_808] : memref<4096x20x64xf32, #tpu.memory_space<hbm>> -> memref<1x20x64xf32, #tpu.memory_space<hbm>>
      %dma_start3A_810 = tpu.memref_squeeze %dma_start3A_809 : memref<1x20x64xf32, #tpu.memory_space<hbm>> -> memref<20x64xf32, #tpu.memory_space<hbm>>
      %dma_start3A_811 = arith.constant 0 : i32
      %dma_start3A_812 = arith.constant 0 : i32
      %dma_start3A_813 = tpu.memref_slice %arg6[%add3A_802, %dma_start3A_811, %dma_start3A_812] : memref<4096x20x64xf32, #tpu.memory_space<hbm>> -> memref<1x20x64xf32, #tpu.memory_space<hbm>>
      %dma_start3A_814 = tpu.memref_squeeze %dma_start3A_813 : memref<1x20x64xf32, #tpu.memory_space<hbm>> -> memref<20x64xf32, #tpu.memory_space<hbm>>
      %dma_start3A_815 = arith.constant 20 : i32
      %dma_start3A_816 = arith.constant 0 : i32
      %dma_start3A_817 = tpu.memref_slice %arg9[%rem3A_318, %dma_start3A_815, %dma_start3A_816] : memref<2x320x64xf32, #tpu.memory_space<vmem>> -> memref<1x20x64xf32, #tpu.memory_space<vmem>>
      %dma_start3A_818 = tpu.memref_squeeze %dma_start3A_817 : memref<1x20x64xf32, #tpu.memory_space<vmem>> -> memref<20x64xf32, #tpu.memory_space<vmem>>
      tpu.enqueue_dma source(%dma_start3A_818 : memref<20x64xf32, #tpu.memory_space<vmem>>) target(%dma_start3A_814 : memref<20x64xf32, #tpu.memory_space<hbm>>) target_semaphore(%arg13 : memref<!tpu.dma_semaphore, #tpu.memory_space<semaphore_mem>>)
      %add3A_819 = arith.constant 2 : i32
      %add3A_820 = arith.addi %add3A_325, %add3A_819 : i32
      %dma_start3A_821 = arith.constant 40 : i32
      %dma_start3A_822 = arith.constant 0 : i32
      %dma_start3A_823 = tpu.memref_slice %arg9[%rem3A_318, %dma_start3A_821, %dma_start3A_822] : memref<2x320x64xf32, #tpu.memory_space<vmem>> -> memref<1x20x64xf32, #tpu.memory_space<vmem>>
      %dma_start3A_824 = tpu.memref_squeeze %dma_start3A_823 : memref<1x20x64xf32, #tpu.memory_space<vmem>> -> memref<20x64xf32, #tpu.memory_space<vmem>>
      %dma_start3A_825 = arith.constant 0 : i32
      %dma_start3A_826 = arith.constant 0 : i32
      %dma_start3A_827 = tpu.memref_slice %arg6[%add3A_820, %dma_start3A_825, %dma_start3A_826] : memref<4096x20x64xf32, #tpu.memory_space<hbm>> -> memref<1x20x64xf32, #tpu.memory_space<hbm>>
      %dma_start3A_828 = tpu.memref_squeeze %dma_start3A_827 : memref<1x20x64xf32, #tpu.memory_space<hbm>> -> memref<20x64xf32, #tpu.memory_space<hbm>>
      %dma_start3A_829 = arith.constant 0 : i32
      %dma_start3A_830 = arith.constant 0 : i32
      %dma_start3A_831 = tpu.memref_slice %arg6[%add3A_820, %dma_start3A_829, %dma_start3A_830] : memref<4096x20x64xf32, #tpu.memory_space<hbm>> -> memref<1x20x64xf32, #tpu.memory_space<hbm>>
      %dma_start3A_832 = tpu.memref_squeeze %dma_start3A_831 : memref<1x20x64xf32, #tpu.memory_space<hbm>> -> memref<20x64xf32, #tpu.memory_space<hbm>>
      %dma_start3A_833 = arith.constant 40 : i32
      %dma_start3A_834 = arith.constant 0 : i32
      %dma_start3A_835 = tpu.memref_slice %arg9[%rem3A_318, %dma_start3A_833, %dma_start3A_834] : memref<2x320x64xf32, #tpu.memory_space<vmem>> -> memref<1x20x64xf32, #tpu.memory_space<vmem>>
      %dma_start3A_836 = tpu.memref_squeeze %dma_start3A_835 : memref<1x20x64xf32, #tpu.memory_space<vmem>> -> memref<20x64xf32, #tpu.memory_space<vmem>>
      tpu.enqueue_dma source(%dma_start3A_836 : memref<20x64xf32, #tpu.memory_space<vmem>>) target(%dma_start3A_832 : memref<20x64xf32, #tpu.memory_space<hbm>>) target_semaphore(%arg13 : memref<!tpu.dma_semaphore, #tpu.memory_space<semaphore_mem>>)
      %add3A_837 = arith.constant 3 : i32
      %add3A_838 = arith.addi %add3A_325, %add3A_837 : i32
      %dma_start3A_839 = arith.constant 60 : i32
      %dma_start3A_840 = arith.constant 0 : i32
      %dma_start3A_841 = tpu.memref_slice %arg9[%rem3A_318, %dma_start3A_839, %dma_start3A_840] : memref<2x320x64xf32, #tpu.memory_space<vmem>> -> memref<1x20x64xf32, #tpu.memory_space<vmem>>
      %dma_start3A_842 = tpu.memref_squeeze %dma_start3A_841 : memref<1x20x64xf32, #tpu.memory_space<vmem>> -> memref<20x64xf32, #tpu.memory_space<vmem>>
      %dma_start3A_843 = arith.constant 0 : i32
      %dma_start3A_844 = arith.constant 0 : i32
      %dma_start3A_845 = tpu.memref_slice %arg6[%add3A_838, %dma_start3A_843, %dma_start3A_844] : memref<4096x20x64xf32, #tpu.memory_space<hbm>> -> memref<1x20x64xf32, #tpu.memory_space<hbm>>
      %dma_start3A_846 = tpu.memref_squeeze %dma_start3A_845 : memref<1x20x64xf32, #tpu.memory_space<hbm>> -> memref<20x64xf32, #tpu.memory_space<hbm>>
      %dma_start3A_847 = arith.constant 0 : i32
      %dma_start3A_848 = arith.constant 0 : i32
      %dma_start3A_849 = tpu.memref_slice %arg6[%add3A_838, %dma_start3A_847, %dma_start3A_848] : memref<4096x20x64xf32, #tpu.memory_space<hbm>> -> memref<1x20x64xf32, #tpu.memory_space<hbm>>
      %dma_start3A_850 = tpu.memref_squeeze %dma_start3A_849 : memref<1x20x64xf32, #tpu.memory_space<hbm>> -> memref<20x64xf32, #tpu.memory_space<hbm>>
      %dma_start3A_851 = arith.constant 60 : i32
      %dma_start3A_852 = arith.constant 0 : i32
      %dma_start3A_853 = tpu.memref_slice %arg9[%rem3A_318, %dma_start3A_851, %dma_start3A_852] : memref<2x320x64xf32, #tpu.memory_space<vmem>> -> memref<1x20x64xf32, #tpu.memory_space<vmem>>
      %dma_start3A_854 = tpu.memref_squeeze %dma_start3A_853 : memref<1x20x64xf32, #tpu.memory_space<vmem>> -> memref<20x64xf32, #tpu.memory_space<vmem>>
      tpu.enqueue_dma source(%dma_start3A_854 : memref<20x64xf32, #tpu.memory_space<vmem>>) target(%dma_start3A_850 : memref<20x64xf32, #tpu.memory_space<hbm>>) target_semaphore(%arg13 : memref<!tpu.dma_semaphore, #tpu.memory_space<semaphore_mem>>)
      %add3A_855 = arith.constant 4 : i32
      %add3A_856 = arith.addi %add3A_325, %add3A_855 : i32
      %dma_start3A_857 = arith.constant 80 : i32
      %dma_start3A_858 = arith.constant 0 : i32
      %dma_start3A_859 = tpu.memref_slice %arg9[%rem3A_318, %dma_start3A_857, %dma_start3A_858] : memref<2x320x64xf32, #tpu.memory_space<vmem>> -> memref<1x20x64xf32, #tpu.memory_space<vmem>>
      %dma_start3A_860 = tpu.memref_squeeze %dma_start3A_859 : memref<1x20x64xf32, #tpu.memory_space<vmem>> -> memref<20x64xf32, #tpu.memory_space<vmem>>
      %dma_start3A_861 = arith.constant 0 : i32
      %dma_start3A_862 = arith.constant 0 : i32
      %dma_start3A_863 = tpu.memref_slice %arg6[%add3A_856, %dma_start3A_861, %dma_start3A_862] : memref<4096x20x64xf32, #tpu.memory_space<hbm>> -> memref<1x20x64xf32, #tpu.memory_space<hbm>>
      %dma_start3A_864 = tpu.memref_squeeze %dma_start3A_863 : memref<1x20x64xf32, #tpu.memory_space<hbm>> -> memref<20x64xf32, #tpu.memory_space<hbm>>
      %dma_start3A_865 = arith.constant 0 : i32
      %dma_start3A_866 = arith.constant 0 : i32
      %dma_start3A_867 = tpu.memref_slice %arg6[%add3A_856, %dma_start3A_865, %dma_start3A_866] : memref<4096x20x64xf32, #tpu.memory_space<hbm>> -> memref<1x20x64xf32, #tpu.memory_space<hbm>>
      %dma_start3A_868 = tpu.memref_squeeze %dma_start3A_867 : memref<1x20x64xf32, #tpu.memory_space<hbm>> -> memref<20x64xf32, #tpu.memory_space<hbm>>
      %dma_start3A_869 = arith.constant 80 : i32
      %dma_start3A_870 = arith.constant 0 : i32
      %dma_start3A_871 = tpu.memref_slice %arg9[%rem3A_318, %dma_start3A_869, %dma_start3A_870] : memref<2x320x64xf32, #tpu.memory_space<vmem>> -> memref<1x20x64xf32, #tpu.memory_space<vmem>>
      %dma_start3A_872 = tpu.memref_squeeze %dma_start3A_871 : memref<1x20x64xf32, #tpu.memory_space<vmem>> -> memref<20x64xf32, #tpu.memory_space<vmem>>
      tpu.enqueue_dma source(%dma_start3A_872 : memref<20x64xf32, #tpu.memory_space<vmem>>) target(%dma_start3A_868 : memref<20x64xf32, #tpu.memory_space<hbm>>) target_semaphore(%arg13 : memref<!tpu.dma_semaphore, #tpu.memory_space<semaphore_mem>>)
      %add3A_873 = arith.constant 5 : i32
      %add3A_874 = arith.addi %add3A_325, %add3A_873 : i32
      %dma_start3A_875 = arith.constant 100 : i32
      %dma_start3A_876 = arith.constant 0 : i32
      %dma_start3A_877 = tpu.memref_slice %arg9[%rem3A_318, %dma_start3A_875, %dma_start3A_876] : memref<2x320x64xf32, #tpu.memory_space<vmem>> -> memref<1x20x64xf32, #tpu.memory_space<vmem>>
      %dma_start3A_878 = tpu.memref_squeeze %dma_start3A_877 : memref<1x20x64xf32, #tpu.memory_space<vmem>> -> memref<20x64xf32, #tpu.memory_space<vmem>>
      %dma_start3A_879 = arith.constant 0 : i32
      %dma_start3A_880 = arith.constant 0 : i32
      %dma_start3A_881 = tpu.memref_slice %arg6[%add3A_874, %dma_start3A_879, %dma_start3A_880] : memref<4096x20x64xf32, #tpu.memory_space<hbm>> -> memref<1x20x64xf32, #tpu.memory_space<hbm>>
      %dma_start3A_882 = tpu.memref_squeeze %dma_start3A_881 : memref<1x20x64xf32, #tpu.memory_space<hbm>> -> memref<20x64xf32, #tpu.memory_space<hbm>>
      %dma_start3A_883 = arith.constant 0 : i32
      %dma_start3A_884 = arith.constant 0 : i32
      %dma_start3A_885 = tpu.memref_slice %arg6[%add3A_874, %dma_start3A_883, %dma_start3A_884] : memref<4096x20x64xf32, #tpu.memory_space<hbm>> -> memref<1x20x64xf32, #tpu.memory_space<hbm>>
      %dma_start3A_886 = tpu.memref_squeeze %dma_start3A_885 : memref<1x20x64xf32, #tpu.memory_space<hbm>> -> memref<20x64xf32, #tpu.memory_space<hbm>>
      %dma_start3A_887 = arith.constant 100 : i32
      %dma_start3A_888 = arith.constant 0 : i32
      %dma_start3A_889 = tpu.memref_slice %arg9[%rem3A_318, %dma_start3A_887, %dma_start3A_888] : memref<2x320x64xf32, #tpu.memory_space<vmem>> -> memref<1x20x64xf32, #tpu.memory_space<vmem>>
      %dma_start3A_890 = tpu.memref_squeeze %dma_start3A_889 : memref<1x20x64xf32, #tpu.memory_space<vmem>> -> memref<20x64xf32, #tpu.memory_space<vmem>>
      tpu.enqueue_dma source(%dma_start3A_890 : memref<20x64xf32, #tpu.memory_space<vmem>>) target(%dma_start3A_886 : memref<20x64xf32, #tpu.memory_space<hbm>>) target_semaphore(%arg13 : memref<!tpu.dma_semaphore, #tpu.memory_space<semaphore_mem>>)
      %add3A_891 = arith.constant 6 : i32
      %add3A_892 = arith.addi %add3A_325, %add3A_891 : i32
      %dma_start3A_893 = arith.constant 120 : i32
      %dma_start3A_894 = arith.constant 0 : i32
      %dma_start3A_895 = tpu.memref_slice %arg9[%rem3A_318, %dma_start3A_893, %dma_start3A_894] : memref<2x320x64xf32, #tpu.memory_space<vmem>> -> memref<1x20x64xf32, #tpu.memory_space<vmem>>
      %dma_start3A_896 = tpu.memref_squeeze %dma_start3A_895 : memref<1x20x64xf32, #tpu.memory_space<vmem>> -> memref<20x64xf32, #tpu.memory_space<vmem>>
      %dma_start3A_897 = arith.constant 0 : i32
      %dma_start3A_898 = arith.constant 0 : i32
      %dma_start3A_899 = tpu.memref_slice %arg6[%add3A_892, %dma_start3A_897, %dma_start3A_898] : memref<4096x20x64xf32, #tpu.memory_space<hbm>> -> memref<1x20x64xf32, #tpu.memory_space<hbm>>
      %dma_start3A_900 = tpu.memref_squeeze %dma_start3A_899 : memref<1x20x64xf32, #tpu.memory_space<hbm>> -> memref<20x64xf32, #tpu.memory_space<hbm>>
      %dma_start3A_901 = arith.constant 0 : i32
      %dma_start3A_902 = arith.constant 0 : i32
      %dma_start3A_903 = tpu.memref_slice %arg6[%add3A_892, %dma_start3A_901, %dma_start3A_902] : memref<4096x20x64xf32, #tpu.memory_space<hbm>> -> memref<1x20x64xf32, #tpu.memory_space<hbm>>
      %dma_start3A_904 = tpu.memref_squeeze %dma_start3A_903 : memref<1x20x64xf32, #tpu.memory_space<hbm>> -> memref<20x64xf32, #tpu.memory_space<hbm>>
      %dma_start3A_905 = arith.constant 120 : i32
      %dma_start3A_906 = arith.constant 0 : i32
      %dma_start3A_907 = tpu.memref_slice %arg9[%rem3A_318, %dma_start3A_905, %dma_start3A_906] : memref<2x320x64xf32, #tpu.memory_space<vmem>> -> memref<1x20x64xf32, #tpu.memory_space<vmem>>
      %dma_start3A_908 = tpu.memref_squeeze %dma_start3A_907 : memref<1x20x64xf32, #tpu.memory_space<vmem>> -> memref<20x64xf32, #tpu.memory_space<vmem>>
      tpu.enqueue_dma source(%dma_start3A_908 : memref<20x64xf32, #tpu.memory_space<vmem>>) target(%dma_start3A_904 : memref<20x64xf32, #tpu.memory_space<hbm>>) target_semaphore(%arg13 : memref<!tpu.dma_semaphore, #tpu.memory_space<semaphore_mem>>)
      %add3A_909 = arith.constant 7 : i32
      %add3A_910 = arith.addi %add3A_325, %add3A_909 : i32
      %dma_start3A_911 = arith.constant 140 : i32
      %dma_start3A_912 = arith.constant 0 : i32
      %dma_start3A_913 = tpu.memref_slice %arg9[%rem3A_318, %dma_start3A_911, %dma_start3A_912] : memref<2x320x64xf32, #tpu.memory_space<vmem>> -> memref<1x20x64xf32, #tpu.memory_space<vmem>>
      %dma_start3A_914 = tpu.memref_squeeze %dma_start3A_913 : memref<1x20x64xf32, #tpu.memory_space<vmem>> -> memref<20x64xf32, #tpu.memory_space<vmem>>
      %dma_start3A_915 = arith.constant 0 : i32
      %dma_start3A_916 = arith.constant 0 : i32
      %dma_start3A_917 = tpu.memref_slice %arg6[%add3A_910, %dma_start3A_915, %dma_start3A_916] : memref<4096x20x64xf32, #tpu.memory_space<hbm>> -> memref<1x20x64xf32, #tpu.memory_space<hbm>>
      %dma_start3A_918 = tpu.memref_squeeze %dma_start3A_917 : memref<1x20x64xf32, #tpu.memory_space<hbm>> -> memref<20x64xf32, #tpu.memory_space<hbm>>
      %dma_start3A_919 = arith.constant 0 : i32
      %dma_start3A_920 = arith.constant 0 : i32
      %dma_start3A_921 = tpu.memref_slice %arg6[%add3A_910, %dma_start3A_919, %dma_start3A_920] : memref<4096x20x64xf32, #tpu.memory_space<hbm>> -> memref<1x20x64xf32, #tpu.memory_space<hbm>>
      %dma_start3A_922 = tpu.memref_squeeze %dma_start3A_921 : memref<1x20x64xf32, #tpu.memory_space<hbm>> -> memref<20x64xf32, #tpu.memory_space<hbm>>
      %dma_start3A_923 = arith.constant 140 : i32
      %dma_start3A_924 = arith.constant 0 : i32
      %dma_start3A_925 = tpu.memref_slice %arg9[%rem3A_318, %dma_start3A_923, %dma_start3A_924] : memref<2x320x64xf32, #tpu.memory_space<vmem>> -> memref<1x20x64xf32, #tpu.memory_space<vmem>>
      %dma_start3A_926 = tpu.memref_squeeze %dma_start3A_925 : memref<1x20x64xf32, #tpu.memory_space<vmem>> -> memref<20x64xf32, #tpu.memory_space<vmem>>
      tpu.enqueue_dma source(%dma_start3A_926 : memref<20x64xf32, #tpu.memory_space<vmem>>) target(%dma_start3A_922 : memref<20x64xf32, #tpu.memory_space<hbm>>) target_semaphore(%arg13 : memref<!tpu.dma_semaphore, #tpu.memory_space<semaphore_mem>>)
      %add3A_927 = arith.constant 8 : i32
      %add3A_928 = arith.addi %add3A_325, %add3A_927 : i32
      %dma_start3A_929 = arith.constant 160 : i32
      %dma_start3A_930 = arith.constant 0 : i32
      %dma_start3A_931 = tpu.memref_slice %arg9[%rem3A_318, %dma_start3A_929, %dma_start3A_930] : memref<2x320x64xf32, #tpu.memory_space<vmem>> -> memref<1x20x64xf32, #tpu.memory_space<vmem>>
      %dma_start3A_932 = tpu.memref_squeeze %dma_start3A_931 : memref<1x20x64xf32, #tpu.memory_space<vmem>> -> memref<20x64xf32, #tpu.memory_space<vmem>>
      %dma_start3A_933 = arith.constant 0 : i32
      %dma_start3A_934 = arith.constant 0 : i32
      %dma_start3A_935 = tpu.memref_slice %arg6[%add3A_928, %dma_start3A_933, %dma_start3A_934] : memref<4096x20x64xf32, #tpu.memory_space<hbm>> -> memref<1x20x64xf32, #tpu.memory_space<hbm>>
      %dma_start3A_936 = tpu.memref_squeeze %dma_start3A_935 : memref<1x20x64xf32, #tpu.memory_space<hbm>> -> memref<20x64xf32, #tpu.memory_space<hbm>>
      %dma_start3A_937 = arith.constant 0 : i32
      %dma_start3A_938 = arith.constant 0 : i32
      %dma_start3A_939 = tpu.memref_slice %arg6[%add3A_928, %dma_start3A_937, %dma_start3A_938] : memref<4096x20x64xf32, #tpu.memory_space<hbm>> -> memref<1x20x64xf32, #tpu.memory_space<hbm>>
      %dma_start3A_940 = tpu.memref_squeeze %dma_start3A_939 : memref<1x20x64xf32, #tpu.memory_space<hbm>> -> memref<20x64xf32, #tpu.memory_space<hbm>>
      %dma_start3A_941 = arith.constant 160 : i32
      %dma_start3A_942 = arith.constant 0 : i32
      %dma_start3A_943 = tpu.memref_slice %arg9[%rem3A_318, %dma_start3A_941, %dma_start3A_942] : memref<2x320x64xf32, #tpu.memory_space<vmem>> -> memref<1x20x64xf32, #tpu.memory_space<vmem>>
      %dma_start3A_944 = tpu.memref_squeeze %dma_start3A_943 : memref<1x20x64xf32, #tpu.memory_space<vmem>> -> memref<20x64xf32, #tpu.memory_space<vmem>>
      tpu.enqueue_dma source(%dma_start3A_944 : memref<20x64xf32, #tpu.memory_space<vmem>>) target(%dma_start3A_940 : memref<20x64xf32, #tpu.memory_space<hbm>>) target_semaphore(%arg13 : memref<!tpu.dma_semaphore, #tpu.memory_space<semaphore_mem>>)
      %add3A_945 = arith.constant 9 : i32
      %add3A_946 = arith.addi %add3A_325, %add3A_945 : i32
      %dma_start3A_947 = arith.constant 180 : i32
      %dma_start3A_948 = arith.constant 0 : i32
      %dma_start3A_949 = tpu.memref_slice %arg9[%rem3A_318, %dma_start3A_947, %dma_start3A_948] : memref<2x320x64xf32, #tpu.memory_space<vmem>> -> memref<1x20x64xf32, #tpu.memory_space<vmem>>
      %dma_start3A_950 = tpu.memref_squeeze %dma_start3A_949 : memref<1x20x64xf32, #tpu.memory_space<vmem>> -> memref<20x64xf32, #tpu.memory_space<vmem>>
      %dma_start3A_951 = arith.constant 0 : i32
      %dma_start3A_952 = arith.constant 0 : i32
      %dma_start3A_953 = tpu.memref_slice %arg6[%add3A_946, %dma_start3A_951, %dma_start3A_952] : memref<4096x20x64xf32, #tpu.memory_space<hbm>> -> memref<1x20x64xf32, #tpu.memory_space<hbm>>
      %dma_start3A_954 = tpu.memref_squeeze %dma_start3A_953 : memref<1x20x64xf32, #tpu.memory_space<hbm>> -> memref<20x64xf32, #tpu.memory_space<hbm>>
      %dma_start3A_955 = arith.constant 0 : i32
      %dma_start3A_956 = arith.constant 0 : i32
      %dma_start3A_957 = tpu.memref_slice %arg6[%add3A_946, %dma_start3A_955, %dma_start3A_956] : memref<4096x20x64xf32, #tpu.memory_space<hbm>> -> memref<1x20x64xf32, #tpu.memory_space<hbm>>
      %dma_start3A_958 = tpu.memref_squeeze %dma_start3A_957 : memref<1x20x64xf32, #tpu.memory_space<hbm>> -> memref<20x64xf32, #tpu.memory_space<hbm>>
      %dma_start3A_959 = arith.constant 180 : i32
      %dma_start3A_960 = arith.constant 0 : i32
      %dma_start3A_961 = tpu.memref_slice %arg9[%rem3A_318, %dma_start3A_959, %dma_start3A_960] : memref<2x320x64xf32, #tpu.memory_space<vmem>> -> memref<1x20x64xf32, #tpu.memory_space<vmem>>
      %dma_start3A_962 = tpu.memref_squeeze %dma_start3A_961 : memref<1x20x64xf32, #tpu.memory_space<vmem>> -> memref<20x64xf32, #tpu.memory_space<vmem>>
      tpu.enqueue_dma source(%dma_start3A_962 : memref<20x64xf32, #tpu.memory_space<vmem>>) target(%dma_start3A_958 : memref<20x64xf32, #tpu.memory_space<hbm>>) target_semaphore(%arg13 : memref<!tpu.dma_semaphore, #tpu.memory_space<semaphore_mem>>)
      %add3A_963 = arith.constant 10 : i32
      %add3A_964 = arith.addi %add3A_325, %add3A_963 : i32
      %dma_start3A_965 = arith.constant 200 : i32
      %dma_start3A_966 = arith.constant 0 : i32
      %dma_start3A_967 = tpu.memref_slice %arg9[%rem3A_318, %dma_start3A_965, %dma_start3A_966] : memref<2x320x64xf32, #tpu.memory_space<vmem>> -> memref<1x20x64xf32, #tpu.memory_space<vmem>>
      %dma_start3A_968 = tpu.memref_squeeze %dma_start3A_967 : memref<1x20x64xf32, #tpu.memory_space<vmem>> -> memref<20x64xf32, #tpu.memory_space<vmem>>
      %dma_start3A_969 = arith.constant 0 : i32
      %dma_start3A_970 = arith.constant 0 : i32
      %dma_start3A_971 = tpu.memref_slice %arg6[%add3A_964, %dma_start3A_969, %dma_start3A_970] : memref<4096x20x64xf32, #tpu.memory_space<hbm>> -> memref<1x20x64xf32, #tpu.memory_space<hbm>>
      %dma_start3A_972 = tpu.memref_squeeze %dma_start3A_971 : memref<1x20x64xf32, #tpu.memory_space<hbm>> -> memref<20x64xf32, #tpu.memory_space<hbm>>
      %dma_start3A_973 = arith.constant 0 : i32
      %dma_start3A_974 = arith.constant 0 : i32
      %dma_start3A_975 = tpu.memref_slice %arg6[%add3A_964, %dma_start3A_973, %dma_start3A_974] : memref<4096x20x64xf32, #tpu.memory_space<hbm>> -> memref<1x20x64xf32, #tpu.memory_space<hbm>>
      %dma_start3A_976 = tpu.memref_squeeze %dma_start3A_975 : memref<1x20x64xf32, #tpu.memory_space<hbm>> -> memref<20x64xf32, #tpu.memory_space<hbm>>
      %dma_start3A_977 = arith.constant 200 : i32
      %dma_start3A_978 = arith.constant 0 : i32
      %dma_start3A_979 = tpu.memref_slice %arg9[%rem3A_318, %dma_start3A_977, %dma_start3A_978] : memref<2x320x64xf32, #tpu.memory_space<vmem>> -> memref<1x20x64xf32, #tpu.memory_space<vmem>>
      %dma_start3A_980 = tpu.memref_squeeze %dma_start3A_979 : memref<1x20x64xf32, #tpu.memory_space<vmem>> -> memref<20x64xf32, #tpu.memory_space<vmem>>
      tpu.enqueue_dma source(%dma_start3A_980 : memref<20x64xf32, #tpu.memory_space<vmem>>) target(%dma_start3A_976 : memref<20x64xf32, #tpu.memory_space<hbm>>) target_semaphore(%arg13 : memref<!tpu.dma_semaphore, #tpu.memory_space<semaphore_mem>>)
      %add3A_981 = arith.constant 11 : i32
      %add3A_982 = arith.addi %add3A_325, %add3A_981 : i32
      %dma_start3A_983 = arith.constant 220 : i32
      %dma_start3A_984 = arith.constant 0 : i32
      %dma_start3A_985 = tpu.memref_slice %arg9[%rem3A_318, %dma_start3A_983, %dma_start3A_984] : memref<2x320x64xf32, #tpu.memory_space<vmem>> -> memref<1x20x64xf32, #tpu.memory_space<vmem>>
      %dma_start3A_986 = tpu.memref_squeeze %dma_start3A_985 : memref<1x20x64xf32, #tpu.memory_space<vmem>> -> memref<20x64xf32, #tpu.memory_space<vmem>>
      %dma_start3A_987 = arith.constant 0 : i32
      %dma_start3A_988 = arith.constant 0 : i32
      %dma_start3A_989 = tpu.memref_slice %arg6[%add3A_982, %dma_start3A_987, %dma_start3A_988] : memref<4096x20x64xf32, #tpu.memory_space<hbm>> -> memref<1x20x64xf32, #tpu.memory_space<hbm>>
      %dma_start3A_990 = tpu.memref_squeeze %dma_start3A_989 : memref<1x20x64xf32, #tpu.memory_space<hbm>> -> memref<20x64xf32, #tpu.memory_space<hbm>>
      %dma_start3A_991 = arith.constant 0 : i32
      %dma_start3A_992 = arith.constant 0 : i32
      %dma_start3A_993 = tpu.memref_slice %arg6[%add3A_982, %dma_start3A_991, %dma_start3A_992] : memref<4096x20x64xf32, #tpu.memory_space<hbm>> -> memref<1x20x64xf32, #tpu.memory_space<hbm>>
      %dma_start3A_994 = tpu.memref_squeeze %dma_start3A_993 : memref<1x20x64xf32, #tpu.memory_space<hbm>> -> memref<20x64xf32, #tpu.memory_space<hbm>>
      %dma_start3A_995 = arith.constant 220 : i32
      %dma_start3A_996 = arith.constant 0 : i32
      %dma_start3A_997 = tpu.memref_slice %arg9[%rem3A_318, %dma_start3A_995, %dma_start3A_996] : memref<2x320x64xf32, #tpu.memory_space<vmem>> -> memref<1x20x64xf32, #tpu.memory_space<vmem>>
      %dma_start3A_998 = tpu.memref_squeeze %dma_start3A_997 : memref<1x20x64xf32, #tpu.memory_space<vmem>> -> memref<20x64xf32, #tpu.memory_space<vmem>>
      tpu.enqueue_dma source(%dma_start3A_998 : memref<20x64xf32, #tpu.memory_space<vmem>>) target(%dma_start3A_994 : memref<20x64xf32, #tpu.memory_space<hbm>>) target_semaphore(%arg13 : memref<!tpu.dma_semaphore, #tpu.memory_space<semaphore_mem>>)
      %add3A_999 = arith.constant 12 : i32
      %add3A_1000 = arith.addi %add3A_325, %add3A_999 : i32
      %dma_start3A_1001 = arith.constant 240 : i32
      %dma_start3A_1002 = arith.constant 0 : i32
      %dma_start3A_1003 = tpu.memref_slice %arg9[%rem3A_318, %dma_start3A_1001, %dma_start3A_1002] : memref<2x320x64xf32, #tpu.memory_space<vmem>> -> memref<1x20x64xf32, #tpu.memory_space<vmem>>
      %dma_start3A_1004 = tpu.memref_squeeze %dma_start3A_1003 : memref<1x20x64xf32, #tpu.memory_space<vmem>> -> memref<20x64xf32, #tpu.memory_space<vmem>>
      %dma_start3A_1005 = arith.constant 0 : i32
      %dma_start3A_1006 = arith.constant 0 : i32
      %dma_start3A_1007 = tpu.memref_slice %arg6[%add3A_1000, %dma_start3A_1005, %dma_start3A_1006] : memref<4096x20x64xf32, #tpu.memory_space<hbm>> -> memref<1x20x64xf32, #tpu.memory_space<hbm>>
      %dma_start3A_1008 = tpu.memref_squeeze %dma_start3A_1007 : memref<1x20x64xf32, #tpu.memory_space<hbm>> -> memref<20x64xf32, #tpu.memory_space<hbm>>
      %dma_start3A_1009 = arith.constant 0 : i32
      %dma_start3A_1010 = arith.constant 0 : i32
      %dma_start3A_1011 = tpu.memref_slice %arg6[%add3A_1000, %dma_start3A_1009, %dma_start3A_1010] : memref<4096x20x64xf32, #tpu.memory_space<hbm>> -> memref<1x20x64xf32, #tpu.memory_space<hbm>>
      %dma_start3A_1012 = tpu.memref_squeeze %dma_start3A_1011 : memref<1x20x64xf32, #tpu.memory_space<hbm>> -> memref<20x64xf32, #tpu.memory_space<hbm>>
      %dma_start3A_1013 = arith.constant 240 : i32
      %dma_start3A_1014 = arith.constant 0 : i32
      %dma_start3A_1015 = tpu.memref_slice %arg9[%rem3A_318, %dma_start3A_1013, %dma_start3A_1014] : memref<2x320x64xf32, #tpu.memory_space<vmem>> -> memref<1x20x64xf32, #tpu.memory_space<vmem>>
      %dma_start3A_1016 = tpu.memref_squeeze %dma_start3A_1015 : memref<1x20x64xf32, #tpu.memory_space<vmem>> -> memref<20x64xf32, #tpu.memory_space<vmem>>
      tpu.enqueue_dma source(%dma_start3A_1016 : memref<20x64xf32, #tpu.memory_space<vmem>>) target(%dma_start3A_1012 : memref<20x64xf32, #tpu.memory_space<hbm>>) target_semaphore(%arg13 : memref<!tpu.dma_semaphore, #tpu.memory_space<semaphore_mem>>)
      %add3A_1017 = arith.constant 13 : i32
      %add3A_1018 = arith.addi %add3A_325, %add3A_1017 : i32
      %dma_start3A_1019 = arith.constant 260 : i32
      %dma_start3A_1020 = arith.constant 0 : i32
      %dma_start3A_1021 = tpu.memref_slice %arg9[%rem3A_318, %dma_start3A_1019, %dma_start3A_1020] : memref<2x320x64xf32, #tpu.memory_space<vmem>> -> memref<1x20x64xf32, #tpu.memory_space<vmem>>
      %dma_start3A_1022 = tpu.memref_squeeze %dma_start3A_1021 : memref<1x20x64xf32, #tpu.memory_space<vmem>> -> memref<20x64xf32, #tpu.memory_space<vmem>>
      %dma_start3A_1023 = arith.constant 0 : i32
      %dma_start3A_1024 = arith.constant 0 : i32
      %dma_start3A_1025 = tpu.memref_slice %arg6[%add3A_1018, %dma_start3A_1023, %dma_start3A_1024] : memref<4096x20x64xf32, #tpu.memory_space<hbm>> -> memref<1x20x64xf32, #tpu.memory_space<hbm>>
      %dma_start3A_1026 = tpu.memref_squeeze %dma_start3A_1025 : memref<1x20x64xf32, #tpu.memory_space<hbm>> -> memref<20x64xf32, #tpu.memory_space<hbm>>
      %dma_start3A_1027 = arith.constant 0 : i32
      %dma_start3A_1028 = arith.constant 0 : i32
      %dma_start3A_1029 = tpu.memref_slice %arg6[%add3A_1018, %dma_start3A_1027, %dma_start3A_1028] : memref<4096x20x64xf32, #tpu.memory_space<hbm>> -> memref<1x20x64xf32, #tpu.memory_space<hbm>>
      %dma_start3A_1030 = tpu.memref_squeeze %dma_start3A_1029 : memref<1x20x64xf32, #tpu.memory_space<hbm>> -> memref<20x64xf32, #tpu.memory_space<hbm>>
      %dma_start3A_1031 = arith.constant 260 : i32
      %dma_start3A_1032 = arith.constant 0 : i32
      %dma_start3A_1033 = tpu.memref_slice %arg9[%rem3A_318, %dma_start3A_1031, %dma_start3A_1032] : memref<2x320x64xf32, #tpu.memory_space<vmem>> -> memref<1x20x64xf32, #tpu.memory_space<vmem>>
      %dma_start3A_1034 = tpu.memref_squeeze %dma_start3A_1033 : memref<1x20x64xf32, #tpu.memory_space<vmem>> -> memref<20x64xf32, #tpu.memory_space<vmem>>
      tpu.enqueue_dma source(%dma_start3A_1034 : memref<20x64xf32, #tpu.memory_space<vmem>>) target(%dma_start3A_1030 : memref<20x64xf32, #tpu.memory_space<hbm>>) target_semaphore(%arg13 : memref<!tpu.dma_semaphore, #tpu.memory_space<semaphore_mem>>)
      %add3A_1035 = arith.constant 14 : i32
      %add3A_1036 = arith.addi %add3A_325, %add3A_1035 : i32
      %dma_start3A_1037 = arith.constant 280 : i32
      %dma_start3A_1038 = arith.constant 0 : i32
      %dma_start3A_1039 = tpu.memref_slice %arg9[%rem3A_318, %dma_start3A_1037, %dma_start3A_1038] : memref<2x320x64xf32, #tpu.memory_space<vmem>> -> memref<1x20x64xf32, #tpu.memory_space<vmem>>
      %dma_start3A_1040 = tpu.memref_squeeze %dma_start3A_1039 : memref<1x20x64xf32, #tpu.memory_space<vmem>> -> memref<20x64xf32, #tpu.memory_space<vmem>>
      %dma_start3A_1041 = arith.constant 0 : i32
      %dma_start3A_1042 = arith.constant 0 : i32
      %dma_start3A_1043 = tpu.memref_slice %arg6[%add3A_1036, %dma_start3A_1041, %dma_start3A_1042] : memref<4096x20x64xf32, #tpu.memory_space<hbm>> -> memref<1x20x64xf32, #tpu.memory_space<hbm>>
      %dma_start3A_1044 = tpu.memref_squeeze %dma_start3A_1043 : memref<1x20x64xf32, #tpu.memory_space<hbm>> -> memref<20x64xf32, #tpu.memory_space<hbm>>
      %dma_start3A_1045 = arith.constant 0 : i32
      %dma_start3A_1046 = arith.constant 0 : i32
      %dma_start3A_1047 = tpu.memref_slice %arg6[%add3A_1036, %dma_start3A_1045, %dma_start3A_1046] : memref<4096x20x64xf32, #tpu.memory_space<hbm>> -> memref<1x20x64xf32, #tpu.memory_space<hbm>>
      %dma_start3A_1048 = tpu.memref_squeeze %dma_start3A_1047 : memref<1x20x64xf32, #tpu.memory_space<hbm>> -> memref<20x64xf32, #tpu.memory_space<hbm>>
      %dma_start3A_1049 = arith.constant 280 : i32
      %dma_start3A_1050 = arith.constant 0 : i32
      %dma_start3A_1051 = tpu.memref_slice %arg9[%rem3A_318, %dma_start3A_1049, %dma_start3A_1050] : memref<2x320x64xf32, #tpu.memory_space<vmem>> -> memref<1x20x64xf32, #tpu.memory_space<vmem>>
      %dma_start3A_1052 = tpu.memref_squeeze %dma_start3A_1051 : memref<1x20x64xf32, #tpu.memory_space<vmem>> -> memref<20x64xf32, #tpu.memory_space<vmem>>
      tpu.enqueue_dma source(%dma_start3A_1052 : memref<20x64xf32, #tpu.memory_space<vmem>>) target(%dma_start3A_1048 : memref<20x64xf32, #tpu.memory_space<hbm>>) target_semaphore(%arg13 : memref<!tpu.dma_semaphore, #tpu.memory_space<semaphore_mem>>)
      %add3A_1053 = arith.constant 15 : i32
      %add3A_1054 = arith.addi %add3A_325, %add3A_1053 : i32
      %dma_start3A_1055 = arith.constant 300 : i32
      %dma_start3A_1056 = arith.constant 0 : i32
      %dma_start3A_1057 = tpu.memref_slice %arg9[%rem3A_318, %dma_start3A_1055, %dma_start3A_1056] : memref<2x320x64xf32, #tpu.memory_space<vmem>> -> memref<1x20x64xf32, #tpu.memory_space<vmem>>
      %dma_start3A_1058 = tpu.memref_squeeze %dma_start3A_1057 : memref<1x20x64xf32, #tpu.memory_space<vmem>> -> memref<20x64xf32, #tpu.memory_space<vmem>>
      %dma_start3A_1059 = arith.constant 0 : i32
      %dma_start3A_1060 = arith.constant 0 : i32
      %dma_start3A_1061 = tpu.memref_slice %arg6[%add3A_1054, %dma_start3A_1059, %dma_start3A_1060] : memref<4096x20x64xf32, #tpu.memory_space<hbm>> -> memref<1x20x64xf32, #tpu.memory_space<hbm>>
      %dma_start3A_1062 = tpu.memref_squeeze %dma_start3A_1061 : memref<1x20x64xf32, #tpu.memory_space<hbm>> -> memref<20x64xf32, #tpu.memory_space<hbm>>
      %dma_start3A_1063 = arith.constant 0 : i32
      %dma_start3A_1064 = arith.constant 0 : i32
      %dma_start3A_1065 = tpu.memref_slice %arg6[%add3A_1054, %dma_start3A_1063, %dma_start3A_1064] : memref<4096x20x64xf32, #tpu.memory_space<hbm>> -> memref<1x20x64xf32, #tpu.memory_space<hbm>>
      %dma_start3A_1066 = tpu.memref_squeeze %dma_start3A_1065 : memref<1x20x64xf32, #tpu.memory_space<hbm>> -> memref<20x64xf32, #tpu.memory_space<hbm>>
      %dma_start3A_1067 = arith.constant 300 : i32
      %dma_start3A_1068 = arith.constant 0 : i32
      %dma_start3A_1069 = tpu.memref_slice %arg9[%rem3A_318, %dma_start3A_1067, %dma_start3A_1068] : memref<2x320x64xf32, #tpu.memory_space<vmem>> -> memref<1x20x64xf32, #tpu.memory_space<vmem>>
      %dma_start3A_1070 = tpu.memref_squeeze %dma_start3A_1069 : memref<1x20x64xf32, #tpu.memory_space<vmem>> -> memref<20x64xf32, #tpu.memory_space<vmem>>
      tpu.enqueue_dma source(%dma_start3A_1070 : memref<20x64xf32, #tpu.memory_space<vmem>>) target(%dma_start3A_1066 : memref<20x64xf32, #tpu.memory_space<hbm>>) target_semaphore(%arg13 : memref<!tpu.dma_semaphore, #tpu.memory_space<semaphore_mem>>)
    }
    %scan3A_26 = arith.constant 8 : i32
    %rem3A = arith.constant 7 : i32
    %rem3A_27 = arith.constant 2 : i32
    %rem3A_28 = arith.remsi %rem3A, %rem3A_27 : i32
    %add3A_29 = arith.constant 0 : i32
    %add3A_30 = arith.addi %mul3A_2, %add3A_29 : i32
    %dma_wait3A = arith.constant 0 : i32
    %dma_wait3A_31 = arith.constant 0 : i32
    %dma_wait3A_32 = tpu.memref_slice %arg9[%rem3A_28, %dma_wait3A, %dma_wait3A_31] : memref<2x320x64xf32, #tpu.memory_space<vmem>> -> memref<1x20x64xf32, #tpu.memory_space<vmem>>
    %dma_wait3A_33 = tpu.memref_squeeze %dma_wait3A_32 : memref<1x20x64xf32, #tpu.memory_space<vmem>> -> memref<20x64xf32, #tpu.memory_space<vmem>>
    %dma_wait3A_34 = arith.constant 0 : i32
    %dma_wait3A_35 = arith.constant 0 : i32
    %dma_wait3A_36 = tpu.memref_slice %arg6[%add3A_30, %dma_wait3A_34, %dma_wait3A_35] : memref<4096x20x64xf32, #tpu.memory_space<hbm>> -> memref<1x20x64xf32, #tpu.memory_space<hbm>>
    %dma_wait3A_37 = tpu.memref_squeeze %dma_wait3A_36 : memref<1x20x64xf32, #tpu.memory_space<hbm>> -> memref<20x64xf32, #tpu.memory_space<hbm>>
    %dma_wait3A_38 = arith.constant 0 : i32
    %dma_wait3A_39 = arith.constant 0 : i32
    %dma_wait3A_40 = tpu.memref_slice %arg6[%add3A_30, %dma_wait3A_38, %dma_wait3A_39] : memref<4096x20x64xf32, #tpu.memory_space<hbm>> -> memref<1x20x64xf32, #tpu.memory_space<hbm>>
    %dma_wait3A_41 = tpu.memref_squeeze %dma_wait3A_40 : memref<1x20x64xf32, #tpu.memory_space<hbm>> -> memref<20x64xf32, #tpu.memory_space<hbm>>
    %dma_wait3A_42 = arith.constant 0 : i32
    %dma_wait3A_43 = arith.constant 0 : i32
    %dma_wait3A_44 = tpu.memref_slice %arg9[%rem3A_28, %dma_wait3A_42, %dma_wait3A_43] : memref<2x320x64xf32, #tpu.memory_space<vmem>> -> memref<1x20x64xf32, #tpu.memory_space<vmem>>
    %dma_wait3A_45 = tpu.memref_squeeze %dma_wait3A_44 : memref<1x20x64xf32, #tpu.memory_space<vmem>> -> memref<20x64xf32, #tpu.memory_space<vmem>>
    tpu.wait_dma2 semaphore(%arg13 : memref<!tpu.dma_semaphore, #tpu.memory_space<semaphore_mem>>) src(%dma_wait3A_45 : memref<20x64xf32, #tpu.memory_space<vmem>>) dst(%dma_wait3A_41 : memref<20x64xf32, #tpu.memory_space<hbm>>)
    %add3A_46 = arith.constant 1 : i32
    %add3A_47 = arith.addi %mul3A_2, %add3A_46 : i32
    %dma_wait3A_48 = arith.constant 20 : i32
    %dma_wait3A_49 = arith.constant 0 : i32
    %dma_wait3A_50 = tpu.memref_slice %arg9[%rem3A_28, %dma_wait3A_48, %dma_wait3A_49] : memref<2x320x64xf32, #tpu.memory_space<vmem>> -> memref<1x20x64xf32, #tpu.memory_space<vmem>>
    %dma_wait3A_51 = tpu.memref_squeeze %dma_wait3A_50 : memref<1x20x64xf32, #tpu.memory_space<vmem>> -> memref<20x64xf32, #tpu.memory_space<vmem>>
    %dma_wait3A_52 = arith.constant 0 : i32
    %dma_wait3A_53 = arith.constant 0 : i32
    %dma_wait3A_54 = tpu.memref_slice %arg6[%add3A_47, %dma_wait3A_52, %dma_wait3A_53] : memref<4096x20x64xf32, #tpu.memory_space<hbm>> -> memref<1x20x64xf32, #tpu.memory_space<hbm>>
    %dma_wait3A_55 = tpu.memref_squeeze %dma_wait3A_54 : memref<1x20x64xf32, #tpu.memory_space<hbm>> -> memref<20x64xf32, #tpu.memory_space<hbm>>
    %dma_wait3A_56 = arith.constant 0 : i32
    %dma_wait3A_57 = arith.constant 0 : i32
    %dma_wait3A_58 = tpu.memref_slice %arg6[%add3A_47, %dma_wait3A_56, %dma_wait3A_57] : memref<4096x20x64xf32, #tpu.memory_space<hbm>> -> memref<1x20x64xf32, #tpu.memory_space<hbm>>
    %dma_wait3A_59 = tpu.memref_squeeze %dma_wait3A_58 : memref<1x20x64xf32, #tpu.memory_space<hbm>> -> memref<20x64xf32, #tpu.memory_space<hbm>>
    %dma_wait3A_60 = arith.constant 20 : i32
    %dma_wait3A_61 = arith.constant 0 : i32
    %dma_wait3A_62 = tpu.memref_slice %arg9[%rem3A_28, %dma_wait3A_60, %dma_wait3A_61] : memref<2x320x64xf32, #tpu.memory_space<vmem>> -> memref<1x20x64xf32, #tpu.memory_space<vmem>>
    %dma_wait3A_63 = tpu.memref_squeeze %dma_wait3A_62 : memref<1x20x64xf32, #tpu.memory_space<vmem>> -> memref<20x64xf32, #tpu.memory_space<vmem>>
    tpu.wait_dma2 semaphore(%arg13 : memref<!tpu.dma_semaphore, #tpu.memory_space<semaphore_mem>>) src(%dma_wait3A_63 : memref<20x64xf32, #tpu.memory_space<vmem>>) dst(%dma_wait3A_59 : memref<20x64xf32, #tpu.memory_space<hbm>>)
    %add3A_64 = arith.constant 2 : i32
    %add3A_65 = arith.addi %mul3A_2, %add3A_64 : i32
    %dma_wait3A_66 = arith.constant 40 : i32
    %dma_wait3A_67 = arith.constant 0 : i32
    %dma_wait3A_68 = tpu.memref_slice %arg9[%rem3A_28, %dma_wait3A_66, %dma_wait3A_67] : memref<2x320x64xf32, #tpu.memory_space<vmem>> -> memref<1x20x64xf32, #tpu.memory_space<vmem>>
    %dma_wait3A_69 = tpu.memref_squeeze %dma_wait3A_68 : memref<1x20x64xf32, #tpu.memory_space<vmem>> -> memref<20x64xf32, #tpu.memory_space<vmem>>
    %dma_wait3A_70 = arith.constant 0 : i32
    %dma_wait3A_71 = arith.constant 0 : i32
    %dma_wait3A_72 = tpu.memref_slice %arg6[%add3A_65, %dma_wait3A_70, %dma_wait3A_71] : memref<4096x20x64xf32, #tpu.memory_space<hbm>> -> memref<1x20x64xf32, #tpu.memory_space<hbm>>
    %dma_wait3A_73 = tpu.memref_squeeze %dma_wait3A_72 : memref<1x20x64xf32, #tpu.memory_space<hbm>> -> memref<20x64xf32, #tpu.memory_space<hbm>>
    %dma_wait3A_74 = arith.constant 0 : i32
    %dma_wait3A_75 = arith.constant 0 : i32
    %dma_wait3A_76 = tpu.memref_slice %arg6[%add3A_65, %dma_wait3A_74, %dma_wait3A_75] : memref<4096x20x64xf32, #tpu.memory_space<hbm>> -> memref<1x20x64xf32, #tpu.memory_space<hbm>>
    %dma_wait3A_77 = tpu.memref_squeeze %dma_wait3A_76 : memref<1x20x64xf32, #tpu.memory_space<hbm>> -> memref<20x64xf32, #tpu.memory_space<hbm>>
    %dma_wait3A_78 = arith.constant 40 : i32
    %dma_wait3A_79 = arith.constant 0 : i32
    %dma_wait3A_80 = tpu.memref_slice %arg9[%rem3A_28, %dma_wait3A_78, %dma_wait3A_79] : memref<2x320x64xf32, #tpu.memory_space<vmem>> -> memref<1x20x64xf32, #tpu.memory_space<vmem>>
    %dma_wait3A_81 = tpu.memref_squeeze %dma_wait3A_80 : memref<1x20x64xf32, #tpu.memory_space<vmem>> -> memref<20x64xf32, #tpu.memory_space<vmem>>
    tpu.wait_dma2 semaphore(%arg13 : memref<!tpu.dma_semaphore, #tpu.memory_space<semaphore_mem>>) src(%dma_wait3A_81 : memref<20x64xf32, #tpu.memory_space<vmem>>) dst(%dma_wait3A_77 : memref<20x64xf32, #tpu.memory_space<hbm>>)
    %add3A_82 = arith.constant 3 : i32
    %add3A_83 = arith.addi %mul3A_2, %add3A_82 : i32
    %dma_wait3A_84 = arith.constant 60 : i32
    %dma_wait3A_85 = arith.constant 0 : i32
    %dma_wait3A_86 = tpu.memref_slice %arg9[%rem3A_28, %dma_wait3A_84, %dma_wait3A_85] : memref<2x320x64xf32, #tpu.memory_space<vmem>> -> memref<1x20x64xf32, #tpu.memory_space<vmem>>
    %dma_wait3A_87 = tpu.memref_squeeze %dma_wait3A_86 : memref<1x20x64xf32, #tpu.memory_space<vmem>> -> memref<20x64xf32, #tpu.memory_space<vmem>>
    %dma_wait3A_88 = arith.constant 0 : i32
    %dma_wait3A_89 = arith.constant 0 : i32
    %dma_wait3A_90 = tpu.memref_slice %arg6[%add3A_83, %dma_wait3A_88, %dma_wait3A_89] : memref<4096x20x64xf32, #tpu.memory_space<hbm>> -> memref<1x20x64xf32, #tpu.memory_space<hbm>>
    %dma_wait3A_91 = tpu.memref_squeeze %dma_wait3A_90 : memref<1x20x64xf32, #tpu.memory_space<hbm>> -> memref<20x64xf32, #tpu.memory_space<hbm>>
    %dma_wait3A_92 = arith.constant 0 : i32
    %dma_wait3A_93 = arith.constant 0 : i32
    %dma_wait3A_94 = tpu.memref_slice %arg6[%add3A_83, %dma_wait3A_92, %dma_wait3A_93] : memref<4096x20x64xf32, #tpu.memory_space<hbm>> -> memref<1x20x64xf32, #tpu.memory_space<hbm>>
    %dma_wait3A_95 = tpu.memref_squeeze %dma_wait3A_94 : memref<1x20x64xf32, #tpu.memory_space<hbm>> -> memref<20x64xf32, #tpu.memory_space<hbm>>
    %dma_wait3A_96 = arith.constant 60 : i32
    %dma_wait3A_97 = arith.constant 0 : i32
    %dma_wait3A_98 = tpu.memref_slice %arg9[%rem3A_28, %dma_wait3A_96, %dma_wait3A_97] : memref<2x320x64xf32, #tpu.memory_space<vmem>> -> memref<1x20x64xf32, #tpu.memory_space<vmem>>
    %dma_wait3A_99 = tpu.memref_squeeze %dma_wait3A_98 : memref<1x20x64xf32, #tpu.memory_space<vmem>> -> memref<20x64xf32, #tpu.memory_space<vmem>>
    tpu.wait_dma2 semaphore(%arg13 : memref<!tpu.dma_semaphore, #tpu.memory_space<semaphore_mem>>) src(%dma_wait3A_99 : memref<20x64xf32, #tpu.memory_space<vmem>>) dst(%dma_wait3A_95 : memref<20x64xf32, #tpu.memory_space<hbm>>)
    %add3A_100 = arith.constant 4 : i32
    %add3A_101 = arith.addi %mul3A_2, %add3A_100 : i32
    %dma_wait3A_102 = arith.constant 80 : i32
    %dma_wait3A_103 = arith.constant 0 : i32
    %dma_wait3A_104 = tpu.memref_slice %arg9[%rem3A_28, %dma_wait3A_102, %dma_wait3A_103] : memref<2x320x64xf32, #tpu.memory_space<vmem>> -> memref<1x20x64xf32, #tpu.memory_space<vmem>>
    %dma_wait3A_105 = tpu.memref_squeeze %dma_wait3A_104 : memref<1x20x64xf32, #tpu.memory_space<vmem>> -> memref<20x64xf32, #tpu.memory_space<vmem>>
    %dma_wait3A_106 = arith.constant 0 : i32
    %dma_wait3A_107 = arith.constant 0 : i32
    %dma_wait3A_108 = tpu.memref_slice %arg6[%add3A_101, %dma_wait3A_106, %dma_wait3A_107] : memref<4096x20x64xf32, #tpu.memory_space<hbm>> -> memref<1x20x64xf32, #tpu.memory_space<hbm>>
    %dma_wait3A_109 = tpu.memref_squeeze %dma_wait3A_108 : memref<1x20x64xf32, #tpu.memory_space<hbm>> -> memref<20x64xf32, #tpu.memory_space<hbm>>
    %dma_wait3A_110 = arith.constant 0 : i32
    %dma_wait3A_111 = arith.constant 0 : i32
    %dma_wait3A_112 = tpu.memref_slice %arg6[%add3A_101, %dma_wait3A_110, %dma_wait3A_111] : memref<4096x20x64xf32, #tpu.memory_space<hbm>> -> memref<1x20x64xf32, #tpu.memory_space<hbm>>
    %dma_wait3A_113 = tpu.memref_squeeze %dma_wait3A_112 : memref<1x20x64xf32, #tpu.memory_space<hbm>> -> memref<20x64xf32, #tpu.memory_space<hbm>>
    %dma_wait3A_114 = arith.constant 80 : i32
    %dma_wait3A_115 = arith.constant 0 : i32
    %dma_wait3A_116 = tpu.memref_slice %arg9[%rem3A_28, %dma_wait3A_114, %dma_wait3A_115] : memref<2x320x64xf32, #tpu.memory_space<vmem>> -> memref<1x20x64xf32, #tpu.memory_space<vmem>>
    %dma_wait3A_117 = tpu.memref_squeeze %dma_wait3A_116 : memref<1x20x64xf32, #tpu.memory_space<vmem>> -> memref<20x64xf32, #tpu.memory_space<vmem>>
    tpu.wait_dma2 semaphore(%arg13 : memref<!tpu.dma_semaphore, #tpu.memory_space<semaphore_mem>>) src(%dma_wait3A_117 : memref<20x64xf32, #tpu.memory_space<vmem>>) dst(%dma_wait3A_113 : memref<20x64xf32, #tpu.memory_space<hbm>>)
    %add3A_118 = arith.constant 5 : i32
    %add3A_119 = arith.addi %mul3A_2, %add3A_118 : i32
    %dma_wait3A_120 = arith.constant 100 : i32
    %dma_wait3A_121 = arith.constant 0 : i32
    %dma_wait3A_122 = tpu.memref_slice %arg9[%rem3A_28, %dma_wait3A_120, %dma_wait3A_121] : memref<2x320x64xf32, #tpu.memory_space<vmem>> -> memref<1x20x64xf32, #tpu.memory_space<vmem>>
    %dma_wait3A_123 = tpu.memref_squeeze %dma_wait3A_122 : memref<1x20x64xf32, #tpu.memory_space<vmem>> -> memref<20x64xf32, #tpu.memory_space<vmem>>
    %dma_wait3A_124 = arith.constant 0 : i32
    %dma_wait3A_125 = arith.constant 0 : i32
    %dma_wait3A_126 = tpu.memref_slice %arg6[%add3A_119, %dma_wait3A_124, %dma_wait3A_125] : memref<4096x20x64xf32, #tpu.memory_space<hbm>> -> memref<1x20x64xf32, #tpu.memory_space<hbm>>
    %dma_wait3A_127 = tpu.memref_squeeze %dma_wait3A_126 : memref<1x20x64xf32, #tpu.memory_space<hbm>> -> memref<20x64xf32, #tpu.memory_space<hbm>>
    %dma_wait3A_128 = arith.constant 0 : i32
    %dma_wait3A_129 = arith.constant 0 : i32
    %dma_wait3A_130 = tpu.memref_slice %arg6[%add3A_119, %dma_wait3A_128, %dma_wait3A_129] : memref<4096x20x64xf32, #tpu.memory_space<hbm>> -> memref<1x20x64xf32, #tpu.memory_space<hbm>>
    %dma_wait3A_131 = tpu.memref_squeeze %dma_wait3A_130 : memref<1x20x64xf32, #tpu.memory_space<hbm>> -> memref<20x64xf32, #tpu.memory_space<hbm>>
    %dma_wait3A_132 = arith.constant 100 : i32
    %dma_wait3A_133 = arith.constant 0 : i32
    %dma_wait3A_134 = tpu.memref_slice %arg9[%rem3A_28, %dma_wait3A_132, %dma_wait3A_133] : memref<2x320x64xf32, #tpu.memory_space<vmem>> -> memref<1x20x64xf32, #tpu.memory_space<vmem>>
    %dma_wait3A_135 = tpu.memref_squeeze %dma_wait3A_134 : memref<1x20x64xf32, #tpu.memory_space<vmem>> -> memref<20x64xf32, #tpu.memory_space<vmem>>
    tpu.wait_dma2 semaphore(%arg13 : memref<!tpu.dma_semaphore, #tpu.memory_space<semaphore_mem>>) src(%dma_wait3A_135 : memref<20x64xf32, #tpu.memory_space<vmem>>) dst(%dma_wait3A_131 : memref<20x64xf32, #tpu.memory_space<hbm>>)
    %add3A_136 = arith.constant 6 : i32
    %add3A_137 = arith.addi %mul3A_2, %add3A_136 : i32
    %dma_wait3A_138 = arith.constant 120 : i32
    %dma_wait3A_139 = arith.constant 0 : i32
    %dma_wait3A_140 = tpu.memref_slice %arg9[%rem3A_28, %dma_wait3A_138, %dma_wait3A_139] : memref<2x320x64xf32, #tpu.memory_space<vmem>> -> memref<1x20x64xf32, #tpu.memory_space<vmem>>
    %dma_wait3A_141 = tpu.memref_squeeze %dma_wait3A_140 : memref<1x20x64xf32, #tpu.memory_space<vmem>> -> memref<20x64xf32, #tpu.memory_space<vmem>>
    %dma_wait3A_142 = arith.constant 0 : i32
    %dma_wait3A_143 = arith.constant 0 : i32
    %dma_wait3A_144 = tpu.memref_slice %arg6[%add3A_137, %dma_wait3A_142, %dma_wait3A_143] : memref<4096x20x64xf32, #tpu.memory_space<hbm>> -> memref<1x20x64xf32, #tpu.memory_space<hbm>>
    %dma_wait3A_145 = tpu.memref_squeeze %dma_wait3A_144 : memref<1x20x64xf32, #tpu.memory_space<hbm>> -> memref<20x64xf32, #tpu.memory_space<hbm>>
    %dma_wait3A_146 = arith.constant 0 : i32
    %dma_wait3A_147 = arith.constant 0 : i32
    %dma_wait3A_148 = tpu.memref_slice %arg6[%add3A_137, %dma_wait3A_146, %dma_wait3A_147] : memref<4096x20x64xf32, #tpu.memory_space<hbm>> -> memref<1x20x64xf32, #tpu.memory_space<hbm>>
    %dma_wait3A_149 = tpu.memref_squeeze %dma_wait3A_148 : memref<1x20x64xf32, #tpu.memory_space<hbm>> -> memref<20x64xf32, #tpu.memory_space<hbm>>
    %dma_wait3A_150 = arith.constant 120 : i32
    %dma_wait3A_151 = arith.constant 0 : i32
    %dma_wait3A_152 = tpu.memref_slice %arg9[%rem3A_28, %dma_wait3A_150, %dma_wait3A_151] : memref<2x320x64xf32, #tpu.memory_space<vmem>> -> memref<1x20x64xf32, #tpu.memory_space<vmem>>
    %dma_wait3A_153 = tpu.memref_squeeze %dma_wait3A_152 : memref<1x20x64xf32, #tpu.memory_space<vmem>> -> memref<20x64xf32, #tpu.memory_space<vmem>>
    tpu.wait_dma2 semaphore(%arg13 : memref<!tpu.dma_semaphore, #tpu.memory_space<semaphore_mem>>) src(%dma_wait3A_153 : memref<20x64xf32, #tpu.memory_space<vmem>>) dst(%dma_wait3A_149 : memref<20x64xf32, #tpu.memory_space<hbm>>)
    %add3A_154 = arith.constant 7 : i32
    %add3A_155 = arith.addi %mul3A_2, %add3A_154 : i32
    %dma_wait3A_156 = arith.constant 140 : i32
    %dma_wait3A_157 = arith.constant 0 : i32
    %dma_wait3A_158 = tpu.memref_slice %arg9[%rem3A_28, %dma_wait3A_156, %dma_wait3A_157] : memref<2x320x64xf32, #tpu.memory_space<vmem>> -> memref<1x20x64xf32, #tpu.memory_space<vmem>>
    %dma_wait3A_159 = tpu.memref_squeeze %dma_wait3A_158 : memref<1x20x64xf32, #tpu.memory_space<vmem>> -> memref<20x64xf32, #tpu.memory_space<vmem>>
    %dma_wait3A_160 = arith.constant 0 : i32
    %dma_wait3A_161 = arith.constant 0 : i32
    %dma_wait3A_162 = tpu.memref_slice %arg6[%add3A_155, %dma_wait3A_160, %dma_wait3A_161] : memref<4096x20x64xf32, #tpu.memory_space<hbm>> -> memref<1x20x64xf32, #tpu.memory_space<hbm>>
    %dma_wait3A_163 = tpu.memref_squeeze %dma_wait3A_162 : memref<1x20x64xf32, #tpu.memory_space<hbm>> -> memref<20x64xf32, #tpu.memory_space<hbm>>
    %dma_wait3A_164 = arith.constant 0 : i32
    %dma_wait3A_165 = arith.constant 0 : i32
    %dma_wait3A_166 = tpu.memref_slice %arg6[%add3A_155, %dma_wait3A_164, %dma_wait3A_165] : memref<4096x20x64xf32, #tpu.memory_space<hbm>> -> memref<1x20x64xf32, #tpu.memory_space<hbm>>
    %dma_wait3A_167 = tpu.memref_squeeze %dma_wait3A_166 : memref<1x20x64xf32, #tpu.memory_space<hbm>> -> memref<20x64xf32, #tpu.memory_space<hbm>>
    %dma_wait3A_168 = arith.constant 140 : i32
    %dma_wait3A_169 = arith.constant 0 : i32
    %dma_wait3A_170 = tpu.memref_slice %arg9[%rem3A_28, %dma_wait3A_168, %dma_wait3A_169] : memref<2x320x64xf32, #tpu.memory_space<vmem>> -> memref<1x20x64xf32, #tpu.memory_space<vmem>>
    %dma_wait3A_171 = tpu.memref_squeeze %dma_wait3A_170 : memref<1x20x64xf32, #tpu.memory_space<vmem>> -> memref<20x64xf32, #tpu.memory_space<vmem>>
    tpu.wait_dma2 semaphore(%arg13 : memref<!tpu.dma_semaphore, #tpu.memory_space<semaphore_mem>>) src(%dma_wait3A_171 : memref<20x64xf32, #tpu.memory_space<vmem>>) dst(%dma_wait3A_167 : memref<20x64xf32, #tpu.memory_space<hbm>>)
    %add3A_172 = arith.constant 8 : i32
    %add3A_173 = arith.addi %mul3A_2, %add3A_172 : i32
    %dma_wait3A_174 = arith.constant 160 : i32
    %dma_wait3A_175 = arith.constant 0 : i32
    %dma_wait3A_176 = tpu.memref_slice %arg9[%rem3A_28, %dma_wait3A_174, %dma_wait3A_175] : memref<2x320x64xf32, #tpu.memory_space<vmem>> -> memref<1x20x64xf32, #tpu.memory_space<vmem>>
    %dma_wait3A_177 = tpu.memref_squeeze %dma_wait3A_176 : memref<1x20x64xf32, #tpu.memory_space<vmem>> -> memref<20x64xf32, #tpu.memory_space<vmem>>
    %dma_wait3A_178 = arith.constant 0 : i32
    %dma_wait3A_179 = arith.constant 0 : i32
    %dma_wait3A_180 = tpu.memref_slice %arg6[%add3A_173, %dma_wait3A_178, %dma_wait3A_179] : memref<4096x20x64xf32, #tpu.memory_space<hbm>> -> memref<1x20x64xf32, #tpu.memory_space<hbm>>
    %dma_wait3A_181 = tpu.memref_squeeze %dma_wait3A_180 : memref<1x20x64xf32, #tpu.memory_space<hbm>> -> memref<20x64xf32, #tpu.memory_space<hbm>>
    %dma_wait3A_182 = arith.constant 0 : i32
    %dma_wait3A_183 = arith.constant 0 : i32
    %dma_wait3A_184 = tpu.memref_slice %arg6[%add3A_173, %dma_wait3A_182, %dma_wait3A_183] : memref<4096x20x64xf32, #tpu.memory_space<hbm>> -> memref<1x20x64xf32, #tpu.memory_space<hbm>>
    %dma_wait3A_185 = tpu.memref_squeeze %dma_wait3A_184 : memref<1x20x64xf32, #tpu.memory_space<hbm>> -> memref<20x64xf32, #tpu.memory_space<hbm>>
    %dma_wait3A_186 = arith.constant 160 : i32
    %dma_wait3A_187 = arith.constant 0 : i32
    %dma_wait3A_188 = tpu.memref_slice %arg9[%rem3A_28, %dma_wait3A_186, %dma_wait3A_187] : memref<2x320x64xf32, #tpu.memory_space<vmem>> -> memref<1x20x64xf32, #tpu.memory_space<vmem>>
    %dma_wait3A_189 = tpu.memref_squeeze %dma_wait3A_188 : memref<1x20x64xf32, #tpu.memory_space<vmem>> -> memref<20x64xf32, #tpu.memory_space<vmem>>
    tpu.wait_dma2 semaphore(%arg13 : memref<!tpu.dma_semaphore, #tpu.memory_space<semaphore_mem>>) src(%dma_wait3A_189 : memref<20x64xf32, #tpu.memory_space<vmem>>) dst(%dma_wait3A_185 : memref<20x64xf32, #tpu.memory_space<hbm>>)
    %add3A_190 = arith.constant 9 : i32
    %add3A_191 = arith.addi %mul3A_2, %add3A_190 : i32
    %dma_wait3A_192 = arith.constant 180 : i32
    %dma_wait3A_193 = arith.constant 0 : i32
    %dma_wait3A_194 = tpu.memref_slice %arg9[%rem3A_28, %dma_wait3A_192, %dma_wait3A_193] : memref<2x320x64xf32, #tpu.memory_space<vmem>> -> memref<1x20x64xf32, #tpu.memory_space<vmem>>
    %dma_wait3A_195 = tpu.memref_squeeze %dma_wait3A_194 : memref<1x20x64xf32, #tpu.memory_space<vmem>> -> memref<20x64xf32, #tpu.memory_space<vmem>>
    %dma_wait3A_196 = arith.constant 0 : i32
    %dma_wait3A_197 = arith.constant 0 : i32
    %dma_wait3A_198 = tpu.memref_slice %arg6[%add3A_191, %dma_wait3A_196, %dma_wait3A_197] : memref<4096x20x64xf32, #tpu.memory_space<hbm>> -> memref<1x20x64xf32, #tpu.memory_space<hbm>>
    %dma_wait3A_199 = tpu.memref_squeeze %dma_wait3A_198 : memref<1x20x64xf32, #tpu.memory_space<hbm>> -> memref<20x64xf32, #tpu.memory_space<hbm>>
    %dma_wait3A_200 = arith.constant 0 : i32
    %dma_wait3A_201 = arith.constant 0 : i32
    %dma_wait3A_202 = tpu.memref_slice %arg6[%add3A_191, %dma_wait3A_200, %dma_wait3A_201] : memref<4096x20x64xf32, #tpu.memory_space<hbm>> -> memref<1x20x64xf32, #tpu.memory_space<hbm>>
    %dma_wait3A_203 = tpu.memref_squeeze %dma_wait3A_202 : memref<1x20x64xf32, #tpu.memory_space<hbm>> -> memref<20x64xf32, #tpu.memory_space<hbm>>
    %dma_wait3A_204 = arith.constant 180 : i32
    %dma_wait3A_205 = arith.constant 0 : i32
    %dma_wait3A_206 = tpu.memref_slice %arg9[%rem3A_28, %dma_wait3A_204, %dma_wait3A_205] : memref<2x320x64xf32, #tpu.memory_space<vmem>> -> memref<1x20x64xf32, #tpu.memory_space<vmem>>
    %dma_wait3A_207 = tpu.memref_squeeze %dma_wait3A_206 : memref<1x20x64xf32, #tpu.memory_space<vmem>> -> memref<20x64xf32, #tpu.memory_space<vmem>>
    tpu.wait_dma2 semaphore(%arg13 : memref<!tpu.dma_semaphore, #tpu.memory_space<semaphore_mem>>) src(%dma_wait3A_207 : memref<20x64xf32, #tpu.memory_space<vmem>>) dst(%dma_wait3A_203 : memref<20x64xf32, #tpu.memory_space<hbm>>)
    %add3A_208 = arith.constant 10 : i32
    %add3A_209 = arith.addi %mul3A_2, %add3A_208 : i32
    %dma_wait3A_210 = arith.constant 200 : i32
    %dma_wait3A_211 = arith.constant 0 : i32
    %dma_wait3A_212 = tpu.memref_slice %arg9[%rem3A_28, %dma_wait3A_210, %dma_wait3A_211] : memref<2x320x64xf32, #tpu.memory_space<vmem>> -> memref<1x20x64xf32, #tpu.memory_space<vmem>>
    %dma_wait3A_213 = tpu.memref_squeeze %dma_wait3A_212 : memref<1x20x64xf32, #tpu.memory_space<vmem>> -> memref<20x64xf32, #tpu.memory_space<vmem>>
    %dma_wait3A_214 = arith.constant 0 : i32
    %dma_wait3A_215 = arith.constant 0 : i32
    %dma_wait3A_216 = tpu.memref_slice %arg6[%add3A_209, %dma_wait3A_214, %dma_wait3A_215] : memref<4096x20x64xf32, #tpu.memory_space<hbm>> -> memref<1x20x64xf32, #tpu.memory_space<hbm>>
    %dma_wait3A_217 = tpu.memref_squeeze %dma_wait3A_216 : memref<1x20x64xf32, #tpu.memory_space<hbm>> -> memref<20x64xf32, #tpu.memory_space<hbm>>
    %dma_wait3A_218 = arith.constant 0 : i32
    %dma_wait3A_219 = arith.constant 0 : i32
    %dma_wait3A_220 = tpu.memref_slice %arg6[%add3A_209, %dma_wait3A_218, %dma_wait3A_219] : memref<4096x20x64xf32, #tpu.memory_space<hbm>> -> memref<1x20x64xf32, #tpu.memory_space<hbm>>
    %dma_wait3A_221 = tpu.memref_squeeze %dma_wait3A_220 : memref<1x20x64xf32, #tpu.memory_space<hbm>> -> memref<20x64xf32, #tpu.memory_space<hbm>>
    %dma_wait3A_222 = arith.constant 200 : i32
    %dma_wait3A_223 = arith.constant 0 : i32
    %dma_wait3A_224 = tpu.memref_slice %arg9[%rem3A_28, %dma_wait3A_222, %dma_wait3A_223] : memref<2x320x64xf32, #tpu.memory_space<vmem>> -> memref<1x20x64xf32, #tpu.memory_space<vmem>>
    %dma_wait3A_225 = tpu.memref_squeeze %dma_wait3A_224 : memref<1x20x64xf32, #tpu.memory_space<vmem>> -> memref<20x64xf32, #tpu.memory_space<vmem>>
    tpu.wait_dma2 semaphore(%arg13 : memref<!tpu.dma_semaphore, #tpu.memory_space<semaphore_mem>>) src(%dma_wait3A_225 : memref<20x64xf32, #tpu.memory_space<vmem>>) dst(%dma_wait3A_221 : memref<20x64xf32, #tpu.memory_space<hbm>>)
    %add3A_226 = arith.constant 11 : i32
    %add3A_227 = arith.addi %mul3A_2, %add3A_226 : i32
    %dma_wait3A_228 = arith.constant 220 : i32
    %dma_wait3A_229 = arith.constant 0 : i32
    %dma_wait3A_230 = tpu.memref_slice %arg9[%rem3A_28, %dma_wait3A_228, %dma_wait3A_229] : memref<2x320x64xf32, #tpu.memory_space<vmem>> -> memref<1x20x64xf32, #tpu.memory_space<vmem>>
    %dma_wait3A_231 = tpu.memref_squeeze %dma_wait3A_230 : memref<1x20x64xf32, #tpu.memory_space<vmem>> -> memref<20x64xf32, #tpu.memory_space<vmem>>
    %dma_wait3A_232 = arith.constant 0 : i32
    %dma_wait3A_233 = arith.constant 0 : i32
    %dma_wait3A_234 = tpu.memref_slice %arg6[%add3A_227, %dma_wait3A_232, %dma_wait3A_233] : memref<4096x20x64xf32, #tpu.memory_space<hbm>> -> memref<1x20x64xf32, #tpu.memory_space<hbm>>
    %dma_wait3A_235 = tpu.memref_squeeze %dma_wait3A_234 : memref<1x20x64xf32, #tpu.memory_space<hbm>> -> memref<20x64xf32, #tpu.memory_space<hbm>>
    %dma_wait3A_236 = arith.constant 0 : i32
    %dma_wait3A_237 = arith.constant 0 : i32
    %dma_wait3A_238 = tpu.memref_slice %arg6[%add3A_227, %dma_wait3A_236, %dma_wait3A_237] : memref<4096x20x64xf32, #tpu.memory_space<hbm>> -> memref<1x20x64xf32, #tpu.memory_space<hbm>>
    %dma_wait3A_239 = tpu.memref_squeeze %dma_wait3A_238 : memref<1x20x64xf32, #tpu.memory_space<hbm>> -> memref<20x64xf32, #tpu.memory_space<hbm>>
    %dma_wait3A_240 = arith.constant 220 : i32
    %dma_wait3A_241 = arith.constant 0 : i32
    %dma_wait3A_242 = tpu.memref_slice %arg9[%rem3A_28, %dma_wait3A_240, %dma_wait3A_241] : memref<2x320x64xf32, #tpu.memory_space<vmem>> -> memref<1x20x64xf32, #tpu.memory_space<vmem>>
    %dma_wait3A_243 = tpu.memref_squeeze %dma_wait3A_242 : memref<1x20x64xf32, #tpu.memory_space<vmem>> -> memref<20x64xf32, #tpu.memory_space<vmem>>
    tpu.wait_dma2 semaphore(%arg13 : memref<!tpu.dma_semaphore, #tpu.memory_space<semaphore_mem>>) src(%dma_wait3A_243 : memref<20x64xf32, #tpu.memory_space<vmem>>) dst(%dma_wait3A_239 : memref<20x64xf32, #tpu.memory_space<hbm>>)
    %add3A_244 = arith.constant 12 : i32
    %add3A_245 = arith.addi %mul3A_2, %add3A_244 : i32
    %dma_wait3A_246 = arith.constant 240 : i32
    %dma_wait3A_247 = arith.constant 0 : i32
    %dma_wait3A_248 = tpu.memref_slice %arg9[%rem3A_28, %dma_wait3A_246, %dma_wait3A_247] : memref<2x320x64xf32, #tpu.memory_space<vmem>> -> memref<1x20x64xf32, #tpu.memory_space<vmem>>
    %dma_wait3A_249 = tpu.memref_squeeze %dma_wait3A_248 : memref<1x20x64xf32, #tpu.memory_space<vmem>> -> memref<20x64xf32, #tpu.memory_space<vmem>>
    %dma_wait3A_250 = arith.constant 0 : i32
    %dma_wait3A_251 = arith.constant 0 : i32
    %dma_wait3A_252 = tpu.memref_slice %arg6[%add3A_245, %dma_wait3A_250, %dma_wait3A_251] : memref<4096x20x64xf32, #tpu.memory_space<hbm>> -> memref<1x20x64xf32, #tpu.memory_space<hbm>>
    %dma_wait3A_253 = tpu.memref_squeeze %dma_wait3A_252 : memref<1x20x64xf32, #tpu.memory_space<hbm>> -> memref<20x64xf32, #tpu.memory_space<hbm>>
    %dma_wait3A_254 = arith.constant 0 : i32
    %dma_wait3A_255 = arith.constant 0 : i32
    %dma_wait3A_256 = tpu.memref_slice %arg6[%add3A_245, %dma_wait3A_254, %dma_wait3A_255] : memref<4096x20x64xf32, #tpu.memory_space<hbm>> -> memref<1x20x64xf32, #tpu.memory_space<hbm>>
    %dma_wait3A_257 = tpu.memref_squeeze %dma_wait3A_256 : memref<1x20x64xf32, #tpu.memory_space<hbm>> -> memref<20x64xf32, #tpu.memory_space<hbm>>
    %dma_wait3A_258 = arith.constant 240 : i32
    %dma_wait3A_259 = arith.constant 0 : i32
    %dma_wait3A_260 = tpu.memref_slice %arg9[%rem3A_28, %dma_wait3A_258, %dma_wait3A_259] : memref<2x320x64xf32, #tpu.memory_space<vmem>> -> memref<1x20x64xf32, #tpu.memory_space<vmem>>
    %dma_wait3A_261 = tpu.memref_squeeze %dma_wait3A_260 : memref<1x20x64xf32, #tpu.memory_space<vmem>> -> memref<20x64xf32, #tpu.memory_space<vmem>>
    tpu.wait_dma2 semaphore(%arg13 : memref<!tpu.dma_semaphore, #tpu.memory_space<semaphore_mem>>) src(%dma_wait3A_261 : memref<20x64xf32, #tpu.memory_space<vmem>>) dst(%dma_wait3A_257 : memref<20x64xf32, #tpu.memory_space<hbm>>)
    %add3A_262 = arith.constant 13 : i32
    %add3A_263 = arith.addi %mul3A_2, %add3A_262 : i32
    %dma_wait3A_264 = arith.constant 260 : i32
    %dma_wait3A_265 = arith.constant 0 : i32
    %dma_wait3A_266 = tpu.memref_slice %arg9[%rem3A_28, %dma_wait3A_264, %dma_wait3A_265] : memref<2x320x64xf32, #tpu.memory_space<vmem>> -> memref<1x20x64xf32, #tpu.memory_space<vmem>>
    %dma_wait3A_267 = tpu.memref_squeeze %dma_wait3A_266 : memref<1x20x64xf32, #tpu.memory_space<vmem>> -> memref<20x64xf32, #tpu.memory_space<vmem>>
    %dma_wait3A_268 = arith.constant 0 : i32
    %dma_wait3A_269 = arith.constant 0 : i32
    %dma_wait3A_270 = tpu.memref_slice %arg6[%add3A_263, %dma_wait3A_268, %dma_wait3A_269] : memref<4096x20x64xf32, #tpu.memory_space<hbm>> -> memref<1x20x64xf32, #tpu.memory_space<hbm>>
    %dma_wait3A_271 = tpu.memref_squeeze %dma_wait3A_270 : memref<1x20x64xf32, #tpu.memory_space<hbm>> -> memref<20x64xf32, #tpu.memory_space<hbm>>
    %dma_wait3A_272 = arith.constant 0 : i32
    %dma_wait3A_273 = arith.constant 0 : i32
    %dma_wait3A_274 = tpu.memref_slice %arg6[%add3A_263, %dma_wait3A_272, %dma_wait3A_273] : memref<4096x20x64xf32, #tpu.memory_space<hbm>> -> memref<1x20x64xf32, #tpu.memory_space<hbm>>
    %dma_wait3A_275 = tpu.memref_squeeze %dma_wait3A_274 : memref<1x20x64xf32, #tpu.memory_space<hbm>> -> memref<20x64xf32, #tpu.memory_space<hbm>>
    %dma_wait3A_276 = arith.constant 260 : i32
    %dma_wait3A_277 = arith.constant 0 : i32
    %dma_wait3A_278 = tpu.memref_slice %arg9[%rem3A_28, %dma_wait3A_276, %dma_wait3A_277] : memref<2x320x64xf32, #tpu.memory_space<vmem>> -> memref<1x20x64xf32, #tpu.memory_space<vmem>>
    %dma_wait3A_279 = tpu.memref_squeeze %dma_wait3A_278 : memref<1x20x64xf32, #tpu.memory_space<vmem>> -> memref<20x64xf32, #tpu.memory_space<vmem>>
    tpu.wait_dma2 semaphore(%arg13 : memref<!tpu.dma_semaphore, #tpu.memory_space<semaphore_mem>>) src(%dma_wait3A_279 : memref<20x64xf32, #tpu.memory_space<vmem>>) dst(%dma_wait3A_275 : memref<20x64xf32, #tpu.memory_space<hbm>>)
    %add3A_280 = arith.constant 14 : i32
    %add3A_281 = arith.addi %mul3A_2, %add3A_280 : i32
    %dma_wait3A_282 = arith.constant 280 : i32
    %dma_wait3A_283 = arith.constant 0 : i32
    %dma_wait3A_284 = tpu.memref_slice %arg9[%rem3A_28, %dma_wait3A_282, %dma_wait3A_283] : memref<2x320x64xf32, #tpu.memory_space<vmem>> -> memref<1x20x64xf32, #tpu.memory_space<vmem>>
    %dma_wait3A_285 = tpu.memref_squeeze %dma_wait3A_284 : memref<1x20x64xf32, #tpu.memory_space<vmem>> -> memref<20x64xf32, #tpu.memory_space<vmem>>
    %dma_wait3A_286 = arith.constant 0 : i32
    %dma_wait3A_287 = arith.constant 0 : i32
    %dma_wait3A_288 = tpu.memref_slice %arg6[%add3A_281, %dma_wait3A_286, %dma_wait3A_287] : memref<4096x20x64xf32, #tpu.memory_space<hbm>> -> memref<1x20x64xf32, #tpu.memory_space<hbm>>
    %dma_wait3A_289 = tpu.memref_squeeze %dma_wait3A_288 : memref<1x20x64xf32, #tpu.memory_space<hbm>> -> memref<20x64xf32, #tpu.memory_space<hbm>>
    %dma_wait3A_290 = arith.constant 0 : i32
    %dma_wait3A_291 = arith.constant 0 : i32
    %dma_wait3A_292 = tpu.memref_slice %arg6[%add3A_281, %dma_wait3A_290, %dma_wait3A_291] : memref<4096x20x64xf32, #tpu.memory_space<hbm>> -> memref<1x20x64xf32, #tpu.memory_space<hbm>>
    %dma_wait3A_293 = tpu.memref_squeeze %dma_wait3A_292 : memref<1x20x64xf32, #tpu.memory_space<hbm>> -> memref<20x64xf32, #tpu.memory_space<hbm>>
    %dma_wait3A_294 = arith.constant 280 : i32
    %dma_wait3A_295 = arith.constant 0 : i32
    %dma_wait3A_296 = tpu.memref_slice %arg9[%rem3A_28, %dma_wait3A_294, %dma_wait3A_295] : memref<2x320x64xf32, #tpu.memory_space<vmem>> -> memref<1x20x64xf32, #tpu.memory_space<vmem>>
    %dma_wait3A_297 = tpu.memref_squeeze %dma_wait3A_296 : memref<1x20x64xf32, #tpu.memory_space<vmem>> -> memref<20x64xf32, #tpu.memory_space<vmem>>
    tpu.wait_dma2 semaphore(%arg13 : memref<!tpu.dma_semaphore, #tpu.memory_space<semaphore_mem>>) src(%dma_wait3A_297 : memref<20x64xf32, #tpu.memory_space<vmem>>) dst(%dma_wait3A_293 : memref<20x64xf32, #tpu.memory_space<hbm>>)
    %add3A_298 = arith.constant 15 : i32
    %add3A_299 = arith.addi %mul3A_2, %add3A_298 : i32
    %dma_wait3A_300 = arith.constant 300 : i32
    %dma_wait3A_301 = arith.constant 0 : i32
    %dma_wait3A_302 = tpu.memref_slice %arg9[%rem3A_28, %dma_wait3A_300, %dma_wait3A_301] : memref<2x320x64xf32, #tpu.memory_space<vmem>> -> memref<1x20x64xf32, #tpu.memory_space<vmem>>
    %dma_wait3A_303 = tpu.memref_squeeze %dma_wait3A_302 : memref<1x20x64xf32, #tpu.memory_space<vmem>> -> memref<20x64xf32, #tpu.memory_space<vmem>>
    %dma_wait3A_304 = arith.constant 0 : i32
    %dma_wait3A_305 = arith.constant 0 : i32
    %dma_wait3A_306 = tpu.memref_slice %arg6[%add3A_299, %dma_wait3A_304, %dma_wait3A_305] : memref<4096x20x64xf32, #tpu.memory_space<hbm>> -> memref<1x20x64xf32, #tpu.memory_space<hbm>>
    %dma_wait3A_307 = tpu.memref_squeeze %dma_wait3A_306 : memref<1x20x64xf32, #tpu.memory_space<hbm>> -> memref<20x64xf32, #tpu.memory_space<hbm>>
    %dma_wait3A_308 = arith.constant 0 : i32
    %dma_wait3A_309 = arith.constant 0 : i32
    %dma_wait3A_310 = tpu.memref_slice %arg6[%add3A_299, %dma_wait3A_308, %dma_wait3A_309] : memref<4096x20x64xf32, #tpu.memory_space<hbm>> -> memref<1x20x64xf32, #tpu.memory_space<hbm>>
    %dma_wait3A_311 = tpu.memref_squeeze %dma_wait3A_310 : memref<1x20x64xf32, #tpu.memory_space<hbm>> -> memref<20x64xf32, #tpu.memory_space<hbm>>
    %dma_wait3A_312 = arith.constant 300 : i32
    %dma_wait3A_313 = arith.constant 0 : i32
    %dma_wait3A_314 = tpu.memref_slice %arg9[%rem3A_28, %dma_wait3A_312, %dma_wait3A_313] : memref<2x320x64xf32, #tpu.memory_space<vmem>> -> memref<1x20x64xf32, #tpu.memory_space<vmem>>
    %dma_wait3A_315 = tpu.memref_squeeze %dma_wait3A_314 : memref<1x20x64xf32, #tpu.memory_space<vmem>> -> memref<20x64xf32, #tpu.memory_space<vmem>>
    tpu.wait_dma2 semaphore(%arg13 : memref<!tpu.dma_semaphore, #tpu.memory_space<semaphore_mem>>) src(%dma_wait3A_315 : memref<20x64xf32, #tpu.memory_space<vmem>>) dst(%dma_wait3A_311 : memref<20x64xf32, #tpu.memory_space<hbm>>)
    return
  }
}

</mosaic_0001>

<sc_bundles>
// kernel: _run.3.cloned.1.call-start
scs
__scs_entry_jumppad:
0x0: {  	(pc) =	sbr.rel $0x88, $3  }
0x1: {  	(tag) =	ssettag $0x0;
	lr =	simm.s32 $0x1  }
0x2: {  	[smem:$0x3F9D] =	sst lr;
	_ =	strace $0xD0000000  }
0x3: {  	_ = 	snop  }
0x4: {  	_ = 	snop  }
0x5: {  	_ = 	snop  }
0x6: {  	_ = 	snop  }
0x7: {  	_ = 	snop  }
__scs_overlays_trampoline_lowered:
0x8: {  	[smem:$0x3FAC] =	sst s0  }
0x9: {  	[smem:$0x3FAD] =	sst s1  }
0xa: {  	[smem:$0x3FAE] =	sst s2  }
0xb: {  	[smem:$0x3FAF] =	sst s3  }
0xc: {  	[smem:$0x3FB0] =	sst s4  }
0xd: {  	[smem:$0x3FB1] =	sst s5  }
0xe: {  	[smem:$0x3FB2] =	sst s6  }
0xf: {  	[smem:$0x3FB3] =	sst s7  }
0x10: {  	[smem:$0x3FB4] =	sst s8  }
0x11: {  	[smem:$0x3FB5] =	sst s9;
	s0 =	simm.s32 @!p0 $0x0  }
0x12: {  	s1 =	sld [smem:$0x3F9B];
	s0 =	simm.s32 @p0 $0x1  }
0x13: {  	[smem:$0x3FB6] =	sst s0;
	s0 =	simm.s32 @!p1 $0x0  }
0x14: {  	s2 =	sld [smem:$0x3F9A];
	s0 =	simm.s32 @p1 $0x1  }
0x15: {  	[smem:$0x3FB7] =	sst s0;
	s0 =	simm.s32 @!p2 $0x0  }
0x16: {  	s3 =	sld [smem:$0x3FDB];
	s0 =	simm.s32 @p2 $0x1  }
0x17: {  	s4 =	simm.s32 $0x1BF5;
	[smem:$0x3FB9] =	sst s0  }
0x18: {  	s0 =	sld [smem:$0x3F9C];
	_ =	swait.ge [sflag:s4], $0x0  }
0x19: {  	s7 =	sld [smem:$0x3F9D]  }
0x1a: {  	s8 =	sadd.s32 $0xFFFFE003, lr  }
0x1b: {  	s9 =	sadd.s32 $0xFFFFFEF7, lr;
	s5 =	simm.s32 $0xFFFFFFFF;
	p2 =	slt.u32 s8, $0xFFFFF086  }
0x1c: {  	p1 =	slt.u32 s9, $0xF7A;
	s5 =	simm.s32 @!p2 $0x0  }
0x1d: {  	s5 =	simm.s32 @p1 $0x1;
	p0 =	seq.s32 s7, s2  }
0x1e: {  	s7 =	smul.u32 @!p0 $0xF7A, s2;
	p2 =	seq.s32 @!p0 s5, $0x0  }
0x1f: {  	s9 =	smul.u32 $0xF7A, s1;
	s8 =	simm.s32 @!p0 $0x1BF5;
	p2 =	por !p2, p0  }
0x20: {  	[sflag:s8] =	ssyncset.s32 @!p0 $0xFFFFF086;
	s6 =	sadd.s32 @!p0 s3, s7;
	s7 =	simm.s32 @!p0 $0x108  }
0x21: {  	s3 =	sadd.s32 s3, s9;
	s6 =	sadd.s32 @!p0 $0x88, s6;
	s7 =	simm.s32 @p2 $0x1082  }
0x22: {  	[simem:s7], [sflag:s8] =	dma.local @!p0 [hbm:s6], $0xF7A  }
0x23: {  	s9 =	sor.u32 $0xD0000000, s2;
	s6 =	simm.s32 $0x108;
	_ =	swait.ge @!p0 [sflag:s8], $0x0  }
0x24: {  	s3 =	sadd.s32 $0x88, s3;
	s6 =	simm.s32 @!p1 $0x1082;
	[sflag:s4] =	ssyncset.s32 $0xFFFFF086  }
0x25: {  	[simem:s6], [sflag:s4] =	dma.local [hbm:s3], $0xF7A  }
0x26: {  	[smem:$0x3F9D] =	sst s1;
	(tag) =	ssettag s2;
	_ =	strace s9  }
0x27: {  	s1 =	sld [smem:$0x3FAD]  }
0x28: {  	s2 =	sld [smem:$0x3FAE]  }
0x29: {  	s4 =	sld [smem:$0x3FB0]  }
0x2a: {  	p0 =	seq.s32 s5, $0x0;
	s5 =	sld [smem:$0x3FB1]  }
0x2b: {  	s6 =	sld [smem:$0x3FB2]  }
0x2c: {  	s7 =	sld [smem:$0x3FB3]  }
0x2d: {  	s3 =	simm.s32 $0x108;
	s8 =	sld [smem:$0x3FB4]  }
0x2e: {  	s3 =	simm.s32 @!p0 $0x1082;
	s9 =	sld [smem:$0x3FB5]  }
0x2f: {  	lr =	sadd.s32 s0, s3;
	s0 =	sld [smem:$0x3FAC]  }
0x30: {  	s3 =	sld [smem:$0x3FAF]  }
0x31: {  	[smem:$0x3FB8] =	sst s10  }
0x32: {  	s10 =	sld [smem:$0x3FB6];
	_ =	sdelay $0x3  }
0x33: {  	p0 =	seq.s32 s10, $0x1;
	s10 =	sld [smem:$0x3FB8];
	_ =	sdelay $0x3  }
0x34: {  	[smem:$0x3FB8] =	sst s10  }
0x35: {  	s10 =	sld [smem:$0x3FB7];
	_ =	sdelay $0x3  }
0x36: {  	p1 =	seq.s32 s10, $0x1;
	s10 =	sld [smem:$0x3FB8];
	_ =	sdelay $0x3  }
0x37: {  	[smem:$0x3FB8] =	sst s10  }
0x38: {  	s10 =	sld [smem:$0x3FB9]  }
0x39: {  	_ = 	snop;
	(pc) =	sbr.ind lr, $3  }
0x3a: {  	_ = 	snop  }
0x3b: {  	_ = 	snop  }
0x3c: {  	p2 =	seq.s32 s10, $0x1;
	s10 =	sld [smem:$0x3FB8]  }
0x3d: {  	_ =	shalt  }
0x3e: {  	_ =	shalt  }
0x3f: {  	_ =	shalt  }
0x40: {  	_ =	shalt  }
0x41: {  	_ =	shalt  }
0x42: {  	_ =	shalt  }
0x43: {  	_ =	shalt  }
0x44: {  	_ =	shalt  }
0x45: {  	_ =	shalt  }
0x46: {  	_ =	shalt  }
0x47: {  	_ =	shalt  }
0x48: {  	_ =	shalt  }
0x49: {  	_ =	shalt  }
0x4a: {  	_ =	shalt  }
0x4b: {  	_ =	shalt  }
0x4c: {  	_ =	shalt  }
0x4d: {  	_ =	shalt  }
0x4e: {  	_ =	shalt  }
0x4f: {  	_ =	shalt  }
0x50: {  	_ =	shalt  }
0x51: {  	_ =	shalt  }
0x52: {  	_ =	shalt  }
0x53: {  	_ =	shalt  }
0x54: {  	_ =	shalt  }
0x55: {  	_ =	shalt  }
0x56: {  	_ =	shalt  }
0x57: {  	_ =	shalt  }
0x58: {  	_ =	shalt  }
0x59: {  	_ =	shalt  }
0x5a: {  	_ =	shalt  }
0x5b: {  	_ =	shalt  }
0x5c: {  	_ =	shalt  }
0x5d: {  	_ =	shalt  }
0x5e: {  	_ =	shalt  }
0x5f: {  	_ =	shalt  }
0x60: {  	_ =	shalt  }
0x61: {  	_ =	shalt  }
0x62: {  	_ =	shalt  }
0x63: {  	_ =	shalt  }
0x64: {  	_ =	shalt  }
0x65: {  	_ =	shalt  }
0x66: {  	_ =	shalt  }
0x67: {  	_ =	shalt  }
0x68: {  	_ =	shalt  }
0x69: {  	_ =	shalt  }
0x6a: {  	_ =	shalt  }
0x6b: {  	_ =	shalt  }
0x6c: {  	_ =	shalt  }
0x6d: {  	_ =	shalt  }
0x6e: {  	_ =	shalt  }
0x6f: {  	_ =	shalt  }
0x70: {  	_ =	shalt  }
0x71: {  	_ =	shalt  }
0x72: {  	_ =	shalt  }
0x73: {  	_ =	shalt  }
0x74: {  	_ =	shalt  }
0x75: {  	_ =	shalt  }
0x76: {  	_ =	shalt  }
0x77: {  	_ =	shalt  }
0x78: {  	_ =	shalt  }
0x79: {  	_ =	shalt  }
0x7a: {  	_ =	shalt  }
0x7b: {  	_ =	shalt  }
0x7c: {  	_ =	shalt  }
0x7d: {  	_ =	shalt  }
0x7e: {  	_ =	shalt  }
0x7f: {  	_ =	shalt  }
0x80: {  	_ =	shalt  }
0x81: {  	_ =	shalt  }
0x82: {  	_ =	shalt  }
0x83: {  	_ =	shalt  }
0x84: {  	_ =	shalt  }
0x85: {  	_ =	shalt  }
0x86: {  	_ =	shalt  }
0x87: {  	_ =	shalt  }
.Lfunc_end0:
.L_simem_size_0:
called_computation_lowered:
.L_overlay_start_0:
0x88: {  	s2 =	sld [smem:$0x3FD9]  }
0x89: {  	s3 =	sld [smem:$0x3FFE];
	_ =	sdelay $0x1  }
0x8a: {  	s1 =	srdreg.scid  }
0x8b: {  	s0 =	sand.u32 $0x1, s1  }
0x8c: {  	s17 =	sshll.u32 s0, $0xA;
	s2 =	sadd.s32 s3, s2  }
0x8d: {  	s2 =	sadd.s32 s2, s17  }
0x8e: {  	[smem:$0x3FC4] =	sst s2  }
0x8f: {  	_ = 	snop  }
0x90: {  	s2 =	sld [smem:$0x3FD0];
	(tm) =	ssettm $0x1  }
0x91: {  	s18 =	sld [smem:$0x3FFB];
	_ =	sdelay $0x3  }
0x92: {  	_ =	strace s18  }
0x93: {  	s3 =	sld [smem:$0x3FFC];
	_ =	sdelay $0x3  }
0x94: {  	_ =	strace s3  }
0x95: {  	s3 =	sld [smem:$0x3FFD];
	_ =	sdelay $0x3  }
0x96: {  	_ =	strace s3  }
0x97: {  	_ =	strace $0x8FFFFFFF  }
0x98: {  	s19 =	sld [smem:$0x3FDB];
	_ =	sdelay $0x1  }
0x99: {  	s4 =	simm.s32 $_scs_section_size  }
0x9a: {  	s5 =	simm.s32 $_size__tile_overlayer_lowered;
	s6 =	simm.s32 $_tile_overlayer_lowered  }
0x9b: {  	s22 =	simm.s32 $0x1BFF;
	s21 =	sshll.u32 s6, $0x1;
	s3 =	sadd.s32 s4, s19  }
0x9c: {  	s7 =	simm.s32 $0x0;
	s20 =	sshll.u32 s5, $0x1;
	s5 =	sadd.s32 s21, s3  }
0x9d: {  	[timem:s7], [sflag:s22] =	dma.local [hbm:s5], s20  }
0x9e: {  	_ =	swait.ge [sflag:s22], s20  }
0x9f: {  	s4 =	ssub.s32 $0x0, s20;
	[sflag:s22] =	ssyncset.done $0x0  }
0xa0: {  	[sflag:s22] =	ssyncadd.s32 s4;
	_ =	sdelay $0x1  }
0xa1: {  	s23 =	simm.s32 $0x1B8B  }
0xa2: {  	_ =	swait.ge [sflag:s23], $0x1  }
0xa3: {  	[sflag:s23] =	ssyncset.done $0x0  }
0xa4: {  	s25 =	simm.s32 $0x1B8E;
	s24 =	sld [smem:$0x3FFE];
	[sflag:s23] =	ssyncadd.s32 $0xFFFFFFFF  }
0xa5: {  	s26 =	simm.s32 $execute0_lowered;
	[smem:$0x3FD2] =	sst s25  }
0xa6: {  	s5 =	sshll.u32 s26, $0x1;
	_ =	strace $0x80000046;
	[dreg:$0x1] =	wrdreg $0xFFFFFFFF  }
0xa7: {  	s28 =	simm.s32 $_size_execute0_lowered;
	s3 =	sadd.s32 s3, s5;
	[dreg:$0x0] =	wrdreg $0x0  }
0xa8: {  	s5 =	sshll.u32 s28, $0x1;
	[dreg:$0x2] =	wrdreg s3  }
0xa9: {  	[dreg:$0x3] =	wrdreg s5  }
0xaa: {  	[dreg:$0x4] =	wrdreg $0xC0  }
0xab: {  	_ =	task [dreg:s7], $0x5FFFF  }
0xac: {  	[dreg:$0x1] =	wrdreg $0xFFFFFFFF  }
0xad: {  	[dreg:$0x0] =	wrdreg $0x60  }
0xae: {  	[dreg:$0x2] =	wrdreg s24  }
0xaf: {  	[dreg:$0x3] =	wrdreg s2  }
0xb0: {  	[dreg:$0x4] =	wrdreg $0x9  }
0xb1: {  	_ =	task.clear_ibuf [dreg:s7], $0x5FFFF;
	_ =	strace $0x90000046  }
0xb2: {  	s29 =	simm.s32 $0x9;
	_ =	strace $0x80000048  }
0xb3: {  	_ =	swait.ge [sflag:s29], $0x1  }
0xb4: {  	[sflag:s29] =	ssyncadd.s32 $0xFFFFFFFF  }
0xb5: {  	_ =	strace $0x90000048  }
0xb6: {  	_ =	sfence  }
0xb7: {  	s30 =	sld [smem:$0x0];
	_ =	sdelay $0x2  }
0xb8: {  	s31 =	sshll.u32 s1, $0xD;
	s1 =	sshrl.u32 s1, $0x2  }
0xb9: {  	s3 =	sand.u32 $0x4000, s31;
	s1 =	sadd.s32 s1, s30  }
0xba: {  	s0 =	sor.u32 s3, s0;
	s1 =	sshll.u32 s1, $0x11  }
0xbb: {  	s0 =	sor.u32 s1, s0  }
0xbc: {  	s0 =	sadd.s32 $0x8F2B, s0  }
0xbd: {  	[sflag:s0] =	ssyncadd.remote.s32 $0x1  }
0xbe: {  	_ =	sfence.sel $0xFFFF  }
0xbf: {  	[dreg:$0x0] =	wrdreg $0xFFFFFFFF;
	(pc) =	sbr.abs _section_cstart, $3  }
0xc0: {  	[dreg:$0x1] =	wrdreg $0xFFFFFFFF  }
0xc1: {  	_ =	task.clear_ibuf [dreg:s7], $0x2FFFF;
	_ =	strace $0x9FFFFFFF  }
0xc2: {  	(tm) =	ssettm $0x7FFFFFFF  }
0xc3: {  	_ =	shalt  }
tec
execute0_lowered:
.L_overlay_start_1:
0x0: {  	(tag) =	ssettag $0x1  }
0x1: {  	s0 =	rddreg [dreg:$0x0]  }
0x2: {  	s2 =	rddreg [dreg:$0x1]  }
0x3: {  	s1 =	srdreg.scid;
	s3 =	simm.s32 $0x0;
	s4 =	stileid.u32  }
0x4: {  	s15 =	simm.s32 $0x4;
	s16 =	simm.s32 $0x10680;
	s17 =	simm.s32 $0x140  }
0x5: {  	s19 =	simm.s32 $0x6680;
	s20 =	simm.s32 $0x1;
	s21 =	simm.s32 $0x2  }
0x6: {  	s22 =	simm.s32 $0x3;
	s23 =	simm.s32 $0x0;
	s1 =	sand.u32 $0x1, s1  }
0x7: {  	[smem:$0x7FF] =	sst s3;
	s4 =	sshll.u32 s4, $0x8;
	s6 =	sadd.s32 $0x32A00, s0  }
0x8: {  	s7 =	sadd.s32 $0x187600, s0;
	s8 =	sadd.s32 $0x35A00, s0;
	s5 =	sshll.u32 s1, $0x7  }
.Ltmp0:
0x9: {  	s1 =	ssub.s32 $0x2, s1;
	s4 =	sor.u32 s5, s4;
	(pc) =	sbr.rel .LBB2_1-.Ltmp0, $4  }
0xa: {  	s12 =	sadd.s32 $0x140, s2;
	s10 =	sshrl.u32 s1, $0x1;
	s9 =	smul.u32 $0x32, s4  }
0xb: {  	s13 =	sadd.s32 $0x1E0, s2;
	s11 =	smul.u32 $0x3, s4;
	s31 =	ssub.s32 s1, s10  }
0xc: {  	_ =	strace $0x80000047;
	s5 =	sadd.s32 $0xA00, s0;
	s14 =	smax.u32 s31, $0x1  }
0xd: {  	v0 =	vlaneseq.u32;
	s9 =	sadd.s32 s5, s9;
	s10 =	sadd.s32 s6, s11;
	s11 =	sadd.s32 $0xA0, s2  }
.LBB2_9:
0xe: {  	_ =	swait.ge [sflag:s22], $0x500  }
0xf: {  	[sflag:s22] =	ssyncset.done $0x0  }
0x10: {  	[sflag:s22] =	ssyncadd.s32 $0xFFFFFB00  }
0x11: {  	_ =	swait.ge [sflag:s22], $0x500  }
0x12: {  	[sflag:s22] =	ssyncset.done $0x0  }
0x13: {  	[sflag:s22] =	ssyncadd.s32 $0xFFFFFB00  }
0x14: {  	_ =	swait.ge [sflag:s22], $0x500  }
0x15: {  	[sflag:s22] =	ssyncset.done $0x0  }
0x16: {  	[sflag:s22] =	ssyncadd.s32 $0xFFFFFB00  }
0x17: {  	_ =	swait.ge [sflag:s22], $0x500  }
0x18: {  	[sflag:s22] =	ssyncset.done $0x0  }
0x19: {  	[sflag:s22] =	ssyncadd.s32 $0xFFFFFB00  }
0x1a: {  	_ =	swait.ge [sflag:s22], $0x500  }
0x1b: {  	[sflag:s22] =	ssyncset.done $0x0  }
0x1c: {  	[sflag:s22] =	ssyncadd.s32 $0xFFFFFB00  }
0x1d: {  	_ =	swait.ge [sflag:s22], $0x500  }
0x1e: {  	[sflag:s22] =	ssyncset.done $0x0  }
0x1f: {  	[sflag:s22] =	ssyncadd.s32 $0xFFFFFB00  }
0x20: {  	_ =	swait.ge [sflag:s22], $0x500  }
0x21: {  	[sflag:s22] =	ssyncset.done $0x0  }
0x22: {  	[sflag:s22] =	ssyncadd.s32 $0xFFFFFB00  }
0x23: {  	_ =	swait.ge [sflag:s22], $0x500  }
0x24: {  	[sflag:s22] =	ssyncset.done $0x0  }
0x25: {  	[sflag:s22] =	ssyncadd.s32 $0xFFFFFB00  }
0x26: {  	_ =	swait.ge [sflag:s22], $0x500  }
0x27: {  	[sflag:s22] =	ssyncset.done $0x0  }
0x28: {  	[sflag:s22] =	ssyncadd.s32 $0xFFFFFB00  }
0x29: {  	_ =	swait.ge [sflag:s22], $0x500  }
0x2a: {  	[sflag:s22] =	ssyncset.done $0x0  }
0x2b: {  	[sflag:s22] =	ssyncadd.s32 $0xFFFFFB00  }
0x2c: {  	_ =	swait.ge [sflag:s22], $0x500  }
0x2d: {  	[sflag:s22] =	ssyncset.done $0x0  }
0x2e: {  	[sflag:s22] =	ssyncadd.s32 $0xFFFFFB00  }
0x2f: {  	_ =	swait.ge [sflag:s22], $0x500  }
0x30: {  	[sflag:s22] =	ssyncset.done $0x0  }
0x31: {  	[sflag:s22] =	ssyncadd.s32 $0xFFFFFB00  }
0x32: {  	_ =	swait.ge [sflag:s22], $0x500  }
0x33: {  	[sflag:s22] =	ssyncset.done $0x0  }
0x34: {  	[sflag:s22] =	ssyncadd.s32 $0xFFFFFB00  }
0x35: {  	_ =	swait.ge [sflag:s22], $0x500  }
0x36: {  	[sflag:s22] =	ssyncset.done $0x0  }
0x37: {  	s23 =	sadd.s32 $0x1, s23;
	[sflag:s22] =	ssyncadd.s32 $0xFFFFFB00  }
0x38: {  	p0 =	sne.s32 s23, s14;
	_ =	swait.ge [sflag:s22], $0x500  }
.Ltmp1:
0x39: {  	[sflag:s22] =	ssyncset.done $0x0;
	(pc) =	sbr.rel @!p0 .LBB2_10-.Ltmp1, $4  }
0x3a: {  	[sflag:s22] =	ssyncadd.s32 $0xFFFFFB00  }
0x3b: {  	_ =	swait.ge [sflag:s22], $0x500  }
0x3c: {  	[sflag:s22] =	ssyncset.done $0x0  }
0x3d: {  	[sflag:s22] =	ssyncadd.s32 $0xFFFFFB00  }
.LBB2_1:
0x3e: {  	v1 =	vor.u32 s3, v0  }
0x3f: {  	v2 =	vmulhi.u32 $0xCCCCCCCD, v1;
	_ =	sdelay $0x1  }
0x40: {  	v2 =	vshrl.u32 v2, $0x4  }
0x41: {  	v3 =	vmul.u32 $0xFFFFFFEC, v2;
	_ =	sdelay $0x1  }
0x42: {  	[tilespmem:s3], [sflag:$0x4] =	stream.linear.gather [hbm4b:s9+s3], $0x1900, $0x38;
	v1 =	vadd.s32 v1, v3;
	v3 =	vmul.u32 $0x18, v2;
	[tilespmem:$0x10980] =	vst v63  }
0x43: {  	_ =	swait.ge [sflag:s15], $0x1900;
	v4 =	vand.u32 $0xFFFFFFF8, v1  }
0x44: {  	[sflag:s15] =	ssyncset.done $0x0;
	v5 =	vand.u32 $0x7, v1;
	v3 =	vadd.s32 v3, v4  }
0x45: {  	[sflag:s15] =	ssyncadd.s32 $0xFFFFE700;
	v3 =	vor.u32 v5, v3  }
0x46: {  	[tilespmem:s16], [sflag:$0x4] =	stream.linear.gather [hbm4b:s10+s3], $0x180, $0x38;
	[tilespmem:$0x10980] =	vst v63  }
0x47: {  	_ =	swait.ge [sflag:s15], $0x180;
	v4 =	vmul.u32 $0x14, v1  }
0x48: {  	[sflag:s15] =	ssyncset.done $0x0;
	v1 =	vmul.u32 $0x190, v2  }
0x49: {  	[sflag:s15] =	ssyncadd.s32 $0xFFFFFE80;
	v2 =	vand.u32 $0xFFFFFFF8, v4  }
0x4a: {  	v5 =	vand.u32 $0x4, v4;
	v2 =	vadd.s32 v1, v2;
	v3 =	vld.idx.msk [tilespmem:v3+s16+$0x0], $0xffff  }
0x4b: {  	v2 =	vor.u32 v5, v2;
	_ =	sdelay $0x2  }
0x4c: {  	s0 =	simm.s32 $0x3E80  }
0x4d: {  	[tilespmem:s0+$0xC80] =	vst v3  }
0x4e: {  	v3 =	vld.idx.msk [tilespmem:v2+s3+$0x0], $0xffff  }
0x4f: {  	v5 =	vor.u32 $0x1, v2;
	_ =	sdelay $0x3  }
0x50: {  	[tilespmem:s0+$0xFFFFF380] =	vst v3  }
0x51: {  	v3 =	vld.idx.msk [tilespmem:v5+s3+$0x0], $0xffff  }
0x52: {  	v5 =	vor.u32 $0x2, v2;
	_ =	sdelay $0x3  }
0x53: {  	[tilespmem:s0+$0xFFFFF4C0] =	vst v3  }
0x54: {  	v3 =	vld.idx.msk [tilespmem:v5+s3+$0x0], $0xffff  }
0x55: {  	v5 =	vor.u32 $0x3, v2;
	_ =	sdelay $0x2  }
0x56: {  	v6 =	vadd.s32 $0x4, v4  }
0x57: {  	[tilespmem:s0+$0xFFFFF600] =	vst v3;
	v3 =	vand.u32 $0xFFFFFFF8, v6  }
0x58: {  	v6 =	vand.u32 $0x4, v6;
	v5 =	vld.idx.msk [tilespmem:v5+s3+$0x0], $0xffff;
	v3 =	vadd.s32 v1, v3  }
0x59: {  	v3 =	vor.u32 v6, v3;
	_ =	sdelay $0x2  }
0x5a: {  	v6 =	vadd.s32 $0x5, v4  }
0x5b: {  	[tilespmem:s0+$0xFFFFF740] =	vst v5;
	v5 =	vand.u32 $0xFFFFFFF8, v6  }
0x5c: {  	v6 =	vand.u32 $0x5, v6;
	v3 =	vld.idx.msk [tilespmem:v3+s3+$0x0], $0xffff;
	v5 =	vadd.s32 v1, v5  }
0x5d: {  	v5 =	vor.u32 v6, v5;
	_ =	sdelay $0x2  }
0x5e: {  	v6 =	vadd.s32 $0x6, v4  }
0x5f: {  	[tilespmem:s0+$0xFFFFF880] =	vst v3;
	v3 =	vand.u32 $0xFFFFFFF8, v6  }
0x60: {  	v6 =	vand.u32 $0x6, v6;
	v5 =	vld.idx.msk [tilespmem:v5+s3+$0x0], $0xffff;
	v3 =	vadd.s32 v1, v3  }
0x61: {  	v3 =	vor.u32 v6, v3;
	_ =	sdelay $0x2  }
0x62: {  	v6 =	vadd.s32 $0x7, v4  }
0x63: {  	[tilespmem:s0+$0xFFFFF9C0] =	vst v5;
	v5 =	vand.u32 $0xFFFFFFF8, v6  }
0x64: {  	v6 =	vand.u32 $0x7, v6;
	v3 =	vld.idx.msk [tilespmem:v3+s3+$0x0], $0xffff;
	v5 =	vadd.s32 v1, v5  }
0x65: {  	v5 =	vor.u32 v6, v5;
	_ =	sdelay $0x3  }
0x66: {  	[tilespmem:s0+$0xFFFFFB00] =	vst v3  }
0x67: {  	v3 =	vld.idx.msk [tilespmem:v5+s3+$0x0], $0xffff  }
0x68: {  	v5 =	vadd.s32 $0x8, v2;
	_ =	sdelay $0x2  }
0x69: {  	v6 =	vadd.s32 $0x9, v4  }
0x6a: {  	[tilespmem:s0+$0xFFFFFC40] =	vst v3;
	v3 =	vand.u32 $0xFFFFFFF8, v6  }
0x6b: {  	v6 =	vand.u32 $0x5, v6;
	v5 =	vld.idx.msk [tilespmem:v5+s3+$0x0], $0xffff;
	v3 =	vadd.s32 v1, v3  }
0x6c: {  	v3 =	vor.u32 v6, v3;
	_ =	sdelay $0x2  }
0x6d: {  	v6 =	vadd.s32 $0xA, v4  }
0x6e: {  	[tilespmem:s0+$0xFFFFFD80] =	vst v5;
	v5 =	vand.u32 $0xFFFFFFF8, v6  }
0x6f: {  	v6 =	vand.u32 $0x6, v6;
	v3 =	vld.idx.msk [tilespmem:v3+s3+$0x0], $0xffff;
	v5 =	vadd.s32 v1, v5  }
0x70: {  	v5 =	vor.u32 v6, v5;
	_ =	sdelay $0x2  }
0x71: {  	v6 =	vadd.s32 $0xB, v4  }
0x72: {  	[tilespmem:s0+$0xFFFFFEC0] =	vst v3;
	v3 =	vand.u32 $0xFFFFFFF8, v6  }
0x73: {  	v6 =	vand.u32 $0x7, v6;
	v5 =	vld.idx.msk [tilespmem:v5+s3+$0x0], $0xffff;
	v3 =	vadd.s32 v1, v3  }
0x74: {  	v3 =	vor.u32 v6, v3;
	_ =	sdelay $0x2  }
0x75: {  	v6 =	vadd.s32 $0xC, v4  }
0x76: {  	[tilespmem:s0+$0x0] =	vst v5;
	v5 =	vand.u32 $0xFFFFFFF8, v6  }
0x77: {  	v6 =	vand.u32 $0x4, v6;
	v3 =	vld.idx.msk [tilespmem:v3+s3+$0x0], $0xffff;
	v5 =	vadd.s32 v1, v5  }
0x78: {  	v5 =	vor.u32 v6, v5;
	_ =	sdelay $0x2  }
0x79: {  	v6 =	vadd.s32 $0xD, v4  }
0x7a: {  	[tilespmem:s0+$0x140] =	vst v3;
	v3 =	vand.u32 $0xFFFFFFF8, v6  }
0x7b: {  	v6 =	vand.u32 $0x5, v6;
	v5 =	vld.idx.msk [tilespmem:v5+s3+$0x0], $0xffff;
	v3 =	vadd.s32 v1, v3  }
0x7c: {  	v3 =	vor.u32 v6, v3;
	_ =	sdelay $0x2  }
0x7d: {  	v6 =	vadd.s32 $0xE, v4  }
0x7e: {  	[tilespmem:s0+$0x280] =	vst v5;
	v5 =	vand.u32 $0xFFFFFFF8, v6  }
0x7f: {  	v6 =	vand.u32 $0x6, v6;
	v3 =	vld.idx.msk [tilespmem:v3+s3+$0x0], $0xffff;
	v5 =	vadd.s32 v1, v5  }
0x80: {  	v5 =	vor.u32 v6, v5;
	_ =	sdelay $0x2  }
0x81: {  	v6 =	vadd.s32 $0xF, v4  }
0x82: {  	[tilespmem:s0+$0x3C0] =	vst v3;
	v3 =	vand.u32 $0xFFFFFFF8, v6  }
0x83: {  	v6 =	vand.u32 $0x7, v6;
	v5 =	vld.idx.msk [tilespmem:v5+s3+$0x0], $0xffff;
	v3 =	vadd.s32 v1, v3  }
0x84: {  	v3 =	vor.u32 v6, v3;
	_ =	sdelay $0x3  }
0x85: {  	[tilespmem:s0+$0x500] =	vst v5  }
0x86: {  	v3 =	vld.idx.msk [tilespmem:v3+s3+$0x0], $0xffff  }
0x87: {  	v2 =	vadd.s32 $0x10, v2;
	_ =	sdelay $0x2  }
0x88: {  	v5 =	vadd.s32 $0x11, v4  }
0x89: {  	[tilespmem:s0+$0x640] =	vst v3;
	v3 =	vand.u32 $0xFFFFFFF8, v5  }
0x8a: {  	v5 =	vand.u32 $0x5, v5;
	v2 =	vld.idx.msk [tilespmem:v2+s3+$0x0], $0xffff;
	v3 =	vadd.s32 v1, v3  }
0x8b: {  	v3 =	vor.u32 v5, v3;
	_ =	sdelay $0x2  }
0x8c: {  	v5 =	vadd.s32 $0x12, v4  }
0x8d: {  	[tilespmem:s0+$0x780] =	vst v2;
	v2 =	vand.u32 $0xFFFFFFF8, v5  }
0x8e: {  	v5 =	vand.u32 $0x6, v5;
	v3 =	vld.idx.msk [tilespmem:v3+s3+$0x0], $0xffff;
	v2 =	vadd.s32 v1, v2  }
0x8f: {  	v5 =	vor.u32 v5, v2;
	_ =	sdelay $0x3  }
0x90: {  	s1 =	simm.s32 $0x10;
	v4 =	vadd.s32 $0x13, v4;
	[tilespmem:s0+$0x8C0] =	vst v3  }
0x91: {  	v2 =	vor.u32 s1, v0;
	s1 =	simm.s32 $0x20;
	v3 =	vld.idx.msk [tilespmem:v5+s3+$0x0], $0xffff;
	v5 =	vand.u32 $0xFFFFFFF8, v4  }
.LBB2_2:
0x92: {  	p0 =	sne.s32 s1, $0x130;
	v6 =	vmulhi.u32 $0xCCCCCCCD, v2;
	v4 =	vand.u32 $0x7, v4;
	v1 =	vadd.s32 v1, v5  }
0x93: {  	v1 =	vor.u32 v4, v1  }
0x94: {  	v4 =	vshrl.u32 v6, $0x4  }
0x95: {  	v5 =	vmul.u32 $0xFFFFFFEC, v4;
	_ =	sdelay $0x1  }
0x96: {  	v2 =	vadd.s32 v2, v5;
	v5 =	vmul.u32 $0x18, v4;
	[tilespmem:s0+$0xA00] =	vst v3  }
0x97: {  	v3 =	vand.u32 $0xFFFFFFF8, v2;
	v6 =	vld.idx.msk [tilespmem:v1+s3+$0x0], $0xffff  }
0x98: {  	v1 =	vand.u32 $0x7, v2;
	v3 =	vadd.s32 v5, v3  }
0x99: {  	v3 =	vor.u32 v1, v3;
	_ =	sdelay $0x2  }
0x9a: {  	v2 =	vmul.u32 $0x14, v2  }
0x9b: {  	v1 =	vmul.u32 $0x190, v4;
	[tilespmem:s0+$0xB40] =	vst v6  }
0x9c: {  	v4 =	vld.idx.msk [tilespmem:v3+s16+$0x0], $0xffff;
	v3 =	vand.u32 $0xFFFFFFF8, v2  }
0x9d: {  	v5 =	vand.u32 $0x4, v2;
	v3 =	vadd.s32 v1, v3  }
0x9e: {  	v3 =	vor.u32 v5, v3;
	_ =	sdelay $0x2  }
0x9f: {  	s0 =	sadd.s32 $0x10, s0  }
0xa0: {  	[tilespmem:s0+$0xC80] =	vst v4  }
0xa1: {  	v4 =	vld.idx.msk [tilespmem:v3+s3+$0x0], $0xffff;
	_ =	sdelay $0x1  }
0xa2: {  	v5 =	vor.u32 $0x1, v3;
	_ =	sdelay $0x3  }
0xa3: {  	[tilespmem:s0+$0xFFFFF380] =	vst v4  }
0xa4: {  	v4 =	vld.idx.msk [tilespmem:v5+s3+$0x0], $0xffff;
	_ =	sdelay $0x1  }
0xa5: {  	v5 =	vor.u32 $0x2, v3;
	_ =	sdelay $0x3  }
0xa6: {  	[tilespmem:s0+$0xFFFFF4C0] =	vst v4  }
0xa7: {  	v4 =	vld.idx.msk [tilespmem:v5+s3+$0x0], $0xffff;
	_ =	sdelay $0x1  }
0xa8: {  	v5 =	vor.u32 $0x3, v3;
	_ =	sdelay $0x3  }
0xa9: {  	[tilespmem:s0+$0xFFFFF600] =	vst v4;
	v4 =	vadd.s32 $0x4, v2  }
0xaa: {  	v5 =	vld.idx.msk [tilespmem:v5+s3+$0x0], $0xffff;
	v6 =	vand.u32 $0xFFFFFFF8, v4  }
0xab: {  	v4 =	vand.u32 $0x4, v4;
	v6 =	vadd.s32 v1, v6  }
0xac: {  	v4 =	vor.u32 v4, v6;
	_ =	sdelay $0x3  }
0xad: {  	[tilespmem:s0+$0xFFFFF740] =	vst v5;
	v5 =	vadd.s32 $0x5, v2  }
0xae: {  	v4 =	vld.idx.msk [tilespmem:v4+s3+$0x0], $0xffff;
	v6 =	vand.u32 $0xFFFFFFF8, v5  }
0xaf: {  	v5 =	vand.u32 $0x5, v5;
	v6 =	vadd.s32 v1, v6  }
0xb0: {  	v5 =	vor.u32 v5, v6;
	_ =	sdelay $0x3  }
0xb1: {  	[tilespmem:s0+$0xFFFFF880] =	vst v4;
	v4 =	vadd.s32 $0x6, v2  }
0xb2: {  	v5 =	vld.idx.msk [tilespmem:v5+s3+$0x0], $0xffff;
	v6 =	vand.u32 $0xFFFFFFF8, v4  }
0xb3: {  	v4 =	vand.u32 $0x6, v4;
	v6 =	vadd.s32 v1, v6  }
0xb4: {  	v4 =	vor.u32 v4, v6;
	_ =	sdelay $0x3  }
0xb5: {  	[tilespmem:s0+$0xFFFFF9C0] =	vst v5;
	v5 =	vadd.s32 $0x7, v2  }
0xb6: {  	v4 =	vld.idx.msk [tilespmem:v4+s3+$0x0], $0xffff;
	v6 =	vand.u32 $0xFFFFFFF8, v5  }
0xb7: {  	v5 =	vand.u32 $0x7, v5;
	v6 =	vadd.s32 v1, v6  }
0xb8: {  	v5 =	vor.u32 v5, v6;
	_ =	sdelay $0x3  }
0xb9: {  	[tilespmem:s0+$0xFFFFFB00] =	vst v4  }
0xba: {  	v4 =	vld.idx.msk [tilespmem:v5+s3+$0x0], $0xffff;
	_ =	sdelay $0x1  }
0xbb: {  	v5 =	vadd.s32 $0x8, v3;
	_ =	sdelay $0x3  }
0xbc: {  	[tilespmem:s0+$0xFFFFFC40] =	vst v4;
	v4 =	vadd.s32 $0x9, v2  }
0xbd: {  	v5 =	vld.idx.msk [tilespmem:v5+s3+$0x0], $0xffff;
	v6 =	vand.u32 $0xFFFFFFF8, v4  }
0xbe: {  	v4 =	vand.u32 $0x5, v4;
	v6 =	vadd.s32 v1, v6  }
0xbf: {  	v4 =	vor.u32 v4, v6;
	_ =	sdelay $0x3  }
0xc0: {  	[tilespmem:s0+$0xFFFFFD80] =	vst v5;
	v5 =	vadd.s32 $0xA, v2  }
0xc1: {  	v4 =	vld.idx.msk [tilespmem:v4+s3+$0x0], $0xffff;
	v6 =	vand.u32 $0xFFFFFFF8, v5  }
0xc2: {  	v5 =	vand.u32 $0x6, v5;
	v6 =	vadd.s32 v1, v6  }
0xc3: {  	v5 =	vor.u32 v5, v6;
	_ =	sdelay $0x3  }
0xc4: {  	[tilespmem:s0+$0xFFFFFEC0] =	vst v4;
	v4 =	vadd.s32 $0xB, v2  }
0xc5: {  	v5 =	vld.idx.msk [tilespmem:v5+s3+$0x0], $0xffff;
	v6 =	vand.u32 $0xFFFFFFF8, v4  }
0xc6: {  	v4 =	vand.u32 $0x7, v4;
	v6 =	vadd.s32 v1, v6  }
0xc7: {  	v4 =	vor.u32 v4, v6;
	_ =	sdelay $0x3  }
0xc8: {  	[tilespmem:s0+$0x0] =	vst v5;
	v5 =	vadd.s32 $0xC, v2  }
0xc9: {  	v4 =	vld.idx.msk [tilespmem:v4+s3+$0x0], $0xffff;
	v6 =	vand.u32 $0xFFFFFFF8, v5  }
0xca: {  	v5 =	vand.u32 $0x4, v5;
	v6 =	vadd.s32 v1, v6  }
0xcb: {  	v5 =	vor.u32 v5, v6;
	_ =	sdelay $0x3  }
0xcc: {  	[tilespmem:s0+$0x140] =	vst v4;
	v4 =	vadd.s32 $0xD, v2  }
0xcd: {  	v5 =	vld.idx.msk [tilespmem:v5+s3+$0x0], $0xffff;
	v6 =	vand.u32 $0xFFFFFFF8, v4  }
0xce: {  	v4 =	vand.u32 $0x5, v4;
	v6 =	vadd.s32 v1, v6  }
0xcf: {  	v4 =	vor.u32 v4, v6;
	_ =	sdelay $0x3  }
0xd0: {  	[tilespmem:s0+$0x280] =	vst v5;
	v5 =	vadd.s32 $0xE, v2  }
0xd1: {  	v4 =	vld.idx.msk [tilespmem:v4+s3+$0x0], $0xffff;
	v6 =	vand.u32 $0xFFFFFFF8, v5  }
0xd2: {  	v5 =	vand.u32 $0x6, v5;
	v6 =	vadd.s32 v1, v6  }
0xd3: {  	v5 =	vor.u32 v5, v6;
	_ =	sdelay $0x3  }
0xd4: {  	[tilespmem:s0+$0x3C0] =	vst v4;
	v4 =	vadd.s32 $0xF, v2  }
0xd5: {  	v5 =	vld.idx.msk [tilespmem:v5+s3+$0x0], $0xffff;
	v6 =	vand.u32 $0xFFFFFFF8, v4  }
0xd6: {  	v4 =	vand.u32 $0x7, v4;
	v6 =	vadd.s32 v1, v6  }
0xd7: {  	v4 =	vor.u32 v4, v6;
	_ =	sdelay $0x3  }
0xd8: {  	[tilespmem:s0+$0x500] =	vst v5  }
0xd9: {  	v4 =	vld.idx.msk [tilespmem:v4+s3+$0x0], $0xffff;
	_ =	sdelay $0x1  }
0xda: {  	v3 =	vadd.s32 $0x10, v3;
	_ =	sdelay $0x3  }
0xdb: {  	[tilespmem:s0+$0x640] =	vst v4;
	v4 =	vadd.s32 $0x11, v2  }
0xdc: {  	v3 =	vld.idx.msk [tilespmem:v3+s3+$0x0], $0xffff;
	v5 =	vand.u32 $0xFFFFFFF8, v4  }
0xdd: {  	v4 =	vand.u32 $0x5, v4;
	v5 =	vadd.s32 v1, v5  }
0xde: {  	v4 =	vor.u32 v4, v5;
	_ =	sdelay $0x3  }
0xdf: {  	[tilespmem:s0+$0x780] =	vst v3;
	v3 =	vadd.s32 $0x12, v2  }
0xe0: {  	v4 =	vld.idx.msk [tilespmem:v4+s3+$0x0], $0xffff;
	v5 =	vand.u32 $0xFFFFFFF8, v3  }
0xe1: {  	v3 =	vand.u32 $0x6, v3;
	v5 =	vadd.s32 v1, v5  }
0xe2: {  	v3 =	vor.u32 v3, v5  }
.Ltmp2:
0xe3: {  	(pc) =	sbr.rel @p0 .LBB2_2-.Ltmp2, $3  }
0xe4: {  	_ =	sdelay $0x1  }
0xe5: {  	[tilespmem:s0+$0x8C0] =	vst v4;
	v4 =	vadd.s32 $0x13, v2  }
0xe6: {  	v2 =	vor.u32 s1, v0;
	s1 =	sadd.s32 $0x10, s1;
	v3 =	vld.idx.msk [tilespmem:v3+s3+$0x0], $0xffff;
	v5 =	vand.u32 $0xFFFFFFF8, v4  }
0xe7: {  	v6 =	vmulhi.u32 $0xCCCCCCCD, v2  }
0xe8: {  	v4 =	vand.u32 $0x7, v4;
	v1 =	vadd.s32 v1, v5  }
0xe9: {  	v1 =	vor.u32 v4, v1;
	v38 =	vshrl.u32 v6, $0x4  }
0xea: {  	v39 =	vmul.u32 $0xFFFFFFEC, v38;
	_ =	sdelay $0x1  }
0xeb: {  	v40 =	vmul.u32 $0x18, v38;
	v2 =	vadd.s32 v2, v39  }
0xec: {  	[tilespmem:s0+$0xA00] =	vst v3;
	v3 =	vand.u32 $0xFFFFFFF8, v2  }
0xed: {  	v1 =	vld.idx.msk [tilespmem:v1+s3+$0x0], $0xffff;
	v41 =	vand.u32 $0x7, v2;
	v3 =	vadd.s32 v40, v3  }
0xee: {  	v3 =	vor.u32 v41, v3;
	_ =	sdelay $0x1  }
0xef: {  	v2 =	vmul.u32 $0x14, v2  }
0xf0: {  	v4 =	vmul.u32 $0x190, v38  }
0xf1: {  	[tilespmem:s0+$0xB40] =	vst v1;
	v1 =	vand.u32 $0xFFFFFFF8, v2  }
0xf2: {  	v42 =	vand.u32 $0x4, v2;
	v1 =	vadd.s32 v4, v1;
	v3 =	vld.idx.msk [tilespmem:v3+s16+$0x0], $0xffff  }
0xf3: {  	v1 =	vor.u32 v42, v1;
	_ =	sdelay $0x2  }
0xf4: {  	s30 =	sadd.s32 $0x10, s0  }
0xf5: {  	[tilespmem:s30+$0xC80] =	vst v3  }
0xf6: {  	v3 =	vld.idx.msk [tilespmem:v1+s3+$0x0], $0xffff  }
0xf7: {  	v5 =	vor.u32 $0x1, v1;
	_ =	sdelay $0x3  }
0xf8: {  	[tilespmem:s30+$0xFFFFF380] =	vst v3  }
0xf9: {  	v3 =	vld.idx.msk [tilespmem:v5+s3+$0x0], $0xffff  }
0xfa: {  	v43 =	vor.u32 $0x2, v1;
	_ =	sdelay $0x3  }
0xfb: {  	[tilespmem:s30+$0xFFFFF4C0] =	vst v3  }
0xfc: {  	v3 =	vld.idx.msk [tilespmem:v43+s3+$0x0], $0xffff  }
0xfd: {  	v44 =	vor.u32 $0x3, v1;
	_ =	sdelay $0x2  }
0xfe: {  	v45 =	vadd.s32 $0x4, v2  }
0xff: {  	[tilespmem:s30+$0xFFFFF600] =	vst v3;
	v3 =	vand.u32 $0xFFFFFFF8, v45  }
0x100: {  	v6 =	vand.u32 $0x4, v45;
	v5 =	vld.idx.msk [tilespmem:v44+s3+$0x0], $0xffff;
	v3 =	vadd.s32 v4, v3  }
0x101: {  	v3 =	vor.u32 v6, v3;
	_ =	sdelay $0x2  }
0x102: {  	v46 =	vadd.s32 $0x5, v2  }
0x103: {  	v47 =	vand.u32 $0xFFFFFFF8, v46;
	[tilespmem:s30+$0xFFFFF740] =	vst v5  }
0x104: {  	v6 =	vand.u32 $0x5, v46;
	v5 =	vadd.s32 v4, v47;
	v3 =	vld.idx.msk [tilespmem:v3+s3+$0x0], $0xffff  }
0x105: {  	v5 =	vor.u32 v6, v5;
	_ =	sdelay $0x2  }
0x106: {  	v48 =	vadd.s32 $0x6, v2  }
0x107: {  	[tilespmem:s30+$0xFFFFF880] =	vst v3;
	v3 =	vand.u32 $0xFFFFFFF8, v48  }
0x108: {  	v6 =	vand.u32 $0x6, v48;
	v5 =	vld.idx.msk [tilespmem:v5+s3+$0x0], $0xffff;
	v3 =	vadd.s32 v4, v3  }
0x109: {  	v3 =	vor.u32 v6, v3;
	_ =	sdelay $0x2  }
0x10a: {  	v49 =	vadd.s32 $0x7, v2  }
0x10b: {  	v50 =	vand.u32 $0xFFFFFFF8, v49;
	[tilespmem:s30+$0xFFFFF9C0] =	vst v5  }
0x10c: {  	v6 =	vand.u32 $0x7, v49;
	v5 =	vadd.s32 v4, v50;
	v3 =	vld.idx.msk [tilespmem:v3+s3+$0x0], $0xffff  }
0x10d: {  	v5 =	vor.u32 v6, v5;
	_ =	sdelay $0x3  }
0x10e: {  	[tilespmem:s30+$0xFFFFFB00] =	vst v3  }
0x10f: {  	v3 =	vld.idx.msk [tilespmem:v5+s3+$0x0], $0xffff  }
0x110: {  	v51 =	vadd.s32 $0x8, v1;
	_ =	sdelay $0x2  }
0x111: {  	v52 =	vadd.s32 $0x9, v2  }
0x112: {  	[tilespmem:s30+$0xFFFFFC40] =	vst v3;
	v3 =	vand.u32 $0xFFFFFFF8, v52  }
0x113: {  	v6 =	vand.u32 $0x5, v52;
	v5 =	vld.idx.msk [tilespmem:v51+s3+$0x0], $0xffff;
	v3 =	vadd.s32 v4, v3  }
0x114: {  	v3 =	vor.u32 v6, v3;
	_ =	sdelay $0x2  }
0x115: {  	v53 =	vadd.s32 $0xA, v2  }
0x116: {  	v54 =	vand.u32 $0xFFFFFFF8, v53;
	[tilespmem:s30+$0xFFFFFD80] =	vst v5  }
0x117: {  	v6 =	vand.u32 $0x6, v53;
	v5 =	vadd.s32 v4, v54;
	v3 =	vld.idx.msk [tilespmem:v3+s3+$0x0], $0xffff  }
0x118: {  	v5 =	vor.u32 v6, v5;
	_ =	sdelay $0x2  }
0x119: {  	v55 =	vadd.s32 $0xB, v2  }
0x11a: {  	[tilespmem:s30+$0xFFFFFEC0] =	vst v3;
	v3 =	vand.u32 $0xFFFFFFF8, v55  }
0x11b: {  	v6 =	vand.u32 $0x7, v55;
	v5 =	vld.idx.msk [tilespmem:v5+s3+$0x0], $0xffff;
	v3 =	vadd.s32 v4, v3  }
0x11c: {  	v3 =	vor.u32 v6, v3;
	_ =	sdelay $0x2  }
0x11d: {  	v56 =	vadd.s32 $0xC, v2  }
0x11e: {  	v57 =	vand.u32 $0xFFFFFFF8, v56;
	[tilespmem:s30+$0x0] =	vst v5  }
0x11f: {  	v6 =	vand.u32 $0x4, v56;
	v5 =	vadd.s32 v4, v57;
	v3 =	vld.idx.msk [tilespmem:v3+s3+$0x0], $0xffff  }
0x120: {  	v5 =	vor.u32 v6, v5;
	_ =	sdelay $0x2  }
0x121: {  	v58 =	vadd.s32 $0xD, v2  }
0x122: {  	[tilespmem:s30+$0x140] =	vst v3;
	v3 =	vand.u32 $0xFFFFFFF8, v58  }
0x123: {  	v6 =	vand.u32 $0x5, v58;
	v5 =	vld.idx.msk [tilespmem:v5+s3+$0x0], $0xffff;
	v3 =	vadd.s32 v4, v3  }
0x124: {  	v3 =	vor.u32 v6, v3;
	_ =	sdelay $0x2  }
0x125: {  	v59 =	vadd.s32 $0xE, v2  }
0x126: {  	v60 =	vand.u32 $0xFFFFFFF8, v59;
	[tilespmem:s30+$0x280] =	vst v5  }
0x127: {  	v6 =	vand.u32 $0x6, v59;
	v5 =	vadd.s32 v4, v60;
	v3 =	vld.idx.msk [tilespmem:v3+s3+$0x0], $0xffff  }
0x128: {  	v5 =	vor.u32 v6, v5;
	_ =	sdelay $0x2  }
0x129: {  	v61 =	vadd.s32 $0xF, v2  }
0x12a: {  	[tilespmem:s30+$0x3C0] =	vst v3;
	v3 =	vand.u32 $0xFFFFFFF8, v61  }
0x12b: {  	v6 =	vand.u32 $0x7, v61;
	v5 =	vld.idx.msk [tilespmem:v5+s3+$0x0], $0xffff;
	v3 =	vadd.s32 v4, v3  }
0x12c: {  	v3 =	vor.u32 v6, v3;
	_ =	sdelay $0x3  }
0x12d: {  	[tilespmem:s30+$0x500] =	vst v5  }
0x12e: {  	v3 =	vld.idx.msk [tilespmem:v3+s3+$0x0], $0xffff  }
0x12f: {  	v1 =	vadd.s32 $0x10, v1;
	_ =	sdelay $0x2  }
0x130: {  	v62 =	vadd.s32 $0x11, v2  }
0x131: {  	[tilespmem:s30+$0x640] =	vst v3;
	v3 =	vand.u32 $0xFFFFFFF8, v62  }
0x132: {  	v5 =	vand.u32 $0x5, v62;
	v1 =	vld.idx.msk [tilespmem:v1+s3+$0x0], $0xffff;
	v3 =	vadd.s32 v4, v3  }
0x133: {  	v3 =	vor.u32 v5, v3;
	_ =	sdelay $0x2  }
0x134: {  	v63 =	vadd.s32 $0x12, v2  }
0x135: {  	[tilespmem:s30+$0x780] =	vst v1;
	v1 =	vand.u32 $0xFFFFFFF8, v63  }
0x136: {  	v5 =	vand.u32 $0x6, v63;
	v3 =	vld.idx.msk [tilespmem:v3+s3+$0x0], $0xffff;
	v1 =	vadd.s32 v4, v1  }
0x137: {  	v1 =	vor.u32 v5, v1;
	_ =	sdelay $0x2  }
0x138: {  	v2 =	vadd.s32 $0x13, v2  }
0x139: {  	[tilespmem:s30+$0x8C0] =	vst v3;
	v3 =	vand.u32 $0xFFFFFFF8, v2  }
0x13a: {  	v2 =	vand.u32 $0x7, v2;
	v1 =	vld.idx.msk [tilespmem:v1+s3+$0x0], $0xffff;
	v3 =	vadd.s32 v4, v3  }
0x13b: {  	v2 =	vor.u32 v2, v3;
	_ =	sdelay $0x3  }
0x13c: {  	[tilespmem:s30+$0xA00] =	vst v1  }
0x13d: {  	v1 =	vld.idx.msk [tilespmem:v2+s3+$0x0], $0xffff;
	_ =	sdelay $0x1  }
.Ltmp3:
0x13e: {  	_ = 	snop;
	(pc) =	sbr.rel .LBB2_4-.Ltmp3, $3  }
0x13f: {  	_ =	sdelay $0x1  }
0x140: {  	s31 =	simm.s32 $0x4B00;
	s25 =	simm.s32 $0x0;
	p0 =	por $0x1, $0x1;
	[tilespmem:s30+$0xB40] =	vst v1  }
0x141: {  	[tilespmem:s19], [sflag:$0x2] =	stream.indirect.gather [hbm4b:s8+s17], $0x40, s31, s17, $0xb8;
	[tilespmem:$0x10980] =	vst v63  }
.LBB2_8:
0x142: {  	_ =	swait.ge [sflag:s20], $0x5000  }
0x143: {  	[sflag:s20] =	ssyncset.done $0x0  }
0x144: {  	[sflag:s20] =	ssyncadd.s32 $0xFFFFB000  }
0x145: {  	_ =	swait.ge [sflag:s20], $0x5000  }
0x146: {  	[sflag:s20] =	ssyncset.done $0x0  }
0x147: {  	[sflag:s20] =	ssyncadd.s32 $0xFFFFB000  }
0x148: {  	_ =	swait.ge [sflag:s20], $0x5000  }
0x149: {  	[sflag:s20] =	ssyncset.done $0x0  }
0x14a: {  	[sflag:s20] =	ssyncadd.s32 $0xFFFFB000  }
0x14b: {  	_ =	swait.ge [sflag:s20], $0x5000  }
0x14c: {  	[sflag:s20] =	ssyncset.done $0x0  }
0x14d: {  	[sflag:s20] =	ssyncadd.s32 $0xFFFFB000  }
0x14e: {  	_ =	swait.ge [sflag:s20], $0x5000  }
0x14f: {  	[sflag:s20] =	ssyncset.done $0x0  }
0x150: {  	[sflag:s20] =	ssyncadd.s32 $0xFFFFB000  }
0x151: {  	_ =	swait.ge [sflag:s20], $0x5000  }
0x152: {  	[sflag:s20] =	ssyncset.done $0x0  }
0x153: {  	[sflag:s20] =	ssyncadd.s32 $0xFFFFB000  }
0x154: {  	_ =	swait.ge [sflag:s20], $0x5000  }
0x155: {  	[sflag:s20] =	ssyncset.done $0x0  }
0x156: {  	[sflag:s20] =	ssyncadd.s32 $0xFFFFB000  }
0x157: {  	_ =	swait.ge [sflag:s20], $0x5000  }
0x158: {  	[sflag:s20] =	ssyncset.done $0x0  }
0x159: {  	[sflag:s20] =	ssyncadd.s32 $0xFFFFB000  }
0x15a: {  	_ =	swait.ge [sflag:s20], $0x5000  }
0x15b: {  	[sflag:s20] =	ssyncset.done $0x0  }
0x15c: {  	[sflag:s20] =	ssyncadd.s32 $0xFFFFB000  }
0x15d: {  	_ =	swait.ge [sflag:s20], $0x5000  }
0x15e: {  	[sflag:s20] =	ssyncset.done $0x0  }
0x15f: {  	[sflag:s20] =	ssyncadd.s32 $0xFFFFB000  }
0x160: {  	_ =	swait.ge [sflag:s20], $0x5000  }
0x161: {  	[sflag:s20] =	ssyncset.done $0x0  }
0x162: {  	[sflag:s20] =	ssyncadd.s32 $0xFFFFB000  }
0x163: {  	_ =	swait.ge [sflag:s20], $0x5000  }
0x164: {  	[sflag:s20] =	ssyncset.done $0x0  }
0x165: {  	[sflag:s20] =	ssyncadd.s32 $0xFFFFB000  }
0x166: {  	_ =	swait.ge [sflag:s20], $0x5000  }
0x167: {  	[sflag:s20] =	ssyncset.done $0x0  }
0x168: {  	[sflag:s20] =	ssyncadd.s32 $0xFFFFB000  }
0x169: {  	_ =	swait.ge [sflag:s20], $0x5000  }
0x16a: {  	[sflag:s20] =	ssyncset.done $0x0  }
0x16b: {  	[sflag:s20] =	ssyncadd.s32 $0xFFFFB000  }
0x16c: {  	_ =	swait.ge [sflag:s20], $0x5000  }
0x16d: {  	[sflag:s20] =	ssyncset.done $0x0  }
0x16e: {  	[sflag:s20] =	ssyncadd.s32 $0xFFFFB000  }
0x16f: {  	_ =	swait.ge [sflag:s20], $0x5000  }
0x170: {  	[sflag:s20] =	ssyncset.done $0x0  }
0x171: {  	[sflag:s20] =	ssyncadd.s32 $0xFFFFB000  }
0x172: {  	_ =	swait.ge [sflag:s20], $0x5000  }
0x173: {  	[sflag:s20] =	ssyncset.done $0x0  }
0x174: {  	[sflag:s20] =	ssyncadd.s32 $0xFFFFB000  }
0x175: {  	_ =	swait.ge [sflag:s20], $0x5000  }
0x176: {  	[sflag:s20] =	ssyncset.done $0x0  }
0x177: {  	[sflag:s20] =	ssyncadd.s32 $0xFFFFB000  }
0x178: {  	_ =	swait.ge [sflag:s20], $0x5000  }
0x179: {  	s0 =	sshll.u32 s25, $0x4;
	[sflag:s20] =	ssyncset.done $0x0  }
0x17a: {  	s0 =	sadd.s32 s4, s0;
	[sflag:s20] =	ssyncadd.s32 $0xFFFFB000  }
0x17b: {  	s1 =	smul.u32 $0xA0, s0;
	_ =	swait.ge [sflag:s20], $0x5000  }
0x17c: {  	[sflag:s20] =	ssyncset.done $0x0  }
0x17d: {  	s18 =	sadd.s32 s2, s1;
	[sflag:s20] =	ssyncadd.s32 $0xFFFFB000  }
0x17e: {  	[hbm4b:s18+s3] =	stream.linear.scatter [tilespmem:s26], [sflag:$0x3], $0x500, $0x38;
	[tilespmem:$0x10980] =	vst v63  }
0x17f: {  	s0 =	smul.u32 $0x500, s0;
	s25 =	sadd.s32 s1, s11;
	s26 =	sadd.s32 $0x6B80, s24  }
0x180: {  	[hbm4b:s25+s3] =	stream.linear.scatter [tilespmem:s26], [sflag:$0x3], $0x500, $0x38;
	[tilespmem:$0x10980] =	vst v63  }
0x181: {  	s30 =	sadd.s32 $0x7080, s24;
	s29 =	sadd.s32 s1, s12;
	s0 =	sshrl.u32 s0, $0x3  }
0x182: {  	[hbm4b:s29+s3] =	stream.linear.scatter [tilespmem:s30], [sflag:$0x3], $0x500, $0x38;
	[tilespmem:$0x10980] =	vst v63  }
0x183: {  	s31 =	sadd.s32 $0x7580, s24;
	s1 =	sadd.s32 s1, s13;
	s0 =	sadd.s32 s2, s0  }
0x184: {  	[hbm4b:s1+s3] =	stream.linear.scatter [tilespmem:s31], [sflag:$0x3], $0x500, $0x38;
	[tilespmem:$0x10980] =	vst v63  }
0x185: {  	s18 =	sadd.s32 $0x280, s0;
	s25 =	sadd.s32 $0x7A80, s24  }
0x186: {  	[hbm4b:s18+s3] =	stream.linear.scatter [tilespmem:s25], [sflag:$0x3], $0x500, $0x38;
	[tilespmem:$0x10980] =	vst v63  }
0x187: {  	s26 =	sadd.s32 $0x320, s0;
	s29 =	sadd.s32 $0x7F80, s24  }
0x188: {  	[hbm4b:s26+s3] =	stream.linear.scatter [tilespmem:s29], [sflag:$0x3], $0x500, $0x38;
	[tilespmem:$0x10980] =	vst v63  }
0x189: {  	s30 =	sadd.s32 $0x3C0, s0;
	s31 =	sadd.s32 $0x8480, s24  }
0x18a: {  	[hbm4b:s30+s3] =	stream.linear.scatter [tilespmem:s31], [sflag:$0x3], $0x500, $0x38;
	[tilespmem:$0x10980] =	vst v63  }
0x18b: {  	s18 =	sadd.s32 $0x460, s0;
	s25 =	sadd.s32 $0x8980, s24  }
0x18c: {  	[hbm4b:s18+s3] =	stream.linear.scatter [tilespmem:s25], [sflag:$0x3], $0x500, $0x38;
	[tilespmem:$0x10980] =	vst v63  }
0x18d: {  	s26 =	sadd.s32 $0x500, s0;
	s29 =	sadd.s32 $0x8E80, s24  }
0x18e: {  	[hbm4b:s26+s3] =	stream.linear.scatter [tilespmem:s29], [sflag:$0x3], $0x500, $0x38;
	[tilespmem:$0x10980] =	vst v63  }
0x18f: {  	s30 =	sadd.s32 $0x5A0, s0;
	s31 =	sadd.s32 $0x9380, s24  }
0x190: {  	[hbm4b:s30+s3] =	stream.linear.scatter [tilespmem:s31], [sflag:$0x3], $0x500, $0x38;
	[tilespmem:$0x10980] =	vst v63  }
0x191: {  	s18 =	sadd.s32 $0x640, s0;
	s25 =	sadd.s32 $0x9880, s24  }
0x192: {  	[hbm4b:s18+s3] =	stream.linear.scatter [tilespmem:s25], [sflag:$0x3], $0x500, $0x38;
	[tilespmem:$0x10980] =	vst v63  }
0x193: {  	s26 =	sadd.s32 $0x6E0, s0;
	s29 =	sadd.s32 $0x9D80, s24  }
0x194: {  	[hbm4b:s26+s3] =	stream.linear.scatter [tilespmem:s29], [sflag:$0x3], $0x500, $0x38;
	[tilespmem:$0x10980] =	vst v63  }
0x195: {  	s30 =	sadd.s32 $0x780, s0;
	s31 =	sadd.s32 $0xA280, s24  }
0x196: {  	[hbm4b:s30+s3] =	stream.linear.scatter [tilespmem:s31], [sflag:$0x3], $0x500, $0x38;
	[tilespmem:$0x10980] =	vst v63  }
0x197: {  	p1 =	sne.s32 s28, $0x8;
	s25 =	sadd.s32 $0x820, s0;
	s26 =	sadd.s32 $0xA780, s24  }
0x198: {  	[hbm4b:s25+s3] =	stream.linear.scatter [tilespmem:s26], [sflag:$0x3], $0x500, $0x38;
	[tilespmem:$0x10980] =	vst v63  }
.Ltmp4:
0x199: {  	_ = 	snop;
	(pc) =	sbr.rel @!p1 .LBB2_9-.Ltmp4, $4  }
0x19a: {  	p0 =	por !p0, !p0;
	s29 =	sadd.s32 $0x8C0, s0;
	s30 =	sadd.s32 $0xAC80, s24  }
0x19b: {  	[hbm4b:s29+s3] =	stream.linear.scatter [tilespmem:s30], [sflag:$0x3], $0x500, $0x38;
	[tilespmem:$0x10980] =	vst v63  }
0x19c: {  	s0 =	sadd.s32 $0x960, s0;
	s31 =	sadd.s32 $0xB180, s24;
	s25 =	smov.u32 s28  }
0x19d: {  	[hbm4b:s0+s3] =	stream.linear.scatter [tilespmem:s31], [sflag:$0x3], $0x500, $0x38;
	[tilespmem:$0x10980] =	vst v63  }
.LBB2_4:
0x19e: {  	s0 =	sand.u32 $0x1, s25  }
0x19f: {  	s1 =	smul.u32 $0x14000, s0  }
0x1a0: {  	s0 =	smul.u32 $0x6900, s0  }
0x1a1: {  	_ =	swait.ge [sflag:s21], $0x5000  }
0x1a2: {  	[sflag:s21] =	ssyncset.done $0x0;
	s24 =	sshrl.u32 s1, $0x2;
	s0 =	sshrl.u32 s0, $0x2  }
0x1a3: {  	[sflag:s21] =	ssyncadd.s32 $0xFFFFB000;
	s26 =	sadd.s32 $0x6680, s24;
	s29 =	sadd.s32 $0x3200, s0  }
0x1a4: {  	[tilespmem:s26], [sflag:$0x1] =	stream.indirect.gather.add.f32 [hbm:s7], $0x40, s29, s17, $0xb8;
	[tilespmem:$0x10980] =	vst v63  }
0x1a5: {  	s30 =	sadd.s32 $0x3340, s0  }
0x1a6: {  	[tilespmem:s26], [sflag:$0x1] =	stream.indirect.gather.add.f32 [hbm:s7], $0x40, s30, s17, $0xb8;
	[tilespmem:$0x10980] =	vst v63  }
0x1a7: {  	s31 =	sadd.s32 $0x3480, s0  }
0x1a8: {  	[tilespmem:s26], [sflag:$0x1] =	stream.indirect.gather.add.f32 [hbm:s7], $0x40, s31, s17, $0xb8;
	[tilespmem:$0x10980] =	vst v63  }
0x1a9: {  	s18 =	sadd.s32 $0x35C0, s0  }
0x1aa: {  	[tilespmem:s26], [sflag:$0x1] =	stream.indirect.gather.add.f32 [hbm:s7], $0x40, s18, s17, $0xb8;
	[tilespmem:$0x10980] =	vst v63  }
0x1ab: {  	s29 =	sadd.s32 $0x3700, s0  }
0x1ac: {  	[tilespmem:s26], [sflag:$0x1] =	stream.indirect.gather.add.f32 [hbm:s7], $0x40, s29, s17, $0xb8;
	[tilespmem:$0x10980] =	vst v63  }
0x1ad: {  	s30 =	sadd.s32 $0x3840, s0  }
0x1ae: {  	[tilespmem:s26], [sflag:$0x1] =	stream.indirect.gather.add.f32 [hbm:s7], $0x40, s30, s17, $0xb8;
	[tilespmem:$0x10980] =	vst v63  }
0x1af: {  	s31 =	sadd.s32 $0x3980, s0  }
0x1b0: {  	[tilespmem:s26], [sflag:$0x1] =	stream.indirect.gather.add.f32 [hbm:s7], $0x40, s31, s17, $0xb8;
	[tilespmem:$0x10980] =	vst v63  }
0x1b1: {  	s18 =	sadd.s32 $0x3AC0, s0  }
0x1b2: {  	[tilespmem:s26], [sflag:$0x1] =	stream.indirect.gather.add.f32 [hbm:s7], $0x40, s18, s17, $0xb8;
	[tilespmem:$0x10980] =	vst v63  }
0x1b3: {  	s29 =	sadd.s32 $0x3C00, s0  }
0x1b4: {  	[tilespmem:s26], [sflag:$0x1] =	stream.indirect.gather.add.f32 [hbm:s7], $0x40, s29, s17, $0xb8;
	[tilespmem:$0x10980] =	vst v63  }
0x1b5: {  	s30 =	sadd.s32 $0x3D40, s0  }
0x1b6: {  	[tilespmem:s26], [sflag:$0x1] =	stream.indirect.gather.add.f32 [hbm:s7], $0x40, s30, s17, $0xb8;
	[tilespmem:$0x10980] =	vst v63  }
0x1b7: {  	s31 =	sadd.s32 $0x3E80, s0  }
0x1b8: {  	[tilespmem:s26], [sflag:$0x1] =	stream.indirect.gather.add.f32 [hbm:s7], $0x40, s31, s17, $0xb8;
	[tilespmem:$0x10980] =	vst v63  }
0x1b9: {  	s18 =	sadd.s32 $0x3FC0, s0  }
0x1ba: {  	[tilespmem:s26], [sflag:$0x1] =	stream.indirect.gather.add.f32 [hbm:s7], $0x40, s18, s17, $0xb8;
	[tilespmem:$0x10980] =	vst v63  }
0x1bb: {  	s29 =	sadd.s32 $0x4100, s0  }
0x1bc: {  	[tilespmem:s26], [sflag:$0x1] =	stream.indirect.gather.add.f32 [hbm:s7], $0x40, s29, s17, $0xb8;
	[tilespmem:$0x10980] =	vst v63  }
0x1bd: {  	s30 =	sadd.s32 $0x4240, s0  }
0x1be: {  	[tilespmem:s26], [sflag:$0x1] =	stream.indirect.gather.add.f32 [hbm:s7], $0x40, s30, s17, $0xb8;
	[tilespmem:$0x10980] =	vst v63  }
0x1bf: {  	s31 =	sadd.s32 $0x4380, s0  }
0x1c0: {  	[tilespmem:s26], [sflag:$0x1] =	stream.indirect.gather.add.f32 [hbm:s7], $0x40, s31, s17, $0xb8;
	[tilespmem:$0x10980] =	vst v63  }
0x1c1: {  	s18 =	sadd.s32 $0x44C0, s0  }
0x1c2: {  	[tilespmem:s26], [sflag:$0x1] =	stream.indirect.gather.add.f32 [hbm:s7], $0x40, s18, s17, $0xb8;
	[tilespmem:$0x10980] =	vst v63  }
0x1c3: {  	s29 =	sadd.s32 $0x4600, s0  }
0x1c4: {  	[tilespmem:s26], [sflag:$0x1] =	stream.indirect.gather.add.f32 [hbm:s7], $0x40, s29, s17, $0xb8;
	[tilespmem:$0x10980] =	vst v63  }
0x1c5: {  	s30 =	sadd.s32 $0x4740, s0  }
0x1c6: {  	[tilespmem:s26], [sflag:$0x1] =	stream.indirect.gather.add.f32 [hbm:s7], $0x40, s30, s17, $0xb8;
	[tilespmem:$0x10980] =	vst v63  }
0x1c7: {  	s31 =	sadd.s32 $0x4880, s0  }
0x1c8: {  	[tilespmem:s26], [sflag:$0x1] =	stream.indirect.gather.add.f32 [hbm:s7], $0x40, s31, s17, $0xb8;
	[tilespmem:$0x10980] =	vst v63  }
0x1c9: {  	p1 =	seq.s32 s25, $0x0;
	s0 =	sadd.s32 $0x49C0, s0  }
0x1ca: {  	[tilespmem:s26], [sflag:$0x1] =	stream.indirect.gather.add.f32 [hbm:s7], $0x40, s0, s17, $0xb8;
	[tilespmem:$0x10980] =	vst v63  }
0x1cb: {  	s0 =	simm.s32 @!p1 $0x3  }
0x1cc: {  	_ =	swait.ge @!p1 [sflag:s0], $0x500  }
0x1cd: {  	[sflag:s0] =	ssyncset.done @!p1 $0x0  }
0x1ce: {  	[sflag:s0] =	ssyncadd.s32 @!p1 $0xFFFFFB00  }
0x1cf: {  	_ =	swait.ge @!p1 [sflag:s0], $0x500  }
0x1d0: {  	[sflag:s0] =	ssyncset.done @!p1 $0x0  }
0x1d1: {  	[sflag:s0] =	ssyncadd.s32 @!p1 $0xFFFFFB00  }
0x1d2: {  	_ =	swait.ge @!p1 [sflag:s0], $0x500  }
0x1d3: {  	[sflag:s0] =	ssyncset.done @!p1 $0x0  }
0x1d4: {  	[sflag:s0] =	ssyncadd.s32 @!p1 $0xFFFFFB00  }
0x1d5: {  	_ =	swait.ge @!p1 [sflag:s0], $0x500  }
0x1d6: {  	[sflag:s0] =	ssyncset.done @!p1 $0x0  }
0x1d7: {  	[sflag:s0] =	ssyncadd.s32 @!p1 $0xFFFFFB00  }
0x1d8: {  	_ =	swait.ge @!p1 [sflag:s0], $0x500  }
0x1d9: {  	[sflag:s0] =	ssyncset.done @!p1 $0x0  }
0x1da: {  	[sflag:s0] =	ssyncadd.s32 @!p1 $0xFFFFFB00  }
0x1db: {  	_ =	swait.ge @!p1 [sflag:s0], $0x500  }
0x1dc: {  	[sflag:s0] =	ssyncset.done @!p1 $0x0  }
0x1dd: {  	[sflag:s0] =	ssyncadd.s32 @!p1 $0xFFFFFB00  }
0x1de: {  	_ =	swait.ge @!p1 [sflag:s0], $0x500  }
0x1df: {  	[sflag:s0] =	ssyncset.done @!p1 $0x0  }
0x1e0: {  	[sflag:s0] =	ssyncadd.s32 @!p1 $0xFFFFFB00  }
0x1e1: {  	_ =	swait.ge @!p1 [sflag:s0], $0x500  }
0x1e2: {  	[sflag:s0] =	ssyncset.done @!p1 $0x0  }
0x1e3: {  	[sflag:s0] =	ssyncadd.s32 @!p1 $0xFFFFFB00  }
0x1e4: {  	_ =	swait.ge @!p1 [sflag:s0], $0x500  }
0x1e5: {  	[sflag:s0] =	ssyncset.done @!p1 $0x0  }
0x1e6: {  	[sflag:s0] =	ssyncadd.s32 @!p1 $0xFFFFFB00  }
0x1e7: {  	_ =	swait.ge @!p1 [sflag:s0], $0x500  }
0x1e8: {  	[sflag:s0] =	ssyncset.done @!p1 $0x0  }
0x1e9: {  	[sflag:s0] =	ssyncadd.s32 @!p1 $0xFFFFFB00  }
0x1ea: {  	_ =	swait.ge @!p1 [sflag:s0], $0x500  }
0x1eb: {  	[sflag:s0] =	ssyncset.done @!p1 $0x0  }
0x1ec: {  	[sflag:s0] =	ssyncadd.s32 @!p1 $0xFFFFFB00  }
0x1ed: {  	_ =	swait.ge @!p1 [sflag:s0], $0x500  }
0x1ee: {  	[sflag:s0] =	ssyncset.done @!p1 $0x0  }
0x1ef: {  	[sflag:s0] =	ssyncadd.s32 @!p1 $0xFFFFFB00  }
0x1f0: {  	_ =	swait.ge @!p1 [sflag:s0], $0x500  }
0x1f1: {  	[sflag:s0] =	ssyncset.done @!p1 $0x0  }
0x1f2: {  	[sflag:s0] =	ssyncadd.s32 @!p1 $0xFFFFFB00  }
0x1f3: {  	_ =	swait.ge @!p1 [sflag:s0], $0x500  }
0x1f4: {  	[sflag:s0] =	ssyncset.done @!p1 $0x0  }
0x1f5: {  	p2 =	seq.s32 @!p1 s25, $0x7;
	[sflag:s0] =	ssyncadd.s32 @!p1 $0xFFFFFB00  }
0x1f6: {  	p2 =	por p1, !p2;
	_ =	swait.ge @!p1 [sflag:s0], $0x500  }
.Ltmp5:
0x1f7: {  	[sflag:s0] =	ssyncset.done @!p1 $0x0;
	(pc) =	sbr.rel @!p2 .LBB2_8-.Ltmp5, $4  }
0x1f8: {  	[sflag:s0] =	ssyncadd.s32 @!p1 $0xFFFFFB00  }
0x1f9: {  	_ =	swait.ge @!p1 [sflag:s0], $0x500  }
0x1fa: {  	[sflag:s0] =	ssyncset.done @!p1 $0x0  }
0x1fb: {  	s28 =	sadd.s32 $0x1, s25;
	[sflag:s0] =	ssyncadd.s32 @!p1 $0xFFFFFB00  }
0x1fc: {  	s0 =	simm.s32 $0x0  }
0x1fd: {  	s29 =	sand.u32 $0x1, s28;
	s1 =	sshll.u32 s28, $0x4;
	v1 =	vor.u32 s0, v0  }
0x1fe: {  	s18 =	smul.u32 $0x6400, s29;
	s1 =	sadd.s32 s4, s1;
	v2 =	vmulhi.u32 $0xCCCCCCCD, v1  }
0x1ff: {  	s31 =	smul.u32 $0x32, s1  }
0x200: {  	v2 =	vshrl.u32 v2, $0x4  }
0x201: {  	s30 =	sshrl.u32 s18, $0x2;
	s18 =	sadd.s32 s5, s31;
	v3 =	vmul.u32 $0xFFFFFFEC, v2  }
0x202: {  	[tilespmem:s30], [sflag:$0x4] =	stream.linear.gather [hbm4b:s18+s0], $0x1900, $0x38;
	[tilespmem:$0x10980] =	vst v63  }
0x203: {  	s18 =	smul.u32 $0x600, s29;
	v1 =	vadd.s32 v1, v3;
	v3 =	vmul.u32 $0x18, v2  }
0x204: {  	s1 =	smul.u32 $0x3, s1;
	_ =	swait.ge [sflag:s15], $0x1900;
	v4 =	vand.u32 $0xFFFFFFF8, v1  }
0x205: {  	[sflag:s15] =	ssyncset.done $0x0;
	s18 =	sshrl.u32 s18, $0x2;
	v5 =	vand.u32 $0x7, v1;
	v3 =	vadd.s32 v3, v4  }
0x206: {  	s1 =	sadd.s32 s6, s1;
	[sflag:s15] =	ssyncadd.s32 $0xFFFFE700;
	s31 =	sadd.s32 $0x10680, s18;
	v3 =	vor.u32 v5, v3  }
0x207: {  	[tilespmem:s31], [sflag:$0x4] =	stream.linear.gather [hbm4b:s1+s0], $0x180, $0x38;
	[tilespmem:$0x10980] =	vst v63  }
0x208: {  	v4 =	vmul.u32 $0x14, v1;
	_ =	swait.ge [sflag:s15], $0x180  }
0x209: {  	v1 =	vmul.u32 $0x190, v2;
	[sflag:s15] =	ssyncset.done $0x0  }
0x20a: {  	s0 =	simm.s32 $0x1;
	v2 =	vand.u32 $0xFFFFFFF8, v4;
	[sflag:s15] =	ssyncadd.s32 $0xFFFFFE80  }
0x20b: {  	s0 =	simm.s32 @!p0 $0x0;
	v5 =	vand.u32 $0x4, v4;
	v2 =	vadd.s32 v1, v2;
	v3 =	vld.idx.msk [tilespmem:v3+s31+$0x0], $0xffff  }
0x20c: {  	s0 =	smul.u32 $0x6900, s0;
	v2 =	vor.u32 v5, v2;
	_ =	sdelay $0x1  }
0x20d: {  	s0 =	sshrl.u32 s0, $0x2  }
0x20e: {  	s1 =	sadd.s32 $0x3E80, s0  }
0x20f: {  	[tilespmem:s1+$0xC80] =	vst v3  }
0x210: {  	v3 =	vld.idx.msk [tilespmem:v2+s30+$0x0], $0xffff  }
0x211: {  	v5 =	vor.u32 $0x1, v2;
	_ =	sdelay $0x3  }
0x212: {  	[tilespmem:s1+$0xFFFFF380] =	vst v3  }
0x213: {  	v3 =	vld.idx.msk [tilespmem:v5+s30+$0x0], $0xffff  }
0x214: {  	v5 =	vor.u32 $0x2, v2;
	_ =	sdelay $0x3  }
0x215: {  	[tilespmem:s1+$0xFFFFF4C0] =	vst v3  }
0x216: {  	v3 =	vld.idx.msk [tilespmem:v5+s30+$0x0], $0xffff  }
0x217: {  	v5 =	vor.u32 $0x3, v2;
	_ =	sdelay $0x2  }
0x218: {  	v6 =	vadd.s32 $0x4, v4  }
0x219: {  	[tilespmem:s1+$0xFFFFF600] =	vst v3;
	v3 =	vand.u32 $0xFFFFFFF8, v6  }
0x21a: {  	v6 =	vand.u32 $0x4, v6;
	v5 =	vld.idx.msk [tilespmem:v5+s30+$0x0], $0xffff;
	v3 =	vadd.s32 v1, v3  }
0x21b: {  	v3 =	vor.u32 v6, v3;
	_ =	sdelay $0x2  }
0x21c: {  	v6 =	vadd.s32 $0x5, v4  }
0x21d: {  	[tilespmem:s1+$0xFFFFF740] =	vst v5;
	v5 =	vand.u32 $0xFFFFFFF8, v6  }
0x21e: {  	v6 =	vand.u32 $0x5, v6;
	v3 =	vld.idx.msk [tilespmem:v3+s30+$0x0], $0xffff;
	v5 =	vadd.s32 v1, v5  }
0x21f: {  	v5 =	vor.u32 v6, v5;
	_ =	sdelay $0x2  }
0x220: {  	v6 =	vadd.s32 $0x6, v4  }
0x221: {  	[tilespmem:s1+$0xFFFFF880] =	vst v3;
	v3 =	vand.u32 $0xFFFFFFF8, v6  }
0x222: {  	v6 =	vand.u32 $0x6, v6;
	v5 =	vld.idx.msk [tilespmem:v5+s30+$0x0], $0xffff;
	v3 =	vadd.s32 v1, v3  }
0x223: {  	v3 =	vor.u32 v6, v3;
	_ =	sdelay $0x2  }
0x224: {  	v6 =	vadd.s32 $0x7, v4  }
0x225: {  	[tilespmem:s1+$0xFFFFF9C0] =	vst v5;
	v5 =	vand.u32 $0xFFFFFFF8, v6  }
0x226: {  	v6 =	vand.u32 $0x7, v6;
	v3 =	vld.idx.msk [tilespmem:v3+s30+$0x0], $0xffff;
	v5 =	vadd.s32 v1, v5  }
0x227: {  	v5 =	vor.u32 v6, v5;
	_ =	sdelay $0x3  }
0x228: {  	[tilespmem:s1+$0xFFFFFB00] =	vst v3  }
0x229: {  	v3 =	vld.idx.msk [tilespmem:v5+s30+$0x0], $0xffff  }
0x22a: {  	v5 =	vadd.s32 $0x8, v2;
	_ =	sdelay $0x2  }
0x22b: {  	v6 =	vadd.s32 $0x9, v4  }
0x22c: {  	[tilespmem:s1+$0xFFFFFC40] =	vst v3;
	v3 =	vand.u32 $0xFFFFFFF8, v6  }
0x22d: {  	v6 =	vand.u32 $0x5, v6;
	v5 =	vld.idx.msk [tilespmem:v5+s30+$0x0], $0xffff;
	v3 =	vadd.s32 v1, v3  }
0x22e: {  	v3 =	vor.u32 v6, v3;
	_ =	sdelay $0x2  }
0x22f: {  	v6 =	vadd.s32 $0xA, v4  }
0x230: {  	[tilespmem:s1+$0xFFFFFD80] =	vst v5;
	v5 =	vand.u32 $0xFFFFFFF8, v6  }
0x231: {  	v6 =	vand.u32 $0x6, v6;
	v3 =	vld.idx.msk [tilespmem:v3+s30+$0x0], $0xffff;
	v5 =	vadd.s32 v1, v5  }
0x232: {  	v5 =	vor.u32 v6, v5;
	_ =	sdelay $0x2  }
0x233: {  	v6 =	vadd.s32 $0xB, v4  }
0x234: {  	[tilespmem:s1+$0xFFFFFEC0] =	vst v3;
	v3 =	vand.u32 $0xFFFFFFF8, v6  }
0x235: {  	v6 =	vand.u32 $0x7, v6;
	v5 =	vld.idx.msk [tilespmem:v5+s30+$0x0], $0xffff;
	v3 =	vadd.s32 v1, v3  }
0x236: {  	v3 =	vor.u32 v6, v3;
	_ =	sdelay $0x2  }
0x237: {  	v6 =	vadd.s32 $0xC, v4  }
0x238: {  	[tilespmem:s1+$0x0] =	vst v5;
	v5 =	vand.u32 $0xFFFFFFF8, v6  }
0x239: {  	v6 =	vand.u32 $0x4, v6;
	v3 =	vld.idx.msk [tilespmem:v3+s30+$0x0], $0xffff;
	v5 =	vadd.s32 v1, v5  }
0x23a: {  	v5 =	vor.u32 v6, v5;
	_ =	sdelay $0x2  }
0x23b: {  	v6 =	vadd.s32 $0xD, v4  }
0x23c: {  	[tilespmem:s1+$0x140] =	vst v3;
	v3 =	vand.u32 $0xFFFFFFF8, v6  }
0x23d: {  	v6 =	vand.u32 $0x5, v6;
	v5 =	vld.idx.msk [tilespmem:v5+s30+$0x0], $0xffff;
	v3 =	vadd.s32 v1, v3  }
0x23e: {  	v3 =	vor.u32 v6, v3;
	_ =	sdelay $0x2  }
0x23f: {  	v6 =	vadd.s32 $0xE, v4  }
0x240: {  	[tilespmem:s1+$0x280] =	vst v5;
	v5 =	vand.u32 $0xFFFFFFF8, v6  }
0x241: {  	v6 =	vand.u32 $0x6, v6;
	v3 =	vld.idx.msk [tilespmem:v3+s30+$0x0], $0xffff;
	v5 =	vadd.s32 v1, v5  }
0x242: {  	v5 =	vor.u32 v6, v5;
	_ =	sdelay $0x2  }
0x243: {  	v6 =	vadd.s32 $0xF, v4  }
0x244: {  	[tilespmem:s1+$0x3C0] =	vst v3;
	v3 =	vand.u32 $0xFFFFFFF8, v6  }
0x245: {  	v6 =	vand.u32 $0x7, v6;
	v5 =	vld.idx.msk [tilespmem:v5+s30+$0x0], $0xffff;
	v3 =	vadd.s32 v1, v3  }
0x246: {  	v3 =	vor.u32 v6, v3;
	_ =	sdelay $0x3  }
0x247: {  	[tilespmem:s1+$0x500] =	vst v5  }
0x248: {  	v3 =	vld.idx.msk [tilespmem:v3+s30+$0x0], $0xffff  }
0x249: {  	v2 =	vadd.s32 $0x10, v2;
	_ =	sdelay $0x2  }
0x24a: {  	v5 =	vadd.s32 $0x11, v4  }
0x24b: {  	[tilespmem:s1+$0x640] =	vst v3;
	v3 =	vand.u32 $0xFFFFFFF8, v5  }
0x24c: {  	v5 =	vand.u32 $0x5, v5;
	v2 =	vld.idx.msk [tilespmem:v2+s30+$0x0], $0xffff;
	v3 =	vadd.s32 v1, v3  }
0x24d: {  	v3 =	vor.u32 v5, v3;
	_ =	sdelay $0x2  }
0x24e: {  	v5 =	vadd.s32 $0x12, v4  }
0x24f: {  	[tilespmem:s1+$0x780] =	vst v2;
	v2 =	vand.u32 $0xFFFFFFF8, v5  }
0x250: {  	v5 =	vand.u32 $0x6, v5;
	v3 =	vld.idx.msk [tilespmem:v3+s30+$0x0], $0xffff;
	v2 =	vadd.s32 v1, v2  }
0x251: {  	v5 =	vor.u32 v5, v2;
	_ =	sdelay $0x1  }
0x252: {  	s18 =	smul.u32 $0x6900, s29;
	_ =	sdelay $0x1  }
0x253: {  	s0 =	sshrl.u32 s18, $0x2;
	s18 =	simm.s32 $0x10;
	v4 =	vadd.s32 $0x13, v4;
	[tilespmem:s1+$0x8C0] =	vst v3  }
0x254: {  	s0 =	sadd.s32 $0x4B00, s0;
	v2 =	vor.u32 s18, v0;
	s18 =	simm.s32 $0x20;
	v3 =	vld.idx.msk [tilespmem:v5+s30+$0x0], $0xffff;
	v5 =	vand.u32 $0xFFFFFFF8, v4  }
.LBB2_6:
0x255: {  	p1 =	sne.s32 s18, $0x130;
	v6 =	vmulhi.u32 $0xCCCCCCCD, v2;
	v4 =	vand.u32 $0x7, v4;
	v1 =	vadd.s32 v1, v5  }
0x256: {  	v1 =	vor.u32 v4, v1  }
0x257: {  	v4 =	vshrl.u32 v6, $0x4  }
0x258: {  	v5 =	vmul.u32 $0xFFFFFFEC, v4;
	_ =	sdelay $0x1  }
0x259: {  	v2 =	vadd.s32 v2, v5;
	v5 =	vmul.u32 $0x18, v4;
	[tilespmem:s1+$0xA00] =	vst v3  }
0x25a: {  	v3 =	vand.u32 $0xFFFFFFF8, v2;
	v6 =	vld.idx.msk [tilespmem:v1+s30+$0x0], $0xffff  }
0x25b: {  	v1 =	vand.u32 $0x7, v2;
	v3 =	vadd.s32 v5, v3  }
0x25c: {  	v3 =	vor.u32 v1, v3;
	_ =	sdelay $0x2  }
0x25d: {  	v2 =	vmul.u32 $0x14, v2  }
0x25e: {  	v1 =	vmul.u32 $0x190, v4;
	[tilespmem:s1+$0xB40] =	vst v6  }
0x25f: {  	v4 =	vld.idx.msk [tilespmem:v3+s31+$0x0], $0xffff;
	v3 =	vand.u32 $0xFFFFFFF8, v2  }
0x260: {  	v5 =	vand.u32 $0x4, v2;
	v3 =	vadd.s32 v1, v3  }
0x261: {  	v3 =	vor.u32 v5, v3;
	_ =	sdelay $0x2  }
0x262: {  	s1 =	sadd.s32 $0x10, s1  }
0x263: {  	[tilespmem:s1+$0xC80] =	vst v4  }
0x264: {  	v4 =	vld.idx.msk [tilespmem:v3+s30+$0x0], $0xffff;
	_ =	sdelay $0x1  }
0x265: {  	v5 =	vor.u32 $0x1, v3;
	_ =	sdelay $0x3  }
0x266: {  	[tilespmem:s1+$0xFFFFF380] =	vst v4  }
0x267: {  	v4 =	vld.idx.msk [tilespmem:v5+s30+$0x0], $0xffff;
	_ =	sdelay $0x1  }
0x268: {  	v5 =	vor.u32 $0x2, v3;
	_ =	sdelay $0x3  }
0x269: {  	[tilespmem:s1+$0xFFFFF4C0] =	vst v4  }
0x26a: {  	v4 =	vld.idx.msk [tilespmem:v5+s30+$0x0], $0xffff;
	_ =	sdelay $0x1  }
0x26b: {  	v5 =	vor.u32 $0x3, v3;
	_ =	sdelay $0x3  }
0x26c: {  	[tilespmem:s1+$0xFFFFF600] =	vst v4;
	v4 =	vadd.s32 $0x4, v2  }
0x26d: {  	v5 =	vld.idx.msk [tilespmem:v5+s30+$0x0], $0xffff;
	v6 =	vand.u32 $0xFFFFFFF8, v4  }
0x26e: {  	v4 =	vand.u32 $0x4, v4;
	v6 =	vadd.s32 v1, v6  }
0x26f: {  	v4 =	vor.u32 v4, v6;
	_ =	sdelay $0x3  }
0x270: {  	[tilespmem:s1+$0xFFFFF740] =	vst v5;
	v5 =	vadd.s32 $0x5, v2  }
0x271: {  	v4 =	vld.idx.msk [tilespmem:v4+s30+$0x0], $0xffff;
	v6 =	vand.u32 $0xFFFFFFF8, v5  }
0x272: {  	v5 =	vand.u32 $0x5, v5;
	v6 =	vadd.s32 v1, v6  }
0x273: {  	v5 =	vor.u32 v5, v6;
	_ =	sdelay $0x3  }
0x274: {  	[tilespmem:s1+$0xFFFFF880] =	vst v4;
	v4 =	vadd.s32 $0x6, v2  }
0x275: {  	v5 =	vld.idx.msk [tilespmem:v5+s30+$0x0], $0xffff;
	v6 =	vand.u32 $0xFFFFFFF8, v4  }
0x276: {  	v4 =	vand.u32 $0x6, v4;
	v6 =	vadd.s32 v1, v6  }
0x277: {  	v4 =	vor.u32 v4, v6;
	_ =	sdelay $0x3  }
0x278: {  	[tilespmem:s1+$0xFFFFF9C0] =	vst v5;
	v5 =	vadd.s32 $0x7, v2  }
0x279: {  	v4 =	vld.idx.msk [tilespmem:v4+s30+$0x0], $0xffff;
	v6 =	vand.u32 $0xFFFFFFF8, v5  }
0x27a: {  	v5 =	vand.u32 $0x7, v5;
	v6 =	vadd.s32 v1, v6  }
0x27b: {  	v5 =	vor.u32 v5, v6;
	_ =	sdelay $0x3  }
0x27c: {  	[tilespmem:s1+$0xFFFFFB00] =	vst v4  }
0x27d: {  	v4 =	vld.idx.msk [tilespmem:v5+s30+$0x0], $0xffff;
	_ =	sdelay $0x1  }
0x27e: {  	v5 =	vadd.s32 $0x8, v3;
	_ =	sdelay $0x3  }
0x27f: {  	[tilespmem:s1+$0xFFFFFC40] =	vst v4;
	v4 =	vadd.s32 $0x9, v2  }
0x280: {  	v5 =	vld.idx.msk [tilespmem:v5+s30+$0x0], $0xffff;
	v6 =	vand.u32 $0xFFFFFFF8, v4  }
0x281: {  	v4 =	vand.u32 $0x5, v4;
	v6 =	vadd.s32 v1, v6  }
0x282: {  	v4 =	vor.u32 v4, v6;
	_ =	sdelay $0x3  }
0x283: {  	[tilespmem:s1+$0xFFFFFD80] =	vst v5;
	v5 =	vadd.s32 $0xA, v2  }
0x284: {  	v4 =	vld.idx.msk [tilespmem:v4+s30+$0x0], $0xffff;
	v6 =	vand.u32 $0xFFFFFFF8, v5  }
0x285: {  	v5 =	vand.u32 $0x6, v5;
	v6 =	vadd.s32 v1, v6  }
0x286: {  	v5 =	vor.u32 v5, v6;
	_ =	sdelay $0x3  }
0x287: {  	[tilespmem:s1+$0xFFFFFEC0] =	vst v4;
	v4 =	vadd.s32 $0xB, v2  }
0x288: {  	v5 =	vld.idx.msk [tilespmem:v5+s30+$0x0], $0xffff;
	v6 =	vand.u32 $0xFFFFFFF8, v4  }
0x289: {  	v4 =	vand.u32 $0x7, v4;
	v6 =	vadd.s32 v1, v6  }
0x28a: {  	v4 =	vor.u32 v4, v6;
	_ =	sdelay $0x3  }
0x28b: {  	[tilespmem:s1+$0x0] =	vst v5;
	v5 =	vadd.s32 $0xC, v2  }
0x28c: {  	v4 =	vld.idx.msk [tilespmem:v4+s30+$0x0], $0xffff;
	v6 =	vand.u32 $0xFFFFFFF8, v5  }
0x28d: {  	v5 =	vand.u32 $0x4, v5;
	v6 =	vadd.s32 v1, v6  }
0x28e: {  	v5 =	vor.u32 v5, v6;
	_ =	sdelay $0x3  }
0x28f: {  	[tilespmem:s1+$0x140] =	vst v4;
	v4 =	vadd.s32 $0xD, v2  }
0x290: {  	v5 =	vld.idx.msk [tilespmem:v5+s30+$0x0], $0xffff;
	v6 =	vand.u32 $0xFFFFFFF8, v4  }
0x291: {  	v4 =	vand.u32 $0x5, v4;
	v6 =	vadd.s32 v1, v6  }
0x292: {  	v4 =	vor.u32 v4, v6;
	_ =	sdelay $0x3  }
0x293: {  	[tilespmem:s1+$0x280] =	vst v5;
	v5 =	vadd.s32 $0xE, v2  }
0x294: {  	v4 =	vld.idx.msk [tilespmem:v4+s30+$0x0], $0xffff;
	v6 =	vand.u32 $0xFFFFFFF8, v5  }
0x295: {  	v5 =	vand.u32 $0x6, v5;
	v6 =	vadd.s32 v1, v6  }
0x296: {  	v5 =	vor.u32 v5, v6;
	_ =	sdelay $0x3  }
0x297: {  	[tilespmem:s1+$0x3C0] =	vst v4;
	v4 =	vadd.s32 $0xF, v2  }
0x298: {  	v5 =	vld.idx.msk [tilespmem:v5+s30+$0x0], $0xffff;
	v6 =	vand.u32 $0xFFFFFFF8, v4  }
0x299: {  	v4 =	vand.u32 $0x7, v4;
	v6 =	vadd.s32 v1, v6  }
0x29a: {  	v4 =	vor.u32 v4, v6;
	_ =	sdelay $0x3  }
0x29b: {  	[tilespmem:s1+$0x500] =	vst v5  }
0x29c: {  	v4 =	vld.idx.msk [tilespmem:v4+s30+$0x0], $0xffff;
	_ =	sdelay $0x1  }
0x29d: {  	v3 =	vadd.s32 $0x10, v3;
	_ =	sdelay $0x3  }
0x29e: {  	[tilespmem:s1+$0x640] =	vst v4;
	v4 =	vadd.s32 $0x11, v2  }
0x29f: {  	v3 =	vld.idx.msk [tilespmem:v3+s30+$0x0], $0xffff;
	v5 =	vand.u32 $0xFFFFFFF8, v4  }
0x2a0: {  	v4 =	vand.u32 $0x5, v4;
	v5 =	vadd.s32 v1, v5  }
0x2a1: {  	v4 =	vor.u32 v4, v5;
	_ =	sdelay $0x3  }
0x2a2: {  	[tilespmem:s1+$0x780] =	vst v3;
	v3 =	vadd.s32 $0x12, v2  }
0x2a3: {  	v4 =	vld.idx.msk [tilespmem:v4+s30+$0x0], $0xffff;
	v5 =	vand.u32 $0xFFFFFFF8, v3  }
0x2a4: {  	v3 =	vand.u32 $0x6, v3;
	v5 =	vadd.s32 v1, v5  }
0x2a5: {  	v3 =	vor.u32 v3, v5  }
.Ltmp6:
0x2a6: {  	(pc) =	sbr.rel @p1 .LBB2_6-.Ltmp6, $3  }
0x2a7: {  	_ =	sdelay $0x1  }
0x2a8: {  	[tilespmem:s1+$0x8C0] =	vst v4;
	v4 =	vadd.s32 $0x13, v2  }
0x2a9: {  	v2 =	vor.u32 s18, v0;
	s18 =	sadd.s32 $0x10, s18;
	v3 =	vld.idx.msk [tilespmem:v3+s30+$0x0], $0xffff;
	v5 =	vand.u32 $0xFFFFFFF8, v4  }
0x2aa: {  	v6 =	vmulhi.u32 $0xCCCCCCCD, v2  }
0x2ab: {  	v4 =	vand.u32 $0x7, v4;
	v1 =	vadd.s32 v1, v5  }
0x2ac: {  	v1 =	vor.u32 v4, v1;
	v38 =	vshrl.u32 v6, $0x4  }
0x2ad: {  	v39 =	vmul.u32 $0xFFFFFFEC, v38;
	_ =	sdelay $0x1  }
0x2ae: {  	v40 =	vmul.u32 $0x18, v38;
	v2 =	vadd.s32 v2, v39  }
0x2af: {  	[tilespmem:s1+$0xA00] =	vst v3;
	v3 =	vand.u32 $0xFFFFFFF8, v2  }
0x2b0: {  	v1 =	vld.idx.msk [tilespmem:v1+s30+$0x0], $0xffff;
	v41 =	vand.u32 $0x7, v2;
	v3 =	vadd.s32 v40, v3  }
0x2b1: {  	v3 =	vor.u32 v41, v3;
	_ =	sdelay $0x1  }
0x2b2: {  	v2 =	vmul.u32 $0x14, v2  }
0x2b3: {  	v4 =	vmul.u32 $0x190, v38  }
0x2b4: {  	[tilespmem:s1+$0xB40] =	vst v1;
	v1 =	vand.u32 $0xFFFFFFF8, v2  }
0x2b5: {  	v42 =	vand.u32 $0x4, v2;
	v1 =	vadd.s32 v4, v1;
	v3 =	vld.idx.msk [tilespmem:v3+s31+$0x0], $0xffff  }
0x2b6: {  	v1 =	vor.u32 v42, v1;
	_ =	sdelay $0x2  }
0x2b7: {  	s31 =	sadd.s32 $0x10, s1  }
0x2b8: {  	[tilespmem:s31+$0xC80] =	vst v3  }
0x2b9: {  	v3 =	vld.idx.msk [tilespmem:v1+s30+$0x0], $0xffff  }
0x2ba: {  	v5 =	vor.u32 $0x1, v1;
	_ =	sdelay $0x3  }
0x2bb: {  	[tilespmem:s31+$0xFFFFF380] =	vst v3  }
0x2bc: {  	v3 =	vld.idx.msk [tilespmem:v5+s30+$0x0], $0xffff  }
0x2bd: {  	v43 =	vor.u32 $0x2, v1;
	_ =	sdelay $0x3  }
0x2be: {  	[tilespmem:s31+$0xFFFFF4C0] =	vst v3  }
0x2bf: {  	v3 =	vld.idx.msk [tilespmem:v43+s30+$0x0], $0xffff  }
0x2c0: {  	v44 =	vor.u32 $0x3, v1;
	_ =	sdelay $0x2  }
0x2c1: {  	v45 =	vadd.s32 $0x4, v2  }
0x2c2: {  	[tilespmem:s31+$0xFFFFF600] =	vst v3;
	v3 =	vand.u32 $0xFFFFFFF8, v45  }
0x2c3: {  	v6 =	vand.u32 $0x4, v45;
	v5 =	vld.idx.msk [tilespmem:v44+s30+$0x0], $0xffff;
	v3 =	vadd.s32 v4, v3  }
0x2c4: {  	v3 =	vor.u32 v6, v3;
	_ =	sdelay $0x2  }
0x2c5: {  	v46 =	vadd.s32 $0x5, v2  }
0x2c6: {  	v47 =	vand.u32 $0xFFFFFFF8, v46;
	[tilespmem:s31+$0xFFFFF740] =	vst v5  }
0x2c7: {  	v6 =	vand.u32 $0x5, v46;
	v5 =	vadd.s32 v4, v47;
	v3 =	vld.idx.msk [tilespmem:v3+s30+$0x0], $0xffff  }
0x2c8: {  	v5 =	vor.u32 v6, v5;
	_ =	sdelay $0x2  }
0x2c9: {  	v48 =	vadd.s32 $0x6, v2  }
0x2ca: {  	[tilespmem:s31+$0xFFFFF880] =	vst v3;
	v3 =	vand.u32 $0xFFFFFFF8, v48  }
0x2cb: {  	v6 =	vand.u32 $0x6, v48;
	v5 =	vld.idx.msk [tilespmem:v5+s30+$0x0], $0xffff;
	v3 =	vadd.s32 v4, v3  }
0x2cc: {  	v3 =	vor.u32 v6, v3;
	_ =	sdelay $0x2  }
0x2cd: {  	v49 =	vadd.s32 $0x7, v2  }
0x2ce: {  	v50 =	vand.u32 $0xFFFFFFF8, v49;
	[tilespmem:s31+$0xFFFFF9C0] =	vst v5  }
0x2cf: {  	v6 =	vand.u32 $0x7, v49;
	v5 =	vadd.s32 v4, v50;
	v3 =	vld.idx.msk [tilespmem:v3+s30+$0x0], $0xffff  }
0x2d0: {  	v5 =	vor.u32 v6, v5;
	_ =	sdelay $0x3  }
0x2d1: {  	[tilespmem:s31+$0xFFFFFB00] =	vst v3  }
0x2d2: {  	v3 =	vld.idx.msk [tilespmem:v5+s30+$0x0], $0xffff  }
0x2d3: {  	v51 =	vadd.s32 $0x8, v1;
	_ =	sdelay $0x2  }
0x2d4: {  	v52 =	vadd.s32 $0x9, v2  }
0x2d5: {  	[tilespmem:s31+$0xFFFFFC40] =	vst v3;
	v3 =	vand.u32 $0xFFFFFFF8, v52  }
0x2d6: {  	v6 =	vand.u32 $0x5, v52;
	v5 =	vld.idx.msk [tilespmem:v51+s30+$0x0], $0xffff;
	v3 =	vadd.s32 v4, v3  }
0x2d7: {  	v3 =	vor.u32 v6, v3;
	_ =	sdelay $0x2  }
0x2d8: {  	v53 =	vadd.s32 $0xA, v2  }
0x2d9: {  	v54 =	vand.u32 $0xFFFFFFF8, v53;
	[tilespmem:s31+$0xFFFFFD80] =	vst v5  }
0x2da: {  	v6 =	vand.u32 $0x6, v53;
	v5 =	vadd.s32 v4, v54;
	v3 =	vld.idx.msk [tilespmem:v3+s30+$0x0], $0xffff  }
0x2db: {  	v5 =	vor.u32 v6, v5;
	_ =	sdelay $0x2  }
0x2dc: {  	v55 =	vadd.s32 $0xB, v2  }
0x2dd: {  	[tilespmem:s31+$0xFFFFFEC0] =	vst v3;
	v3 =	vand.u32 $0xFFFFFFF8, v55  }
0x2de: {  	v6 =	vand.u32 $0x7, v55;
	v5 =	vld.idx.msk [tilespmem:v5+s30+$0x0], $0xffff;
	v3 =	vadd.s32 v4, v3  }
0x2df: {  	v3 =	vor.u32 v6, v3;
	_ =	sdelay $0x2  }
0x2e0: {  	v56 =	vadd.s32 $0xC, v2  }
0x2e1: {  	v57 =	vand.u32 $0xFFFFFFF8, v56;
	[tilespmem:s31+$0x0] =	vst v5  }
0x2e2: {  	v6 =	vand.u32 $0x4, v56;
	v5 =	vadd.s32 v4, v57;
	v3 =	vld.idx.msk [tilespmem:v3+s30+$0x0], $0xffff  }
0x2e3: {  	v5 =	vor.u32 v6, v5;
	_ =	sdelay $0x2  }
0x2e4: {  	v58 =	vadd.s32 $0xD, v2  }
0x2e5: {  	[tilespmem:s31+$0x140] =	vst v3;
	v3 =	vand.u32 $0xFFFFFFF8, v58  }
0x2e6: {  	v6 =	vand.u32 $0x5, v58;
	v5 =	vld.idx.msk [tilespmem:v5+s30+$0x0], $0xffff;
	v3 =	vadd.s32 v4, v3  }
0x2e7: {  	v3 =	vor.u32 v6, v3;
	_ =	sdelay $0x2  }
0x2e8: {  	v59 =	vadd.s32 $0xE, v2  }
0x2e9: {  	v60 =	vand.u32 $0xFFFFFFF8, v59;
	[tilespmem:s31+$0x280] =	vst v5  }
0x2ea: {  	v6 =	vand.u32 $0x6, v59;
	v5 =	vadd.s32 v4, v60;
	v3 =	vld.idx.msk [tilespmem:v3+s30+$0x0], $0xffff  }
0x2eb: {  	v5 =	vor.u32 v6, v5;
	_ =	sdelay $0x2  }
0x2ec: {  	v61 =	vadd.s32 $0xF, v2  }
0x2ed: {  	[tilespmem:s31+$0x3C0] =	vst v3;
	v3 =	vand.u32 $0xFFFFFFF8, v61  }
0x2ee: {  	v6 =	vand.u32 $0x7, v61;
	v5 =	vld.idx.msk [tilespmem:v5+s30+$0x0], $0xffff;
	v3 =	vadd.s32 v4, v3  }
0x2ef: {  	v3 =	vor.u32 v6, v3;
	_ =	sdelay $0x3  }
0x2f0: {  	[tilespmem:s31+$0x500] =	vst v5  }
0x2f1: {  	v3 =	vld.idx.msk [tilespmem:v3+s30+$0x0], $0xffff  }
0x2f2: {  	v1 =	vadd.s32 $0x10, v1;
	_ =	sdelay $0x2  }
0x2f3: {  	v62 =	vadd.s32 $0x11, v2  }
0x2f4: {  	[tilespmem:s31+$0x640] =	vst v3;
	v3 =	vand.u32 $0xFFFFFFF8, v62  }
0x2f5: {  	v5 =	vand.u32 $0x5, v62;
	v1 =	vld.idx.msk [tilespmem:v1+s30+$0x0], $0xffff;
	v3 =	vadd.s32 v4, v3  }
0x2f6: {  	v3 =	vor.u32 v5, v3;
	_ =	sdelay $0x2  }
0x2f7: {  	v63 =	vadd.s32 $0x12, v2  }
0x2f8: {  	[tilespmem:s31+$0x780] =	vst v1;
	v1 =	vand.u32 $0xFFFFFFF8, v63  }
0x2f9: {  	v5 =	vand.u32 $0x6, v63;
	v3 =	vld.idx.msk [tilespmem:v3+s30+$0x0], $0xffff;
	v1 =	vadd.s32 v4, v1  }
0x2fa: {  	v1 =	vor.u32 v5, v1;
	_ =	sdelay $0x2  }
0x2fb: {  	v2 =	vadd.s32 $0x13, v2  }
0x2fc: {  	[tilespmem:s31+$0x8C0] =	vst v3;
	v3 =	vand.u32 $0xFFFFFFF8, v2  }
0x2fd: {  	v2 =	vand.u32 $0x7, v2;
	v1 =	vld.idx.msk [tilespmem:v1+s30+$0x0], $0xffff;
	v3 =	vadd.s32 v4, v3  }
0x2fe: {  	v2 =	vor.u32 v2, v3;
	_ =	sdelay $0x3  }
0x2ff: {  	[tilespmem:s31+$0xA00] =	vst v1  }
0x300: {  	v1 =	vld.idx.msk [tilespmem:v2+s30+$0x0], $0xffff  }
0x301: {  	s18 =	smul.u32 $0x14000, s29  }
.Ltmp7:
0x302: {  	_ = 	snop;
	(pc) =	sbr.rel .LBB2_8-.Ltmp7, $4  }
0x303: {  	_ = 	snop  }
0x304: {  	s18 =	sshrl.u32 s18, $0x2  }
0x305: {  	[tilespmem:s31+$0xB40] =	vst v1;
	s31 =	sadd.s32 $0x6680, s18  }
0x306: {  	[tilespmem:s31], [sflag:$0x2] =	stream.indirect.gather [hbm4b:s8+s17], $0x40, s0, s17, $0xb8;
	[tilespmem:$0x10980] =	vst v63  }
.LBB2_10:
0x307: {  	_ =	sfence.sel $0x180000  }
0x308: {  	[bflag:$0x0] =	sbarrier.arrive $0xFFFF  }
0x309: {  	_ =	strace $0x90000047  }
0x30a: {  	s0 =	stileid.u32;
	[bflag:$0x2] =	sbarrier.arrive $0xFFFF  }
0x30b: {  	p0 =	sne.s32 s0, $0x0;
	s0 =	rddreg [dreg:$0x2]  }
0x30c: {  	s0 =	sadd.s32 @!p0 $0x100000, s0  }
0x30d: {  	[sflag:s0] =	ssyncadd.tile.s32 @!p0 $0x1;
	_ =	shalt  }
.Lfunc_end2:
_tile_overlayer_lowered:
.L_overlay_start_2:
0x30e: {  	(tag) =	ssettag $0x2  }
0x30f: {  	s0 =	rddreg [dreg:$0x0];
	s2 =	stileid.u32  }
0x310: {  	s1 =	rddreg [dreg:$0x1];
	p0 =	sne.s32 s2, $0x0  }
0x311: {  	s3 =	rddreg [dreg:$0x2];
	[bflag:$0x3] =	sbarrier.arrive $0xFFFF;
	s2 =	simm.s32 @!p0 $0x1C04  }
0x312: {  	[timem:s3], [sflag:s2] =	dma.local @!p0 [hbm:s0], s1  }
0x313: {  	s0 =	simm.s32 @!p0 $0x4  }
0x314: {  	_ =	swait.ge @!p0 [sflag:s0], s1  }
0x315: {  	s1 =	ssub.s32 @!p0 $0x0, s1;
	[sflag:s0] =	ssyncset.done @!p0 $0x0  }
0x316: {  	[sflag:s0] =	ssyncadd.s32 @!p0 s1  }
0x317: {  	[bflag:$0x3] =	sbarrier.arrive $0xFFFF  }
0x318: {  	_ =	shalt  }

</sc_bundles>
